<compile_context>
chip_gen: v7x
topology: tpu7x:2x2x1
jax: 0.10.2.dev20260603
libtpu: 0.0.44.dev20260713+nightly
codegen_flags: <defaults>
</compile_context>

<pallas_src>
import functools

import jax
import jax.numpy as jnp
from jax import lax
from jax.experimental import pallas as pl
from jax.experimental.pallas import tpu as pltpu
from jax.experimental.pallas import tpu_sc as plsc

_NUM_EXPERTS = 64
_TOPK = 8
_CAPACITY = 1.25
_EPSILON = 1e-06
_DIM = 2048

_LANES = 16
_NUM_WORKERS = 32
_TC_TOKEN_BLOCK = 512

_SORT8 = (
    (0, 1), (2, 3), (4, 5), (6, 7),
    (0, 2), (1, 3), (4, 6), (5, 7),
    (1, 2), (5, 6),
    (0, 4), (1, 5), (2, 6), (3, 7),
    (2, 4), (3, 5),
    (1, 2), (3, 4), (5, 6),
)
_BITONIC8 = (
    (0, 4), (1, 5), (2, 6), (3, 7),
    (0, 2), (1, 3), (4, 6), (5, 7),
    (0, 1), (2, 3), (4, 5), (6, 7),
)


def _tree_reduce(vals, op):
    vals = list(vals)
    while len(vals) > 1:
        nxt = [op(vals[i], vals[i + 1]) for i in range(0, len(vals) - 1, 2)]
        if len(vals) % 2:
            nxt.append(vals[-1])
        vals = nxt
    return vals[0]


def _sort8_desc(vals):
    vals = list(vals)
    for a, b in _SORT8:
        hi = jnp.maximum(vals[a], vals[b])
        lo = jnp.minimum(vals[a], vals[b])
        vals[a] = hi
        vals[b] = lo
    return vals


def _merge_top8(a, b):
    t = [jnp.maximum(a[i], b[7 - i]) for i in range(8)]
    for i, j in _BITONIC8:
        hi = jnp.maximum(t[i], t[j])
        lo = jnp.minimum(t[i], t[j])
        t[i] = hi
        t[j] = lo
    return t


def _route_group(load_fn, put_ex, get_ex):
    run = None
    for blk in range(8):
        vs = [load_fn(blk * 8 + j) for j in range(8)]
        for j, v in enumerate(vs):
            put_ex(blk * 8 + j, jnp.exp(v))
        cur = _sort8_desc(vs)
        run = cur if run is None else _merge_top8(run, cur)
    ex_thr = jnp.exp(run[7])
    s = _tree_reduce([jnp.exp(r) for r in run], jnp.add)
    scale = _CAPACITY / s
    out = []
    for ei in range(_NUM_EXPERTS):
        ev = get_ex(ei)
        out.append(jnp.where(ev >= ex_thr, ev * scale, 0.0))
    return out


def _tc_logits_body(x_ref, w_ref, b_ref, out_ref):
    out_ref[...] = lax.dot_general(
        x_ref[...], w_ref[...],
        dimension_numbers=(((1,), (1,)), ((), ())),
        preferred_element_type=jnp.float32,
    ) + b_ref[...]


def _compute_logits(x2, w, b):
    t = x2.shape[0]
    tb = _TC_TOKEN_BLOCK
    return pl.pallas_call(
        _tc_logits_body,
        grid=(t // tb,),
        in_specs=[
            pl.BlockSpec((tb, _DIM), lambda i: (i, 0)),
            pl.BlockSpec((_NUM_EXPERTS, _DIM), lambda i: (0, 0)),
            pl.BlockSpec((1, _NUM_EXPERTS), lambda i: (0, 0)),
        ],
        out_specs=pl.BlockSpec((tb, _NUM_EXPERTS), lambda i: (i, 0)),
        out_shape=jax.ShapeDtypeStruct((t, _NUM_EXPERTS), jnp.float32),
    )(x2, w, b.reshape(1, _NUM_EXPERTS))


def _sc_routing(logits_flat, t):
    e = _NUM_EXPERTS
    tpw = t // _NUM_WORKERS
    groups = tpw // _LANES
    mesh = plsc.VectorSubcoreMesh(core_axis_name="c", subcore_axis_name="s")

    @functools.partial(
        pl.kernel,
        out_type=jax.ShapeDtypeStruct((t * e,), jnp.float32),
        mesh=mesh,
        scratch_types=[
            pltpu.VMEM((tpw * e,), jnp.float32),
            pltpu.VMEM((tpw * e,), jnp.float32),
            pltpu.VMEM((tpw * e,), jnp.float32),
        ],
        compiler_params=pltpu.CompilerParams(needs_layout_passes=False),
    )
    def body(lg_hbm, out_hbm, lg_v, lgt_v, ex_v):
        wid = lax.axis_index("s") * 2 + lax.axis_index("c")
        base = wid * tpw * e
        pltpu.sync_copy(lg_hbm.at[pl.ds(base, tpw * e)], lg_v)
        lane_offs = lax.iota(jnp.int32, _LANES) * e
        lane_tpw = lax.iota(jnp.int32, _LANES) * tpw

        @plsc.parallel_loop(0, groups, unroll=2)
        def group_body(g):
            t0 = g * _LANES
            gbase = t0 * e

            for tk in range(_LANES):
                for c in range(e // _LANES):
                    v = lg_v[pl.ds(gbase + tk * e + c * _LANES, _LANES)]
                    dst = lane_tpw + (c * _LANES * tpw + t0 + tk)
                    plsc.store_scatter(lgt_v, [dst], v)

            def put_ex(ei, val):
                ex_v[pl.ds(gbase + ei * _LANES, _LANES)] = val

            gates = _route_group(
                lambda ei: lgt_v[pl.ds(ei * tpw + t0, _LANES)],
                put_ex,
                lambda ei: ex_v[pl.ds(gbase + ei * _LANES, _LANES)],
            )
            flat0 = gbase + lane_offs
            for ei in range(e):
                plsc.store_scatter(lg_v, [flat0 + ei], gates[ei])

        pltpu.sync_copy(lg_v, out_hbm.at[pl.ds(base, tpw * e)])

    return body(logits_flat)


def kernel(X, W, b):
    bsz, seq, dim = X.shape
    t = bsz * seq
    x2 = X.reshape(t, dim)
    logits = _compute_logits(x2, W, b)
    gates_flat = _sc_routing(logits.reshape(t * _NUM_EXPERTS), t)
    return gates_flat.reshape(bsz, seq, _NUM_EXPERTS)

# --- scband reference (transcript-rebuilt; emitter-appended) ---
"""Pipeline reference for scband-switch-gate-79156247265916 (READ-ONLY COPY).

The authoritative reference and input builder live on the scoring server;
editing this copy changes nothing except your own understanding.
"""

import jax, jax.numpy as jnp
import numpy as np

NUM_EXPERTS = 64
TOPK = 8
CAPACITY = 1.25
EPSILON = 1e-06
DIM = 2048


def setup_inputs(seed: int = 0) -> dict:
    key = jax.random.key(seed)
    k1, k2 = jax.random.split(key)
    X = jax.random.normal(k1, (4, 4096, DIM), dtype=jnp.float32)
    # xavier normal init for weight [num_experts, dim]
    std = (2.0 / (DIM + NUM_EXPERTS)) ** 0.5
    W = jax.random.normal(k2, (NUM_EXPERTS, DIM), dtype=jnp.float32) * std
    b = jnp.zeros((NUM_EXPERTS,), dtype=jnp.float32)
    return {"X": X, "W": W, "b": b}


def reference(X, W, b):
    # linear(X, W, b): [B, S, D] @ [E, D]^T + [E] -> [B, S, E]
    logits = jnp.einsum('bsd,ed->bse', X, W) + b
    gate_scores = jax.nn.softmax(logits, axis=-1)
    gate_scores_raw = gate_scores
    # n_groups == 1, so group-limited routing branch is skipped
    top_k_scores, top_k_indices = jax.lax.top_k(gate_scores, TOPK)
    # scatter 1s at top-k expert positions along last dim
    mask = jnp.sum(jax.nn.one_hot(top_k_indices, NUM_EXPERTS, dtype=gate_scores.dtype), axis=-2)
    mask = jnp.minimum(mask, 1.0)
    masked_gate_scores = gate_scores_raw * mask
    denominators = jnp.sum(masked_gate_scores, axis=-1, keepdims=True) + EPSILON
    gate_scores_out = masked_gate_scores / denominators * CAPACITY
    return gate_scores_out

if __name__ == "__main__":
    import jax
    _d = setup_inputs()
    print(jax.jit(kernel)(*tuple(_d.values())))

</pallas_src>

<mosaic_0001>
#map = affine_map<(d0, d1) -> (0)>
module attributes {stable_mosaic.version = 14 : i64} {
  func.func @body(%arg0: i32, %arg1: i32, %arg2: memref<1048576xf32, #tpu.memory_space<hbm>>, %arg3: memref<1048576xf32, #tpu.memory_space<hbm>>, %arg4: memref<32768xf32, #tpu.memory_space<vmem>>, %arg5: memref<32768xf32, #tpu.memory_space<vmem>>, %arg6: memref<32768xf32, #tpu.memory_space<vmem>>) attributes {dimension_semantics = [#tpu.dimension_semantics<core_parallel>, #tpu.dimension_semantics<subcore_parallel>], iteration_bounds = array<i64: 2, 16>, scalar_prefetch = 0 : i64, scratch_operands = 3 : i64, tpu.core_type = #tpu.core_type<sc_vector_subcore>, window_params = [{transform_indices = #map}, {transform_indices = #map}]} {
    %mul3A = arith.constant 2 : i32
    %mul3A_0 = arith.muli %arg1, %mul3A : i32
    %add3A = arith.addi %mul3A_0, %arg0 : i32
    %mul3A_1 = arith.constant 512 : i32
    %mul3A_2 = arith.muli %add3A, %mul3A_1 : i32
    %mul3A_3 = arith.constant 64 : i32
    %mul3A_4 = arith.muli %mul3A_2, %mul3A_3 : i32
    "tpu.region"() ({
      %run_scoped3A = tpu.sem_alloc : memref<!tpu.dma_semaphore, #tpu.memory_space<semaphore_mem>>
      %dma_start3A = tpu.memref_slice %arg2[%mul3A_4] : memref<1048576xf32, #tpu.memory_space<hbm>> -> memref<32768xf32, #tpu.memory_space<hbm>>
      %dma_start3A_14 = tpu.memref_slice %arg2[%mul3A_4] : memref<1048576xf32, #tpu.memory_space<hbm>> -> memref<32768xf32, #tpu.memory_space<hbm>>
      tpu.enqueue_dma source(%dma_start3A_14 : memref<32768xf32, #tpu.memory_space<hbm>>) target(%arg4 : memref<32768xf32, #tpu.memory_space<vmem>>) target_semaphore(%run_scoped3A : memref<!tpu.dma_semaphore, #tpu.memory_space<semaphore_mem>>)
      %dma_wait3A = tpu.memref_slice %arg2[%mul3A_4] : memref<1048576xf32, #tpu.memory_space<hbm>> -> memref<32768xf32, #tpu.memory_space<hbm>>
      %dma_wait3A_15 = tpu.memref_slice %arg2[%mul3A_4] : memref<1048576xf32, #tpu.memory_space<hbm>> -> memref<32768xf32, #tpu.memory_space<hbm>>
      tpu.wait_dma2 semaphore(%run_scoped3A : memref<!tpu.dma_semaphore, #tpu.memory_space<semaphore_mem>>) src(%dma_wait3A_15 : memref<32768xf32, #tpu.memory_space<hbm>>) dst(%arg4 : memref<32768xf32, #tpu.memory_space<vmem>>)
      tpu.yield
    }) : () -> ()
    %iota3A = tpu.iota {dimensions = array<i32: 0>} : vector<16xi32>
    %mul3A_5 = arith.constant 64 : i32
    %mul3A_6 = vector.broadcast %mul3A_5 : i32 to vector<16xi32>
    %mul3A_7 = arith.muli %iota3A, %mul3A_6 : vector<16xi32>
    %iota3A_8 = tpu.iota {dimensions = array<i32: 0>} : vector<16xi32>
    %mul3A_9 = arith.constant 512 : i32
    %mul3A_10 = vector.broadcast %mul3A_9 : i32 to vector<16xi32>
    %mul3A_11 = arith.muli %iota3A_8, %mul3A_10 : vector<16xi32>
    %parallel_loop3A = arith.constant 0 : i32
    %parallel_loop3A_12 = arith.constant 32 : i32
    %parallel_loop3A_13 = arith.constant 1 : i32
    scf.for %parallel_loop3A_14 = %parallel_loop3A to %parallel_loop3A_12 step %parallel_loop3A_13  : i32 {
      %parallel_loop3A_15 = arith.constant 16 : i32
      %parallel_loop3A_16 = arith.muli %parallel_loop3A_14, %parallel_loop3A_15 : i32
      %parallel_loop3A_17 = arith.constant 64 : i32
      %parallel_loop3A_18 = arith.muli %parallel_loop3A_16, %parallel_loop3A_17 : i32
      %parallel_loop3A_19 = arith.constant 0 : i32
      %parallel_loop3A_20 = arith.addi %parallel_loop3A_18, %parallel_loop3A_19 : i32
      %parallel_loop3A_21 = arith.constant 0 : i32
      %parallel_loop3A_22 = arith.addi %parallel_loop3A_20, %parallel_loop3A_21 : i32
      %parallel_loop3A_23 = arith.index_cast %parallel_loop3A_22 : i32 to index
      %parallel_loop3A_24 = tpu.vector_load %arg4[%parallel_loop3A_23] {strides = array<i32>} : memref<32768xf32, #tpu.memory_space<vmem>>, vector<16xf32>,
      %parallel_loop3A_25 = arith.constant 0 : i32
      %parallel_loop3A_26 = arith.addi %parallel_loop3A_25, %parallel_loop3A_16 : i32
      %parallel_loop3A_27 = arith.constant 0 : i32
      %parallel_loop3A_28 = arith.addi %parallel_loop3A_26, %parallel_loop3A_27 : i32
      %parallel_loop3A_29 = vector.broadcast %parallel_loop3A_28 : i32 to vector<16xi32>
      %parallel_loop3A_30 = arith.addi %mul3A_11, %parallel_loop3A_29 : vector<16xi32>
      tpu.vector_store_idx %arg5[%parallel_loop3A_30], %parallel_loop3A_24 : memref<32768xf32, #tpu.memory_space<vmem>>[vector<16xi32>], vector<16xf32>,
      %parallel_loop3A_31 = arith.constant 0 : i32
      %parallel_loop3A_32 = arith.addi %parallel_loop3A_18, %parallel_loop3A_31 : i32
      %parallel_loop3A_33 = arith.constant 16 : i32
      %parallel_loop3A_34 = arith.addi %parallel_loop3A_32, %parallel_loop3A_33 : i32
      %parallel_loop3A_35 = arith.index_cast %parallel_loop3A_34 : i32 to index
      %parallel_loop3A_36 = tpu.vector_load %arg4[%parallel_loop3A_35] {strides = array<i32>} : memref<32768xf32, #tpu.memory_space<vmem>>, vector<16xf32>,
      %parallel_loop3A_37 = arith.constant 8192 : i32
      %parallel_loop3A_38 = arith.addi %parallel_loop3A_37, %parallel_loop3A_16 : i32
      %parallel_loop3A_39 = arith.constant 0 : i32
      %parallel_loop3A_40 = arith.addi %parallel_loop3A_38, %parallel_loop3A_39 : i32
      %parallel_loop3A_41 = vector.broadcast %parallel_loop3A_40 : i32 to vector<16xi32>
      %parallel_loop3A_42 = arith.addi %mul3A_11, %parallel_loop3A_41 : vector<16xi32>
      tpu.vector_store_idx %arg5[%parallel_loop3A_42], %parallel_loop3A_36 : memref<32768xf32, #tpu.memory_space<vmem>>[vector<16xi32>], vector<16xf32>,
      %parallel_loop3A_43 = arith.constant 0 : i32
      %parallel_loop3A_44 = arith.addi %parallel_loop3A_18, %parallel_loop3A_43 : i32
      %parallel_loop3A_45 = arith.constant 32 : i32
      %parallel_loop3A_46 = arith.addi %parallel_loop3A_44, %parallel_loop3A_45 : i32
      %parallel_loop3A_47 = arith.index_cast %parallel_loop3A_46 : i32 to index
      %parallel_loop3A_48 = tpu.vector_load %arg4[%parallel_loop3A_47] {strides = array<i32>} : memref<32768xf32, #tpu.memory_space<vmem>>, vector<16xf32>,
      %parallel_loop3A_49 = arith.constant 16384 : i32
      %parallel_loop3A_50 = arith.addi %parallel_loop3A_49, %parallel_loop3A_16 : i32
      %parallel_loop3A_51 = arith.constant 0 : i32
      %parallel_loop3A_52 = arith.addi %parallel_loop3A_50, %parallel_loop3A_51 : i32
      %parallel_loop3A_53 = vector.broadcast %parallel_loop3A_52 : i32 to vector<16xi32>
      %parallel_loop3A_54 = arith.addi %mul3A_11, %parallel_loop3A_53 : vector<16xi32>
      tpu.vector_store_idx %arg5[%parallel_loop3A_54], %parallel_loop3A_48 : memref<32768xf32, #tpu.memory_space<vmem>>[vector<16xi32>], vector<16xf32>,
      %parallel_loop3A_55 = arith.constant 0 : i32
      %parallel_loop3A_56 = arith.addi %parallel_loop3A_18, %parallel_loop3A_55 : i32
      %parallel_loop3A_57 = arith.constant 48 : i32
      %parallel_loop3A_58 = arith.addi %parallel_loop3A_56, %parallel_loop3A_57 : i32
      %parallel_loop3A_59 = arith.index_cast %parallel_loop3A_58 : i32 to index
      %parallel_loop3A_60 = tpu.vector_load %arg4[%parallel_loop3A_59] {strides = array<i32>} : memref<32768xf32, #tpu.memory_space<vmem>>, vector<16xf32>,
      %parallel_loop3A_61 = arith.constant 24576 : i32
      %parallel_loop3A_62 = arith.addi %parallel_loop3A_61, %parallel_loop3A_16 : i32
      %parallel_loop3A_63 = arith.constant 0 : i32
      %parallel_loop3A_64 = arith.addi %parallel_loop3A_62, %parallel_loop3A_63 : i32
      %parallel_loop3A_65 = vector.broadcast %parallel_loop3A_64 : i32 to vector<16xi32>
      %parallel_loop3A_66 = arith.addi %mul3A_11, %parallel_loop3A_65 : vector<16xi32>
      tpu.vector_store_idx %arg5[%parallel_loop3A_66], %parallel_loop3A_60 : memref<32768xf32, #tpu.memory_space<vmem>>[vector<16xi32>], vector<16xf32>,
      %parallel_loop3A_67 = arith.constant 64 : i32
      %parallel_loop3A_68 = arith.addi %parallel_loop3A_18, %parallel_loop3A_67 : i32
      %parallel_loop3A_69 = arith.constant 0 : i32
      %parallel_loop3A_70 = arith.addi %parallel_loop3A_68, %parallel_loop3A_69 : i32
      %parallel_loop3A_71 = arith.index_cast %parallel_loop3A_70 : i32 to index
      %parallel_loop3A_72 = tpu.vector_load %arg4[%parallel_loop3A_71] {strides = array<i32>} : memref<32768xf32, #tpu.memory_space<vmem>>, vector<16xf32>,
      %parallel_loop3A_73 = arith.constant 0 : i32
      %parallel_loop3A_74 = arith.addi %parallel_loop3A_73, %parallel_loop3A_16 : i32
      %parallel_loop3A_75 = arith.constant 1 : i32
      %parallel_loop3A_76 = arith.addi %parallel_loop3A_74, %parallel_loop3A_75 : i32
      %parallel_loop3A_77 = vector.broadcast %parallel_loop3A_76 : i32 to vector<16xi32>
      %parallel_loop3A_78 = arith.addi %mul3A_11, %parallel_loop3A_77 : vector<16xi32>
      tpu.vector_store_idx %arg5[%parallel_loop3A_78], %parallel_loop3A_72 : memref<32768xf32, #tpu.memory_space<vmem>>[vector<16xi32>], vector<16xf32>,
      %parallel_loop3A_79 = arith.constant 64 : i32
      %parallel_loop3A_80 = arith.addi %parallel_loop3A_18, %parallel_loop3A_79 : i32
      %parallel_loop3A_81 = arith.constant 16 : i32
      %parallel_loop3A_82 = arith.addi %parallel_loop3A_80, %parallel_loop3A_81 : i32
      %parallel_loop3A_83 = arith.index_cast %parallel_loop3A_82 : i32 to index
      %parallel_loop3A_84 = tpu.vector_load %arg4[%parallel_loop3A_83] {strides = array<i32>} : memref<32768xf32, #tpu.memory_space<vmem>>, vector<16xf32>,
      %parallel_loop3A_85 = arith.constant 8192 : i32
      %parallel_loop3A_86 = arith.addi %parallel_loop3A_85, %parallel_loop3A_16 : i32
      %parallel_loop3A_87 = arith.constant 1 : i32
      %parallel_loop3A_88 = arith.addi %parallel_loop3A_86, %parallel_loop3A_87 : i32
      %parallel_loop3A_89 = vector.broadcast %parallel_loop3A_88 : i32 to vector<16xi32>
      %parallel_loop3A_90 = arith.addi %mul3A_11, %parallel_loop3A_89 : vector<16xi32>
      tpu.vector_store_idx %arg5[%parallel_loop3A_90], %parallel_loop3A_84 : memref<32768xf32, #tpu.memory_space<vmem>>[vector<16xi32>], vector<16xf32>,
      %parallel_loop3A_91 = arith.constant 64 : i32
      %parallel_loop3A_92 = arith.addi %parallel_loop3A_18, %parallel_loop3A_91 : i32
      %parallel_loop3A_93 = arith.constant 32 : i32
      %parallel_loop3A_94 = arith.addi %parallel_loop3A_92, %parallel_loop3A_93 : i32
      %parallel_loop3A_95 = arith.index_cast %parallel_loop3A_94 : i32 to index
      %parallel_loop3A_96 = tpu.vector_load %arg4[%parallel_loop3A_95] {strides = array<i32>} : memref<32768xf32, #tpu.memory_space<vmem>>, vector<16xf32>,
      %parallel_loop3A_97 = arith.constant 16384 : i32
      %parallel_loop3A_98 = arith.addi %parallel_loop3A_97, %parallel_loop3A_16 : i32
      %parallel_loop3A_99 = arith.constant 1 : i32
      %parallel_loop3A_100 = arith.addi %parallel_loop3A_98, %parallel_loop3A_99 : i32
      %parallel_loop3A_101 = vector.broadcast %parallel_loop3A_100 : i32 to vector<16xi32>
      %parallel_loop3A_102 = arith.addi %mul3A_11, %parallel_loop3A_101 : vector<16xi32>
      tpu.vector_store_idx %arg5[%parallel_loop3A_102], %parallel_loop3A_96 : memref<32768xf32, #tpu.memory_space<vmem>>[vector<16xi32>], vector<16xf32>,
      %parallel_loop3A_103 = arith.constant 64 : i32
      %parallel_loop3A_104 = arith.addi %parallel_loop3A_18, %parallel_loop3A_103 : i32
      %parallel_loop3A_105 = arith.constant 48 : i32
      %parallel_loop3A_106 = arith.addi %parallel_loop3A_104, %parallel_loop3A_105 : i32
      %parallel_loop3A_107 = arith.index_cast %parallel_loop3A_106 : i32 to index
      %parallel_loop3A_108 = tpu.vector_load %arg4[%parallel_loop3A_107] {strides = array<i32>} : memref<32768xf32, #tpu.memory_space<vmem>>, vector<16xf32>,
      %parallel_loop3A_109 = arith.constant 24576 : i32
      %parallel_loop3A_110 = arith.addi %parallel_loop3A_109, %parallel_loop3A_16 : i32
      %parallel_loop3A_111 = arith.constant 1 : i32
      %parallel_loop3A_112 = arith.addi %parallel_loop3A_110, %parallel_loop3A_111 : i32
      %parallel_loop3A_113 = vector.broadcast %parallel_loop3A_112 : i32 to vector<16xi32>
      %parallel_loop3A_114 = arith.addi %mul3A_11, %parallel_loop3A_113 : vector<16xi32>
      tpu.vector_store_idx %arg5[%parallel_loop3A_114], %parallel_loop3A_108 : memref<32768xf32, #tpu.memory_space<vmem>>[vector<16xi32>], vector<16xf32>,
      %parallel_loop3A_115 = arith.constant 128 : i32
      %parallel_loop3A_116 = arith.addi %parallel_loop3A_18, %parallel_loop3A_115 : i32
      %parallel_loop3A_117 = arith.constant 0 : i32
      %parallel_loop3A_118 = arith.addi %parallel_loop3A_116, %parallel_loop3A_117 : i32
      %parallel_loop3A_119 = arith.index_cast %parallel_loop3A_118 : i32 to index
      %parallel_loop3A_120 = tpu.vector_load %arg4[%parallel_loop3A_119] {strides = array<i32>} : memref<32768xf32, #tpu.memory_space<vmem>>, vector<16xf32>,
      %parallel_loop3A_121 = arith.constant 0 : i32
      %parallel_loop3A_122 = arith.addi %parallel_loop3A_121, %parallel_loop3A_16 : i32
      %parallel_loop3A_123 = arith.constant 2 : i32
      %parallel_loop3A_124 = arith.addi %parallel_loop3A_122, %parallel_loop3A_123 : i32
      %parallel_loop3A_125 = vector.broadcast %parallel_loop3A_124 : i32 to vector<16xi32>
      %parallel_loop3A_126 = arith.addi %mul3A_11, %parallel_loop3A_125 : vector<16xi32>
      tpu.vector_store_idx %arg5[%parallel_loop3A_126], %parallel_loop3A_120 : memref<32768xf32, #tpu.memory_space<vmem>>[vector<16xi32>], vector<16xf32>,
      %parallel_loop3A_127 = arith.constant 128 : i32
      %parallel_loop3A_128 = arith.addi %parallel_loop3A_18, %parallel_loop3A_127 : i32
      %parallel_loop3A_129 = arith.constant 16 : i32
      %parallel_loop3A_130 = arith.addi %parallel_loop3A_128, %parallel_loop3A_129 : i32
      %parallel_loop3A_131 = arith.index_cast %parallel_loop3A_130 : i32 to index
      %parallel_loop3A_132 = tpu.vector_load %arg4[%parallel_loop3A_131] {strides = array<i32>} : memref<32768xf32, #tpu.memory_space<vmem>>, vector<16xf32>,
      %parallel_loop3A_133 = arith.constant 8192 : i32
      %parallel_loop3A_134 = arith.addi %parallel_loop3A_133, %parallel_loop3A_16 : i32
      %parallel_loop3A_135 = arith.constant 2 : i32
      %parallel_loop3A_136 = arith.addi %parallel_loop3A_134, %parallel_loop3A_135 : i32
      %parallel_loop3A_137 = vector.broadcast %parallel_loop3A_136 : i32 to vector<16xi32>
      %parallel_loop3A_138 = arith.addi %mul3A_11, %parallel_loop3A_137 : vector<16xi32>
      tpu.vector_store_idx %arg5[%parallel_loop3A_138], %parallel_loop3A_132 : memref<32768xf32, #tpu.memory_space<vmem>>[vector<16xi32>], vector<16xf32>,
      %parallel_loop3A_139 = arith.constant 128 : i32
      %parallel_loop3A_140 = arith.addi %parallel_loop3A_18, %parallel_loop3A_139 : i32
      %parallel_loop3A_141 = arith.constant 32 : i32
      %parallel_loop3A_142 = arith.addi %parallel_loop3A_140, %parallel_loop3A_141 : i32
      %parallel_loop3A_143 = arith.index_cast %parallel_loop3A_142 : i32 to index
      %parallel_loop3A_144 = tpu.vector_load %arg4[%parallel_loop3A_143] {strides = array<i32>} : memref<32768xf32, #tpu.memory_space<vmem>>, vector<16xf32>,
      %parallel_loop3A_145 = arith.constant 16384 : i32
      %parallel_loop3A_146 = arith.addi %parallel_loop3A_145, %parallel_loop3A_16 : i32
      %parallel_loop3A_147 = arith.constant 2 : i32
      %parallel_loop3A_148 = arith.addi %parallel_loop3A_146, %parallel_loop3A_147 : i32
      %parallel_loop3A_149 = vector.broadcast %parallel_loop3A_148 : i32 to vector<16xi32>
      %parallel_loop3A_150 = arith.addi %mul3A_11, %parallel_loop3A_149 : vector<16xi32>
      tpu.vector_store_idx %arg5[%parallel_loop3A_150], %parallel_loop3A_144 : memref<32768xf32, #tpu.memory_space<vmem>>[vector<16xi32>], vector<16xf32>,
      %parallel_loop3A_151 = arith.constant 128 : i32
      %parallel_loop3A_152 = arith.addi %parallel_loop3A_18, %parallel_loop3A_151 : i32
      %parallel_loop3A_153 = arith.constant 48 : i32
      %parallel_loop3A_154 = arith.addi %parallel_loop3A_152, %parallel_loop3A_153 : i32
      %parallel_loop3A_155 = arith.index_cast %parallel_loop3A_154 : i32 to index
      %parallel_loop3A_156 = tpu.vector_load %arg4[%parallel_loop3A_155] {strides = array<i32>} : memref<32768xf32, #tpu.memory_space<vmem>>, vector<16xf32>,
      %parallel_loop3A_157 = arith.constant 24576 : i32
      %parallel_loop3A_158 = arith.addi %parallel_loop3A_157, %parallel_loop3A_16 : i32
      %parallel_loop3A_159 = arith.constant 2 : i32
      %parallel_loop3A_160 = arith.addi %parallel_loop3A_158, %parallel_loop3A_159 : i32
      %parallel_loop3A_161 = vector.broadcast %parallel_loop3A_160 : i32 to vector<16xi32>
      %parallel_loop3A_162 = arith.addi %mul3A_11, %parallel_loop3A_161 : vector<16xi32>
      tpu.vector_store_idx %arg5[%parallel_loop3A_162], %parallel_loop3A_156 : memref<32768xf32, #tpu.memory_space<vmem>>[vector<16xi32>], vector<16xf32>,
      %parallel_loop3A_163 = arith.constant 192 : i32
      %parallel_loop3A_164 = arith.addi %parallel_loop3A_18, %parallel_loop3A_163 : i32
      %parallel_loop3A_165 = arith.constant 0 : i32
      %parallel_loop3A_166 = arith.addi %parallel_loop3A_164, %parallel_loop3A_165 : i32
      %parallel_loop3A_167 = arith.index_cast %parallel_loop3A_166 : i32 to index
      %parallel_loop3A_168 = tpu.vector_load %arg4[%parallel_loop3A_167] {strides = array<i32>} : memref<32768xf32, #tpu.memory_space<vmem>>, vector<16xf32>,
      %parallel_loop3A_169 = arith.constant 0 : i32
      %parallel_loop3A_170 = arith.addi %parallel_loop3A_169, %parallel_loop3A_16 : i32
      %parallel_loop3A_171 = arith.constant 3 : i32
      %parallel_loop3A_172 = arith.addi %parallel_loop3A_170, %parallel_loop3A_171 : i32
      %parallel_loop3A_173 = vector.broadcast %parallel_loop3A_172 : i32 to vector<16xi32>
      %parallel_loop3A_174 = arith.addi %mul3A_11, %parallel_loop3A_173 : vector<16xi32>
      tpu.vector_store_idx %arg5[%parallel_loop3A_174], %parallel_loop3A_168 : memref<32768xf32, #tpu.memory_space<vmem>>[vector<16xi32>], vector<16xf32>,
      %parallel_loop3A_175 = arith.constant 192 : i32
      %parallel_loop3A_176 = arith.addi %parallel_loop3A_18, %parallel_loop3A_175 : i32
      %parallel_loop3A_177 = arith.constant 16 : i32
      %parallel_loop3A_178 = arith.addi %parallel_loop3A_176, %parallel_loop3A_177 : i32
      %parallel_loop3A_179 = arith.index_cast %parallel_loop3A_178 : i32 to index
      %parallel_loop3A_180 = tpu.vector_load %arg4[%parallel_loop3A_179] {strides = array<i32>} : memref<32768xf32, #tpu.memory_space<vmem>>, vector<16xf32>,
      %parallel_loop3A_181 = arith.constant 8192 : i32
      %parallel_loop3A_182 = arith.addi %parallel_loop3A_181, %parallel_loop3A_16 : i32
      %parallel_loop3A_183 = arith.constant 3 : i32
      %parallel_loop3A_184 = arith.addi %parallel_loop3A_182, %parallel_loop3A_183 : i32
      %parallel_loop3A_185 = vector.broadcast %parallel_loop3A_184 : i32 to vector<16xi32>
      %parallel_loop3A_186 = arith.addi %mul3A_11, %parallel_loop3A_185 : vector<16xi32>
      tpu.vector_store_idx %arg5[%parallel_loop3A_186], %parallel_loop3A_180 : memref<32768xf32, #tpu.memory_space<vmem>>[vector<16xi32>], vector<16xf32>,
      %parallel_loop3A_187 = arith.constant 192 : i32
      %parallel_loop3A_188 = arith.addi %parallel_loop3A_18, %parallel_loop3A_187 : i32
      %parallel_loop3A_189 = arith.constant 32 : i32
      %parallel_loop3A_190 = arith.addi %parallel_loop3A_188, %parallel_loop3A_189 : i32
      %parallel_loop3A_191 = arith.index_cast %parallel_loop3A_190 : i32 to index
      %parallel_loop3A_192 = tpu.vector_load %arg4[%parallel_loop3A_191] {strides = array<i32>} : memref<32768xf32, #tpu.memory_space<vmem>>, vector<16xf32>,
      %parallel_loop3A_193 = arith.constant 16384 : i32
      %parallel_loop3A_194 = arith.addi %parallel_loop3A_193, %parallel_loop3A_16 : i32
      %parallel_loop3A_195 = arith.constant 3 : i32
      %parallel_loop3A_196 = arith.addi %parallel_loop3A_194, %parallel_loop3A_195 : i32
      %parallel_loop3A_197 = vector.broadcast %parallel_loop3A_196 : i32 to vector<16xi32>
      %parallel_loop3A_198 = arith.addi %mul3A_11, %parallel_loop3A_197 : vector<16xi32>
      tpu.vector_store_idx %arg5[%parallel_loop3A_198], %parallel_loop3A_192 : memref<32768xf32, #tpu.memory_space<vmem>>[vector<16xi32>], vector<16xf32>,
      %parallel_loop3A_199 = arith.constant 192 : i32
      %parallel_loop3A_200 = arith.addi %parallel_loop3A_18, %parallel_loop3A_199 : i32
      %parallel_loop3A_201 = arith.constant 48 : i32
      %parallel_loop3A_202 = arith.addi %parallel_loop3A_200, %parallel_loop3A_201 : i32
      %parallel_loop3A_203 = arith.index_cast %parallel_loop3A_202 : i32 to index
      %parallel_loop3A_204 = tpu.vector_load %arg4[%parallel_loop3A_203] {strides = array<i32>} : memref<32768xf32, #tpu.memory_space<vmem>>, vector<16xf32>,
      %parallel_loop3A_205 = arith.constant 24576 : i32
      %parallel_loop3A_206 = arith.addi %parallel_loop3A_205, %parallel_loop3A_16 : i32
      %parallel_loop3A_207 = arith.constant 3 : i32
      %parallel_loop3A_208 = arith.addi %parallel_loop3A_206, %parallel_loop3A_207 : i32
      %parallel_loop3A_209 = vector.broadcast %parallel_loop3A_208 : i32 to vector<16xi32>
      %parallel_loop3A_210 = arith.addi %mul3A_11, %parallel_loop3A_209 : vector<16xi32>
      tpu.vector_store_idx %arg5[%parallel_loop3A_210], %parallel_loop3A_204 : memref<32768xf32, #tpu.memory_space<vmem>>[vector<16xi32>], vector<16xf32>,
      %parallel_loop3A_211 = arith.constant 256 : i32
      %parallel_loop3A_212 = arith.addi %parallel_loop3A_18, %parallel_loop3A_211 : i32
      %parallel_loop3A_213 = arith.constant 0 : i32
      %parallel_loop3A_214 = arith.addi %parallel_loop3A_212, %parallel_loop3A_213 : i32
      %parallel_loop3A_215 = arith.index_cast %parallel_loop3A_214 : i32 to index
      %parallel_loop3A_216 = tpu.vector_load %arg4[%parallel_loop3A_215] {strides = array<i32>} : memref<32768xf32, #tpu.memory_space<vmem>>, vector<16xf32>,
      %parallel_loop3A_217 = arith.constant 0 : i32
      %parallel_loop3A_218 = arith.addi %parallel_loop3A_217, %parallel_loop3A_16 : i32
      %parallel_loop3A_219 = arith.constant 4 : i32
      %parallel_loop3A_220 = arith.addi %parallel_loop3A_218, %parallel_loop3A_219 : i32
      %parallel_loop3A_221 = vector.broadcast %parallel_loop3A_220 : i32 to vector<16xi32>
      %parallel_loop3A_222 = arith.addi %mul3A_11, %parallel_loop3A_221 : vector<16xi32>
      tpu.vector_store_idx %arg5[%parallel_loop3A_222], %parallel_loop3A_216 : memref<32768xf32, #tpu.memory_space<vmem>>[vector<16xi32>], vector<16xf32>,
      %parallel_loop3A_223 = arith.constant 256 : i32
      %parallel_loop3A_224 = arith.addi %parallel_loop3A_18, %parallel_loop3A_223 : i32
      %parallel_loop3A_225 = arith.constant 16 : i32
      %parallel_loop3A_226 = arith.addi %parallel_loop3A_224, %parallel_loop3A_225 : i32
      %parallel_loop3A_227 = arith.index_cast %parallel_loop3A_226 : i32 to index
      %parallel_loop3A_228 = tpu.vector_load %arg4[%parallel_loop3A_227] {strides = array<i32>} : memref<32768xf32, #tpu.memory_space<vmem>>, vector<16xf32>,
      %parallel_loop3A_229 = arith.constant 8192 : i32
      %parallel_loop3A_230 = arith.addi %parallel_loop3A_229, %parallel_loop3A_16 : i32
      %parallel_loop3A_231 = arith.constant 4 : i32
      %parallel_loop3A_232 = arith.addi %parallel_loop3A_230, %parallel_loop3A_231 : i32
      %parallel_loop3A_233 = vector.broadcast %parallel_loop3A_232 : i32 to vector<16xi32>
      %parallel_loop3A_234 = arith.addi %mul3A_11, %parallel_loop3A_233 : vector<16xi32>
      tpu.vector_store_idx %arg5[%parallel_loop3A_234], %parallel_loop3A_228 : memref<32768xf32, #tpu.memory_space<vmem>>[vector<16xi32>], vector<16xf32>,
      %parallel_loop3A_235 = arith.constant 256 : i32
      %parallel_loop3A_236 = arith.addi %parallel_loop3A_18, %parallel_loop3A_235 : i32
      %parallel_loop3A_237 = arith.constant 32 : i32
      %parallel_loop3A_238 = arith.addi %parallel_loop3A_236, %parallel_loop3A_237 : i32
      %parallel_loop3A_239 = arith.index_cast %parallel_loop3A_238 : i32 to index
      %parallel_loop3A_240 = tpu.vector_load %arg4[%parallel_loop3A_239] {strides = array<i32>} : memref<32768xf32, #tpu.memory_space<vmem>>, vector<16xf32>,
      %parallel_loop3A_241 = arith.constant 16384 : i32
      %parallel_loop3A_242 = arith.addi %parallel_loop3A_241, %parallel_loop3A_16 : i32
      %parallel_loop3A_243 = arith.constant 4 : i32
      %parallel_loop3A_244 = arith.addi %parallel_loop3A_242, %parallel_loop3A_243 : i32
      %parallel_loop3A_245 = vector.broadcast %parallel_loop3A_244 : i32 to vector<16xi32>
      %parallel_loop3A_246 = arith.addi %mul3A_11, %parallel_loop3A_245 : vector<16xi32>
      tpu.vector_store_idx %arg5[%parallel_loop3A_246], %parallel_loop3A_240 : memref<32768xf32, #tpu.memory_space<vmem>>[vector<16xi32>], vector<16xf32>,
      %parallel_loop3A_247 = arith.constant 256 : i32
      %parallel_loop3A_248 = arith.addi %parallel_loop3A_18, %parallel_loop3A_247 : i32
      %parallel_loop3A_249 = arith.constant 48 : i32
      %parallel_loop3A_250 = arith.addi %parallel_loop3A_248, %parallel_loop3A_249 : i32
      %parallel_loop3A_251 = arith.index_cast %parallel_loop3A_250 : i32 to index
      %parallel_loop3A_252 = tpu.vector_load %arg4[%parallel_loop3A_251] {strides = array<i32>} : memref<32768xf32, #tpu.memory_space<vmem>>, vector<16xf32>,
      %parallel_loop3A_253 = arith.constant 24576 : i32
      %parallel_loop3A_254 = arith.addi %parallel_loop3A_253, %parallel_loop3A_16 : i32
      %parallel_loop3A_255 = arith.constant 4 : i32
      %parallel_loop3A_256 = arith.addi %parallel_loop3A_254, %parallel_loop3A_255 : i32
      %parallel_loop3A_257 = vector.broadcast %parallel_loop3A_256 : i32 to vector<16xi32>
      %parallel_loop3A_258 = arith.addi %mul3A_11, %parallel_loop3A_257 : vector<16xi32>
      tpu.vector_store_idx %arg5[%parallel_loop3A_258], %parallel_loop3A_252 : memref<32768xf32, #tpu.memory_space<vmem>>[vector<16xi32>], vector<16xf32>,
      %parallel_loop3A_259 = arith.constant 320 : i32
      %parallel_loop3A_260 = arith.addi %parallel_loop3A_18, %parallel_loop3A_259 : i32
      %parallel_loop3A_261 = arith.constant 0 : i32
      %parallel_loop3A_262 = arith.addi %parallel_loop3A_260, %parallel_loop3A_261 : i32
      %parallel_loop3A_263 = arith.index_cast %parallel_loop3A_262 : i32 to index
      %parallel_loop3A_264 = tpu.vector_load %arg4[%parallel_loop3A_263] {strides = array<i32>} : memref<32768xf32, #tpu.memory_space<vmem>>, vector<16xf32>,
      %parallel_loop3A_265 = arith.constant 0 : i32
      %parallel_loop3A_266 = arith.addi %parallel_loop3A_265, %parallel_loop3A_16 : i32
      %parallel_loop3A_267 = arith.constant 5 : i32
      %parallel_loop3A_268 = arith.addi %parallel_loop3A_266, %parallel_loop3A_267 : i32
      %parallel_loop3A_269 = vector.broadcast %parallel_loop3A_268 : i32 to vector<16xi32>
      %parallel_loop3A_270 = arith.addi %mul3A_11, %parallel_loop3A_269 : vector<16xi32>
      tpu.vector_store_idx %arg5[%parallel_loop3A_270], %parallel_loop3A_264 : memref<32768xf32, #tpu.memory_space<vmem>>[vector<16xi32>], vector<16xf32>,
      %parallel_loop3A_271 = arith.constant 320 : i32
      %parallel_loop3A_272 = arith.addi %parallel_loop3A_18, %parallel_loop3A_271 : i32
      %parallel_loop3A_273 = arith.constant 16 : i32
      %parallel_loop3A_274 = arith.addi %parallel_loop3A_272, %parallel_loop3A_273 : i32
      %parallel_loop3A_275 = arith.index_cast %parallel_loop3A_274 : i32 to index
      %parallel_loop3A_276 = tpu.vector_load %arg4[%parallel_loop3A_275] {strides = array<i32>} : memref<32768xf32, #tpu.memory_space<vmem>>, vector<16xf32>,
      %parallel_loop3A_277 = arith.constant 8192 : i32
      %parallel_loop3A_278 = arith.addi %parallel_loop3A_277, %parallel_loop3A_16 : i32
      %parallel_loop3A_279 = arith.constant 5 : i32
      %parallel_loop3A_280 = arith.addi %parallel_loop3A_278, %parallel_loop3A_279 : i32
      %parallel_loop3A_281 = vector.broadcast %parallel_loop3A_280 : i32 to vector<16xi32>
      %parallel_loop3A_282 = arith.addi %mul3A_11, %parallel_loop3A_281 : vector<16xi32>
      tpu.vector_store_idx %arg5[%parallel_loop3A_282], %parallel_loop3A_276 : memref<32768xf32, #tpu.memory_space<vmem>>[vector<16xi32>], vector<16xf32>,
      %parallel_loop3A_283 = arith.constant 320 : i32
      %parallel_loop3A_284 = arith.addi %parallel_loop3A_18, %parallel_loop3A_283 : i32
      %parallel_loop3A_285 = arith.constant 32 : i32
      %parallel_loop3A_286 = arith.addi %parallel_loop3A_284, %parallel_loop3A_285 : i32
      %parallel_loop3A_287 = arith.index_cast %parallel_loop3A_286 : i32 to index
      %parallel_loop3A_288 = tpu.vector_load %arg4[%parallel_loop3A_287] {strides = array<i32>} : memref<32768xf32, #tpu.memory_space<vmem>>, vector<16xf32>,
      %parallel_loop3A_289 = arith.constant 16384 : i32
      %parallel_loop3A_290 = arith.addi %parallel_loop3A_289, %parallel_loop3A_16 : i32
      %parallel_loop3A_291 = arith.constant 5 : i32
      %parallel_loop3A_292 = arith.addi %parallel_loop3A_290, %parallel_loop3A_291 : i32
      %parallel_loop3A_293 = vector.broadcast %parallel_loop3A_292 : i32 to vector<16xi32>
      %parallel_loop3A_294 = arith.addi %mul3A_11, %parallel_loop3A_293 : vector<16xi32>
      tpu.vector_store_idx %arg5[%parallel_loop3A_294], %parallel_loop3A_288 : memref<32768xf32, #tpu.memory_space<vmem>>[vector<16xi32>], vector<16xf32>,
      %parallel_loop3A_295 = arith.constant 320 : i32
      %parallel_loop3A_296 = arith.addi %parallel_loop3A_18, %parallel_loop3A_295 : i32
      %parallel_loop3A_297 = arith.constant 48 : i32
      %parallel_loop3A_298 = arith.addi %parallel_loop3A_296, %parallel_loop3A_297 : i32
      %parallel_loop3A_299 = arith.index_cast %parallel_loop3A_298 : i32 to index
      %parallel_loop3A_300 = tpu.vector_load %arg4[%parallel_loop3A_299] {strides = array<i32>} : memref<32768xf32, #tpu.memory_space<vmem>>, vector<16xf32>,
      %parallel_loop3A_301 = arith.constant 24576 : i32
      %parallel_loop3A_302 = arith.addi %parallel_loop3A_301, %parallel_loop3A_16 : i32
      %parallel_loop3A_303 = arith.constant 5 : i32
      %parallel_loop3A_304 = arith.addi %parallel_loop3A_302, %parallel_loop3A_303 : i32
      %parallel_loop3A_305 = vector.broadcast %parallel_loop3A_304 : i32 to vector<16xi32>
      %parallel_loop3A_306 = arith.addi %mul3A_11, %parallel_loop3A_305 : vector<16xi32>
      tpu.vector_store_idx %arg5[%parallel_loop3A_306], %parallel_loop3A_300 : memref<32768xf32, #tpu.memory_space<vmem>>[vector<16xi32>], vector<16xf32>,
      %parallel_loop3A_307 = arith.constant 384 : i32
      %parallel_loop3A_308 = arith.addi %parallel_loop3A_18, %parallel_loop3A_307 : i32
      %parallel_loop3A_309 = arith.constant 0 : i32
      %parallel_loop3A_310 = arith.addi %parallel_loop3A_308, %parallel_loop3A_309 : i32
      %parallel_loop3A_311 = arith.index_cast %parallel_loop3A_310 : i32 to index
      %parallel_loop3A_312 = tpu.vector_load %arg4[%parallel_loop3A_311] {strides = array<i32>} : memref<32768xf32, #tpu.memory_space<vmem>>, vector<16xf32>,
      %parallel_loop3A_313 = arith.constant 0 : i32
      %parallel_loop3A_314 = arith.addi %parallel_loop3A_313, %parallel_loop3A_16 : i32
      %parallel_loop3A_315 = arith.constant 6 : i32
      %parallel_loop3A_316 = arith.addi %parallel_loop3A_314, %parallel_loop3A_315 : i32
      %parallel_loop3A_317 = vector.broadcast %parallel_loop3A_316 : i32 to vector<16xi32>
      %parallel_loop3A_318 = arith.addi %mul3A_11, %parallel_loop3A_317 : vector<16xi32>
      tpu.vector_store_idx %arg5[%parallel_loop3A_318], %parallel_loop3A_312 : memref<32768xf32, #tpu.memory_space<vmem>>[vector<16xi32>], vector<16xf32>,
      %parallel_loop3A_319 = arith.constant 384 : i32
      %parallel_loop3A_320 = arith.addi %parallel_loop3A_18, %parallel_loop3A_319 : i32
      %parallel_loop3A_321 = arith.constant 16 : i32
      %parallel_loop3A_322 = arith.addi %parallel_loop3A_320, %parallel_loop3A_321 : i32
      %parallel_loop3A_323 = arith.index_cast %parallel_loop3A_322 : i32 to index
      %parallel_loop3A_324 = tpu.vector_load %arg4[%parallel_loop3A_323] {strides = array<i32>} : memref<32768xf32, #tpu.memory_space<vmem>>, vector<16xf32>,
      %parallel_loop3A_325 = arith.constant 8192 : i32
      %parallel_loop3A_326 = arith.addi %parallel_loop3A_325, %parallel_loop3A_16 : i32
      %parallel_loop3A_327 = arith.constant 6 : i32
      %parallel_loop3A_328 = arith.addi %parallel_loop3A_326, %parallel_loop3A_327 : i32
      %parallel_loop3A_329 = vector.broadcast %parallel_loop3A_328 : i32 to vector<16xi32>
      %parallel_loop3A_330 = arith.addi %mul3A_11, %parallel_loop3A_329 : vector<16xi32>
      tpu.vector_store_idx %arg5[%parallel_loop3A_330], %parallel_loop3A_324 : memref<32768xf32, #tpu.memory_space<vmem>>[vector<16xi32>], vector<16xf32>,
      %parallel_loop3A_331 = arith.constant 384 : i32
      %parallel_loop3A_332 = arith.addi %parallel_loop3A_18, %parallel_loop3A_331 : i32
      %parallel_loop3A_333 = arith.constant 32 : i32
      %parallel_loop3A_334 = arith.addi %parallel_loop3A_332, %parallel_loop3A_333 : i32
      %parallel_loop3A_335 = arith.index_cast %parallel_loop3A_334 : i32 to index
      %parallel_loop3A_336 = tpu.vector_load %arg4[%parallel_loop3A_335] {strides = array<i32>} : memref<32768xf32, #tpu.memory_space<vmem>>, vector<16xf32>,
      %parallel_loop3A_337 = arith.constant 16384 : i32
      %parallel_loop3A_338 = arith.addi %parallel_loop3A_337, %parallel_loop3A_16 : i32
      %parallel_loop3A_339 = arith.constant 6 : i32
      %parallel_loop3A_340 = arith.addi %parallel_loop3A_338, %parallel_loop3A_339 : i32
      %parallel_loop3A_341 = vector.broadcast %parallel_loop3A_340 : i32 to vector<16xi32>
      %parallel_loop3A_342 = arith.addi %mul3A_11, %parallel_loop3A_341 : vector<16xi32>
      tpu.vector_store_idx %arg5[%parallel_loop3A_342], %parallel_loop3A_336 : memref<32768xf32, #tpu.memory_space<vmem>>[vector<16xi32>], vector<16xf32>,
      %parallel_loop3A_343 = arith.constant 384 : i32
      %parallel_loop3A_344 = arith.addi %parallel_loop3A_18, %parallel_loop3A_343 : i32
      %parallel_loop3A_345 = arith.constant 48 : i32
      %parallel_loop3A_346 = arith.addi %parallel_loop3A_344, %parallel_loop3A_345 : i32
      %parallel_loop3A_347 = arith.index_cast %parallel_loop3A_346 : i32 to index
      %parallel_loop3A_348 = tpu.vector_load %arg4[%parallel_loop3A_347] {strides = array<i32>} : memref<32768xf32, #tpu.memory_space<vmem>>, vector<16xf32>,
      %parallel_loop3A_349 = arith.constant 24576 : i32
      %parallel_loop3A_350 = arith.addi %parallel_loop3A_349, %parallel_loop3A_16 : i32
      %parallel_loop3A_351 = arith.constant 6 : i32
      %parallel_loop3A_352 = arith.addi %parallel_loop3A_350, %parallel_loop3A_351 : i32
      %parallel_loop3A_353 = vector.broadcast %parallel_loop3A_352 : i32 to vector<16xi32>
      %parallel_loop3A_354 = arith.addi %mul3A_11, %parallel_loop3A_353 : vector<16xi32>
      tpu.vector_store_idx %arg5[%parallel_loop3A_354], %parallel_loop3A_348 : memref<32768xf32, #tpu.memory_space<vmem>>[vector<16xi32>], vector<16xf32>,
      %parallel_loop3A_355 = arith.constant 448 : i32
      %parallel_loop3A_356 = arith.addi %parallel_loop3A_18, %parallel_loop3A_355 : i32
      %parallel_loop3A_357 = arith.constant 0 : i32
      %parallel_loop3A_358 = arith.addi %parallel_loop3A_356, %parallel_loop3A_357 : i32
      %parallel_loop3A_359 = arith.index_cast %parallel_loop3A_358 : i32 to index
      %parallel_loop3A_360 = tpu.vector_load %arg4[%parallel_loop3A_359] {strides = array<i32>} : memref<32768xf32, #tpu.memory_space<vmem>>, vector<16xf32>,
      %parallel_loop3A_361 = arith.constant 0 : i32
      %parallel_loop3A_362 = arith.addi %parallel_loop3A_361, %parallel_loop3A_16 : i32
      %parallel_loop3A_363 = arith.constant 7 : i32
      %parallel_loop3A_364 = arith.addi %parallel_loop3A_362, %parallel_loop3A_363 : i32
      %parallel_loop3A_365 = vector.broadcast %parallel_loop3A_364 : i32 to vector<16xi32>
      %parallel_loop3A_366 = arith.addi %mul3A_11, %parallel_loop3A_365 : vector<16xi32>
      tpu.vector_store_idx %arg5[%parallel_loop3A_366], %parallel_loop3A_360 : memref<32768xf32, #tpu.memory_space<vmem>>[vector<16xi32>], vector<16xf32>,
      %parallel_loop3A_367 = arith.constant 448 : i32
      %parallel_loop3A_368 = arith.addi %parallel_loop3A_18, %parallel_loop3A_367 : i32
      %parallel_loop3A_369 = arith.constant 16 : i32
      %parallel_loop3A_370 = arith.addi %parallel_loop3A_368, %parallel_loop3A_369 : i32
      %parallel_loop3A_371 = arith.index_cast %parallel_loop3A_370 : i32 to index
      %parallel_loop3A_372 = tpu.vector_load %arg4[%parallel_loop3A_371] {strides = array<i32>} : memref<32768xf32, #tpu.memory_space<vmem>>, vector<16xf32>,
      %parallel_loop3A_373 = arith.constant 8192 : i32
      %parallel_loop3A_374 = arith.addi %parallel_loop3A_373, %parallel_loop3A_16 : i32
      %parallel_loop3A_375 = arith.constant 7 : i32
      %parallel_loop3A_376 = arith.addi %parallel_loop3A_374, %parallel_loop3A_375 : i32
      %parallel_loop3A_377 = vector.broadcast %parallel_loop3A_376 : i32 to vector<16xi32>
      %parallel_loop3A_378 = arith.addi %mul3A_11, %parallel_loop3A_377 : vector<16xi32>
      tpu.vector_store_idx %arg5[%parallel_loop3A_378], %parallel_loop3A_372 : memref<32768xf32, #tpu.memory_space<vmem>>[vector<16xi32>], vector<16xf32>,
      %parallel_loop3A_379 = arith.constant 448 : i32
      %parallel_loop3A_380 = arith.addi %parallel_loop3A_18, %parallel_loop3A_379 : i32
      %parallel_loop3A_381 = arith.constant 32 : i32
      %parallel_loop3A_382 = arith.addi %parallel_loop3A_380, %parallel_loop3A_381 : i32
      %parallel_loop3A_383 = arith.index_cast %parallel_loop3A_382 : i32 to index
      %parallel_loop3A_384 = tpu.vector_load %arg4[%parallel_loop3A_383] {strides = array<i32>} : memref<32768xf32, #tpu.memory_space<vmem>>, vector<16xf32>,
      %parallel_loop3A_385 = arith.constant 16384 : i32
      %parallel_loop3A_386 = arith.addi %parallel_loop3A_385, %parallel_loop3A_16 : i32
      %parallel_loop3A_387 = arith.constant 7 : i32
      %parallel_loop3A_388 = arith.addi %parallel_loop3A_386, %parallel_loop3A_387 : i32
      %parallel_loop3A_389 = vector.broadcast %parallel_loop3A_388 : i32 to vector<16xi32>
      %parallel_loop3A_390 = arith.addi %mul3A_11, %parallel_loop3A_389 : vector<16xi32>
      tpu.vector_store_idx %arg5[%parallel_loop3A_390], %parallel_loop3A_384 : memref<32768xf32, #tpu.memory_space<vmem>>[vector<16xi32>], vector<16xf32>,
      %parallel_loop3A_391 = arith.constant 448 : i32
      %parallel_loop3A_392 = arith.addi %parallel_loop3A_18, %parallel_loop3A_391 : i32
      %parallel_loop3A_393 = arith.constant 48 : i32
      %parallel_loop3A_394 = arith.addi %parallel_loop3A_392, %parallel_loop3A_393 : i32
      %parallel_loop3A_395 = arith.index_cast %parallel_loop3A_394 : i32 to index
      %parallel_loop3A_396 = tpu.vector_load %arg4[%parallel_loop3A_395] {strides = array<i32>} : memref<32768xf32, #tpu.memory_space<vmem>>, vector<16xf32>,
      %parallel_loop3A_397 = arith.constant 24576 : i32
      %parallel_loop3A_398 = arith.addi %parallel_loop3A_397, %parallel_loop3A_16 : i32
      %parallel_loop3A_399 = arith.constant 7 : i32
      %parallel_loop3A_400 = arith.addi %parallel_loop3A_398, %parallel_loop3A_399 : i32
      %parallel_loop3A_401 = vector.broadcast %parallel_loop3A_400 : i32 to vector<16xi32>
      %parallel_loop3A_402 = arith.addi %mul3A_11, %parallel_loop3A_401 : vector<16xi32>
      tpu.vector_store_idx %arg5[%parallel_loop3A_402], %parallel_loop3A_396 : memref<32768xf32, #tpu.memory_space<vmem>>[vector<16xi32>], vector<16xf32>,
      %parallel_loop3A_403 = arith.constant 512 : i32
      %parallel_loop3A_404 = arith.addi %parallel_loop3A_18, %parallel_loop3A_403 : i32
      %parallel_loop3A_405 = arith.constant 0 : i32
      %parallel_loop3A_406 = arith.addi %parallel_loop3A_404, %parallel_loop3A_405 : i32
      %parallel_loop3A_407 = arith.index_cast %parallel_loop3A_406 : i32 to index
      %parallel_loop3A_408 = tpu.vector_load %arg4[%parallel_loop3A_407] {strides = array<i32>} : memref<32768xf32, #tpu.memory_space<vmem>>, vector<16xf32>,
      %parallel_loop3A_409 = arith.constant 0 : i32
      %parallel_loop3A_410 = arith.addi %parallel_loop3A_409, %parallel_loop3A_16 : i32
      %parallel_loop3A_411 = arith.constant 8 : i32
      %parallel_loop3A_412 = arith.addi %parallel_loop3A_410, %parallel_loop3A_411 : i32
      %parallel_loop3A_413 = vector.broadcast %parallel_loop3A_412 : i32 to vector<16xi32>
      %parallel_loop3A_414 = arith.addi %mul3A_11, %parallel_loop3A_413 : vector<16xi32>
      tpu.vector_store_idx %arg5[%parallel_loop3A_414], %parallel_loop3A_408 : memref<32768xf32, #tpu.memory_space<vmem>>[vector<16xi32>], vector<16xf32>,
      %parallel_loop3A_415 = arith.constant 512 : i32
      %parallel_loop3A_416 = arith.addi %parallel_loop3A_18, %parallel_loop3A_415 : i32
      %parallel_loop3A_417 = arith.constant 16 : i32
      %parallel_loop3A_418 = arith.addi %parallel_loop3A_416, %parallel_loop3A_417 : i32
      %parallel_loop3A_419 = arith.index_cast %parallel_loop3A_418 : i32 to index
      %parallel_loop3A_420 = tpu.vector_load %arg4[%parallel_loop3A_419] {strides = array<i32>} : memref<32768xf32, #tpu.memory_space<vmem>>, vector<16xf32>,
      %parallel_loop3A_421 = arith.constant 8192 : i32
      %parallel_loop3A_422 = arith.addi %parallel_loop3A_421, %parallel_loop3A_16 : i32
      %parallel_loop3A_423 = arith.constant 8 : i32
      %parallel_loop3A_424 = arith.addi %parallel_loop3A_422, %parallel_loop3A_423 : i32
      %parallel_loop3A_425 = vector.broadcast %parallel_loop3A_424 : i32 to vector<16xi32>
      %parallel_loop3A_426 = arith.addi %mul3A_11, %parallel_loop3A_425 : vector<16xi32>
      tpu.vector_store_idx %arg5[%parallel_loop3A_426], %parallel_loop3A_420 : memref<32768xf32, #tpu.memory_space<vmem>>[vector<16xi32>], vector<16xf32>,
      %parallel_loop3A_427 = arith.constant 512 : i32
      %parallel_loop3A_428 = arith.addi %parallel_loop3A_18, %parallel_loop3A_427 : i32
      %parallel_loop3A_429 = arith.constant 32 : i32
      %parallel_loop3A_430 = arith.addi %parallel_loop3A_428, %parallel_loop3A_429 : i32
      %parallel_loop3A_431 = arith.index_cast %parallel_loop3A_430 : i32 to index
      %parallel_loop3A_432 = tpu.vector_load %arg4[%parallel_loop3A_431] {strides = array<i32>} : memref<32768xf32, #tpu.memory_space<vmem>>, vector<16xf32>,
      %parallel_loop3A_433 = arith.constant 16384 : i32
      %parallel_loop3A_434 = arith.addi %parallel_loop3A_433, %parallel_loop3A_16 : i32
      %parallel_loop3A_435 = arith.constant 8 : i32
      %parallel_loop3A_436 = arith.addi %parallel_loop3A_434, %parallel_loop3A_435 : i32
      %parallel_loop3A_437 = vector.broadcast %parallel_loop3A_436 : i32 to vector<16xi32>
      %parallel_loop3A_438 = arith.addi %mul3A_11, %parallel_loop3A_437 : vector<16xi32>
      tpu.vector_store_idx %arg5[%parallel_loop3A_438], %parallel_loop3A_432 : memref<32768xf32, #tpu.memory_space<vmem>>[vector<16xi32>], vector<16xf32>,
      %parallel_loop3A_439 = arith.constant 512 : i32
      %parallel_loop3A_440 = arith.addi %parallel_loop3A_18, %parallel_loop3A_439 : i32
      %parallel_loop3A_441 = arith.constant 48 : i32
      %parallel_loop3A_442 = arith.addi %parallel_loop3A_440, %parallel_loop3A_441 : i32
      %parallel_loop3A_443 = arith.index_cast %parallel_loop3A_442 : i32 to index
      %parallel_loop3A_444 = tpu.vector_load %arg4[%parallel_loop3A_443] {strides = array<i32>} : memref<32768xf32, #tpu.memory_space<vmem>>, vector<16xf32>,
      %parallel_loop3A_445 = arith.constant 24576 : i32
      %parallel_loop3A_446 = arith.addi %parallel_loop3A_445, %parallel_loop3A_16 : i32
      %parallel_loop3A_447 = arith.constant 8 : i32
      %parallel_loop3A_448 = arith.addi %parallel_loop3A_446, %parallel_loop3A_447 : i32
      %parallel_loop3A_449 = vector.broadcast %parallel_loop3A_448 : i32 to vector<16xi32>
      %parallel_loop3A_450 = arith.addi %mul3A_11, %parallel_loop3A_449 : vector<16xi32>
      tpu.vector_store_idx %arg5[%parallel_loop3A_450], %parallel_loop3A_444 : memref<32768xf32, #tpu.memory_space<vmem>>[vector<16xi32>], vector<16xf32>,
      %parallel_loop3A_451 = arith.constant 576 : i32
      %parallel_loop3A_452 = arith.addi %parallel_loop3A_18, %parallel_loop3A_451 : i32
      %parallel_loop3A_453 = arith.constant 0 : i32
      %parallel_loop3A_454 = arith.addi %parallel_loop3A_452, %parallel_loop3A_453 : i32
      %parallel_loop3A_455 = arith.index_cast %parallel_loop3A_454 : i32 to index
      %parallel_loop3A_456 = tpu.vector_load %arg4[%parallel_loop3A_455] {strides = array<i32>} : memref<32768xf32, #tpu.memory_space<vmem>>, vector<16xf32>,
      %parallel_loop3A_457 = arith.constant 0 : i32
      %parallel_loop3A_458 = arith.addi %parallel_loop3A_457, %parallel_loop3A_16 : i32
      %parallel_loop3A_459 = arith.constant 9 : i32
      %parallel_loop3A_460 = arith.addi %parallel_loop3A_458, %parallel_loop3A_459 : i32
      %parallel_loop3A_461 = vector.broadcast %parallel_loop3A_460 : i32 to vector<16xi32>
      %parallel_loop3A_462 = arith.addi %mul3A_11, %parallel_loop3A_461 : vector<16xi32>
      tpu.vector_store_idx %arg5[%parallel_loop3A_462], %parallel_loop3A_456 : memref<32768xf32, #tpu.memory_space<vmem>>[vector<16xi32>], vector<16xf32>,
      %parallel_loop3A_463 = arith.constant 576 : i32
      %parallel_loop3A_464 = arith.addi %parallel_loop3A_18, %parallel_loop3A_463 : i32
      %parallel_loop3A_465 = arith.constant 16 : i32
      %parallel_loop3A_466 = arith.addi %parallel_loop3A_464, %parallel_loop3A_465 : i32
      %parallel_loop3A_467 = arith.index_cast %parallel_loop3A_466 : i32 to index
      %parallel_loop3A_468 = tpu.vector_load %arg4[%parallel_loop3A_467] {strides = array<i32>} : memref<32768xf32, #tpu.memory_space<vmem>>, vector<16xf32>,
      %parallel_loop3A_469 = arith.constant 8192 : i32
      %parallel_loop3A_470 = arith.addi %parallel_loop3A_469, %parallel_loop3A_16 : i32
      %parallel_loop3A_471 = arith.constant 9 : i32
      %parallel_loop3A_472 = arith.addi %parallel_loop3A_470, %parallel_loop3A_471 : i32
      %parallel_loop3A_473 = vector.broadcast %parallel_loop3A_472 : i32 to vector<16xi32>
      %parallel_loop3A_474 = arith.addi %mul3A_11, %parallel_loop3A_473 : vector<16xi32>
      tpu.vector_store_idx %arg5[%parallel_loop3A_474], %parallel_loop3A_468 : memref<32768xf32, #tpu.memory_space<vmem>>[vector<16xi32>], vector<16xf32>,
      %parallel_loop3A_475 = arith.constant 576 : i32
      %parallel_loop3A_476 = arith.addi %parallel_loop3A_18, %parallel_loop3A_475 : i32
      %parallel_loop3A_477 = arith.constant 32 : i32
      %parallel_loop3A_478 = arith.addi %parallel_loop3A_476, %parallel_loop3A_477 : i32
      %parallel_loop3A_479 = arith.index_cast %parallel_loop3A_478 : i32 to index
      %parallel_loop3A_480 = tpu.vector_load %arg4[%parallel_loop3A_479] {strides = array<i32>} : memref<32768xf32, #tpu.memory_space<vmem>>, vector<16xf32>,
      %parallel_loop3A_481 = arith.constant 16384 : i32
      %parallel_loop3A_482 = arith.addi %parallel_loop3A_481, %parallel_loop3A_16 : i32
      %parallel_loop3A_483 = arith.constant 9 : i32
      %parallel_loop3A_484 = arith.addi %parallel_loop3A_482, %parallel_loop3A_483 : i32
      %parallel_loop3A_485 = vector.broadcast %parallel_loop3A_484 : i32 to vector<16xi32>
      %parallel_loop3A_486 = arith.addi %mul3A_11, %parallel_loop3A_485 : vector<16xi32>
      tpu.vector_store_idx %arg5[%parallel_loop3A_486], %parallel_loop3A_480 : memref<32768xf32, #tpu.memory_space<vmem>>[vector<16xi32>], vector<16xf32>,
      %parallel_loop3A_487 = arith.constant 576 : i32
      %parallel_loop3A_488 = arith.addi %parallel_loop3A_18, %parallel_loop3A_487 : i32
      %parallel_loop3A_489 = arith.constant 48 : i32
      %parallel_loop3A_490 = arith.addi %parallel_loop3A_488, %parallel_loop3A_489 : i32
      %parallel_loop3A_491 = arith.index_cast %parallel_loop3A_490 : i32 to index
      %parallel_loop3A_492 = tpu.vector_load %arg4[%parallel_loop3A_491] {strides = array<i32>} : memref<32768xf32, #tpu.memory_space<vmem>>, vector<16xf32>,
      %parallel_loop3A_493 = arith.constant 24576 : i32
      %parallel_loop3A_494 = arith.addi %parallel_loop3A_493, %parallel_loop3A_16 : i32
      %parallel_loop3A_495 = arith.constant 9 : i32
      %parallel_loop3A_496 = arith.addi %parallel_loop3A_494, %parallel_loop3A_495 : i32
      %parallel_loop3A_497 = vector.broadcast %parallel_loop3A_496 : i32 to vector<16xi32>
      %parallel_loop3A_498 = arith.addi %mul3A_11, %parallel_loop3A_497 : vector<16xi32>
      tpu.vector_store_idx %arg5[%parallel_loop3A_498], %parallel_loop3A_492 : memref<32768xf32, #tpu.memory_space<vmem>>[vector<16xi32>], vector<16xf32>,
      %parallel_loop3A_499 = arith.constant 640 : i32
      %parallel_loop3A_500 = arith.addi %parallel_loop3A_18, %parallel_loop3A_499 : i32
      %parallel_loop3A_501 = arith.constant 0 : i32
      %parallel_loop3A_502 = arith.addi %parallel_loop3A_500, %parallel_loop3A_501 : i32
      %parallel_loop3A_503 = arith.index_cast %parallel_loop3A_502 : i32 to index
      %parallel_loop3A_504 = tpu.vector_load %arg4[%parallel_loop3A_503] {strides = array<i32>} : memref<32768xf32, #tpu.memory_space<vmem>>, vector<16xf32>,
      %parallel_loop3A_505 = arith.constant 0 : i32
      %parallel_loop3A_506 = arith.addi %parallel_loop3A_505, %parallel_loop3A_16 : i32
      %parallel_loop3A_507 = arith.constant 10 : i32
      %parallel_loop3A_508 = arith.addi %parallel_loop3A_506, %parallel_loop3A_507 : i32
      %parallel_loop3A_509 = vector.broadcast %parallel_loop3A_508 : i32 to vector<16xi32>
      %parallel_loop3A_510 = arith.addi %mul3A_11, %parallel_loop3A_509 : vector<16xi32>
      tpu.vector_store_idx %arg5[%parallel_loop3A_510], %parallel_loop3A_504 : memref<32768xf32, #tpu.memory_space<vmem>>[vector<16xi32>], vector<16xf32>,
      %parallel_loop3A_511 = arith.constant 640 : i32
      %parallel_loop3A_512 = arith.addi %parallel_loop3A_18, %parallel_loop3A_511 : i32
      %parallel_loop3A_513 = arith.constant 16 : i32
      %parallel_loop3A_514 = arith.addi %parallel_loop3A_512, %parallel_loop3A_513 : i32
      %parallel_loop3A_515 = arith.index_cast %parallel_loop3A_514 : i32 to index
      %parallel_loop3A_516 = tpu.vector_load %arg4[%parallel_loop3A_515] {strides = array<i32>} : memref<32768xf32, #tpu.memory_space<vmem>>, vector<16xf32>,
      %parallel_loop3A_517 = arith.constant 8192 : i32
      %parallel_loop3A_518 = arith.addi %parallel_loop3A_517, %parallel_loop3A_16 : i32
      %parallel_loop3A_519 = arith.constant 10 : i32
      %parallel_loop3A_520 = arith.addi %parallel_loop3A_518, %parallel_loop3A_519 : i32
      %parallel_loop3A_521 = vector.broadcast %parallel_loop3A_520 : i32 to vector<16xi32>
      %parallel_loop3A_522 = arith.addi %mul3A_11, %parallel_loop3A_521 : vector<16xi32>
      tpu.vector_store_idx %arg5[%parallel_loop3A_522], %parallel_loop3A_516 : memref<32768xf32, #tpu.memory_space<vmem>>[vector<16xi32>], vector<16xf32>,
      %parallel_loop3A_523 = arith.constant 640 : i32
      %parallel_loop3A_524 = arith.addi %parallel_loop3A_18, %parallel_loop3A_523 : i32
      %parallel_loop3A_525 = arith.constant 32 : i32
      %parallel_loop3A_526 = arith.addi %parallel_loop3A_524, %parallel_loop3A_525 : i32
      %parallel_loop3A_527 = arith.index_cast %parallel_loop3A_526 : i32 to index
      %parallel_loop3A_528 = tpu.vector_load %arg4[%parallel_loop3A_527] {strides = array<i32>} : memref<32768xf32, #tpu.memory_space<vmem>>, vector<16xf32>,
      %parallel_loop3A_529 = arith.constant 16384 : i32
      %parallel_loop3A_530 = arith.addi %parallel_loop3A_529, %parallel_loop3A_16 : i32
      %parallel_loop3A_531 = arith.constant 10 : i32
      %parallel_loop3A_532 = arith.addi %parallel_loop3A_530, %parallel_loop3A_531 : i32
      %parallel_loop3A_533 = vector.broadcast %parallel_loop3A_532 : i32 to vector<16xi32>
      %parallel_loop3A_534 = arith.addi %mul3A_11, %parallel_loop3A_533 : vector<16xi32>
      tpu.vector_store_idx %arg5[%parallel_loop3A_534], %parallel_loop3A_528 : memref<32768xf32, #tpu.memory_space<vmem>>[vector<16xi32>], vector<16xf32>,
      %parallel_loop3A_535 = arith.constant 640 : i32
      %parallel_loop3A_536 = arith.addi %parallel_loop3A_18, %parallel_loop3A_535 : i32
      %parallel_loop3A_537 = arith.constant 48 : i32
      %parallel_loop3A_538 = arith.addi %parallel_loop3A_536, %parallel_loop3A_537 : i32
      %parallel_loop3A_539 = arith.index_cast %parallel_loop3A_538 : i32 to index
      %parallel_loop3A_540 = tpu.vector_load %arg4[%parallel_loop3A_539] {strides = array<i32>} : memref<32768xf32, #tpu.memory_space<vmem>>, vector<16xf32>,
      %parallel_loop3A_541 = arith.constant 24576 : i32
      %parallel_loop3A_542 = arith.addi %parallel_loop3A_541, %parallel_loop3A_16 : i32
      %parallel_loop3A_543 = arith.constant 10 : i32
      %parallel_loop3A_544 = arith.addi %parallel_loop3A_542, %parallel_loop3A_543 : i32
      %parallel_loop3A_545 = vector.broadcast %parallel_loop3A_544 : i32 to vector<16xi32>
      %parallel_loop3A_546 = arith.addi %mul3A_11, %parallel_loop3A_545 : vector<16xi32>
      tpu.vector_store_idx %arg5[%parallel_loop3A_546], %parallel_loop3A_540 : memref<32768xf32, #tpu.memory_space<vmem>>[vector<16xi32>], vector<16xf32>,
      %parallel_loop3A_547 = arith.constant 704 : i32
      %parallel_loop3A_548 = arith.addi %parallel_loop3A_18, %parallel_loop3A_547 : i32
      %parallel_loop3A_549 = arith.constant 0 : i32
      %parallel_loop3A_550 = arith.addi %parallel_loop3A_548, %parallel_loop3A_549 : i32
      %parallel_loop3A_551 = arith.index_cast %parallel_loop3A_550 : i32 to index
      %parallel_loop3A_552 = tpu.vector_load %arg4[%parallel_loop3A_551] {strides = array<i32>} : memref<32768xf32, #tpu.memory_space<vmem>>, vector<16xf32>,
      %parallel_loop3A_553 = arith.constant 0 : i32
      %parallel_loop3A_554 = arith.addi %parallel_loop3A_553, %parallel_loop3A_16 : i32
      %parallel_loop3A_555 = arith.constant 11 : i32
      %parallel_loop3A_556 = arith.addi %parallel_loop3A_554, %parallel_loop3A_555 : i32
      %parallel_loop3A_557 = vector.broadcast %parallel_loop3A_556 : i32 to vector<16xi32>
      %parallel_loop3A_558 = arith.addi %mul3A_11, %parallel_loop3A_557 : vector<16xi32>
      tpu.vector_store_idx %arg5[%parallel_loop3A_558], %parallel_loop3A_552 : memref<32768xf32, #tpu.memory_space<vmem>>[vector<16xi32>], vector<16xf32>,
      %parallel_loop3A_559 = arith.constant 704 : i32
      %parallel_loop3A_560 = arith.addi %parallel_loop3A_18, %parallel_loop3A_559 : i32
      %parallel_loop3A_561 = arith.constant 16 : i32
      %parallel_loop3A_562 = arith.addi %parallel_loop3A_560, %parallel_loop3A_561 : i32
      %parallel_loop3A_563 = arith.index_cast %parallel_loop3A_562 : i32 to index
      %parallel_loop3A_564 = tpu.vector_load %arg4[%parallel_loop3A_563] {strides = array<i32>} : memref<32768xf32, #tpu.memory_space<vmem>>, vector<16xf32>,
      %parallel_loop3A_565 = arith.constant 8192 : i32
      %parallel_loop3A_566 = arith.addi %parallel_loop3A_565, %parallel_loop3A_16 : i32
      %parallel_loop3A_567 = arith.constant 11 : i32
      %parallel_loop3A_568 = arith.addi %parallel_loop3A_566, %parallel_loop3A_567 : i32
      %parallel_loop3A_569 = vector.broadcast %parallel_loop3A_568 : i32 to vector<16xi32>
      %parallel_loop3A_570 = arith.addi %mul3A_11, %parallel_loop3A_569 : vector<16xi32>
      tpu.vector_store_idx %arg5[%parallel_loop3A_570], %parallel_loop3A_564 : memref<32768xf32, #tpu.memory_space<vmem>>[vector<16xi32>], vector<16xf32>,
      %parallel_loop3A_571 = arith.constant 704 : i32
      %parallel_loop3A_572 = arith.addi %parallel_loop3A_18, %parallel_loop3A_571 : i32
      %parallel_loop3A_573 = arith.constant 32 : i32
      %parallel_loop3A_574 = arith.addi %parallel_loop3A_572, %parallel_loop3A_573 : i32
      %parallel_loop3A_575 = arith.index_cast %parallel_loop3A_574 : i32 to index
      %parallel_loop3A_576 = tpu.vector_load %arg4[%parallel_loop3A_575] {strides = array<i32>} : memref<32768xf32, #tpu.memory_space<vmem>>, vector<16xf32>,
      %parallel_loop3A_577 = arith.constant 16384 : i32
      %parallel_loop3A_578 = arith.addi %parallel_loop3A_577, %parallel_loop3A_16 : i32
      %parallel_loop3A_579 = arith.constant 11 : i32
      %parallel_loop3A_580 = arith.addi %parallel_loop3A_578, %parallel_loop3A_579 : i32
      %parallel_loop3A_581 = vector.broadcast %parallel_loop3A_580 : i32 to vector<16xi32>
      %parallel_loop3A_582 = arith.addi %mul3A_11, %parallel_loop3A_581 : vector<16xi32>
      tpu.vector_store_idx %arg5[%parallel_loop3A_582], %parallel_loop3A_576 : memref<32768xf32, #tpu.memory_space<vmem>>[vector<16xi32>], vector<16xf32>,
      %parallel_loop3A_583 = arith.constant 704 : i32
      %parallel_loop3A_584 = arith.addi %parallel_loop3A_18, %parallel_loop3A_583 : i32
      %parallel_loop3A_585 = arith.constant 48 : i32
      %parallel_loop3A_586 = arith.addi %parallel_loop3A_584, %parallel_loop3A_585 : i32
      %parallel_loop3A_587 = arith.index_cast %parallel_loop3A_586 : i32 to index
      %parallel_loop3A_588 = tpu.vector_load %arg4[%parallel_loop3A_587] {strides = array<i32>} : memref<32768xf32, #tpu.memory_space<vmem>>, vector<16xf32>,
      %parallel_loop3A_589 = arith.constant 24576 : i32
      %parallel_loop3A_590 = arith.addi %parallel_loop3A_589, %parallel_loop3A_16 : i32
      %parallel_loop3A_591 = arith.constant 11 : i32
      %parallel_loop3A_592 = arith.addi %parallel_loop3A_590, %parallel_loop3A_591 : i32
      %parallel_loop3A_593 = vector.broadcast %parallel_loop3A_592 : i32 to vector<16xi32>
      %parallel_loop3A_594 = arith.addi %mul3A_11, %parallel_loop3A_593 : vector<16xi32>
      tpu.vector_store_idx %arg5[%parallel_loop3A_594], %parallel_loop3A_588 : memref<32768xf32, #tpu.memory_space<vmem>>[vector<16xi32>], vector<16xf32>,
      %parallel_loop3A_595 = arith.constant 768 : i32
      %parallel_loop3A_596 = arith.addi %parallel_loop3A_18, %parallel_loop3A_595 : i32
      %parallel_loop3A_597 = arith.constant 0 : i32
      %parallel_loop3A_598 = arith.addi %parallel_loop3A_596, %parallel_loop3A_597 : i32
      %parallel_loop3A_599 = arith.index_cast %parallel_loop3A_598 : i32 to index
      %parallel_loop3A_600 = tpu.vector_load %arg4[%parallel_loop3A_599] {strides = array<i32>} : memref<32768xf32, #tpu.memory_space<vmem>>, vector<16xf32>,
      %parallel_loop3A_601 = arith.constant 0 : i32
      %parallel_loop3A_602 = arith.addi %parallel_loop3A_601, %parallel_loop3A_16 : i32
      %parallel_loop3A_603 = arith.constant 12 : i32
      %parallel_loop3A_604 = arith.addi %parallel_loop3A_602, %parallel_loop3A_603 : i32
      %parallel_loop3A_605 = vector.broadcast %parallel_loop3A_604 : i32 to vector<16xi32>
      %parallel_loop3A_606 = arith.addi %mul3A_11, %parallel_loop3A_605 : vector<16xi32>
      tpu.vector_store_idx %arg5[%parallel_loop3A_606], %parallel_loop3A_600 : memref<32768xf32, #tpu.memory_space<vmem>>[vector<16xi32>], vector<16xf32>,
      %parallel_loop3A_607 = arith.constant 768 : i32
      %parallel_loop3A_608 = arith.addi %parallel_loop3A_18, %parallel_loop3A_607 : i32
      %parallel_loop3A_609 = arith.constant 16 : i32
      %parallel_loop3A_610 = arith.addi %parallel_loop3A_608, %parallel_loop3A_609 : i32
      %parallel_loop3A_611 = arith.index_cast %parallel_loop3A_610 : i32 to index
      %parallel_loop3A_612 = tpu.vector_load %arg4[%parallel_loop3A_611] {strides = array<i32>} : memref<32768xf32, #tpu.memory_space<vmem>>, vector<16xf32>,
      %parallel_loop3A_613 = arith.constant 8192 : i32
      %parallel_loop3A_614 = arith.addi %parallel_loop3A_613, %parallel_loop3A_16 : i32
      %parallel_loop3A_615 = arith.constant 12 : i32
      %parallel_loop3A_616 = arith.addi %parallel_loop3A_614, %parallel_loop3A_615 : i32
      %parallel_loop3A_617 = vector.broadcast %parallel_loop3A_616 : i32 to vector<16xi32>
      %parallel_loop3A_618 = arith.addi %mul3A_11, %parallel_loop3A_617 : vector<16xi32>
      tpu.vector_store_idx %arg5[%parallel_loop3A_618], %parallel_loop3A_612 : memref<32768xf32, #tpu.memory_space<vmem>>[vector<16xi32>], vector<16xf32>,
      %parallel_loop3A_619 = arith.constant 768 : i32
      %parallel_loop3A_620 = arith.addi %parallel_loop3A_18, %parallel_loop3A_619 : i32
      %parallel_loop3A_621 = arith.constant 32 : i32
      %parallel_loop3A_622 = arith.addi %parallel_loop3A_620, %parallel_loop3A_621 : i32
      %parallel_loop3A_623 = arith.index_cast %parallel_loop3A_622 : i32 to index
      %parallel_loop3A_624 = tpu.vector_load %arg4[%parallel_loop3A_623] {strides = array<i32>} : memref<32768xf32, #tpu.memory_space<vmem>>, vector<16xf32>,
      %parallel_loop3A_625 = arith.constant 16384 : i32
      %parallel_loop3A_626 = arith.addi %parallel_loop3A_625, %parallel_loop3A_16 : i32
      %parallel_loop3A_627 = arith.constant 12 : i32
      %parallel_loop3A_628 = arith.addi %parallel_loop3A_626, %parallel_loop3A_627 : i32
      %parallel_loop3A_629 = vector.broadcast %parallel_loop3A_628 : i32 to vector<16xi32>
      %parallel_loop3A_630 = arith.addi %mul3A_11, %parallel_loop3A_629 : vector<16xi32>
      tpu.vector_store_idx %arg5[%parallel_loop3A_630], %parallel_loop3A_624 : memref<32768xf32, #tpu.memory_space<vmem>>[vector<16xi32>], vector<16xf32>,
      %parallel_loop3A_631 = arith.constant 768 : i32
      %parallel_loop3A_632 = arith.addi %parallel_loop3A_18, %parallel_loop3A_631 : i32
      %parallel_loop3A_633 = arith.constant 48 : i32
      %parallel_loop3A_634 = arith.addi %parallel_loop3A_632, %parallel_loop3A_633 : i32
      %parallel_loop3A_635 = arith.index_cast %parallel_loop3A_634 : i32 to index
      %parallel_loop3A_636 = tpu.vector_load %arg4[%parallel_loop3A_635] {strides = array<i32>} : memref<32768xf32, #tpu.memory_space<vmem>>, vector<16xf32>,
      %parallel_loop3A_637 = arith.constant 24576 : i32
      %parallel_loop3A_638 = arith.addi %parallel_loop3A_637, %parallel_loop3A_16 : i32
      %parallel_loop3A_639 = arith.constant 12 : i32
      %parallel_loop3A_640 = arith.addi %parallel_loop3A_638, %parallel_loop3A_639 : i32
      %parallel_loop3A_641 = vector.broadcast %parallel_loop3A_640 : i32 to vector<16xi32>
      %parallel_loop3A_642 = arith.addi %mul3A_11, %parallel_loop3A_641 : vector<16xi32>
      tpu.vector_store_idx %arg5[%parallel_loop3A_642], %parallel_loop3A_636 : memref<32768xf32, #tpu.memory_space<vmem>>[vector<16xi32>], vector<16xf32>,
      %parallel_loop3A_643 = arith.constant 832 : i32
      %parallel_loop3A_644 = arith.addi %parallel_loop3A_18, %parallel_loop3A_643 : i32
      %parallel_loop3A_645 = arith.constant 0 : i32
      %parallel_loop3A_646 = arith.addi %parallel_loop3A_644, %parallel_loop3A_645 : i32
      %parallel_loop3A_647 = arith.index_cast %parallel_loop3A_646 : i32 to index
      %parallel_loop3A_648 = tpu.vector_load %arg4[%parallel_loop3A_647] {strides = array<i32>} : memref<32768xf32, #tpu.memory_space<vmem>>, vector<16xf32>,
      %parallel_loop3A_649 = arith.constant 0 : i32
      %parallel_loop3A_650 = arith.addi %parallel_loop3A_649, %parallel_loop3A_16 : i32
      %parallel_loop3A_651 = arith.constant 13 : i32
      %parallel_loop3A_652 = arith.addi %parallel_loop3A_650, %parallel_loop3A_651 : i32
      %parallel_loop3A_653 = vector.broadcast %parallel_loop3A_652 : i32 to vector<16xi32>
      %parallel_loop3A_654 = arith.addi %mul3A_11, %parallel_loop3A_653 : vector<16xi32>
      tpu.vector_store_idx %arg5[%parallel_loop3A_654], %parallel_loop3A_648 : memref<32768xf32, #tpu.memory_space<vmem>>[vector<16xi32>], vector<16xf32>,
      %parallel_loop3A_655 = arith.constant 832 : i32
      %parallel_loop3A_656 = arith.addi %parallel_loop3A_18, %parallel_loop3A_655 : i32
      %parallel_loop3A_657 = arith.constant 16 : i32
      %parallel_loop3A_658 = arith.addi %parallel_loop3A_656, %parallel_loop3A_657 : i32
      %parallel_loop3A_659 = arith.index_cast %parallel_loop3A_658 : i32 to index
      %parallel_loop3A_660 = tpu.vector_load %arg4[%parallel_loop3A_659] {strides = array<i32>} : memref<32768xf32, #tpu.memory_space<vmem>>, vector<16xf32>,
      %parallel_loop3A_661 = arith.constant 8192 : i32
      %parallel_loop3A_662 = arith.addi %parallel_loop3A_661, %parallel_loop3A_16 : i32
      %parallel_loop3A_663 = arith.constant 13 : i32
      %parallel_loop3A_664 = arith.addi %parallel_loop3A_662, %parallel_loop3A_663 : i32
      %parallel_loop3A_665 = vector.broadcast %parallel_loop3A_664 : i32 to vector<16xi32>
      %parallel_loop3A_666 = arith.addi %mul3A_11, %parallel_loop3A_665 : vector<16xi32>
      tpu.vector_store_idx %arg5[%parallel_loop3A_666], %parallel_loop3A_660 : memref<32768xf32, #tpu.memory_space<vmem>>[vector<16xi32>], vector<16xf32>,
      %parallel_loop3A_667 = arith.constant 832 : i32
      %parallel_loop3A_668 = arith.addi %parallel_loop3A_18, %parallel_loop3A_667 : i32
      %parallel_loop3A_669 = arith.constant 32 : i32
      %parallel_loop3A_670 = arith.addi %parallel_loop3A_668, %parallel_loop3A_669 : i32
      %parallel_loop3A_671 = arith.index_cast %parallel_loop3A_670 : i32 to index
      %parallel_loop3A_672 = tpu.vector_load %arg4[%parallel_loop3A_671] {strides = array<i32>} : memref<32768xf32, #tpu.memory_space<vmem>>, vector<16xf32>,
      %parallel_loop3A_673 = arith.constant 16384 : i32
      %parallel_loop3A_674 = arith.addi %parallel_loop3A_673, %parallel_loop3A_16 : i32
      %parallel_loop3A_675 = arith.constant 13 : i32
      %parallel_loop3A_676 = arith.addi %parallel_loop3A_674, %parallel_loop3A_675 : i32
      %parallel_loop3A_677 = vector.broadcast %parallel_loop3A_676 : i32 to vector<16xi32>
      %parallel_loop3A_678 = arith.addi %mul3A_11, %parallel_loop3A_677 : vector<16xi32>
      tpu.vector_store_idx %arg5[%parallel_loop3A_678], %parallel_loop3A_672 : memref<32768xf32, #tpu.memory_space<vmem>>[vector<16xi32>], vector<16xf32>,
      %parallel_loop3A_679 = arith.constant 832 : i32
      %parallel_loop3A_680 = arith.addi %parallel_loop3A_18, %parallel_loop3A_679 : i32
      %parallel_loop3A_681 = arith.constant 48 : i32
      %parallel_loop3A_682 = arith.addi %parallel_loop3A_680, %parallel_loop3A_681 : i32
      %parallel_loop3A_683 = arith.index_cast %parallel_loop3A_682 : i32 to index
      %parallel_loop3A_684 = tpu.vector_load %arg4[%parallel_loop3A_683] {strides = array<i32>} : memref<32768xf32, #tpu.memory_space<vmem>>, vector<16xf32>,
      %parallel_loop3A_685 = arith.constant 24576 : i32
      %parallel_loop3A_686 = arith.addi %parallel_loop3A_685, %parallel_loop3A_16 : i32
      %parallel_loop3A_687 = arith.constant 13 : i32
      %parallel_loop3A_688 = arith.addi %parallel_loop3A_686, %parallel_loop3A_687 : i32
      %parallel_loop3A_689 = vector.broadcast %parallel_loop3A_688 : i32 to vector<16xi32>
      %parallel_loop3A_690 = arith.addi %mul3A_11, %parallel_loop3A_689 : vector<16xi32>
      tpu.vector_store_idx %arg5[%parallel_loop3A_690], %parallel_loop3A_684 : memref<32768xf32, #tpu.memory_space<vmem>>[vector<16xi32>], vector<16xf32>,
      %parallel_loop3A_691 = arith.constant 896 : i32
      %parallel_loop3A_692 = arith.addi %parallel_loop3A_18, %parallel_loop3A_691 : i32
      %parallel_loop3A_693 = arith.constant 0 : i32
      %parallel_loop3A_694 = arith.addi %parallel_loop3A_692, %parallel_loop3A_693 : i32
      %parallel_loop3A_695 = arith.index_cast %parallel_loop3A_694 : i32 to index
      %parallel_loop3A_696 = tpu.vector_load %arg4[%parallel_loop3A_695] {strides = array<i32>} : memref<32768xf32, #tpu.memory_space<vmem>>, vector<16xf32>,
      %parallel_loop3A_697 = arith.constant 0 : i32
      %parallel_loop3A_698 = arith.addi %parallel_loop3A_697, %parallel_loop3A_16 : i32
      %parallel_loop3A_699 = arith.constant 14 : i32
      %parallel_loop3A_700 = arith.addi %parallel_loop3A_698, %parallel_loop3A_699 : i32
      %parallel_loop3A_701 = vector.broadcast %parallel_loop3A_700 : i32 to vector<16xi32>
      %parallel_loop3A_702 = arith.addi %mul3A_11, %parallel_loop3A_701 : vector<16xi32>
      tpu.vector_store_idx %arg5[%parallel_loop3A_702], %parallel_loop3A_696 : memref<32768xf32, #tpu.memory_space<vmem>>[vector<16xi32>], vector<16xf32>,
      %parallel_loop3A_703 = arith.constant 896 : i32
      %parallel_loop3A_704 = arith.addi %parallel_loop3A_18, %parallel_loop3A_703 : i32
      %parallel_loop3A_705 = arith.constant 16 : i32
      %parallel_loop3A_706 = arith.addi %parallel_loop3A_704, %parallel_loop3A_705 : i32
      %parallel_loop3A_707 = arith.index_cast %parallel_loop3A_706 : i32 to index
      %parallel_loop3A_708 = tpu.vector_load %arg4[%parallel_loop3A_707] {strides = array<i32>} : memref<32768xf32, #tpu.memory_space<vmem>>, vector<16xf32>,
      %parallel_loop3A_709 = arith.constant 8192 : i32
      %parallel_loop3A_710 = arith.addi %parallel_loop3A_709, %parallel_loop3A_16 : i32
      %parallel_loop3A_711 = arith.constant 14 : i32
      %parallel_loop3A_712 = arith.addi %parallel_loop3A_710, %parallel_loop3A_711 : i32
      %parallel_loop3A_713 = vector.broadcast %parallel_loop3A_712 : i32 to vector<16xi32>
      %parallel_loop3A_714 = arith.addi %mul3A_11, %parallel_loop3A_713 : vector<16xi32>
      tpu.vector_store_idx %arg5[%parallel_loop3A_714], %parallel_loop3A_708 : memref<32768xf32, #tpu.memory_space<vmem>>[vector<16xi32>], vector<16xf32>,
      %parallel_loop3A_715 = arith.constant 896 : i32
      %parallel_loop3A_716 = arith.addi %parallel_loop3A_18, %parallel_loop3A_715 : i32
      %parallel_loop3A_717 = arith.constant 32 : i32
      %parallel_loop3A_718 = arith.addi %parallel_loop3A_716, %parallel_loop3A_717 : i32
      %parallel_loop3A_719 = arith.index_cast %parallel_loop3A_718 : i32 to index
      %parallel_loop3A_720 = tpu.vector_load %arg4[%parallel_loop3A_719] {strides = array<i32>} : memref<32768xf32, #tpu.memory_space<vmem>>, vector<16xf32>,
      %parallel_loop3A_721 = arith.constant 16384 : i32
      %parallel_loop3A_722 = arith.addi %parallel_loop3A_721, %parallel_loop3A_16 : i32
      %parallel_loop3A_723 = arith.constant 14 : i32
      %parallel_loop3A_724 = arith.addi %parallel_loop3A_722, %parallel_loop3A_723 : i32
      %parallel_loop3A_725 = vector.broadcast %parallel_loop3A_724 : i32 to vector<16xi32>
      %parallel_loop3A_726 = arith.addi %mul3A_11, %parallel_loop3A_725 : vector<16xi32>
      tpu.vector_store_idx %arg5[%parallel_loop3A_726], %parallel_loop3A_720 : memref<32768xf32, #tpu.memory_space<vmem>>[vector<16xi32>], vector<16xf32>,
      %parallel_loop3A_727 = arith.constant 896 : i32
      %parallel_loop3A_728 = arith.addi %parallel_loop3A_18, %parallel_loop3A_727 : i32
      %parallel_loop3A_729 = arith.constant 48 : i32
      %parallel_loop3A_730 = arith.addi %parallel_loop3A_728, %parallel_loop3A_729 : i32
      %parallel_loop3A_731 = arith.index_cast %parallel_loop3A_730 : i32 to index
      %parallel_loop3A_732 = tpu.vector_load %arg4[%parallel_loop3A_731] {strides = array<i32>} : memref<32768xf32, #tpu.memory_space<vmem>>, vector<16xf32>,
      %parallel_loop3A_733 = arith.constant 24576 : i32
      %parallel_loop3A_734 = arith.addi %parallel_loop3A_733, %parallel_loop3A_16 : i32
      %parallel_loop3A_735 = arith.constant 14 : i32
      %parallel_loop3A_736 = arith.addi %parallel_loop3A_734, %parallel_loop3A_735 : i32
      %parallel_loop3A_737 = vector.broadcast %parallel_loop3A_736 : i32 to vector<16xi32>
      %parallel_loop3A_738 = arith.addi %mul3A_11, %parallel_loop3A_737 : vector<16xi32>
      tpu.vector_store_idx %arg5[%parallel_loop3A_738], %parallel_loop3A_732 : memref<32768xf32, #tpu.memory_space<vmem>>[vector<16xi32>], vector<16xf32>,
      %parallel_loop3A_739 = arith.constant 960 : i32
      %parallel_loop3A_740 = arith.addi %parallel_loop3A_18, %parallel_loop3A_739 : i32
      %parallel_loop3A_741 = arith.constant 0 : i32
      %parallel_loop3A_742 = arith.addi %parallel_loop3A_740, %parallel_loop3A_741 : i32
      %parallel_loop3A_743 = arith.index_cast %parallel_loop3A_742 : i32 to index
      %parallel_loop3A_744 = tpu.vector_load %arg4[%parallel_loop3A_743] {strides = array<i32>} : memref<32768xf32, #tpu.memory_space<vmem>>, vector<16xf32>,
      %parallel_loop3A_745 = arith.constant 0 : i32
      %parallel_loop3A_746 = arith.addi %parallel_loop3A_745, %parallel_loop3A_16 : i32
      %parallel_loop3A_747 = arith.constant 15 : i32
      %parallel_loop3A_748 = arith.addi %parallel_loop3A_746, %parallel_loop3A_747 : i32
      %parallel_loop3A_749 = vector.broadcast %parallel_loop3A_748 : i32 to vector<16xi32>
      %parallel_loop3A_750 = arith.addi %mul3A_11, %parallel_loop3A_749 : vector<16xi32>
      tpu.vector_store_idx %arg5[%parallel_loop3A_750], %parallel_loop3A_744 : memref<32768xf32, #tpu.memory_space<vmem>>[vector<16xi32>], vector<16xf32>,
      %parallel_loop3A_751 = arith.constant 960 : i32
      %parallel_loop3A_752 = arith.addi %parallel_loop3A_18, %parallel_loop3A_751 : i32
      %parallel_loop3A_753 = arith.constant 16 : i32
      %parallel_loop3A_754 = arith.addi %parallel_loop3A_752, %parallel_loop3A_753 : i32
      %parallel_loop3A_755 = arith.index_cast %parallel_loop3A_754 : i32 to index
      %parallel_loop3A_756 = tpu.vector_load %arg4[%parallel_loop3A_755] {strides = array<i32>} : memref<32768xf32, #tpu.memory_space<vmem>>, vector<16xf32>,
      %parallel_loop3A_757 = arith.constant 8192 : i32
      %parallel_loop3A_758 = arith.addi %parallel_loop3A_757, %parallel_loop3A_16 : i32
      %parallel_loop3A_759 = arith.constant 15 : i32
      %parallel_loop3A_760 = arith.addi %parallel_loop3A_758, %parallel_loop3A_759 : i32
      %parallel_loop3A_761 = vector.broadcast %parallel_loop3A_760 : i32 to vector<16xi32>
      %parallel_loop3A_762 = arith.addi %mul3A_11, %parallel_loop3A_761 : vector<16xi32>
      tpu.vector_store_idx %arg5[%parallel_loop3A_762], %parallel_loop3A_756 : memref<32768xf32, #tpu.memory_space<vmem>>[vector<16xi32>], vector<16xf32>,
      %parallel_loop3A_763 = arith.constant 960 : i32
      %parallel_loop3A_764 = arith.addi %parallel_loop3A_18, %parallel_loop3A_763 : i32
      %parallel_loop3A_765 = arith.constant 32 : i32
      %parallel_loop3A_766 = arith.addi %parallel_loop3A_764, %parallel_loop3A_765 : i32
      %parallel_loop3A_767 = arith.index_cast %parallel_loop3A_766 : i32 to index
      %parallel_loop3A_768 = tpu.vector_load %arg4[%parallel_loop3A_767] {strides = array<i32>} : memref<32768xf32, #tpu.memory_space<vmem>>, vector<16xf32>,
      %parallel_loop3A_769 = arith.constant 16384 : i32
      %parallel_loop3A_770 = arith.addi %parallel_loop3A_769, %parallel_loop3A_16 : i32
      %parallel_loop3A_771 = arith.constant 15 : i32
      %parallel_loop3A_772 = arith.addi %parallel_loop3A_770, %parallel_loop3A_771 : i32
      %parallel_loop3A_773 = vector.broadcast %parallel_loop3A_772 : i32 to vector<16xi32>
      %parallel_loop3A_774 = arith.addi %mul3A_11, %parallel_loop3A_773 : vector<16xi32>
      tpu.vector_store_idx %arg5[%parallel_loop3A_774], %parallel_loop3A_768 : memref<32768xf32, #tpu.memory_space<vmem>>[vector<16xi32>], vector<16xf32>,
      %parallel_loop3A_775 = arith.constant 960 : i32
      %parallel_loop3A_776 = arith.addi %parallel_loop3A_18, %parallel_loop3A_775 : i32
      %parallel_loop3A_777 = arith.constant 48 : i32
      %parallel_loop3A_778 = arith.addi %parallel_loop3A_776, %parallel_loop3A_777 : i32
      %parallel_loop3A_779 = arith.index_cast %parallel_loop3A_778 : i32 to index
      %parallel_loop3A_780 = tpu.vector_load %arg4[%parallel_loop3A_779] {strides = array<i32>} : memref<32768xf32, #tpu.memory_space<vmem>>, vector<16xf32>,
      %parallel_loop3A_781 = arith.constant 24576 : i32
      %parallel_loop3A_782 = arith.addi %parallel_loop3A_781, %parallel_loop3A_16 : i32
      %parallel_loop3A_783 = arith.constant 15 : i32
      %parallel_loop3A_784 = arith.addi %parallel_loop3A_782, %parallel_loop3A_783 : i32
      %parallel_loop3A_785 = vector.broadcast %parallel_loop3A_784 : i32 to vector<16xi32>
      %parallel_loop3A_786 = arith.addi %mul3A_11, %parallel_loop3A_785 : vector<16xi32>
      tpu.vector_store_idx %arg5[%parallel_loop3A_786], %parallel_loop3A_780 : memref<32768xf32, #tpu.memory_space<vmem>>[vector<16xi32>], vector<16xf32>,
      %parallel_loop3A_787 = arith.constant 0 : i32
      %parallel_loop3A_788 = arith.addi %parallel_loop3A_787, %parallel_loop3A_16 : i32
      %parallel_loop3A_789 = arith.index_cast %parallel_loop3A_788 : i32 to index
      %parallel_loop3A_790 = tpu.vector_load %arg5[%parallel_loop3A_789] {strides = array<i32>} : memref<32768xf32, #tpu.memory_space<vmem>>, vector<16xf32>,
      %parallel_loop3A_791 = arith.constant 512 : i32
      %parallel_loop3A_792 = arith.addi %parallel_loop3A_791, %parallel_loop3A_16 : i32
      %parallel_loop3A_793 = arith.index_cast %parallel_loop3A_792 : i32 to index
      %parallel_loop3A_794 = tpu.vector_load %arg5[%parallel_loop3A_793] {strides = array<i32>} : memref<32768xf32, #tpu.memory_space<vmem>>, vector<16xf32>,
      %parallel_loop3A_795 = arith.constant 1024 : i32
      %parallel_loop3A_796 = arith.addi %parallel_loop3A_795, %parallel_loop3A_16 : i32
      %parallel_loop3A_797 = arith.index_cast %parallel_loop3A_796 : i32 to index
      %parallel_loop3A_798 = tpu.vector_load %arg5[%parallel_loop3A_797] {strides = array<i32>} : memref<32768xf32, #tpu.memory_space<vmem>>, vector<16xf32>,
      %parallel_loop3A_799 = arith.constant 1536 : i32
      %parallel_loop3A_800 = arith.addi %parallel_loop3A_799, %parallel_loop3A_16 : i32
      %parallel_loop3A_801 = arith.index_cast %parallel_loop3A_800 : i32 to index
      %parallel_loop3A_802 = tpu.vector_load %arg5[%parallel_loop3A_801] {strides = array<i32>} : memref<32768xf32, #tpu.memory_space<vmem>>, vector<16xf32>,
      %parallel_loop3A_803 = arith.constant 2048 : i32
      %parallel_loop3A_804 = arith.addi %parallel_loop3A_803, %parallel_loop3A_16 : i32
      %parallel_loop3A_805 = arith.index_cast %parallel_loop3A_804 : i32 to index
      %parallel_loop3A_806 = tpu.vector_load %arg5[%parallel_loop3A_805] {strides = array<i32>} : memref<32768xf32, #tpu.memory_space<vmem>>, vector<16xf32>,
      %parallel_loop3A_807 = arith.constant 2560 : i32
      %parallel_loop3A_808 = arith.addi %parallel_loop3A_807, %parallel_loop3A_16 : i32
      %parallel_loop3A_809 = arith.index_cast %parallel_loop3A_808 : i32 to index
      %parallel_loop3A_810 = tpu.vector_load %arg5[%parallel_loop3A_809] {strides = array<i32>} : memref<32768xf32, #tpu.memory_space<vmem>>, vector<16xf32>,
      %parallel_loop3A_811 = arith.constant 3072 : i32
      %parallel_loop3A_812 = arith.addi %parallel_loop3A_811, %parallel_loop3A_16 : i32
      %parallel_loop3A_813 = arith.index_cast %parallel_loop3A_812 : i32 to index
      %parallel_loop3A_814 = tpu.vector_load %arg5[%parallel_loop3A_813] {strides = array<i32>} : memref<32768xf32, #tpu.memory_space<vmem>>, vector<16xf32>,
      %parallel_loop3A_815 = arith.constant 3584 : i32
      %parallel_loop3A_816 = arith.addi %parallel_loop3A_815, %parallel_loop3A_16 : i32
      %parallel_loop3A_817 = arith.index_cast %parallel_loop3A_816 : i32 to index
      %parallel_loop3A_818 = tpu.vector_load %arg5[%parallel_loop3A_817] {strides = array<i32>} : memref<32768xf32, #tpu.memory_space<vmem>>, vector<16xf32>,
      %parallel_loop3A_819 = math.exp %parallel_loop3A_790 : vector<16xf32>
      %parallel_loop3A_820 = arith.constant 0 : i32
      %parallel_loop3A_821 = arith.addi %parallel_loop3A_18, %parallel_loop3A_820 : i32
      %parallel_loop3A_822 = arith.index_cast %parallel_loop3A_821 : i32 to index
      %parallel_loop3A_823 = tpu.vector_load %arg6[%parallel_loop3A_822] {strides = array<i32>} : memref<32768xf32, #tpu.memory_space<vmem>>, vector<16xf32>,
      tpu.vector_store %arg6[%parallel_loop3A_822], %parallel_loop3A_819 {strides = array<i32>} : memref<32768xf32, #tpu.memory_space<vmem>>, vector<16xf32>,
      %parallel_loop3A_824 = math.exp %parallel_loop3A_794 : vector<16xf32>
      %parallel_loop3A_825 = arith.constant 16 : i32
      %parallel_loop3A_826 = arith.addi %parallel_loop3A_18, %parallel_loop3A_825 : i32
      %parallel_loop3A_827 = arith.index_cast %parallel_loop3A_826 : i32 to index
      %parallel_loop3A_828 = tpu.vector_load %arg6[%parallel_loop3A_827] {strides = array<i32>} : memref<32768xf32, #tpu.memory_space<vmem>>, vector<16xf32>,
      tpu.vector_store %arg6[%parallel_loop3A_827], %parallel_loop3A_824 {strides = array<i32>} : memref<32768xf32, #tpu.memory_space<vmem>>, vector<16xf32>,
      %parallel_loop3A_829 = math.exp %parallel_loop3A_798 : vector<16xf32>
      %parallel_loop3A_830 = arith.constant 32 : i32
      %parallel_loop3A_831 = arith.addi %parallel_loop3A_18, %parallel_loop3A_830 : i32
      %parallel_loop3A_832 = arith.index_cast %parallel_loop3A_831 : i32 to index
      %parallel_loop3A_833 = tpu.vector_load %arg6[%parallel_loop3A_832] {strides = array<i32>} : memref<32768xf32, #tpu.memory_space<vmem>>, vector<16xf32>,
      tpu.vector_store %arg6[%parallel_loop3A_832], %parallel_loop3A_829 {strides = array<i32>} : memref<32768xf32, #tpu.memory_space<vmem>>, vector<16xf32>,
      %parallel_loop3A_834 = math.exp %parallel_loop3A_802 : vector<16xf32>
      %parallel_loop3A_835 = arith.constant 48 : i32
      %parallel_loop3A_836 = arith.addi %parallel_loop3A_18, %parallel_loop3A_835 : i32
      %parallel_loop3A_837 = arith.index_cast %parallel_loop3A_836 : i32 to index
      %parallel_loop3A_838 = tpu.vector_load %arg6[%parallel_loop3A_837] {strides = array<i32>} : memref<32768xf32, #tpu.memory_space<vmem>>, vector<16xf32>,
      tpu.vector_store %arg6[%parallel_loop3A_837], %parallel_loop3A_834 {strides = array<i32>} : memref<32768xf32, #tpu.memory_space<vmem>>, vector<16xf32>,
      %parallel_loop3A_839 = math.exp %parallel_loop3A_806 : vector<16xf32>
      %parallel_loop3A_840 = arith.constant 64 : i32
      %parallel_loop3A_841 = arith.addi %parallel_loop3A_18, %parallel_loop3A_840 : i32
      %parallel_loop3A_842 = arith.index_cast %parallel_loop3A_841 : i32 to index
      %parallel_loop3A_843 = tpu.vector_load %arg6[%parallel_loop3A_842] {strides = array<i32>} : memref<32768xf32, #tpu.memory_space<vmem>>, vector<16xf32>,
      tpu.vector_store %arg6[%parallel_loop3A_842], %parallel_loop3A_839 {strides = array<i32>} : memref<32768xf32, #tpu.memory_space<vmem>>, vector<16xf32>,
      %parallel_loop3A_844 = math.exp %parallel_loop3A_810 : vector<16xf32>
      %parallel_loop3A_845 = arith.constant 80 : i32
      %parallel_loop3A_846 = arith.addi %parallel_loop3A_18, %parallel_loop3A_845 : i32
      %parallel_loop3A_847 = arith.index_cast %parallel_loop3A_846 : i32 to index
      %parallel_loop3A_848 = tpu.vector_load %arg6[%parallel_loop3A_847] {strides = array<i32>} : memref<32768xf32, #tpu.memory_space<vmem>>, vector<16xf32>,
      tpu.vector_store %arg6[%parallel_loop3A_847], %parallel_loop3A_844 {strides = array<i32>} : memref<32768xf32, #tpu.memory_space<vmem>>, vector<16xf32>,
      %parallel_loop3A_849 = math.exp %parallel_loop3A_814 : vector<16xf32>
      %parallel_loop3A_850 = arith.constant 96 : i32
      %parallel_loop3A_851 = arith.addi %parallel_loop3A_18, %parallel_loop3A_850 : i32
      %parallel_loop3A_852 = arith.index_cast %parallel_loop3A_851 : i32 to index
      %parallel_loop3A_853 = tpu.vector_load %arg6[%parallel_loop3A_852] {strides = array<i32>} : memref<32768xf32, #tpu.memory_space<vmem>>, vector<16xf32>,
      tpu.vector_store %arg6[%parallel_loop3A_852], %parallel_loop3A_849 {strides = array<i32>} : memref<32768xf32, #tpu.memory_space<vmem>>, vector<16xf32>,
      %parallel_loop3A_854 = math.exp %parallel_loop3A_818 : vector<16xf32>
      %parallel_loop3A_855 = arith.constant 112 : i32
      %parallel_loop3A_856 = arith.addi %parallel_loop3A_18, %parallel_loop3A_855 : i32
      %parallel_loop3A_857 = arith.index_cast %parallel_loop3A_856 : i32 to index
      %parallel_loop3A_858 = tpu.vector_load %arg6[%parallel_loop3A_857] {strides = array<i32>} : memref<32768xf32, #tpu.memory_space<vmem>>, vector<16xf32>,
      tpu.vector_store %arg6[%parallel_loop3A_857], %parallel_loop3A_854 {strides = array<i32>} : memref<32768xf32, #tpu.memory_space<vmem>>, vector<16xf32>,
      %parallel_loop3A_859 = arith.maximumf %parallel_loop3A_790, %parallel_loop3A_794 : vector<16xf32>
      %parallel_loop3A_860 = arith.minimumf %parallel_loop3A_790, %parallel_loop3A_794 : vector<16xf32>
      %parallel_loop3A_861 = arith.maximumf %parallel_loop3A_798, %parallel_loop3A_802 : vector<16xf32>
      %parallel_loop3A_862 = arith.minimumf %parallel_loop3A_798, %parallel_loop3A_802 : vector<16xf32>
      %parallel_loop3A_863 = arith.maximumf %parallel_loop3A_806, %parallel_loop3A_810 : vector<16xf32>
      %parallel_loop3A_864 = arith.minimumf %parallel_loop3A_806, %parallel_loop3A_810 : vector<16xf32>
      %parallel_loop3A_865 = arith.maximumf %parallel_loop3A_814, %parallel_loop3A_818 : vector<16xf32>
      %parallel_loop3A_866 = arith.minimumf %parallel_loop3A_814, %parallel_loop3A_818 : vector<16xf32>
      %parallel_loop3A_867 = arith.maximumf %parallel_loop3A_859, %parallel_loop3A_861 : vector<16xf32>
      %parallel_loop3A_868 = arith.minimumf %parallel_loop3A_859, %parallel_loop3A_861 : vector<16xf32>
      %parallel_loop3A_869 = arith.maximumf %parallel_loop3A_860, %parallel_loop3A_862 : vector<16xf32>
      %parallel_loop3A_870 = arith.minimumf %parallel_loop3A_860, %parallel_loop3A_862 : vector<16xf32>
      %parallel_loop3A_871 = arith.maximumf %parallel_loop3A_863, %parallel_loop3A_865 : vector<16xf32>
      %parallel_loop3A_872 = arith.minimumf %parallel_loop3A_863, %parallel_loop3A_865 : vector<16xf32>
      %parallel_loop3A_873 = arith.maximumf %parallel_loop3A_864, %parallel_loop3A_866 : vector<16xf32>
      %parallel_loop3A_874 = arith.minimumf %parallel_loop3A_864, %parallel_loop3A_866 : vector<16xf32>
      %parallel_loop3A_875 = arith.maximumf %parallel_loop3A_869, %parallel_loop3A_868 : vector<16xf32>
      %parallel_loop3A_876 = arith.minimumf %parallel_loop3A_869, %parallel_loop3A_868 : vector<16xf32>
      %parallel_loop3A_877 = arith.maximumf %parallel_loop3A_873, %parallel_loop3A_872 : vector<16xf32>
      %parallel_loop3A_878 = arith.minimumf %parallel_loop3A_873, %parallel_loop3A_872 : vector<16xf32>
      %parallel_loop3A_879 = arith.maximumf %parallel_loop3A_867, %parallel_loop3A_871 : vector<16xf32>
      %parallel_loop3A_880 = arith.minimumf %parallel_loop3A_867, %parallel_loop3A_871 : vector<16xf32>
      %parallel_loop3A_881 = arith.maximumf %parallel_loop3A_875, %parallel_loop3A_877 : vector<16xf32>
      %parallel_loop3A_882 = arith.minimumf %parallel_loop3A_875, %parallel_loop3A_877 : vector<16xf32>
      %parallel_loop3A_883 = arith.maximumf %parallel_loop3A_876, %parallel_loop3A_878 : vector<16xf32>
      %parallel_loop3A_884 = arith.minimumf %parallel_loop3A_876, %parallel_loop3A_878 : vector<16xf32>
      %parallel_loop3A_885 = arith.maximumf %parallel_loop3A_870, %parallel_loop3A_874 : vector<16xf32>
      %parallel_loop3A_886 = arith.minimumf %parallel_loop3A_870, %parallel_loop3A_874 : vector<16xf32>
      %parallel_loop3A_887 = arith.maximumf %parallel_loop3A_883, %parallel_loop3A_880 : vector<16xf32>
      %parallel_loop3A_888 = arith.minimumf %parallel_loop3A_883, %parallel_loop3A_880 : vector<16xf32>
      %parallel_loop3A_889 = arith.maximumf %parallel_loop3A_885, %parallel_loop3A_882 : vector<16xf32>
      %parallel_loop3A_890 = arith.minimumf %parallel_loop3A_885, %parallel_loop3A_882 : vector<16xf32>
      %parallel_loop3A_891 = arith.maximumf %parallel_loop3A_881, %parallel_loop3A_887 : vector<16xf32>
      %parallel_loop3A_892 = arith.minimumf %parallel_loop3A_881, %parallel_loop3A_887 : vector<16xf32>
      %parallel_loop3A_893 = arith.maximumf %parallel_loop3A_889, %parallel_loop3A_888 : vector<16xf32>
      %parallel_loop3A_894 = arith.minimumf %parallel_loop3A_889, %parallel_loop3A_888 : vector<16xf32>
      %parallel_loop3A_895 = arith.maximumf %parallel_loop3A_890, %parallel_loop3A_884 : vector<16xf32>
      %parallel_loop3A_896 = arith.minimumf %parallel_loop3A_890, %parallel_loop3A_884 : vector<16xf32>
      %parallel_loop3A_897 = arith.constant 4096 : i32
      %parallel_loop3A_898 = arith.addi %parallel_loop3A_897, %parallel_loop3A_16 : i32
      %parallel_loop3A_899 = arith.index_cast %parallel_loop3A_898 : i32 to index
      %parallel_loop3A_900 = tpu.vector_load %arg5[%parallel_loop3A_899] {strides = array<i32>} : memref<32768xf32, #tpu.memory_space<vmem>>, vector<16xf32>,
      %parallel_loop3A_901 = arith.constant 4608 : i32
      %parallel_loop3A_902 = arith.addi %parallel_loop3A_901, %parallel_loop3A_16 : i32
      %parallel_loop3A_903 = arith.index_cast %parallel_loop3A_902 : i32 to index
      %parallel_loop3A_904 = tpu.vector_load %arg5[%parallel_loop3A_903] {strides = array<i32>} : memref<32768xf32, #tpu.memory_space<vmem>>, vector<16xf32>,
      %parallel_loop3A_905 = arith.constant 5120 : i32
      %parallel_loop3A_906 = arith.addi %parallel_loop3A_905, %parallel_loop3A_16 : i32
      %parallel_loop3A_907 = arith.index_cast %parallel_loop3A_906 : i32 to index
      %parallel_loop3A_908 = tpu.vector_load %arg5[%parallel_loop3A_907] {strides = array<i32>} : memref<32768xf32, #tpu.memory_space<vmem>>, vector<16xf32>,
      %parallel_loop3A_909 = arith.constant 5632 : i32
      %parallel_loop3A_910 = arith.addi %parallel_loop3A_909, %parallel_loop3A_16 : i32
      %parallel_loop3A_911 = arith.index_cast %parallel_loop3A_910 : i32 to index
      %parallel_loop3A_912 = tpu.vector_load %arg5[%parallel_loop3A_911] {strides = array<i32>} : memref<32768xf32, #tpu.memory_space<vmem>>, vector<16xf32>,
      %parallel_loop3A_913 = arith.constant 6144 : i32
      %parallel_loop3A_914 = arith.addi %parallel_loop3A_913, %parallel_loop3A_16 : i32
      %parallel_loop3A_915 = arith.index_cast %parallel_loop3A_914 : i32 to index
      %parallel_loop3A_916 = tpu.vector_load %arg5[%parallel_loop3A_915] {strides = array<i32>} : memref<32768xf32, #tpu.memory_space<vmem>>, vector<16xf32>,
      %parallel_loop3A_917 = arith.constant 6656 : i32
      %parallel_loop3A_918 = arith.addi %parallel_loop3A_917, %parallel_loop3A_16 : i32
      %parallel_loop3A_919 = arith.index_cast %parallel_loop3A_918 : i32 to index
      %parallel_loop3A_920 = tpu.vector_load %arg5[%parallel_loop3A_919] {strides = array<i32>} : memref<32768xf32, #tpu.memory_space<vmem>>, vector<16xf32>,
      %parallel_loop3A_921 = arith.constant 7168 : i32
      %parallel_loop3A_922 = arith.addi %parallel_loop3A_921, %parallel_loop3A_16 : i32
      %parallel_loop3A_923 = arith.index_cast %parallel_loop3A_922 : i32 to index
      %parallel_loop3A_924 = tpu.vector_load %arg5[%parallel_loop3A_923] {strides = array<i32>} : memref<32768xf32, #tpu.memory_space<vmem>>, vector<16xf32>,
      %parallel_loop3A_925 = arith.constant 7680 : i32
      %parallel_loop3A_926 = arith.addi %parallel_loop3A_925, %parallel_loop3A_16 : i32
      %parallel_loop3A_927 = arith.index_cast %parallel_loop3A_926 : i32 to index
      %parallel_loop3A_928 = tpu.vector_load %arg5[%parallel_loop3A_927] {strides = array<i32>} : memref<32768xf32, #tpu.memory_space<vmem>>, vector<16xf32>,
      %parallel_loop3A_929 = math.exp %parallel_loop3A_900 : vector<16xf32>
      %parallel_loop3A_930 = arith.constant 128 : i32
      %parallel_loop3A_931 = arith.addi %parallel_loop3A_18, %parallel_loop3A_930 : i32
      %parallel_loop3A_932 = arith.index_cast %parallel_loop3A_931 : i32 to index
      %parallel_loop3A_933 = tpu.vector_load %arg6[%parallel_loop3A_932] {strides = array<i32>} : memref<32768xf32, #tpu.memory_space<vmem>>, vector<16xf32>,
      tpu.vector_store %arg6[%parallel_loop3A_932], %parallel_loop3A_929 {strides = array<i32>} : memref<32768xf32, #tpu.memory_space<vmem>>, vector<16xf32>,
      %parallel_loop3A_934 = math.exp %parallel_loop3A_904 : vector<16xf32>
      %parallel_loop3A_935 = arith.constant 144 : i32
      %parallel_loop3A_936 = arith.addi %parallel_loop3A_18, %parallel_loop3A_935 : i32
      %parallel_loop3A_937 = arith.index_cast %parallel_loop3A_936 : i32 to index
      %parallel_loop3A_938 = tpu.vector_load %arg6[%parallel_loop3A_937] {strides = array<i32>} : memref<32768xf32, #tpu.memory_space<vmem>>, vector<16xf32>,
      tpu.vector_store %arg6[%parallel_loop3A_937], %parallel_loop3A_934 {strides = array<i32>} : memref<32768xf32, #tpu.memory_space<vmem>>, vector<16xf32>,
      %parallel_loop3A_939 = math.exp %parallel_loop3A_908 : vector<16xf32>
      %parallel_loop3A_940 = arith.constant 160 : i32
      %parallel_loop3A_941 = arith.addi %parallel_loop3A_18, %parallel_loop3A_940 : i32
      %parallel_loop3A_942 = arith.index_cast %parallel_loop3A_941 : i32 to index
      %parallel_loop3A_943 = tpu.vector_load %arg6[%parallel_loop3A_942] {strides = array<i32>} : memref<32768xf32, #tpu.memory_space<vmem>>, vector<16xf32>,
      tpu.vector_store %arg6[%parallel_loop3A_942], %parallel_loop3A_939 {strides = array<i32>} : memref<32768xf32, #tpu.memory_space<vmem>>, vector<16xf32>,
      %parallel_loop3A_944 = math.exp %parallel_loop3A_912 : vector<16xf32>
      %parallel_loop3A_945 = arith.constant 176 : i32
      %parallel_loop3A_946 = arith.addi %parallel_loop3A_18, %parallel_loop3A_945 : i32
      %parallel_loop3A_947 = arith.index_cast %parallel_loop3A_946 : i32 to index
      %parallel_loop3A_948 = tpu.vector_load %arg6[%parallel_loop3A_947] {strides = array<i32>} : memref<32768xf32, #tpu.memory_space<vmem>>, vector<16xf32>,
      tpu.vector_store %arg6[%parallel_loop3A_947], %parallel_loop3A_944 {strides = array<i32>} : memref<32768xf32, #tpu.memory_space<vmem>>, vector<16xf32>,
      %parallel_loop3A_949 = math.exp %parallel_loop3A_916 : vector<16xf32>
      %parallel_loop3A_950 = arith.constant 192 : i32
      %parallel_loop3A_951 = arith.addi %parallel_loop3A_18, %parallel_loop3A_950 : i32
      %parallel_loop3A_952 = arith.index_cast %parallel_loop3A_951 : i32 to index
      %parallel_loop3A_953 = tpu.vector_load %arg6[%parallel_loop3A_952] {strides = array<i32>} : memref<32768xf32, #tpu.memory_space<vmem>>, vector<16xf32>,
      tpu.vector_store %arg6[%parallel_loop3A_952], %parallel_loop3A_949 {strides = array<i32>} : memref<32768xf32, #tpu.memory_space<vmem>>, vector<16xf32>,
      %parallel_loop3A_954 = math.exp %parallel_loop3A_920 : vector<16xf32>
      %parallel_loop3A_955 = arith.constant 208 : i32
      %parallel_loop3A_956 = arith.addi %parallel_loop3A_18, %parallel_loop3A_955 : i32
      %parallel_loop3A_957 = arith.index_cast %parallel_loop3A_956 : i32 to index
      %parallel_loop3A_958 = tpu.vector_load %arg6[%parallel_loop3A_957] {strides = array<i32>} : memref<32768xf32, #tpu.memory_space<vmem>>, vector<16xf32>,
      tpu.vector_store %arg6[%parallel_loop3A_957], %parallel_loop3A_954 {strides = array<i32>} : memref<32768xf32, #tpu.memory_space<vmem>>, vector<16xf32>,
      %parallel_loop3A_959 = math.exp %parallel_loop3A_924 : vector<16xf32>
      %parallel_loop3A_960 = arith.constant 224 : i32
      %parallel_loop3A_961 = arith.addi %parallel_loop3A_18, %parallel_loop3A_960 : i32
      %parallel_loop3A_962 = arith.index_cast %parallel_loop3A_961 : i32 to index
      %parallel_loop3A_963 = tpu.vector_load %arg6[%parallel_loop3A_962] {strides = array<i32>} : memref<32768xf32, #tpu.memory_space<vmem>>, vector<16xf32>,
      tpu.vector_store %arg6[%parallel_loop3A_962], %parallel_loop3A_959 {strides = array<i32>} : memref<32768xf32, #tpu.memory_space<vmem>>, vector<16xf32>,
      %parallel_loop3A_964 = math.exp %parallel_loop3A_928 : vector<16xf32>
      %parallel_loop3A_965 = arith.constant 240 : i32
      %parallel_loop3A_966 = arith.addi %parallel_loop3A_18, %parallel_loop3A_965 : i32
      %parallel_loop3A_967 = arith.index_cast %parallel_loop3A_966 : i32 to index
      %parallel_loop3A_968 = tpu.vector_load %arg6[%parallel_loop3A_967] {strides = array<i32>} : memref<32768xf32, #tpu.memory_space<vmem>>, vector<16xf32>,
      tpu.vector_store %arg6[%parallel_loop3A_967], %parallel_loop3A_964 {strides = array<i32>} : memref<32768xf32, #tpu.memory_space<vmem>>, vector<16xf32>,
      %parallel_loop3A_969 = arith.maximumf %parallel_loop3A_900, %parallel_loop3A_904 : vector<16xf32>
      %parallel_loop3A_970 = arith.minimumf %parallel_loop3A_900, %parallel_loop3A_904 : vector<16xf32>
      %parallel_loop3A_971 = arith.maximumf %parallel_loop3A_908, %parallel_loop3A_912 : vector<16xf32>
      %parallel_loop3A_972 = arith.minimumf %parallel_loop3A_908, %parallel_loop3A_912 : vector<16xf32>
      %parallel_loop3A_973 = arith.maximumf %parallel_loop3A_916, %parallel_loop3A_920 : vector<16xf32>
      %parallel_loop3A_974 = arith.minimumf %parallel_loop3A_916, %parallel_loop3A_920 : vector<16xf32>
      %parallel_loop3A_975 = arith.maximumf %parallel_loop3A_924, %parallel_loop3A_928 : vector<16xf32>
      %parallel_loop3A_976 = arith.minimumf %parallel_loop3A_924, %parallel_loop3A_928 : vector<16xf32>
      %parallel_loop3A_977 = arith.maximumf %parallel_loop3A_969, %parallel_loop3A_971 : vector<16xf32>
      %parallel_loop3A_978 = arith.minimumf %parallel_loop3A_969, %parallel_loop3A_971 : vector<16xf32>
      %parallel_loop3A_979 = arith.maximumf %parallel_loop3A_970, %parallel_loop3A_972 : vector<16xf32>
      %parallel_loop3A_980 = arith.minimumf %parallel_loop3A_970, %parallel_loop3A_972 : vector<16xf32>
      %parallel_loop3A_981 = arith.maximumf %parallel_loop3A_973, %parallel_loop3A_975 : vector<16xf32>
      %parallel_loop3A_982 = arith.minimumf %parallel_loop3A_973, %parallel_loop3A_975 : vector<16xf32>
      %parallel_loop3A_983 = arith.maximumf %parallel_loop3A_974, %parallel_loop3A_976 : vector<16xf32>
      %parallel_loop3A_984 = arith.minimumf %parallel_loop3A_974, %parallel_loop3A_976 : vector<16xf32>
      %parallel_loop3A_985 = arith.maximumf %parallel_loop3A_979, %parallel_loop3A_978 : vector<16xf32>
      %parallel_loop3A_986 = arith.minimumf %parallel_loop3A_979, %parallel_loop3A_978 : vector<16xf32>
      %parallel_loop3A_987 = arith.maximumf %parallel_loop3A_983, %parallel_loop3A_982 : vector<16xf32>
      %parallel_loop3A_988 = arith.minimumf %parallel_loop3A_983, %parallel_loop3A_982 : vector<16xf32>
      %parallel_loop3A_989 = arith.maximumf %parallel_loop3A_977, %parallel_loop3A_981 : vector<16xf32>
      %parallel_loop3A_990 = arith.minimumf %parallel_loop3A_977, %parallel_loop3A_981 : vector<16xf32>
      %parallel_loop3A_991 = arith.maximumf %parallel_loop3A_985, %parallel_loop3A_987 : vector<16xf32>
      %parallel_loop3A_992 = arith.minimumf %parallel_loop3A_985, %parallel_loop3A_987 : vector<16xf32>
      %parallel_loop3A_993 = arith.maximumf %parallel_loop3A_986, %parallel_loop3A_988 : vector<16xf32>
      %parallel_loop3A_994 = arith.minimumf %parallel_loop3A_986, %parallel_loop3A_988 : vector<16xf32>
      %parallel_loop3A_995 = arith.maximumf %parallel_loop3A_980, %parallel_loop3A_984 : vector<16xf32>
      %parallel_loop3A_996 = arith.minimumf %parallel_loop3A_980, %parallel_loop3A_984 : vector<16xf32>
      %parallel_loop3A_997 = arith.maximumf %parallel_loop3A_993, %parallel_loop3A_990 : vector<16xf32>
      %parallel_loop3A_998 = arith.minimumf %parallel_loop3A_993, %parallel_loop3A_990 : vector<16xf32>
      %parallel_loop3A_999 = arith.maximumf %parallel_loop3A_995, %parallel_loop3A_992 : vector<16xf32>
      %parallel_loop3A_1000 = arith.minimumf %parallel_loop3A_995, %parallel_loop3A_992 : vector<16xf32>
      %parallel_loop3A_1001 = arith.maximumf %parallel_loop3A_991, %parallel_loop3A_997 : vector<16xf32>
      %parallel_loop3A_1002 = arith.minimumf %parallel_loop3A_991, %parallel_loop3A_997 : vector<16xf32>
      %parallel_loop3A_1003 = arith.maximumf %parallel_loop3A_999, %parallel_loop3A_998 : vector<16xf32>
      %parallel_loop3A_1004 = arith.minimumf %parallel_loop3A_999, %parallel_loop3A_998 : vector<16xf32>
      %parallel_loop3A_1005 = arith.maximumf %parallel_loop3A_1000, %parallel_loop3A_994 : vector<16xf32>
      %parallel_loop3A_1006 = arith.minimumf %parallel_loop3A_1000, %parallel_loop3A_994 : vector<16xf32>
      %parallel_loop3A_1007 = arith.maximumf %parallel_loop3A_879, %parallel_loop3A_996 : vector<16xf32>
      %parallel_loop3A_1008 = arith.maximumf %parallel_loop3A_891, %parallel_loop3A_1006 : vector<16xf32>
      %parallel_loop3A_1009 = arith.maximumf %parallel_loop3A_892, %parallel_loop3A_1005 : vector<16xf32>
      %parallel_loop3A_1010 = arith.maximumf %parallel_loop3A_893, %parallel_loop3A_1004 : vector<16xf32>
      %parallel_loop3A_1011 = arith.maximumf %parallel_loop3A_894, %parallel_loop3A_1003 : vector<16xf32>
      %parallel_loop3A_1012 = arith.maximumf %parallel_loop3A_895, %parallel_loop3A_1002 : vector<16xf32>
      %parallel_loop3A_1013 = arith.maximumf %parallel_loop3A_896, %parallel_loop3A_1001 : vector<16xf32>
      %parallel_loop3A_1014 = arith.maximumf %parallel_loop3A_886, %parallel_loop3A_989 : vector<16xf32>
      %parallel_loop3A_1015 = arith.maximumf %parallel_loop3A_1007, %parallel_loop3A_1011 : vector<16xf32>
      %parallel_loop3A_1016 = arith.minimumf %parallel_loop3A_1007, %parallel_loop3A_1011 : vector<16xf32>
      %parallel_loop3A_1017 = arith.maximumf %parallel_loop3A_1008, %parallel_loop3A_1012 : vector<16xf32>
      %parallel_loop3A_1018 = arith.minimumf %parallel_loop3A_1008, %parallel_loop3A_1012 : vector<16xf32>
      %parallel_loop3A_1019 = arith.maximumf %parallel_loop3A_1009, %parallel_loop3A_1013 : vector<16xf32>
      %parallel_loop3A_1020 = arith.minimumf %parallel_loop3A_1009, %parallel_loop3A_1013 : vector<16xf32>
      %parallel_loop3A_1021 = arith.maximumf %parallel_loop3A_1010, %parallel_loop3A_1014 : vector<16xf32>
      %parallel_loop3A_1022 = arith.minimumf %parallel_loop3A_1010, %parallel_loop3A_1014 : vector<16xf32>
      %parallel_loop3A_1023 = arith.maximumf %parallel_loop3A_1015, %parallel_loop3A_1019 : vector<16xf32>
      %parallel_loop3A_1024 = arith.minimumf %parallel_loop3A_1015, %parallel_loop3A_1019 : vector<16xf32>
      %parallel_loop3A_1025 = arith.maximumf %parallel_loop3A_1017, %parallel_loop3A_1021 : vector<16xf32>
      %parallel_loop3A_1026 = arith.minimumf %parallel_loop3A_1017, %parallel_loop3A_1021 : vector<16xf32>
      %parallel_loop3A_1027 = arith.maximumf %parallel_loop3A_1016, %parallel_loop3A_1020 : vector<16xf32>
      %parallel_loop3A_1028 = arith.minimumf %parallel_loop3A_1016, %parallel_loop3A_1020 : vector<16xf32>
      %parallel_loop3A_1029 = arith.maximumf %parallel_loop3A_1018, %parallel_loop3A_1022 : vector<16xf32>
      %parallel_loop3A_1030 = arith.minimumf %parallel_loop3A_1018, %parallel_loop3A_1022 : vector<16xf32>
      %parallel_loop3A_1031 = arith.maximumf %parallel_loop3A_1023, %parallel_loop3A_1025 : vector<16xf32>
      %parallel_loop3A_1032 = arith.minimumf %parallel_loop3A_1023, %parallel_loop3A_1025 : vector<16xf32>
      %parallel_loop3A_1033 = arith.maximumf %parallel_loop3A_1024, %parallel_loop3A_1026 : vector<16xf32>
      %parallel_loop3A_1034 = arith.minimumf %parallel_loop3A_1024, %parallel_loop3A_1026 : vector<16xf32>
      %parallel_loop3A_1035 = arith.maximumf %parallel_loop3A_1027, %parallel_loop3A_1029 : vector<16xf32>
      %parallel_loop3A_1036 = arith.minimumf %parallel_loop3A_1027, %parallel_loop3A_1029 : vector<16xf32>
      %parallel_loop3A_1037 = arith.maximumf %parallel_loop3A_1028, %parallel_loop3A_1030 : vector<16xf32>
      %parallel_loop3A_1038 = arith.minimumf %parallel_loop3A_1028, %parallel_loop3A_1030 : vector<16xf32>
      %parallel_loop3A_1039 = arith.constant 8192 : i32
      %parallel_loop3A_1040 = arith.addi %parallel_loop3A_1039, %parallel_loop3A_16 : i32
      %parallel_loop3A_1041 = arith.index_cast %parallel_loop3A_1040 : i32 to index
      %parallel_loop3A_1042 = tpu.vector_load %arg5[%parallel_loop3A_1041] {strides = array<i32>} : memref<32768xf32, #tpu.memory_space<vmem>>, vector<16xf32>,
      %parallel_loop3A_1043 = arith.constant 8704 : i32
      %parallel_loop3A_1044 = arith.addi %parallel_loop3A_1043, %parallel_loop3A_16 : i32
      %parallel_loop3A_1045 = arith.index_cast %parallel_loop3A_1044 : i32 to index
      %parallel_loop3A_1046 = tpu.vector_load %arg5[%parallel_loop3A_1045] {strides = array<i32>} : memref<32768xf32, #tpu.memory_space<vmem>>, vector<16xf32>,
      %parallel_loop3A_1047 = arith.constant 9216 : i32
      %parallel_loop3A_1048 = arith.addi %parallel_loop3A_1047, %parallel_loop3A_16 : i32
      %parallel_loop3A_1049 = arith.index_cast %parallel_loop3A_1048 : i32 to index
      %parallel_loop3A_1050 = tpu.vector_load %arg5[%parallel_loop3A_1049] {strides = array<i32>} : memref<32768xf32, #tpu.memory_space<vmem>>, vector<16xf32>,
      %parallel_loop3A_1051 = arith.constant 9728 : i32
      %parallel_loop3A_1052 = arith.addi %parallel_loop3A_1051, %parallel_loop3A_16 : i32
      %parallel_loop3A_1053 = arith.index_cast %parallel_loop3A_1052 : i32 to index
      %parallel_loop3A_1054 = tpu.vector_load %arg5[%parallel_loop3A_1053] {strides = array<i32>} : memref<32768xf32, #tpu.memory_space<vmem>>, vector<16xf32>,
      %parallel_loop3A_1055 = arith.constant 10240 : i32
      %parallel_loop3A_1056 = arith.addi %parallel_loop3A_1055, %parallel_loop3A_16 : i32
      %parallel_loop3A_1057 = arith.index_cast %parallel_loop3A_1056 : i32 to index
      %parallel_loop3A_1058 = tpu.vector_load %arg5[%parallel_loop3A_1057] {strides = array<i32>} : memref<32768xf32, #tpu.memory_space<vmem>>, vector<16xf32>,
      %parallel_loop3A_1059 = arith.constant 10752 : i32
      %parallel_loop3A_1060 = arith.addi %parallel_loop3A_1059, %parallel_loop3A_16 : i32
      %parallel_loop3A_1061 = arith.index_cast %parallel_loop3A_1060 : i32 to index
      %parallel_loop3A_1062 = tpu.vector_load %arg5[%parallel_loop3A_1061] {strides = array<i32>} : memref<32768xf32, #tpu.memory_space<vmem>>, vector<16xf32>,
      %parallel_loop3A_1063 = arith.constant 11264 : i32
      %parallel_loop3A_1064 = arith.addi %parallel_loop3A_1063, %parallel_loop3A_16 : i32
      %parallel_loop3A_1065 = arith.index_cast %parallel_loop3A_1064 : i32 to index
      %parallel_loop3A_1066 = tpu.vector_load %arg5[%parallel_loop3A_1065] {strides = array<i32>} : memref<32768xf32, #tpu.memory_space<vmem>>, vector<16xf32>,
      %parallel_loop3A_1067 = arith.constant 11776 : i32
      %parallel_loop3A_1068 = arith.addi %parallel_loop3A_1067, %parallel_loop3A_16 : i32
      %parallel_loop3A_1069 = arith.index_cast %parallel_loop3A_1068 : i32 to index
      %parallel_loop3A_1070 = tpu.vector_load %arg5[%parallel_loop3A_1069] {strides = array<i32>} : memref<32768xf32, #tpu.memory_space<vmem>>, vector<16xf32>,
      %parallel_loop3A_1071 = math.exp %parallel_loop3A_1042 : vector<16xf32>
      %parallel_loop3A_1072 = arith.constant 256 : i32
      %parallel_loop3A_1073 = arith.addi %parallel_loop3A_18, %parallel_loop3A_1072 : i32
      %parallel_loop3A_1074 = arith.index_cast %parallel_loop3A_1073 : i32 to index
      %parallel_loop3A_1075 = tpu.vector_load %arg6[%parallel_loop3A_1074] {strides = array<i32>} : memref<32768xf32, #tpu.memory_space<vmem>>, vector<16xf32>,
      tpu.vector_store %arg6[%parallel_loop3A_1074], %parallel_loop3A_1071 {strides = array<i32>} : memref<32768xf32, #tpu.memory_space<vmem>>, vector<16xf32>,
      %parallel_loop3A_1076 = math.exp %parallel_loop3A_1046 : vector<16xf32>
      %parallel_loop3A_1077 = arith.constant 272 : i32
      %parallel_loop3A_1078 = arith.addi %parallel_loop3A_18, %parallel_loop3A_1077 : i32
      %parallel_loop3A_1079 = arith.index_cast %parallel_loop3A_1078 : i32 to index
      %parallel_loop3A_1080 = tpu.vector_load %arg6[%parallel_loop3A_1079] {strides = array<i32>} : memref<32768xf32, #tpu.memory_space<vmem>>, vector<16xf32>,
      tpu.vector_store %arg6[%parallel_loop3A_1079], %parallel_loop3A_1076 {strides = array<i32>} : memref<32768xf32, #tpu.memory_space<vmem>>, vector<16xf32>,
      %parallel_loop3A_1081 = math.exp %parallel_loop3A_1050 : vector<16xf32>
      %parallel_loop3A_1082 = arith.constant 288 : i32
      %parallel_loop3A_1083 = arith.addi %parallel_loop3A_18, %parallel_loop3A_1082 : i32
      %parallel_loop3A_1084 = arith.index_cast %parallel_loop3A_1083 : i32 to index
      %parallel_loop3A_1085 = tpu.vector_load %arg6[%parallel_loop3A_1084] {strides = array<i32>} : memref<32768xf32, #tpu.memory_space<vmem>>, vector<16xf32>,
      tpu.vector_store %arg6[%parallel_loop3A_1084], %parallel_loop3A_1081 {strides = array<i32>} : memref<32768xf32, #tpu.memory_space<vmem>>, vector<16xf32>,
      %parallel_loop3A_1086 = math.exp %parallel_loop3A_1054 : vector<16xf32>
      %parallel_loop3A_1087 = arith.constant 304 : i32
      %parallel_loop3A_1088 = arith.addi %parallel_loop3A_18, %parallel_loop3A_1087 : i32
      %parallel_loop3A_1089 = arith.index_cast %parallel_loop3A_1088 : i32 to index
      %parallel_loop3A_1090 = tpu.vector_load %arg6[%parallel_loop3A_1089] {strides = array<i32>} : memref<32768xf32, #tpu.memory_space<vmem>>, vector<16xf32>,
      tpu.vector_store %arg6[%parallel_loop3A_1089], %parallel_loop3A_1086 {strides = array<i32>} : memref<32768xf32, #tpu.memory_space<vmem>>, vector<16xf32>,
      %parallel_loop3A_1091 = math.exp %parallel_loop3A_1058 : vector<16xf32>
      %parallel_loop3A_1092 = arith.constant 320 : i32
      %parallel_loop3A_1093 = arith.addi %parallel_loop3A_18, %parallel_loop3A_1092 : i32
      %parallel_loop3A_1094 = arith.index_cast %parallel_loop3A_1093 : i32 to index
      %parallel_loop3A_1095 = tpu.vector_load %arg6[%parallel_loop3A_1094] {strides = array<i32>} : memref<32768xf32, #tpu.memory_space<vmem>>, vector<16xf32>,
      tpu.vector_store %arg6[%parallel_loop3A_1094], %parallel_loop3A_1091 {strides = array<i32>} : memref<32768xf32, #tpu.memory_space<vmem>>, vector<16xf32>,
      %parallel_loop3A_1096 = math.exp %parallel_loop3A_1062 : vector<16xf32>
      %parallel_loop3A_1097 = arith.constant 336 : i32
      %parallel_loop3A_1098 = arith.addi %parallel_loop3A_18, %parallel_loop3A_1097 : i32
      %parallel_loop3A_1099 = arith.index_cast %parallel_loop3A_1098 : i32 to index
      %parallel_loop3A_1100 = tpu.vector_load %arg6[%parallel_loop3A_1099] {strides = array<i32>} : memref<32768xf32, #tpu.memory_space<vmem>>, vector<16xf32>,
      tpu.vector_store %arg6[%parallel_loop3A_1099], %parallel_loop3A_1096 {strides = array<i32>} : memref<32768xf32, #tpu.memory_space<vmem>>, vector<16xf32>,
      %parallel_loop3A_1101 = math.exp %parallel_loop3A_1066 : vector<16xf32>
      %parallel_loop3A_1102 = arith.constant 352 : i32
      %parallel_loop3A_1103 = arith.addi %parallel_loop3A_18, %parallel_loop3A_1102 : i32
      %parallel_loop3A_1104 = arith.index_cast %parallel_loop3A_1103 : i32 to index
      %parallel_loop3A_1105 = tpu.vector_load %arg6[%parallel_loop3A_1104] {strides = array<i32>} : memref<32768xf32, #tpu.memory_space<vmem>>, vector<16xf32>,
      tpu.vector_store %arg6[%parallel_loop3A_1104], %parallel_loop3A_1101 {strides = array<i32>} : memref<32768xf32, #tpu.memory_space<vmem>>, vector<16xf32>,
      %parallel_loop3A_1106 = math.exp %parallel_loop3A_1070 : vector<16xf32>
      %parallel_loop3A_1107 = arith.constant 368 : i32
      %parallel_loop3A_1108 = arith.addi %parallel_loop3A_18, %parallel_loop3A_1107 : i32
      %parallel_loop3A_1109 = arith.index_cast %parallel_loop3A_1108 : i32 to index
      %parallel_loop3A_1110 = tpu.vector_load %arg6[%parallel_loop3A_1109] {strides = array<i32>} : memref<32768xf32, #tpu.memory_space<vmem>>, vector<16xf32>,
      tpu.vector_store %arg6[%parallel_loop3A_1109], %parallel_loop3A_1106 {strides = array<i32>} : memref<32768xf32, #tpu.memory_space<vmem>>, vector<16xf32>,
      %parallel_loop3A_1111 = arith.maximumf %parallel_loop3A_1042, %parallel_loop3A_1046 : vector<16xf32>
      %parallel_loop3A_1112 = arith.minimumf %parallel_loop3A_1042, %parallel_loop3A_1046 : vector<16xf32>
      %parallel_loop3A_1113 = arith.maximumf %parallel_loop3A_1050, %parallel_loop3A_1054 : vector<16xf32>
      %parallel_loop3A_1114 = arith.minimumf %parallel_loop3A_1050, %parallel_loop3A_1054 : vector<16xf32>
      %parallel_loop3A_1115 = arith.maximumf %parallel_loop3A_1058, %parallel_loop3A_1062 : vector<16xf32>
      %parallel_loop3A_1116 = arith.minimumf %parallel_loop3A_1058, %parallel_loop3A_1062 : vector<16xf32>
      %parallel_loop3A_1117 = arith.maximumf %parallel_loop3A_1066, %parallel_loop3A_1070 : vector<16xf32>
      %parallel_loop3A_1118 = arith.minimumf %parallel_loop3A_1066, %parallel_loop3A_1070 : vector<16xf32>
      %parallel_loop3A_1119 = arith.maximumf %parallel_loop3A_1111, %parallel_loop3A_1113 : vector<16xf32>
      %parallel_loop3A_1120 = arith.minimumf %parallel_loop3A_1111, %parallel_loop3A_1113 : vector<16xf32>
      %parallel_loop3A_1121 = arith.maximumf %parallel_loop3A_1112, %parallel_loop3A_1114 : vector<16xf32>
      %parallel_loop3A_1122 = arith.minimumf %parallel_loop3A_1112, %parallel_loop3A_1114 : vector<16xf32>
      %parallel_loop3A_1123 = arith.maximumf %parallel_loop3A_1115, %parallel_loop3A_1117 : vector<16xf32>
      %parallel_loop3A_1124 = arith.minimumf %parallel_loop3A_1115, %parallel_loop3A_1117 : vector<16xf32>
      %parallel_loop3A_1125 = arith.maximumf %parallel_loop3A_1116, %parallel_loop3A_1118 : vector<16xf32>
      %parallel_loop3A_1126 = arith.minimumf %parallel_loop3A_1116, %parallel_loop3A_1118 : vector<16xf32>
      %parallel_loop3A_1127 = arith.maximumf %parallel_loop3A_1121, %parallel_loop3A_1120 : vector<16xf32>
      %parallel_loop3A_1128 = arith.minimumf %parallel_loop3A_1121, %parallel_loop3A_1120 : vector<16xf32>
      %parallel_loop3A_1129 = arith.maximumf %parallel_loop3A_1125, %parallel_loop3A_1124 : vector<16xf32>
      %parallel_loop3A_1130 = arith.minimumf %parallel_loop3A_1125, %parallel_loop3A_1124 : vector<16xf32>
      %parallel_loop3A_1131 = arith.maximumf %parallel_loop3A_1119, %parallel_loop3A_1123 : vector<16xf32>
      %parallel_loop3A_1132 = arith.minimumf %parallel_loop3A_1119, %parallel_loop3A_1123 : vector<16xf32>
      %parallel_loop3A_1133 = arith.maximumf %parallel_loop3A_1127, %parallel_loop3A_1129 : vector<16xf32>
      %parallel_loop3A_1134 = arith.minimumf %parallel_loop3A_1127, %parallel_loop3A_1129 : vector<16xf32>
      %parallel_loop3A_1135 = arith.maximumf %parallel_loop3A_1128, %parallel_loop3A_1130 : vector<16xf32>
      %parallel_loop3A_1136 = arith.minimumf %parallel_loop3A_1128, %parallel_loop3A_1130 : vector<16xf32>
      %parallel_loop3A_1137 = arith.maximumf %parallel_loop3A_1122, %parallel_loop3A_1126 : vector<16xf32>
      %parallel_loop3A_1138 = arith.minimumf %parallel_loop3A_1122, %parallel_loop3A_1126 : vector<16xf32>
      %parallel_loop3A_1139 = arith.maximumf %parallel_loop3A_1135, %parallel_loop3A_1132 : vector<16xf32>
      %parallel_loop3A_1140 = arith.minimumf %parallel_loop3A_1135, %parallel_loop3A_1132 : vector<16xf32>
      %parallel_loop3A_1141 = arith.maximumf %parallel_loop3A_1137, %parallel_loop3A_1134 : vector<16xf32>
      %parallel_loop3A_1142 = arith.minimumf %parallel_loop3A_1137, %parallel_loop3A_1134 : vector<16xf32>
      %parallel_loop3A_1143 = arith.maximumf %parallel_loop3A_1133, %parallel_loop3A_1139 : vector<16xf32>
      %parallel_loop3A_1144 = arith.minimumf %parallel_loop3A_1133, %parallel_loop3A_1139 : vector<16xf32>
      %parallel_loop3A_1145 = arith.maximumf %parallel_loop3A_1141, %parallel_loop3A_1140 : vector<16xf32>
      %parallel_loop3A_1146 = arith.minimumf %parallel_loop3A_1141, %parallel_loop3A_1140 : vector<16xf32>
      %parallel_loop3A_1147 = arith.maximumf %parallel_loop3A_1142, %parallel_loop3A_1136 : vector<16xf32>
      %parallel_loop3A_1148 = arith.minimumf %parallel_loop3A_1142, %parallel_loop3A_1136 : vector<16xf32>
      %parallel_loop3A_1149 = arith.maximumf %parallel_loop3A_1031, %parallel_loop3A_1138 : vector<16xf32>
      %parallel_loop3A_1150 = arith.maximumf %parallel_loop3A_1032, %parallel_loop3A_1148 : vector<16xf32>
      %parallel_loop3A_1151 = arith.maximumf %parallel_loop3A_1033, %parallel_loop3A_1147 : vector<16xf32>
      %parallel_loop3A_1152 = arith.maximumf %parallel_loop3A_1034, %parallel_loop3A_1146 : vector<16xf32>
      %parallel_loop3A_1153 = arith.maximumf %parallel_loop3A_1035, %parallel_loop3A_1145 : vector<16xf32>
      %parallel_loop3A_1154 = arith.maximumf %parallel_loop3A_1036, %parallel_loop3A_1144 : vector<16xf32>
      %parallel_loop3A_1155 = arith.maximumf %parallel_loop3A_1037, %parallel_loop3A_1143 : vector<16xf32>
      %parallel_loop3A_1156 = arith.maximumf %parallel_loop3A_1038, %parallel_loop3A_1131 : vector<16xf32>
      %parallel_loop3A_1157 = arith.maximumf %parallel_loop3A_1149, %parallel_loop3A_1153 : vector<16xf32>
      %parallel_loop3A_1158 = arith.minimumf %parallel_loop3A_1149, %parallel_loop3A_1153 : vector<16xf32>
      %parallel_loop3A_1159 = arith.maximumf %parallel_loop3A_1150, %parallel_loop3A_1154 : vector<16xf32>
      %parallel_loop3A_1160 = arith.minimumf %parallel_loop3A_1150, %parallel_loop3A_1154 : vector<16xf32>
      %parallel_loop3A_1161 = arith.maximumf %parallel_loop3A_1151, %parallel_loop3A_1155 : vector<16xf32>
      %parallel_loop3A_1162 = arith.minimumf %parallel_loop3A_1151, %parallel_loop3A_1155 : vector<16xf32>
      %parallel_loop3A_1163 = arith.maximumf %parallel_loop3A_1152, %parallel_loop3A_1156 : vector<16xf32>
      %parallel_loop3A_1164 = arith.minimumf %parallel_loop3A_1152, %parallel_loop3A_1156 : vector<16xf32>
      %parallel_loop3A_1165 = arith.maximumf %parallel_loop3A_1157, %parallel_loop3A_1161 : vector<16xf32>
      %parallel_loop3A_1166 = arith.minimumf %parallel_loop3A_1157, %parallel_loop3A_1161 : vector<16xf32>
      %parallel_loop3A_1167 = arith.maximumf %parallel_loop3A_1159, %parallel_loop3A_1163 : vector<16xf32>
      %parallel_loop3A_1168 = arith.minimumf %parallel_loop3A_1159, %parallel_loop3A_1163 : vector<16xf32>
      %parallel_loop3A_1169 = arith.maximumf %parallel_loop3A_1158, %parallel_loop3A_1162 : vector<16xf32>
      %parallel_loop3A_1170 = arith.minimumf %parallel_loop3A_1158, %parallel_loop3A_1162 : vector<16xf32>
      %parallel_loop3A_1171 = arith.maximumf %parallel_loop3A_1160, %parallel_loop3A_1164 : vector<16xf32>
      %parallel_loop3A_1172 = arith.minimumf %parallel_loop3A_1160, %parallel_loop3A_1164 : vector<16xf32>
      %parallel_loop3A_1173 = arith.maximumf %parallel_loop3A_1165, %parallel_loop3A_1167 : vector<16xf32>
      %parallel_loop3A_1174 = arith.minimumf %parallel_loop3A_1165, %parallel_loop3A_1167 : vector<16xf32>
      %parallel_loop3A_1175 = arith.maximumf %parallel_loop3A_1166, %parallel_loop3A_1168 : vector<16xf32>
      %parallel_loop3A_1176 = arith.minimumf %parallel_loop3A_1166, %parallel_loop3A_1168 : vector<16xf32>
      %parallel_loop3A_1177 = arith.maximumf %parallel_loop3A_1169, %parallel_loop3A_1171 : vector<16xf32>
      %parallel_loop3A_1178 = arith.minimumf %parallel_loop3A_1169, %parallel_loop3A_1171 : vector<16xf32>
      %parallel_loop3A_1179 = arith.maximumf %parallel_loop3A_1170, %parallel_loop3A_1172 : vector<16xf32>
      %parallel_loop3A_1180 = arith.minimumf %parallel_loop3A_1170, %parallel_loop3A_1172 : vector<16xf32>
      %parallel_loop3A_1181 = arith.constant 12288 : i32
      %parallel_loop3A_1182 = arith.addi %parallel_loop3A_1181, %parallel_loop3A_16 : i32
      %parallel_loop3A_1183 = arith.index_cast %parallel_loop3A_1182 : i32 to index
      %parallel_loop3A_1184 = tpu.vector_load %arg5[%parallel_loop3A_1183] {strides = array<i32>} : memref<32768xf32, #tpu.memory_space<vmem>>, vector<16xf32>,
      %parallel_loop3A_1185 = arith.constant 12800 : i32
      %parallel_loop3A_1186 = arith.addi %parallel_loop3A_1185, %parallel_loop3A_16 : i32
      %parallel_loop3A_1187 = arith.index_cast %parallel_loop3A_1186 : i32 to index
      %parallel_loop3A_1188 = tpu.vector_load %arg5[%parallel_loop3A_1187] {strides = array<i32>} : memref<32768xf32, #tpu.memory_space<vmem>>, vector<16xf32>,
      %parallel_loop3A_1189 = arith.constant 13312 : i32
      %parallel_loop3A_1190 = arith.addi %parallel_loop3A_1189, %parallel_loop3A_16 : i32
      %parallel_loop3A_1191 = arith.index_cast %parallel_loop3A_1190 : i32 to index
      %parallel_loop3A_1192 = tpu.vector_load %arg5[%parallel_loop3A_1191] {strides = array<i32>} : memref<32768xf32, #tpu.memory_space<vmem>>, vector<16xf32>,
      %parallel_loop3A_1193 = arith.constant 13824 : i32
      %parallel_loop3A_1194 = arith.addi %parallel_loop3A_1193, %parallel_loop3A_16 : i32
      %parallel_loop3A_1195 = arith.index_cast %parallel_loop3A_1194 : i32 to index
      %parallel_loop3A_1196 = tpu.vector_load %arg5[%parallel_loop3A_1195] {strides = array<i32>} : memref<32768xf32, #tpu.memory_space<vmem>>, vector<16xf32>,
      %parallel_loop3A_1197 = arith.constant 14336 : i32
      %parallel_loop3A_1198 = arith.addi %parallel_loop3A_1197, %parallel_loop3A_16 : i32
      %parallel_loop3A_1199 = arith.index_cast %parallel_loop3A_1198 : i32 to index
      %parallel_loop3A_1200 = tpu.vector_load %arg5[%parallel_loop3A_1199] {strides = array<i32>} : memref<32768xf32, #tpu.memory_space<vmem>>, vector<16xf32>,
      %parallel_loop3A_1201 = arith.constant 14848 : i32
      %parallel_loop3A_1202 = arith.addi %parallel_loop3A_1201, %parallel_loop3A_16 : i32
      %parallel_loop3A_1203 = arith.index_cast %parallel_loop3A_1202 : i32 to index
      %parallel_loop3A_1204 = tpu.vector_load %arg5[%parallel_loop3A_1203] {strides = array<i32>} : memref<32768xf32, #tpu.memory_space<vmem>>, vector<16xf32>,
      %parallel_loop3A_1205 = arith.constant 15360 : i32
      %parallel_loop3A_1206 = arith.addi %parallel_loop3A_1205, %parallel_loop3A_16 : i32
      %parallel_loop3A_1207 = arith.index_cast %parallel_loop3A_1206 : i32 to index
      %parallel_loop3A_1208 = tpu.vector_load %arg5[%parallel_loop3A_1207] {strides = array<i32>} : memref<32768xf32, #tpu.memory_space<vmem>>, vector<16xf32>,
      %parallel_loop3A_1209 = arith.constant 15872 : i32
      %parallel_loop3A_1210 = arith.addi %parallel_loop3A_1209, %parallel_loop3A_16 : i32
      %parallel_loop3A_1211 = arith.index_cast %parallel_loop3A_1210 : i32 to index
      %parallel_loop3A_1212 = tpu.vector_load %arg5[%parallel_loop3A_1211] {strides = array<i32>} : memref<32768xf32, #tpu.memory_space<vmem>>, vector<16xf32>,
      %parallel_loop3A_1213 = math.exp %parallel_loop3A_1184 : vector<16xf32>
      %parallel_loop3A_1214 = arith.constant 384 : i32
      %parallel_loop3A_1215 = arith.addi %parallel_loop3A_18, %parallel_loop3A_1214 : i32
      %parallel_loop3A_1216 = arith.index_cast %parallel_loop3A_1215 : i32 to index
      %parallel_loop3A_1217 = tpu.vector_load %arg6[%parallel_loop3A_1216] {strides = array<i32>} : memref<32768xf32, #tpu.memory_space<vmem>>, vector<16xf32>,
      tpu.vector_store %arg6[%parallel_loop3A_1216], %parallel_loop3A_1213 {strides = array<i32>} : memref<32768xf32, #tpu.memory_space<vmem>>, vector<16xf32>,
      %parallel_loop3A_1218 = math.exp %parallel_loop3A_1188 : vector<16xf32>
      %parallel_loop3A_1219 = arith.constant 400 : i32
      %parallel_loop3A_1220 = arith.addi %parallel_loop3A_18, %parallel_loop3A_1219 : i32
      %parallel_loop3A_1221 = arith.index_cast %parallel_loop3A_1220 : i32 to index
      %parallel_loop3A_1222 = tpu.vector_load %arg6[%parallel_loop3A_1221] {strides = array<i32>} : memref<32768xf32, #tpu.memory_space<vmem>>, vector<16xf32>,
      tpu.vector_store %arg6[%parallel_loop3A_1221], %parallel_loop3A_1218 {strides = array<i32>} : memref<32768xf32, #tpu.memory_space<vmem>>, vector<16xf32>,
      %parallel_loop3A_1223 = math.exp %parallel_loop3A_1192 : vector<16xf32>
      %parallel_loop3A_1224 = arith.constant 416 : i32
      %parallel_loop3A_1225 = arith.addi %parallel_loop3A_18, %parallel_loop3A_1224 : i32
      %parallel_loop3A_1226 = arith.index_cast %parallel_loop3A_1225 : i32 to index
      %parallel_loop3A_1227 = tpu.vector_load %arg6[%parallel_loop3A_1226] {strides = array<i32>} : memref<32768xf32, #tpu.memory_space<vmem>>, vector<16xf32>,
      tpu.vector_store %arg6[%parallel_loop3A_1226], %parallel_loop3A_1223 {strides = array<i32>} : memref<32768xf32, #tpu.memory_space<vmem>>, vector<16xf32>,
      %parallel_loop3A_1228 = math.exp %parallel_loop3A_1196 : vector<16xf32>
      %parallel_loop3A_1229 = arith.constant 432 : i32
      %parallel_loop3A_1230 = arith.addi %parallel_loop3A_18, %parallel_loop3A_1229 : i32
      %parallel_loop3A_1231 = arith.index_cast %parallel_loop3A_1230 : i32 to index
      %parallel_loop3A_1232 = tpu.vector_load %arg6[%parallel_loop3A_1231] {strides = array<i32>} : memref<32768xf32, #tpu.memory_space<vmem>>, vector<16xf32>,
      tpu.vector_store %arg6[%parallel_loop3A_1231], %parallel_loop3A_1228 {strides = array<i32>} : memref<32768xf32, #tpu.memory_space<vmem>>, vector<16xf32>,
      %parallel_loop3A_1233 = math.exp %parallel_loop3A_1200 : vector<16xf32>
      %parallel_loop3A_1234 = arith.constant 448 : i32
      %parallel_loop3A_1235 = arith.addi %parallel_loop3A_18, %parallel_loop3A_1234 : i32
      %parallel_loop3A_1236 = arith.index_cast %parallel_loop3A_1235 : i32 to index
      %parallel_loop3A_1237 = tpu.vector_load %arg6[%parallel_loop3A_1236] {strides = array<i32>} : memref<32768xf32, #tpu.memory_space<vmem>>, vector<16xf32>,
      tpu.vector_store %arg6[%parallel_loop3A_1236], %parallel_loop3A_1233 {strides = array<i32>} : memref<32768xf32, #tpu.memory_space<vmem>>, vector<16xf32>,
      %parallel_loop3A_1238 = math.exp %parallel_loop3A_1204 : vector<16xf32>
      %parallel_loop3A_1239 = arith.constant 464 : i32
      %parallel_loop3A_1240 = arith.addi %parallel_loop3A_18, %parallel_loop3A_1239 : i32
      %parallel_loop3A_1241 = arith.index_cast %parallel_loop3A_1240 : i32 to index
      %parallel_loop3A_1242 = tpu.vector_load %arg6[%parallel_loop3A_1241] {strides = array<i32>} : memref<32768xf32, #tpu.memory_space<vmem>>, vector<16xf32>,
      tpu.vector_store %arg6[%parallel_loop3A_1241], %parallel_loop3A_1238 {strides = array<i32>} : memref<32768xf32, #tpu.memory_space<vmem>>, vector<16xf32>,
      %parallel_loop3A_1243 = math.exp %parallel_loop3A_1208 : vector<16xf32>
      %parallel_loop3A_1244 = arith.constant 480 : i32
      %parallel_loop3A_1245 = arith.addi %parallel_loop3A_18, %parallel_loop3A_1244 : i32
      %parallel_loop3A_1246 = arith.index_cast %parallel_loop3A_1245 : i32 to index
      %parallel_loop3A_1247 = tpu.vector_load %arg6[%parallel_loop3A_1246] {strides = array<i32>} : memref<32768xf32, #tpu.memory_space<vmem>>, vector<16xf32>,
      tpu.vector_store %arg6[%parallel_loop3A_1246], %parallel_loop3A_1243 {strides = array<i32>} : memref<32768xf32, #tpu.memory_space<vmem>>, vector<16xf32>,
      %parallel_loop3A_1248 = math.exp %parallel_loop3A_1212 : vector<16xf32>
      %parallel_loop3A_1249 = arith.constant 496 : i32
      %parallel_loop3A_1250 = arith.addi %parallel_loop3A_18, %parallel_loop3A_1249 : i32
      %parallel_loop3A_1251 = arith.index_cast %parallel_loop3A_1250 : i32 to index
      %parallel_loop3A_1252 = tpu.vector_load %arg6[%parallel_loop3A_1251] {strides = array<i32>} : memref<32768xf32, #tpu.memory_space<vmem>>, vector<16xf32>,
      tpu.vector_store %arg6[%parallel_loop3A_1251], %parallel_loop3A_1248 {strides = array<i32>} : memref<32768xf32, #tpu.memory_space<vmem>>, vector<16xf32>,
      %parallel_loop3A_1253 = arith.maximumf %parallel_loop3A_1184, %parallel_loop3A_1188 : vector<16xf32>
      %parallel_loop3A_1254 = arith.minimumf %parallel_loop3A_1184, %parallel_loop3A_1188 : vector<16xf32>
      %parallel_loop3A_1255 = arith.maximumf %parallel_loop3A_1192, %parallel_loop3A_1196 : vector<16xf32>
      %parallel_loop3A_1256 = arith.minimumf %parallel_loop3A_1192, %parallel_loop3A_1196 : vector<16xf32>
      %parallel_loop3A_1257 = arith.maximumf %parallel_loop3A_1200, %parallel_loop3A_1204 : vector<16xf32>
      %parallel_loop3A_1258 = arith.minimumf %parallel_loop3A_1200, %parallel_loop3A_1204 : vector<16xf32>
      %parallel_loop3A_1259 = arith.maximumf %parallel_loop3A_1208, %parallel_loop3A_1212 : vector<16xf32>
      %parallel_loop3A_1260 = arith.minimumf %parallel_loop3A_1208, %parallel_loop3A_1212 : vector<16xf32>
      %parallel_loop3A_1261 = arith.maximumf %parallel_loop3A_1253, %parallel_loop3A_1255 : vector<16xf32>
      %parallel_loop3A_1262 = arith.minimumf %parallel_loop3A_1253, %parallel_loop3A_1255 : vector<16xf32>
      %parallel_loop3A_1263 = arith.maximumf %parallel_loop3A_1254, %parallel_loop3A_1256 : vector<16xf32>
      %parallel_loop3A_1264 = arith.minimumf %parallel_loop3A_1254, %parallel_loop3A_1256 : vector<16xf32>
      %parallel_loop3A_1265 = arith.maximumf %parallel_loop3A_1257, %parallel_loop3A_1259 : vector<16xf32>
      %parallel_loop3A_1266 = arith.minimumf %parallel_loop3A_1257, %parallel_loop3A_1259 : vector<16xf32>
      %parallel_loop3A_1267 = arith.maximumf %parallel_loop3A_1258, %parallel_loop3A_1260 : vector<16xf32>
      %parallel_loop3A_1268 = arith.minimumf %parallel_loop3A_1258, %parallel_loop3A_1260 : vector<16xf32>
      %parallel_loop3A_1269 = arith.maximumf %parallel_loop3A_1263, %parallel_loop3A_1262 : vector<16xf32>
      %parallel_loop3A_1270 = arith.minimumf %parallel_loop3A_1263, %parallel_loop3A_1262 : vector<16xf32>
      %parallel_loop3A_1271 = arith.maximumf %parallel_loop3A_1267, %parallel_loop3A_1266 : vector<16xf32>
      %parallel_loop3A_1272 = arith.minimumf %parallel_loop3A_1267, %parallel_loop3A_1266 : vector<16xf32>
      %parallel_loop3A_1273 = arith.maximumf %parallel_loop3A_1261, %parallel_loop3A_1265 : vector<16xf32>
      %parallel_loop3A_1274 = arith.minimumf %parallel_loop3A_1261, %parallel_loop3A_1265 : vector<16xf32>
      %parallel_loop3A_1275 = arith.maximumf %parallel_loop3A_1269, %parallel_loop3A_1271 : vector<16xf32>
      %parallel_loop3A_1276 = arith.minimumf %parallel_loop3A_1269, %parallel_loop3A_1271 : vector<16xf32>
      %parallel_loop3A_1277 = arith.maximumf %parallel_loop3A_1270, %parallel_loop3A_1272 : vector<16xf32>
      %parallel_loop3A_1278 = arith.minimumf %parallel_loop3A_1270, %parallel_loop3A_1272 : vector<16xf32>
      %parallel_loop3A_1279 = arith.maximumf %parallel_loop3A_1264, %parallel_loop3A_1268 : vector<16xf32>
      %parallel_loop3A_1280 = arith.minimumf %parallel_loop3A_1264, %parallel_loop3A_1268 : vector<16xf32>
      %parallel_loop3A_1281 = arith.maximumf %parallel_loop3A_1277, %parallel_loop3A_1274 : vector<16xf32>
      %parallel_loop3A_1282 = arith.minimumf %parallel_loop3A_1277, %parallel_loop3A_1274 : vector<16xf32>
      %parallel_loop3A_1283 = arith.maximumf %parallel_loop3A_1279, %parallel_loop3A_1276 : vector<16xf32>
      %parallel_loop3A_1284 = arith.minimumf %parallel_loop3A_1279, %parallel_loop3A_1276 : vector<16xf32>
      %parallel_loop3A_1285 = arith.maximumf %parallel_loop3A_1275, %parallel_loop3A_1281 : vector<16xf32>
      %parallel_loop3A_1286 = arith.minimumf %parallel_loop3A_1275, %parallel_loop3A_1281 : vector<16xf32>
      %parallel_loop3A_1287 = arith.maximumf %parallel_loop3A_1283, %parallel_loop3A_1282 : vector<16xf32>
      %parallel_loop3A_1288 = arith.minimumf %parallel_loop3A_1283, %parallel_loop3A_1282 : vector<16xf32>
      %parallel_loop3A_1289 = arith.maximumf %parallel_loop3A_1284, %parallel_loop3A_1278 : vector<16xf32>
      %parallel_loop3A_1290 = arith.minimumf %parallel_loop3A_1284, %parallel_loop3A_1278 : vector<16xf32>
      %parallel_loop3A_1291 = arith.maximumf %parallel_loop3A_1173, %parallel_loop3A_1280 : vector<16xf32>
      %parallel_loop3A_1292 = arith.maximumf %parallel_loop3A_1174, %parallel_loop3A_1290 : vector<16xf32>
      %parallel_loop3A_1293 = arith.maximumf %parallel_loop3A_1175, %parallel_loop3A_1289 : vector<16xf32>
      %parallel_loop3A_1294 = arith.maximumf %parallel_loop3A_1176, %parallel_loop3A_1288 : vector<16xf32>
      %parallel_loop3A_1295 = arith.maximumf %parallel_loop3A_1177, %parallel_loop3A_1287 : vector<16xf32>
      %parallel_loop3A_1296 = arith.maximumf %parallel_loop3A_1178, %parallel_loop3A_1286 : vector<16xf32>
      %parallel_loop3A_1297 = arith.maximumf %parallel_loop3A_1179, %parallel_loop3A_1285 : vector<16xf32>
      %parallel_loop3A_1298 = arith.maximumf %parallel_loop3A_1180, %parallel_loop3A_1273 : vector<16xf32>
      %parallel_loop3A_1299 = arith.maximumf %parallel_loop3A_1291, %parallel_loop3A_1295 : vector<16xf32>
      %parallel_loop3A_1300 = arith.minimumf %parallel_loop3A_1291, %parallel_loop3A_1295 : vector<16xf32>
      %parallel_loop3A_1301 = arith.maximumf %parallel_loop3A_1292, %parallel_loop3A_1296 : vector<16xf32>
      %parallel_loop3A_1302 = arith.minimumf %parallel_loop3A_1292, %parallel_loop3A_1296 : vector<16xf32>
      %parallel_loop3A_1303 = arith.maximumf %parallel_loop3A_1293, %parallel_loop3A_1297 : vector<16xf32>
      %parallel_loop3A_1304 = arith.minimumf %parallel_loop3A_1293, %parallel_loop3A_1297 : vector<16xf32>
      %parallel_loop3A_1305 = arith.maximumf %parallel_loop3A_1294, %parallel_loop3A_1298 : vector<16xf32>
      %parallel_loop3A_1306 = arith.minimumf %parallel_loop3A_1294, %parallel_loop3A_1298 : vector<16xf32>
      %parallel_loop3A_1307 = arith.maximumf %parallel_loop3A_1299, %parallel_loop3A_1303 : vector<16xf32>
      %parallel_loop3A_1308 = arith.minimumf %parallel_loop3A_1299, %parallel_loop3A_1303 : vector<16xf32>
      %parallel_loop3A_1309 = arith.maximumf %parallel_loop3A_1301, %parallel_loop3A_1305 : vector<16xf32>
      %parallel_loop3A_1310 = arith.minimumf %parallel_loop3A_1301, %parallel_loop3A_1305 : vector<16xf32>
      %parallel_loop3A_1311 = arith.maximumf %parallel_loop3A_1300, %parallel_loop3A_1304 : vector<16xf32>
      %parallel_loop3A_1312 = arith.minimumf %parallel_loop3A_1300, %parallel_loop3A_1304 : vector<16xf32>
      %parallel_loop3A_1313 = arith.maximumf %parallel_loop3A_1302, %parallel_loop3A_1306 : vector<16xf32>
      %parallel_loop3A_1314 = arith.minimumf %parallel_loop3A_1302, %parallel_loop3A_1306 : vector<16xf32>
      %parallel_loop3A_1315 = arith.maximumf %parallel_loop3A_1307, %parallel_loop3A_1309 : vector<16xf32>
      %parallel_loop3A_1316 = arith.minimumf %parallel_loop3A_1307, %parallel_loop3A_1309 : vector<16xf32>
      %parallel_loop3A_1317 = arith.maximumf %parallel_loop3A_1308, %parallel_loop3A_1310 : vector<16xf32>
      %parallel_loop3A_1318 = arith.minimumf %parallel_loop3A_1308, %parallel_loop3A_1310 : vector<16xf32>
      %parallel_loop3A_1319 = arith.maximumf %parallel_loop3A_1311, %parallel_loop3A_1313 : vector<16xf32>
      %parallel_loop3A_1320 = arith.minimumf %parallel_loop3A_1311, %parallel_loop3A_1313 : vector<16xf32>
      %parallel_loop3A_1321 = arith.maximumf %parallel_loop3A_1312, %parallel_loop3A_1314 : vector<16xf32>
      %parallel_loop3A_1322 = arith.minimumf %parallel_loop3A_1312, %parallel_loop3A_1314 : vector<16xf32>
      %parallel_loop3A_1323 = arith.constant 16384 : i32
      %parallel_loop3A_1324 = arith.addi %parallel_loop3A_1323, %parallel_loop3A_16 : i32
      %parallel_loop3A_1325 = arith.index_cast %parallel_loop3A_1324 : i32 to index
      %parallel_loop3A_1326 = tpu.vector_load %arg5[%parallel_loop3A_1325] {strides = array<i32>} : memref<32768xf32, #tpu.memory_space<vmem>>, vector<16xf32>,
      %parallel_loop3A_1327 = arith.constant 16896 : i32
      %parallel_loop3A_1328 = arith.addi %parallel_loop3A_1327, %parallel_loop3A_16 : i32
      %parallel_loop3A_1329 = arith.index_cast %parallel_loop3A_1328 : i32 to index
      %parallel_loop3A_1330 = tpu.vector_load %arg5[%parallel_loop3A_1329] {strides = array<i32>} : memref<32768xf32, #tpu.memory_space<vmem>>, vector<16xf32>,
      %parallel_loop3A_1331 = arith.constant 17408 : i32
      %parallel_loop3A_1332 = arith.addi %parallel_loop3A_1331, %parallel_loop3A_16 : i32
      %parallel_loop3A_1333 = arith.index_cast %parallel_loop3A_1332 : i32 to index
      %parallel_loop3A_1334 = tpu.vector_load %arg5[%parallel_loop3A_1333] {strides = array<i32>} : memref<32768xf32, #tpu.memory_space<vmem>>, vector<16xf32>,
      %parallel_loop3A_1335 = arith.constant 17920 : i32
      %parallel_loop3A_1336 = arith.addi %parallel_loop3A_1335, %parallel_loop3A_16 : i32
      %parallel_loop3A_1337 = arith.index_cast %parallel_loop3A_1336 : i32 to index
      %parallel_loop3A_1338 = tpu.vector_load %arg5[%parallel_loop3A_1337] {strides = array<i32>} : memref<32768xf32, #tpu.memory_space<vmem>>, vector<16xf32>,
      %parallel_loop3A_1339 = arith.constant 18432 : i32
      %parallel_loop3A_1340 = arith.addi %parallel_loop3A_1339, %parallel_loop3A_16 : i32
      %parallel_loop3A_1341 = arith.index_cast %parallel_loop3A_1340 : i32 to index
      %parallel_loop3A_1342 = tpu.vector_load %arg5[%parallel_loop3A_1341] {strides = array<i32>} : memref<32768xf32, #tpu.memory_space<vmem>>, vector<16xf32>,
      %parallel_loop3A_1343 = arith.constant 18944 : i32
      %parallel_loop3A_1344 = arith.addi %parallel_loop3A_1343, %parallel_loop3A_16 : i32
      %parallel_loop3A_1345 = arith.index_cast %parallel_loop3A_1344 : i32 to index
      %parallel_loop3A_1346 = tpu.vector_load %arg5[%parallel_loop3A_1345] {strides = array<i32>} : memref<32768xf32, #tpu.memory_space<vmem>>, vector<16xf32>,
      %parallel_loop3A_1347 = arith.constant 19456 : i32
      %parallel_loop3A_1348 = arith.addi %parallel_loop3A_1347, %parallel_loop3A_16 : i32
      %parallel_loop3A_1349 = arith.index_cast %parallel_loop3A_1348 : i32 to index
      %parallel_loop3A_1350 = tpu.vector_load %arg5[%parallel_loop3A_1349] {strides = array<i32>} : memref<32768xf32, #tpu.memory_space<vmem>>, vector<16xf32>,
      %parallel_loop3A_1351 = arith.constant 19968 : i32
      %parallel_loop3A_1352 = arith.addi %parallel_loop3A_1351, %parallel_loop3A_16 : i32
      %parallel_loop3A_1353 = arith.index_cast %parallel_loop3A_1352 : i32 to index
      %parallel_loop3A_1354 = tpu.vector_load %arg5[%parallel_loop3A_1353] {strides = array<i32>} : memref<32768xf32, #tpu.memory_space<vmem>>, vector<16xf32>,
      %parallel_loop3A_1355 = math.exp %parallel_loop3A_1326 : vector<16xf32>
      %parallel_loop3A_1356 = arith.constant 512 : i32
      %parallel_loop3A_1357 = arith.addi %parallel_loop3A_18, %parallel_loop3A_1356 : i32
      %parallel_loop3A_1358 = arith.index_cast %parallel_loop3A_1357 : i32 to index
      %parallel_loop3A_1359 = tpu.vector_load %arg6[%parallel_loop3A_1358] {strides = array<i32>} : memref<32768xf32, #tpu.memory_space<vmem>>, vector<16xf32>,
      tpu.vector_store %arg6[%parallel_loop3A_1358], %parallel_loop3A_1355 {strides = array<i32>} : memref<32768xf32, #tpu.memory_space<vmem>>, vector<16xf32>,
      %parallel_loop3A_1360 = math.exp %parallel_loop3A_1330 : vector<16xf32>
      %parallel_loop3A_1361 = arith.constant 528 : i32
      %parallel_loop3A_1362 = arith.addi %parallel_loop3A_18, %parallel_loop3A_1361 : i32
      %parallel_loop3A_1363 = arith.index_cast %parallel_loop3A_1362 : i32 to index
      %parallel_loop3A_1364 = tpu.vector_load %arg6[%parallel_loop3A_1363] {strides = array<i32>} : memref<32768xf32, #tpu.memory_space<vmem>>, vector<16xf32>,
      tpu.vector_store %arg6[%parallel_loop3A_1363], %parallel_loop3A_1360 {strides = array<i32>} : memref<32768xf32, #tpu.memory_space<vmem>>, vector<16xf32>,
      %parallel_loop3A_1365 = math.exp %parallel_loop3A_1334 : vector<16xf32>
      %parallel_loop3A_1366 = arith.constant 544 : i32
      %parallel_loop3A_1367 = arith.addi %parallel_loop3A_18, %parallel_loop3A_1366 : i32
      %parallel_loop3A_1368 = arith.index_cast %parallel_loop3A_1367 : i32 to index
      %parallel_loop3A_1369 = tpu.vector_load %arg6[%parallel_loop3A_1368] {strides = array<i32>} : memref<32768xf32, #tpu.memory_space<vmem>>, vector<16xf32>,
      tpu.vector_store %arg6[%parallel_loop3A_1368], %parallel_loop3A_1365 {strides = array<i32>} : memref<32768xf32, #tpu.memory_space<vmem>>, vector<16xf32>,
      %parallel_loop3A_1370 = math.exp %parallel_loop3A_1338 : vector<16xf32>
      %parallel_loop3A_1371 = arith.constant 560 : i32
      %parallel_loop3A_1372 = arith.addi %parallel_loop3A_18, %parallel_loop3A_1371 : i32
      %parallel_loop3A_1373 = arith.index_cast %parallel_loop3A_1372 : i32 to index
      %parallel_loop3A_1374 = tpu.vector_load %arg6[%parallel_loop3A_1373] {strides = array<i32>} : memref<32768xf32, #tpu.memory_space<vmem>>, vector<16xf32>,
      tpu.vector_store %arg6[%parallel_loop3A_1373], %parallel_loop3A_1370 {strides = array<i32>} : memref<32768xf32, #tpu.memory_space<vmem>>, vector<16xf32>,
      %parallel_loop3A_1375 = math.exp %parallel_loop3A_1342 : vector<16xf32>
      %parallel_loop3A_1376 = arith.constant 576 : i32
      %parallel_loop3A_1377 = arith.addi %parallel_loop3A_18, %parallel_loop3A_1376 : i32
      %parallel_loop3A_1378 = arith.index_cast %parallel_loop3A_1377 : i32 to index
      %parallel_loop3A_1379 = tpu.vector_load %arg6[%parallel_loop3A_1378] {strides = array<i32>} : memref<32768xf32, #tpu.memory_space<vmem>>, vector<16xf32>,
      tpu.vector_store %arg6[%parallel_loop3A_1378], %parallel_loop3A_1375 {strides = array<i32>} : memref<32768xf32, #tpu.memory_space<vmem>>, vector<16xf32>,
      %parallel_loop3A_1380 = math.exp %parallel_loop3A_1346 : vector<16xf32>
      %parallel_loop3A_1381 = arith.constant 592 : i32
      %parallel_loop3A_1382 = arith.addi %parallel_loop3A_18, %parallel_loop3A_1381 : i32
      %parallel_loop3A_1383 = arith.index_cast %parallel_loop3A_1382 : i32 to index
      %parallel_loop3A_1384 = tpu.vector_load %arg6[%parallel_loop3A_1383] {strides = array<i32>} : memref<32768xf32, #tpu.memory_space<vmem>>, vector<16xf32>,
      tpu.vector_store %arg6[%parallel_loop3A_1383], %parallel_loop3A_1380 {strides = array<i32>} : memref<32768xf32, #tpu.memory_space<vmem>>, vector<16xf32>,
      %parallel_loop3A_1385 = math.exp %parallel_loop3A_1350 : vector<16xf32>
      %parallel_loop3A_1386 = arith.constant 608 : i32
      %parallel_loop3A_1387 = arith.addi %parallel_loop3A_18, %parallel_loop3A_1386 : i32
      %parallel_loop3A_1388 = arith.index_cast %parallel_loop3A_1387 : i32 to index
      %parallel_loop3A_1389 = tpu.vector_load %arg6[%parallel_loop3A_1388] {strides = array<i32>} : memref<32768xf32, #tpu.memory_space<vmem>>, vector<16xf32>,
      tpu.vector_store %arg6[%parallel_loop3A_1388], %parallel_loop3A_1385 {strides = array<i32>} : memref<32768xf32, #tpu.memory_space<vmem>>, vector<16xf32>,
      %parallel_loop3A_1390 = math.exp %parallel_loop3A_1354 : vector<16xf32>
      %parallel_loop3A_1391 = arith.constant 624 : i32
      %parallel_loop3A_1392 = arith.addi %parallel_loop3A_18, %parallel_loop3A_1391 : i32
      %parallel_loop3A_1393 = arith.index_cast %parallel_loop3A_1392 : i32 to index
      %parallel_loop3A_1394 = tpu.vector_load %arg6[%parallel_loop3A_1393] {strides = array<i32>} : memref<32768xf32, #tpu.memory_space<vmem>>, vector<16xf32>,
      tpu.vector_store %arg6[%parallel_loop3A_1393], %parallel_loop3A_1390 {strides = array<i32>} : memref<32768xf32, #tpu.memory_space<vmem>>, vector<16xf32>,
      %parallel_loop3A_1395 = arith.maximumf %parallel_loop3A_1326, %parallel_loop3A_1330 : vector<16xf32>
      %parallel_loop3A_1396 = arith.minimumf %parallel_loop3A_1326, %parallel_loop3A_1330 : vector<16xf32>
      %parallel_loop3A_1397 = arith.maximumf %parallel_loop3A_1334, %parallel_loop3A_1338 : vector<16xf32>
      %parallel_loop3A_1398 = arith.minimumf %parallel_loop3A_1334, %parallel_loop3A_1338 : vector<16xf32>
      %parallel_loop3A_1399 = arith.maximumf %parallel_loop3A_1342, %parallel_loop3A_1346 : vector<16xf32>
      %parallel_loop3A_1400 = arith.minimumf %parallel_loop3A_1342, %parallel_loop3A_1346 : vector<16xf32>
      %parallel_loop3A_1401 = arith.maximumf %parallel_loop3A_1350, %parallel_loop3A_1354 : vector<16xf32>
      %parallel_loop3A_1402 = arith.minimumf %parallel_loop3A_1350, %parallel_loop3A_1354 : vector<16xf32>
      %parallel_loop3A_1403 = arith.maximumf %parallel_loop3A_1395, %parallel_loop3A_1397 : vector<16xf32>
      %parallel_loop3A_1404 = arith.minimumf %parallel_loop3A_1395, %parallel_loop3A_1397 : vector<16xf32>
      %parallel_loop3A_1405 = arith.maximumf %parallel_loop3A_1396, %parallel_loop3A_1398 : vector<16xf32>
      %parallel_loop3A_1406 = arith.minimumf %parallel_loop3A_1396, %parallel_loop3A_1398 : vector<16xf32>
      %parallel_loop3A_1407 = arith.maximumf %parallel_loop3A_1399, %parallel_loop3A_1401 : vector<16xf32>
      %parallel_loop3A_1408 = arith.minimumf %parallel_loop3A_1399, %parallel_loop3A_1401 : vector<16xf32>
      %parallel_loop3A_1409 = arith.maximumf %parallel_loop3A_1400, %parallel_loop3A_1402 : vector<16xf32>
      %parallel_loop3A_1410 = arith.minimumf %parallel_loop3A_1400, %parallel_loop3A_1402 : vector<16xf32>
      %parallel_loop3A_1411 = arith.maximumf %parallel_loop3A_1405, %parallel_loop3A_1404 : vector<16xf32>
      %parallel_loop3A_1412 = arith.minimumf %parallel_loop3A_1405, %parallel_loop3A_1404 : vector<16xf32>
      %parallel_loop3A_1413 = arith.maximumf %parallel_loop3A_1409, %parallel_loop3A_1408 : vector<16xf32>
      %parallel_loop3A_1414 = arith.minimumf %parallel_loop3A_1409, %parallel_loop3A_1408 : vector<16xf32>
      %parallel_loop3A_1415 = arith.maximumf %parallel_loop3A_1403, %parallel_loop3A_1407 : vector<16xf32>
      %parallel_loop3A_1416 = arith.minimumf %parallel_loop3A_1403, %parallel_loop3A_1407 : vector<16xf32>
      %parallel_loop3A_1417 = arith.maximumf %parallel_loop3A_1411, %parallel_loop3A_1413 : vector<16xf32>
      %parallel_loop3A_1418 = arith.minimumf %parallel_loop3A_1411, %parallel_loop3A_1413 : vector<16xf32>
      %parallel_loop3A_1419 = arith.maximumf %parallel_loop3A_1412, %parallel_loop3A_1414 : vector<16xf32>
      %parallel_loop3A_1420 = arith.minimumf %parallel_loop3A_1412, %parallel_loop3A_1414 : vector<16xf32>
      %parallel_loop3A_1421 = arith.maximumf %parallel_loop3A_1406, %parallel_loop3A_1410 : vector<16xf32>
      %parallel_loop3A_1422 = arith.minimumf %parallel_loop3A_1406, %parallel_loop3A_1410 : vector<16xf32>
      %parallel_loop3A_1423 = arith.maximumf %parallel_loop3A_1419, %parallel_loop3A_1416 : vector<16xf32>
      %parallel_loop3A_1424 = arith.minimumf %parallel_loop3A_1419, %parallel_loop3A_1416 : vector<16xf32>
      %parallel_loop3A_1425 = arith.maximumf %parallel_loop3A_1421, %parallel_loop3A_1418 : vector<16xf32>
      %parallel_loop3A_1426 = arith.minimumf %parallel_loop3A_1421, %parallel_loop3A_1418 : vector<16xf32>
      %parallel_loop3A_1427 = arith.maximumf %parallel_loop3A_1417, %parallel_loop3A_1423 : vector<16xf32>
      %parallel_loop3A_1428 = arith.minimumf %parallel_loop3A_1417, %parallel_loop3A_1423 : vector<16xf32>
      %parallel_loop3A_1429 = arith.maximumf %parallel_loop3A_1425, %parallel_loop3A_1424 : vector<16xf32>
      %parallel_loop3A_1430 = arith.minimumf %parallel_loop3A_1425, %parallel_loop3A_1424 : vector<16xf32>
      %parallel_loop3A_1431 = arith.maximumf %parallel_loop3A_1426, %parallel_loop3A_1420 : vector<16xf32>
      %parallel_loop3A_1432 = arith.minimumf %parallel_loop3A_1426, %parallel_loop3A_1420 : vector<16xf32>
      %parallel_loop3A_1433 = arith.maximumf %parallel_loop3A_1315, %parallel_loop3A_1422 : vector<16xf32>
      %parallel_loop3A_1434 = arith.maximumf %parallel_loop3A_1316, %parallel_loop3A_1432 : vector<16xf32>
      %parallel_loop3A_1435 = arith.maximumf %parallel_loop3A_1317, %parallel_loop3A_1431 : vector<16xf32>
      %parallel_loop3A_1436 = arith.maximumf %parallel_loop3A_1318, %parallel_loop3A_1430 : vector<16xf32>
      %parallel_loop3A_1437 = arith.maximumf %parallel_loop3A_1319, %parallel_loop3A_1429 : vector<16xf32>
      %parallel_loop3A_1438 = arith.maximumf %parallel_loop3A_1320, %parallel_loop3A_1428 : vector<16xf32>
      %parallel_loop3A_1439 = arith.maximumf %parallel_loop3A_1321, %parallel_loop3A_1427 : vector<16xf32>
      %parallel_loop3A_1440 = arith.maximumf %parallel_loop3A_1322, %parallel_loop3A_1415 : vector<16xf32>
      %parallel_loop3A_1441 = arith.maximumf %parallel_loop3A_1433, %parallel_loop3A_1437 : vector<16xf32>
      %parallel_loop3A_1442 = arith.minimumf %parallel_loop3A_1433, %parallel_loop3A_1437 : vector<16xf32>
      %parallel_loop3A_1443 = arith.maximumf %parallel_loop3A_1434, %parallel_loop3A_1438 : vector<16xf32>
      %parallel_loop3A_1444 = arith.minimumf %parallel_loop3A_1434, %parallel_loop3A_1438 : vector<16xf32>
      %parallel_loop3A_1445 = arith.maximumf %parallel_loop3A_1435, %parallel_loop3A_1439 : vector<16xf32>
      %parallel_loop3A_1446 = arith.minimumf %parallel_loop3A_1435, %parallel_loop3A_1439 : vector<16xf32>
      %parallel_loop3A_1447 = arith.maximumf %parallel_loop3A_1436, %parallel_loop3A_1440 : vector<16xf32>
      %parallel_loop3A_1448 = arith.minimumf %parallel_loop3A_1436, %parallel_loop3A_1440 : vector<16xf32>
      %parallel_loop3A_1449 = arith.maximumf %parallel_loop3A_1441, %parallel_loop3A_1445 : vector<16xf32>
      %parallel_loop3A_1450 = arith.minimumf %parallel_loop3A_1441, %parallel_loop3A_1445 : vector<16xf32>
      %parallel_loop3A_1451 = arith.maximumf %parallel_loop3A_1443, %parallel_loop3A_1447 : vector<16xf32>
      %parallel_loop3A_1452 = arith.minimumf %parallel_loop3A_1443, %parallel_loop3A_1447 : vector<16xf32>
      %parallel_loop3A_1453 = arith.maximumf %parallel_loop3A_1442, %parallel_loop3A_1446 : vector<16xf32>
      %parallel_loop3A_1454 = arith.minimumf %parallel_loop3A_1442, %parallel_loop3A_1446 : vector<16xf32>
      %parallel_loop3A_1455 = arith.maximumf %parallel_loop3A_1444, %parallel_loop3A_1448 : vector<16xf32>
      %parallel_loop3A_1456 = arith.minimumf %parallel_loop3A_1444, %parallel_loop3A_1448 : vector<16xf32>
      %parallel_loop3A_1457 = arith.maximumf %parallel_loop3A_1449, %parallel_loop3A_1451 : vector<16xf32>
      %parallel_loop3A_1458 = arith.minimumf %parallel_loop3A_1449, %parallel_loop3A_1451 : vector<16xf32>
      %parallel_loop3A_1459 = arith.maximumf %parallel_loop3A_1450, %parallel_loop3A_1452 : vector<16xf32>
      %parallel_loop3A_1460 = arith.minimumf %parallel_loop3A_1450, %parallel_loop3A_1452 : vector<16xf32>
      %parallel_loop3A_1461 = arith.maximumf %parallel_loop3A_1453, %parallel_loop3A_1455 : vector<16xf32>
      %parallel_loop3A_1462 = arith.minimumf %parallel_loop3A_1453, %parallel_loop3A_1455 : vector<16xf32>
      %parallel_loop3A_1463 = arith.maximumf %parallel_loop3A_1454, %parallel_loop3A_1456 : vector<16xf32>
      %parallel_loop3A_1464 = arith.minimumf %parallel_loop3A_1454, %parallel_loop3A_1456 : vector<16xf32>
      %parallel_loop3A_1465 = arith.constant 20480 : i32
      %parallel_loop3A_1466 = arith.addi %parallel_loop3A_1465, %parallel_loop3A_16 : i32
      %parallel_loop3A_1467 = arith.index_cast %parallel_loop3A_1466 : i32 to index
      %parallel_loop3A_1468 = tpu.vector_load %arg5[%parallel_loop3A_1467] {strides = array<i32>} : memref<32768xf32, #tpu.memory_space<vmem>>, vector<16xf32>,
      %parallel_loop3A_1469 = arith.constant 20992 : i32
      %parallel_loop3A_1470 = arith.addi %parallel_loop3A_1469, %parallel_loop3A_16 : i32
      %parallel_loop3A_1471 = arith.index_cast %parallel_loop3A_1470 : i32 to index
      %parallel_loop3A_1472 = tpu.vector_load %arg5[%parallel_loop3A_1471] {strides = array<i32>} : memref<32768xf32, #tpu.memory_space<vmem>>, vector<16xf32>,
      %parallel_loop3A_1473 = arith.constant 21504 : i32
      %parallel_loop3A_1474 = arith.addi %parallel_loop3A_1473, %parallel_loop3A_16 : i32
      %parallel_loop3A_1475 = arith.index_cast %parallel_loop3A_1474 : i32 to index
      %parallel_loop3A_1476 = tpu.vector_load %arg5[%parallel_loop3A_1475] {strides = array<i32>} : memref<32768xf32, #tpu.memory_space<vmem>>, vector<16xf32>,
      %parallel_loop3A_1477 = arith.constant 22016 : i32
      %parallel_loop3A_1478 = arith.addi %parallel_loop3A_1477, %parallel_loop3A_16 : i32
      %parallel_loop3A_1479 = arith.index_cast %parallel_loop3A_1478 : i32 to index
      %parallel_loop3A_1480 = tpu.vector_load %arg5[%parallel_loop3A_1479] {strides = array<i32>} : memref<32768xf32, #tpu.memory_space<vmem>>, vector<16xf32>,
      %parallel_loop3A_1481 = arith.constant 22528 : i32
      %parallel_loop3A_1482 = arith.addi %parallel_loop3A_1481, %parallel_loop3A_16 : i32
      %parallel_loop3A_1483 = arith.index_cast %parallel_loop3A_1482 : i32 to index
      %parallel_loop3A_1484 = tpu.vector_load %arg5[%parallel_loop3A_1483] {strides = array<i32>} : memref<32768xf32, #tpu.memory_space<vmem>>, vector<16xf32>,
      %parallel_loop3A_1485 = arith.constant 23040 : i32
      %parallel_loop3A_1486 = arith.addi %parallel_loop3A_1485, %parallel_loop3A_16 : i32
      %parallel_loop3A_1487 = arith.index_cast %parallel_loop3A_1486 : i32 to index
      %parallel_loop3A_1488 = tpu.vector_load %arg5[%parallel_loop3A_1487] {strides = array<i32>} : memref<32768xf32, #tpu.memory_space<vmem>>, vector<16xf32>,
      %parallel_loop3A_1489 = arith.constant 23552 : i32
      %parallel_loop3A_1490 = arith.addi %parallel_loop3A_1489, %parallel_loop3A_16 : i32
      %parallel_loop3A_1491 = arith.index_cast %parallel_loop3A_1490 : i32 to index
      %parallel_loop3A_1492 = tpu.vector_load %arg5[%parallel_loop3A_1491] {strides = array<i32>} : memref<32768xf32, #tpu.memory_space<vmem>>, vector<16xf32>,
      %parallel_loop3A_1493 = arith.constant 24064 : i32
      %parallel_loop3A_1494 = arith.addi %parallel_loop3A_1493, %parallel_loop3A_16 : i32
      %parallel_loop3A_1495 = arith.index_cast %parallel_loop3A_1494 : i32 to index
      %parallel_loop3A_1496 = tpu.vector_load %arg5[%parallel_loop3A_1495] {strides = array<i32>} : memref<32768xf32, #tpu.memory_space<vmem>>, vector<16xf32>,
      %parallel_loop3A_1497 = math.exp %parallel_loop3A_1468 : vector<16xf32>
      %parallel_loop3A_1498 = arith.constant 640 : i32
      %parallel_loop3A_1499 = arith.addi %parallel_loop3A_18, %parallel_loop3A_1498 : i32
      %parallel_loop3A_1500 = arith.index_cast %parallel_loop3A_1499 : i32 to index
      %parallel_loop3A_1501 = tpu.vector_load %arg6[%parallel_loop3A_1500] {strides = array<i32>} : memref<32768xf32, #tpu.memory_space<vmem>>, vector<16xf32>,
      tpu.vector_store %arg6[%parallel_loop3A_1500], %parallel_loop3A_1497 {strides = array<i32>} : memref<32768xf32, #tpu.memory_space<vmem>>, vector<16xf32>,
      %parallel_loop3A_1502 = math.exp %parallel_loop3A_1472 : vector<16xf32>
      %parallel_loop3A_1503 = arith.constant 656 : i32
      %parallel_loop3A_1504 = arith.addi %parallel_loop3A_18, %parallel_loop3A_1503 : i32
      %parallel_loop3A_1505 = arith.index_cast %parallel_loop3A_1504 : i32 to index
      %parallel_loop3A_1506 = tpu.vector_load %arg6[%parallel_loop3A_1505] {strides = array<i32>} : memref<32768xf32, #tpu.memory_space<vmem>>, vector<16xf32>,
      tpu.vector_store %arg6[%parallel_loop3A_1505], %parallel_loop3A_1502 {strides = array<i32>} : memref<32768xf32, #tpu.memory_space<vmem>>, vector<16xf32>,
      %parallel_loop3A_1507 = math.exp %parallel_loop3A_1476 : vector<16xf32>
      %parallel_loop3A_1508 = arith.constant 672 : i32
      %parallel_loop3A_1509 = arith.addi %parallel_loop3A_18, %parallel_loop3A_1508 : i32
      %parallel_loop3A_1510 = arith.index_cast %parallel_loop3A_1509 : i32 to index
      %parallel_loop3A_1511 = tpu.vector_load %arg6[%parallel_loop3A_1510] {strides = array<i32>} : memref<32768xf32, #tpu.memory_space<vmem>>, vector<16xf32>,
      tpu.vector_store %arg6[%parallel_loop3A_1510], %parallel_loop3A_1507 {strides = array<i32>} : memref<32768xf32, #tpu.memory_space<vmem>>, vector<16xf32>,
      %parallel_loop3A_1512 = math.exp %parallel_loop3A_1480 : vector<16xf32>
      %parallel_loop3A_1513 = arith.constant 688 : i32
      %parallel_loop3A_1514 = arith.addi %parallel_loop3A_18, %parallel_loop3A_1513 : i32
      %parallel_loop3A_1515 = arith.index_cast %parallel_loop3A_1514 : i32 to index
      %parallel_loop3A_1516 = tpu.vector_load %arg6[%parallel_loop3A_1515] {strides = array<i32>} : memref<32768xf32, #tpu.memory_space<vmem>>, vector<16xf32>,
      tpu.vector_store %arg6[%parallel_loop3A_1515], %parallel_loop3A_1512 {strides = array<i32>} : memref<32768xf32, #tpu.memory_space<vmem>>, vector<16xf32>,
      %parallel_loop3A_1517 = math.exp %parallel_loop3A_1484 : vector<16xf32>
      %parallel_loop3A_1518 = arith.constant 704 : i32
      %parallel_loop3A_1519 = arith.addi %parallel_loop3A_18, %parallel_loop3A_1518 : i32
      %parallel_loop3A_1520 = arith.index_cast %parallel_loop3A_1519 : i32 to index
      %parallel_loop3A_1521 = tpu.vector_load %arg6[%parallel_loop3A_1520] {strides = array<i32>} : memref<32768xf32, #tpu.memory_space<vmem>>, vector<16xf32>,
      tpu.vector_store %arg6[%parallel_loop3A_1520], %parallel_loop3A_1517 {strides = array<i32>} : memref<32768xf32, #tpu.memory_space<vmem>>, vector<16xf32>,
      %parallel_loop3A_1522 = math.exp %parallel_loop3A_1488 : vector<16xf32>
      %parallel_loop3A_1523 = arith.constant 720 : i32
      %parallel_loop3A_1524 = arith.addi %parallel_loop3A_18, %parallel_loop3A_1523 : i32
      %parallel_loop3A_1525 = arith.index_cast %parallel_loop3A_1524 : i32 to index
      %parallel_loop3A_1526 = tpu.vector_load %arg6[%parallel_loop3A_1525] {strides = array<i32>} : memref<32768xf32, #tpu.memory_space<vmem>>, vector<16xf32>,
      tpu.vector_store %arg6[%parallel_loop3A_1525], %parallel_loop3A_1522 {strides = array<i32>} : memref<32768xf32, #tpu.memory_space<vmem>>, vector<16xf32>,
      %parallel_loop3A_1527 = math.exp %parallel_loop3A_1492 : vector<16xf32>
      %parallel_loop3A_1528 = arith.constant 736 : i32
      %parallel_loop3A_1529 = arith.addi %parallel_loop3A_18, %parallel_loop3A_1528 : i32
      %parallel_loop3A_1530 = arith.index_cast %parallel_loop3A_1529 : i32 to index
      %parallel_loop3A_1531 = tpu.vector_load %arg6[%parallel_loop3A_1530] {strides = array<i32>} : memref<32768xf32, #tpu.memory_space<vmem>>, vector<16xf32>,
      tpu.vector_store %arg6[%parallel_loop3A_1530], %parallel_loop3A_1527 {strides = array<i32>} : memref<32768xf32, #tpu.memory_space<vmem>>, vector<16xf32>,
      %parallel_loop3A_1532 = math.exp %parallel_loop3A_1496 : vector<16xf32>
      %parallel_loop3A_1533 = arith.constant 752 : i32
      %parallel_loop3A_1534 = arith.addi %parallel_loop3A_18, %parallel_loop3A_1533 : i32
      %parallel_loop3A_1535 = arith.index_cast %parallel_loop3A_1534 : i32 to index
      %parallel_loop3A_1536 = tpu.vector_load %arg6[%parallel_loop3A_1535] {strides = array<i32>} : memref<32768xf32, #tpu.memory_space<vmem>>, vector<16xf32>,
      tpu.vector_store %arg6[%parallel_loop3A_1535], %parallel_loop3A_1532 {strides = array<i32>} : memref<32768xf32, #tpu.memory_space<vmem>>, vector<16xf32>,
      %parallel_loop3A_1537 = arith.maximumf %parallel_loop3A_1468, %parallel_loop3A_1472 : vector<16xf32>
      %parallel_loop3A_1538 = arith.minimumf %parallel_loop3A_1468, %parallel_loop3A_1472 : vector<16xf32>
      %parallel_loop3A_1539 = arith.maximumf %parallel_loop3A_1476, %parallel_loop3A_1480 : vector<16xf32>
      %parallel_loop3A_1540 = arith.minimumf %parallel_loop3A_1476, %parallel_loop3A_1480 : vector<16xf32>
      %parallel_loop3A_1541 = arith.maximumf %parallel_loop3A_1484, %parallel_loop3A_1488 : vector<16xf32>
      %parallel_loop3A_1542 = arith.minimumf %parallel_loop3A_1484, %parallel_loop3A_1488 : vector<16xf32>
      %parallel_loop3A_1543 = arith.maximumf %parallel_loop3A_1492, %parallel_loop3A_1496 : vector<16xf32>
      %parallel_loop3A_1544 = arith.minimumf %parallel_loop3A_1492, %parallel_loop3A_1496 : vector<16xf32>
      %parallel_loop3A_1545 = arith.maximumf %parallel_loop3A_1537, %parallel_loop3A_1539 : vector<16xf32>
      %parallel_loop3A_1546 = arith.minimumf %parallel_loop3A_1537, %parallel_loop3A_1539 : vector<16xf32>
      %parallel_loop3A_1547 = arith.maximumf %parallel_loop3A_1538, %parallel_loop3A_1540 : vector<16xf32>
      %parallel_loop3A_1548 = arith.minimumf %parallel_loop3A_1538, %parallel_loop3A_1540 : vector<16xf32>
      %parallel_loop3A_1549 = arith.maximumf %parallel_loop3A_1541, %parallel_loop3A_1543 : vector<16xf32>
      %parallel_loop3A_1550 = arith.minimumf %parallel_loop3A_1541, %parallel_loop3A_1543 : vector<16xf32>
      %parallel_loop3A_1551 = arith.maximumf %parallel_loop3A_1542, %parallel_loop3A_1544 : vector<16xf32>
      %parallel_loop3A_1552 = arith.minimumf %parallel_loop3A_1542, %parallel_loop3A_1544 : vector<16xf32>
      %parallel_loop3A_1553 = arith.maximumf %parallel_loop3A_1547, %parallel_loop3A_1546 : vector<16xf32>
      %parallel_loop3A_1554 = arith.minimumf %parallel_loop3A_1547, %parallel_loop3A_1546 : vector<16xf32>
      %parallel_loop3A_1555 = arith.maximumf %parallel_loop3A_1551, %parallel_loop3A_1550 : vector<16xf32>
      %parallel_loop3A_1556 = arith.minimumf %parallel_loop3A_1551, %parallel_loop3A_1550 : vector<16xf32>
      %parallel_loop3A_1557 = arith.maximumf %parallel_loop3A_1545, %parallel_loop3A_1549 : vector<16xf32>
      %parallel_loop3A_1558 = arith.minimumf %parallel_loop3A_1545, %parallel_loop3A_1549 : vector<16xf32>
      %parallel_loop3A_1559 = arith.maximumf %parallel_loop3A_1553, %parallel_loop3A_1555 : vector<16xf32>
      %parallel_loop3A_1560 = arith.minimumf %parallel_loop3A_1553, %parallel_loop3A_1555 : vector<16xf32>
      %parallel_loop3A_1561 = arith.maximumf %parallel_loop3A_1554, %parallel_loop3A_1556 : vector<16xf32>
      %parallel_loop3A_1562 = arith.minimumf %parallel_loop3A_1554, %parallel_loop3A_1556 : vector<16xf32>
      %parallel_loop3A_1563 = arith.maximumf %parallel_loop3A_1548, %parallel_loop3A_1552 : vector<16xf32>
      %parallel_loop3A_1564 = arith.minimumf %parallel_loop3A_1548, %parallel_loop3A_1552 : vector<16xf32>
      %parallel_loop3A_1565 = arith.maximumf %parallel_loop3A_1561, %parallel_loop3A_1558 : vector<16xf32>
      %parallel_loop3A_1566 = arith.minimumf %parallel_loop3A_1561, %parallel_loop3A_1558 : vector<16xf32>
      %parallel_loop3A_1567 = arith.maximumf %parallel_loop3A_1563, %parallel_loop3A_1560 : vector<16xf32>
      %parallel_loop3A_1568 = arith.minimumf %parallel_loop3A_1563, %parallel_loop3A_1560 : vector<16xf32>
      %parallel_loop3A_1569 = arith.maximumf %parallel_loop3A_1559, %parallel_loop3A_1565 : vector<16xf32>
      %parallel_loop3A_1570 = arith.minimumf %parallel_loop3A_1559, %parallel_loop3A_1565 : vector<16xf32>
      %parallel_loop3A_1571 = arith.maximumf %parallel_loop3A_1567, %parallel_loop3A_1566 : vector<16xf32>
      %parallel_loop3A_1572 = arith.minimumf %parallel_loop3A_1567, %parallel_loop3A_1566 : vector<16xf32>
      %parallel_loop3A_1573 = arith.maximumf %parallel_loop3A_1568, %parallel_loop3A_1562 : vector<16xf32>
      %parallel_loop3A_1574 = arith.minimumf %parallel_loop3A_1568, %parallel_loop3A_1562 : vector<16xf32>
      %parallel_loop3A_1575 = arith.maximumf %parallel_loop3A_1457, %parallel_loop3A_1564 : vector<16xf32>
      %parallel_loop3A_1576 = arith.maximumf %parallel_loop3A_1458, %parallel_loop3A_1574 : vector<16xf32>
      %parallel_loop3A_1577 = arith.maximumf %parallel_loop3A_1459, %parallel_loop3A_1573 : vector<16xf32>
      %parallel_loop3A_1578 = arith.maximumf %parallel_loop3A_1460, %parallel_loop3A_1572 : vector<16xf32>
      %parallel_loop3A_1579 = arith.maximumf %parallel_loop3A_1461, %parallel_loop3A_1571 : vector<16xf32>
      %parallel_loop3A_1580 = arith.maximumf %parallel_loop3A_1462, %parallel_loop3A_1570 : vector<16xf32>
      %parallel_loop3A_1581 = arith.maximumf %parallel_loop3A_1463, %parallel_loop3A_1569 : vector<16xf32>
      %parallel_loop3A_1582 = arith.maximumf %parallel_loop3A_1464, %parallel_loop3A_1557 : vector<16xf32>
      %parallel_loop3A_1583 = arith.maximumf %parallel_loop3A_1575, %parallel_loop3A_1579 : vector<16xf32>
      %parallel_loop3A_1584 = arith.minimumf %parallel_loop3A_1575, %parallel_loop3A_1579 : vector<16xf32>
      %parallel_loop3A_1585 = arith.maximumf %parallel_loop3A_1576, %parallel_loop3A_1580 : vector<16xf32>
      %parallel_loop3A_1586 = arith.minimumf %parallel_loop3A_1576, %parallel_loop3A_1580 : vector<16xf32>
      %parallel_loop3A_1587 = arith.maximumf %parallel_loop3A_1577, %parallel_loop3A_1581 : vector<16xf32>
      %parallel_loop3A_1588 = arith.minimumf %parallel_loop3A_1577, %parallel_loop3A_1581 : vector<16xf32>
      %parallel_loop3A_1589 = arith.maximumf %parallel_loop3A_1578, %parallel_loop3A_1582 : vector<16xf32>
      %parallel_loop3A_1590 = arith.minimumf %parallel_loop3A_1578, %parallel_loop3A_1582 : vector<16xf32>
      %parallel_loop3A_1591 = arith.maximumf %parallel_loop3A_1583, %parallel_loop3A_1587 : vector<16xf32>
      %parallel_loop3A_1592 = arith.minimumf %parallel_loop3A_1583, %parallel_loop3A_1587 : vector<16xf32>
      %parallel_loop3A_1593 = arith.maximumf %parallel_loop3A_1585, %parallel_loop3A_1589 : vector<16xf32>
      %parallel_loop3A_1594 = arith.minimumf %parallel_loop3A_1585, %parallel_loop3A_1589 : vector<16xf32>
      %parallel_loop3A_1595 = arith.maximumf %parallel_loop3A_1584, %parallel_loop3A_1588 : vector<16xf32>
      %parallel_loop3A_1596 = arith.minimumf %parallel_loop3A_1584, %parallel_loop3A_1588 : vector<16xf32>
      %parallel_loop3A_1597 = arith.maximumf %parallel_loop3A_1586, %parallel_loop3A_1590 : vector<16xf32>
      %parallel_loop3A_1598 = arith.minimumf %parallel_loop3A_1586, %parallel_loop3A_1590 : vector<16xf32>
      %parallel_loop3A_1599 = arith.maximumf %parallel_loop3A_1591, %parallel_loop3A_1593 : vector<16xf32>
      %parallel_loop3A_1600 = arith.minimumf %parallel_loop3A_1591, %parallel_loop3A_1593 : vector<16xf32>
      %parallel_loop3A_1601 = arith.maximumf %parallel_loop3A_1592, %parallel_loop3A_1594 : vector<16xf32>
      %parallel_loop3A_1602 = arith.minimumf %parallel_loop3A_1592, %parallel_loop3A_1594 : vector<16xf32>
      %parallel_loop3A_1603 = arith.maximumf %parallel_loop3A_1595, %parallel_loop3A_1597 : vector<16xf32>
      %parallel_loop3A_1604 = arith.minimumf %parallel_loop3A_1595, %parallel_loop3A_1597 : vector<16xf32>
      %parallel_loop3A_1605 = arith.maximumf %parallel_loop3A_1596, %parallel_loop3A_1598 : vector<16xf32>
      %parallel_loop3A_1606 = arith.minimumf %parallel_loop3A_1596, %parallel_loop3A_1598 : vector<16xf32>
      %parallel_loop3A_1607 = arith.constant 24576 : i32
      %parallel_loop3A_1608 = arith.addi %parallel_loop3A_1607, %parallel_loop3A_16 : i32
      %parallel_loop3A_1609 = arith.index_cast %parallel_loop3A_1608 : i32 to index
      %parallel_loop3A_1610 = tpu.vector_load %arg5[%parallel_loop3A_1609] {strides = array<i32>} : memref<32768xf32, #tpu.memory_space<vmem>>, vector<16xf32>,
      %parallel_loop3A_1611 = arith.constant 25088 : i32
      %parallel_loop3A_1612 = arith.addi %parallel_loop3A_1611, %parallel_loop3A_16 : i32
      %parallel_loop3A_1613 = arith.index_cast %parallel_loop3A_1612 : i32 to index
      %parallel_loop3A_1614 = tpu.vector_load %arg5[%parallel_loop3A_1613] {strides = array<i32>} : memref<32768xf32, #tpu.memory_space<vmem>>, vector<16xf32>,
      %parallel_loop3A_1615 = arith.constant 25600 : i32
      %parallel_loop3A_1616 = arith.addi %parallel_loop3A_1615, %parallel_loop3A_16 : i32
      %parallel_loop3A_1617 = arith.index_cast %parallel_loop3A_1616 : i32 to index
      %parallel_loop3A_1618 = tpu.vector_load %arg5[%parallel_loop3A_1617] {strides = array<i32>} : memref<32768xf32, #tpu.memory_space<vmem>>, vector<16xf32>,
      %parallel_loop3A_1619 = arith.constant 26112 : i32
      %parallel_loop3A_1620 = arith.addi %parallel_loop3A_1619, %parallel_loop3A_16 : i32
      %parallel_loop3A_1621 = arith.index_cast %parallel_loop3A_1620 : i32 to index
      %parallel_loop3A_1622 = tpu.vector_load %arg5[%parallel_loop3A_1621] {strides = array<i32>} : memref<32768xf32, #tpu.memory_space<vmem>>, vector<16xf32>,
      %parallel_loop3A_1623 = arith.constant 26624 : i32
      %parallel_loop3A_1624 = arith.addi %parallel_loop3A_1623, %parallel_loop3A_16 : i32
      %parallel_loop3A_1625 = arith.index_cast %parallel_loop3A_1624 : i32 to index
      %parallel_loop3A_1626 = tpu.vector_load %arg5[%parallel_loop3A_1625] {strides = array<i32>} : memref<32768xf32, #tpu.memory_space<vmem>>, vector<16xf32>,
      %parallel_loop3A_1627 = arith.constant 27136 : i32
      %parallel_loop3A_1628 = arith.addi %parallel_loop3A_1627, %parallel_loop3A_16 : i32
      %parallel_loop3A_1629 = arith.index_cast %parallel_loop3A_1628 : i32 to index
      %parallel_loop3A_1630 = tpu.vector_load %arg5[%parallel_loop3A_1629] {strides = array<i32>} : memref<32768xf32, #tpu.memory_space<vmem>>, vector<16xf32>,
      %parallel_loop3A_1631 = arith.constant 27648 : i32
      %parallel_loop3A_1632 = arith.addi %parallel_loop3A_1631, %parallel_loop3A_16 : i32
      %parallel_loop3A_1633 = arith.index_cast %parallel_loop3A_1632 : i32 to index
      %parallel_loop3A_1634 = tpu.vector_load %arg5[%parallel_loop3A_1633] {strides = array<i32>} : memref<32768xf32, #tpu.memory_space<vmem>>, vector<16xf32>,
      %parallel_loop3A_1635 = arith.constant 28160 : i32
      %parallel_loop3A_1636 = arith.addi %parallel_loop3A_1635, %parallel_loop3A_16 : i32
      %parallel_loop3A_1637 = arith.index_cast %parallel_loop3A_1636 : i32 to index
      %parallel_loop3A_1638 = tpu.vector_load %arg5[%parallel_loop3A_1637] {strides = array<i32>} : memref<32768xf32, #tpu.memory_space<vmem>>, vector<16xf32>,
      %parallel_loop3A_1639 = math.exp %parallel_loop3A_1610 : vector<16xf32>
      %parallel_loop3A_1640 = arith.constant 768 : i32
      %parallel_loop3A_1641 = arith.addi %parallel_loop3A_18, %parallel_loop3A_1640 : i32
      %parallel_loop3A_1642 = arith.index_cast %parallel_loop3A_1641 : i32 to index
      %parallel_loop3A_1643 = tpu.vector_load %arg6[%parallel_loop3A_1642] {strides = array<i32>} : memref<32768xf32, #tpu.memory_space<vmem>>, vector<16xf32>,
      tpu.vector_store %arg6[%parallel_loop3A_1642], %parallel_loop3A_1639 {strides = array<i32>} : memref<32768xf32, #tpu.memory_space<vmem>>, vector<16xf32>,
      %parallel_loop3A_1644 = math.exp %parallel_loop3A_1614 : vector<16xf32>
      %parallel_loop3A_1645 = arith.constant 784 : i32
      %parallel_loop3A_1646 = arith.addi %parallel_loop3A_18, %parallel_loop3A_1645 : i32
      %parallel_loop3A_1647 = arith.index_cast %parallel_loop3A_1646 : i32 to index
      %parallel_loop3A_1648 = tpu.vector_load %arg6[%parallel_loop3A_1647] {strides = array<i32>} : memref<32768xf32, #tpu.memory_space<vmem>>, vector<16xf32>,
      tpu.vector_store %arg6[%parallel_loop3A_1647], %parallel_loop3A_1644 {strides = array<i32>} : memref<32768xf32, #tpu.memory_space<vmem>>, vector<16xf32>,
      %parallel_loop3A_1649 = math.exp %parallel_loop3A_1618 : vector<16xf32>
      %parallel_loop3A_1650 = arith.constant 800 : i32
      %parallel_loop3A_1651 = arith.addi %parallel_loop3A_18, %parallel_loop3A_1650 : i32
      %parallel_loop3A_1652 = arith.index_cast %parallel_loop3A_1651 : i32 to index
      %parallel_loop3A_1653 = tpu.vector_load %arg6[%parallel_loop3A_1652] {strides = array<i32>} : memref<32768xf32, #tpu.memory_space<vmem>>, vector<16xf32>,
      tpu.vector_store %arg6[%parallel_loop3A_1652], %parallel_loop3A_1649 {strides = array<i32>} : memref<32768xf32, #tpu.memory_space<vmem>>, vector<16xf32>,
      %parallel_loop3A_1654 = math.exp %parallel_loop3A_1622 : vector<16xf32>
      %parallel_loop3A_1655 = arith.constant 816 : i32
      %parallel_loop3A_1656 = arith.addi %parallel_loop3A_18, %parallel_loop3A_1655 : i32
      %parallel_loop3A_1657 = arith.index_cast %parallel_loop3A_1656 : i32 to index
      %parallel_loop3A_1658 = tpu.vector_load %arg6[%parallel_loop3A_1657] {strides = array<i32>} : memref<32768xf32, #tpu.memory_space<vmem>>, vector<16xf32>,
      tpu.vector_store %arg6[%parallel_loop3A_1657], %parallel_loop3A_1654 {strides = array<i32>} : memref<32768xf32, #tpu.memory_space<vmem>>, vector<16xf32>,
      %parallel_loop3A_1659 = math.exp %parallel_loop3A_1626 : vector<16xf32>
      %parallel_loop3A_1660 = arith.constant 832 : i32
      %parallel_loop3A_1661 = arith.addi %parallel_loop3A_18, %parallel_loop3A_1660 : i32
      %parallel_loop3A_1662 = arith.index_cast %parallel_loop3A_1661 : i32 to index
      %parallel_loop3A_1663 = tpu.vector_load %arg6[%parallel_loop3A_1662] {strides = array<i32>} : memref<32768xf32, #tpu.memory_space<vmem>>, vector<16xf32>,
      tpu.vector_store %arg6[%parallel_loop3A_1662], %parallel_loop3A_1659 {strides = array<i32>} : memref<32768xf32, #tpu.memory_space<vmem>>, vector<16xf32>,
      %parallel_loop3A_1664 = math.exp %parallel_loop3A_1630 : vector<16xf32>
      %parallel_loop3A_1665 = arith.constant 848 : i32
      %parallel_loop3A_1666 = arith.addi %parallel_loop3A_18, %parallel_loop3A_1665 : i32
      %parallel_loop3A_1667 = arith.index_cast %parallel_loop3A_1666 : i32 to index
      %parallel_loop3A_1668 = tpu.vector_load %arg6[%parallel_loop3A_1667] {strides = array<i32>} : memref<32768xf32, #tpu.memory_space<vmem>>, vector<16xf32>,
      tpu.vector_store %arg6[%parallel_loop3A_1667], %parallel_loop3A_1664 {strides = array<i32>} : memref<32768xf32, #tpu.memory_space<vmem>>, vector<16xf32>,
      %parallel_loop3A_1669 = math.exp %parallel_loop3A_1634 : vector<16xf32>
      %parallel_loop3A_1670 = arith.constant 864 : i32
      %parallel_loop3A_1671 = arith.addi %parallel_loop3A_18, %parallel_loop3A_1670 : i32
      %parallel_loop3A_1672 = arith.index_cast %parallel_loop3A_1671 : i32 to index
      %parallel_loop3A_1673 = tpu.vector_load %arg6[%parallel_loop3A_1672] {strides = array<i32>} : memref<32768xf32, #tpu.memory_space<vmem>>, vector<16xf32>,
      tpu.vector_store %arg6[%parallel_loop3A_1672], %parallel_loop3A_1669 {strides = array<i32>} : memref<32768xf32, #tpu.memory_space<vmem>>, vector<16xf32>,
      %parallel_loop3A_1674 = math.exp %parallel_loop3A_1638 : vector<16xf32>
      %parallel_loop3A_1675 = arith.constant 880 : i32
      %parallel_loop3A_1676 = arith.addi %parallel_loop3A_18, %parallel_loop3A_1675 : i32
      %parallel_loop3A_1677 = arith.index_cast %parallel_loop3A_1676 : i32 to index
      %parallel_loop3A_1678 = tpu.vector_load %arg6[%parallel_loop3A_1677] {strides = array<i32>} : memref<32768xf32, #tpu.memory_space<vmem>>, vector<16xf32>,
      tpu.vector_store %arg6[%parallel_loop3A_1677], %parallel_loop3A_1674 {strides = array<i32>} : memref<32768xf32, #tpu.memory_space<vmem>>, vector<16xf32>,
      %parallel_loop3A_1679 = arith.maximumf %parallel_loop3A_1610, %parallel_loop3A_1614 : vector<16xf32>
      %parallel_loop3A_1680 = arith.minimumf %parallel_loop3A_1610, %parallel_loop3A_1614 : vector<16xf32>
      %parallel_loop3A_1681 = arith.maximumf %parallel_loop3A_1618, %parallel_loop3A_1622 : vector<16xf32>
      %parallel_loop3A_1682 = arith.minimumf %parallel_loop3A_1618, %parallel_loop3A_1622 : vector<16xf32>
      %parallel_loop3A_1683 = arith.maximumf %parallel_loop3A_1626, %parallel_loop3A_1630 : vector<16xf32>
      %parallel_loop3A_1684 = arith.minimumf %parallel_loop3A_1626, %parallel_loop3A_1630 : vector<16xf32>
      %parallel_loop3A_1685 = arith.maximumf %parallel_loop3A_1634, %parallel_loop3A_1638 : vector<16xf32>
      %parallel_loop3A_1686 = arith.minimumf %parallel_loop3A_1634, %parallel_loop3A_1638 : vector<16xf32>
      %parallel_loop3A_1687 = arith.maximumf %parallel_loop3A_1679, %parallel_loop3A_1681 : vector<16xf32>
      %parallel_loop3A_1688 = arith.minimumf %parallel_loop3A_1679, %parallel_loop3A_1681 : vector<16xf32>
      %parallel_loop3A_1689 = arith.maximumf %parallel_loop3A_1680, %parallel_loop3A_1682 : vector<16xf32>
      %parallel_loop3A_1690 = arith.minimumf %parallel_loop3A_1680, %parallel_loop3A_1682 : vector<16xf32>
      %parallel_loop3A_1691 = arith.maximumf %parallel_loop3A_1683, %parallel_loop3A_1685 : vector<16xf32>
      %parallel_loop3A_1692 = arith.minimumf %parallel_loop3A_1683, %parallel_loop3A_1685 : vector<16xf32>
      %parallel_loop3A_1693 = arith.maximumf %parallel_loop3A_1684, %parallel_loop3A_1686 : vector<16xf32>
      %parallel_loop3A_1694 = arith.minimumf %parallel_loop3A_1684, %parallel_loop3A_1686 : vector<16xf32>
      %parallel_loop3A_1695 = arith.maximumf %parallel_loop3A_1689, %parallel_loop3A_1688 : vector<16xf32>
      %parallel_loop3A_1696 = arith.minimumf %parallel_loop3A_1689, %parallel_loop3A_1688 : vector<16xf32>
      %parallel_loop3A_1697 = arith.maximumf %parallel_loop3A_1693, %parallel_loop3A_1692 : vector<16xf32>
      %parallel_loop3A_1698 = arith.minimumf %parallel_loop3A_1693, %parallel_loop3A_1692 : vector<16xf32>
      %parallel_loop3A_1699 = arith.maximumf %parallel_loop3A_1687, %parallel_loop3A_1691 : vector<16xf32>
      %parallel_loop3A_1700 = arith.minimumf %parallel_loop3A_1687, %parallel_loop3A_1691 : vector<16xf32>
      %parallel_loop3A_1701 = arith.maximumf %parallel_loop3A_1695, %parallel_loop3A_1697 : vector<16xf32>
      %parallel_loop3A_1702 = arith.minimumf %parallel_loop3A_1695, %parallel_loop3A_1697 : vector<16xf32>
      %parallel_loop3A_1703 = arith.maximumf %parallel_loop3A_1696, %parallel_loop3A_1698 : vector<16xf32>
      %parallel_loop3A_1704 = arith.minimumf %parallel_loop3A_1696, %parallel_loop3A_1698 : vector<16xf32>
      %parallel_loop3A_1705 = arith.maximumf %parallel_loop3A_1690, %parallel_loop3A_1694 : vector<16xf32>
      %parallel_loop3A_1706 = arith.minimumf %parallel_loop3A_1690, %parallel_loop3A_1694 : vector<16xf32>
      %parallel_loop3A_1707 = arith.maximumf %parallel_loop3A_1703, %parallel_loop3A_1700 : vector<16xf32>
      %parallel_loop3A_1708 = arith.minimumf %parallel_loop3A_1703, %parallel_loop3A_1700 : vector<16xf32>
      %parallel_loop3A_1709 = arith.maximumf %parallel_loop3A_1705, %parallel_loop3A_1702 : vector<16xf32>
      %parallel_loop3A_1710 = arith.minimumf %parallel_loop3A_1705, %parallel_loop3A_1702 : vector<16xf32>
      %parallel_loop3A_1711 = arith.maximumf %parallel_loop3A_1701, %parallel_loop3A_1707 : vector<16xf32>
      %parallel_loop3A_1712 = arith.minimumf %parallel_loop3A_1701, %parallel_loop3A_1707 : vector<16xf32>
      %parallel_loop3A_1713 = arith.maximumf %parallel_loop3A_1709, %parallel_loop3A_1708 : vector<16xf32>
      %parallel_loop3A_1714 = arith.minimumf %parallel_loop3A_1709, %parallel_loop3A_1708 : vector<16xf32>
      %parallel_loop3A_1715 = arith.maximumf %parallel_loop3A_1710, %parallel_loop3A_1704 : vector<16xf32>
      %parallel_loop3A_1716 = arith.minimumf %parallel_loop3A_1710, %parallel_loop3A_1704 : vector<16xf32>
      %parallel_loop3A_1717 = arith.maximumf %parallel_loop3A_1599, %parallel_loop3A_1706 : vector<16xf32>
      %parallel_loop3A_1718 = arith.maximumf %parallel_loop3A_1600, %parallel_loop3A_1716 : vector<16xf32>
      %parallel_loop3A_1719 = arith.maximumf %parallel_loop3A_1601, %parallel_loop3A_1715 : vector<16xf32>
      %parallel_loop3A_1720 = arith.maximumf %parallel_loop3A_1602, %parallel_loop3A_1714 : vector<16xf32>
      %parallel_loop3A_1721 = arith.maximumf %parallel_loop3A_1603, %parallel_loop3A_1713 : vector<16xf32>
      %parallel_loop3A_1722 = arith.maximumf %parallel_loop3A_1604, %parallel_loop3A_1712 : vector<16xf32>
      %parallel_loop3A_1723 = arith.maximumf %parallel_loop3A_1605, %parallel_loop3A_1711 : vector<16xf32>
      %parallel_loop3A_1724 = arith.maximumf %parallel_loop3A_1606, %parallel_loop3A_1699 : vector<16xf32>
      %parallel_loop3A_1725 = arith.maximumf %parallel_loop3A_1717, %parallel_loop3A_1721 : vector<16xf32>
      %parallel_loop3A_1726 = arith.minimumf %parallel_loop3A_1717, %parallel_loop3A_1721 : vector<16xf32>
      %parallel_loop3A_1727 = arith.maximumf %parallel_loop3A_1718, %parallel_loop3A_1722 : vector<16xf32>
      %parallel_loop3A_1728 = arith.minimumf %parallel_loop3A_1718, %parallel_loop3A_1722 : vector<16xf32>
      %parallel_loop3A_1729 = arith.maximumf %parallel_loop3A_1719, %parallel_loop3A_1723 : vector<16xf32>
      %parallel_loop3A_1730 = arith.minimumf %parallel_loop3A_1719, %parallel_loop3A_1723 : vector<16xf32>
      %parallel_loop3A_1731 = arith.maximumf %parallel_loop3A_1720, %parallel_loop3A_1724 : vector<16xf32>
      %parallel_loop3A_1732 = arith.minimumf %parallel_loop3A_1720, %parallel_loop3A_1724 : vector<16xf32>
      %parallel_loop3A_1733 = arith.maximumf %parallel_loop3A_1725, %parallel_loop3A_1729 : vector<16xf32>
      %parallel_loop3A_1734 = arith.minimumf %parallel_loop3A_1725, %parallel_loop3A_1729 : vector<16xf32>
      %parallel_loop3A_1735 = arith.maximumf %parallel_loop3A_1727, %parallel_loop3A_1731 : vector<16xf32>
      %parallel_loop3A_1736 = arith.minimumf %parallel_loop3A_1727, %parallel_loop3A_1731 : vector<16xf32>
      %parallel_loop3A_1737 = arith.maximumf %parallel_loop3A_1726, %parallel_loop3A_1730 : vector<16xf32>
      %parallel_loop3A_1738 = arith.minimumf %parallel_loop3A_1726, %parallel_loop3A_1730 : vector<16xf32>
      %parallel_loop3A_1739 = arith.maximumf %parallel_loop3A_1728, %parallel_loop3A_1732 : vector<16xf32>
      %parallel_loop3A_1740 = arith.minimumf %parallel_loop3A_1728, %parallel_loop3A_1732 : vector<16xf32>
      %parallel_loop3A_1741 = arith.maximumf %parallel_loop3A_1733, %parallel_loop3A_1735 : vector<16xf32>
      %parallel_loop3A_1742 = arith.minimumf %parallel_loop3A_1733, %parallel_loop3A_1735 : vector<16xf32>
      %parallel_loop3A_1743 = arith.maximumf %parallel_loop3A_1734, %parallel_loop3A_1736 : vector<16xf32>
      %parallel_loop3A_1744 = arith.minimumf %parallel_loop3A_1734, %parallel_loop3A_1736 : vector<16xf32>
      %parallel_loop3A_1745 = arith.maximumf %parallel_loop3A_1737, %parallel_loop3A_1739 : vector<16xf32>
      %parallel_loop3A_1746 = arith.minimumf %parallel_loop3A_1737, %parallel_loop3A_1739 : vector<16xf32>
      %parallel_loop3A_1747 = arith.maximumf %parallel_loop3A_1738, %parallel_loop3A_1740 : vector<16xf32>
      %parallel_loop3A_1748 = arith.minimumf %parallel_loop3A_1738, %parallel_loop3A_1740 : vector<16xf32>
      %parallel_loop3A_1749 = arith.constant 28672 : i32
      %parallel_loop3A_1750 = arith.addi %parallel_loop3A_1749, %parallel_loop3A_16 : i32
      %parallel_loop3A_1751 = arith.index_cast %parallel_loop3A_1750 : i32 to index
      %parallel_loop3A_1752 = tpu.vector_load %arg5[%parallel_loop3A_1751] {strides = array<i32>} : memref<32768xf32, #tpu.memory_space<vmem>>, vector<16xf32>,
      %parallel_loop3A_1753 = arith.constant 29184 : i32
      %parallel_loop3A_1754 = arith.addi %parallel_loop3A_1753, %parallel_loop3A_16 : i32
      %parallel_loop3A_1755 = arith.index_cast %parallel_loop3A_1754 : i32 to index
      %parallel_loop3A_1756 = tpu.vector_load %arg5[%parallel_loop3A_1755] {strides = array<i32>} : memref<32768xf32, #tpu.memory_space<vmem>>, vector<16xf32>,
      %parallel_loop3A_1757 = arith.constant 29696 : i32
      %parallel_loop3A_1758 = arith.addi %parallel_loop3A_1757, %parallel_loop3A_16 : i32
      %parallel_loop3A_1759 = arith.index_cast %parallel_loop3A_1758 : i32 to index
      %parallel_loop3A_1760 = tpu.vector_load %arg5[%parallel_loop3A_1759] {strides = array<i32>} : memref<32768xf32, #tpu.memory_space<vmem>>, vector<16xf32>,
      %parallel_loop3A_1761 = arith.constant 30208 : i32
      %parallel_loop3A_1762 = arith.addi %parallel_loop3A_1761, %parallel_loop3A_16 : i32
      %parallel_loop3A_1763 = arith.index_cast %parallel_loop3A_1762 : i32 to index
      %parallel_loop3A_1764 = tpu.vector_load %arg5[%parallel_loop3A_1763] {strides = array<i32>} : memref<32768xf32, #tpu.memory_space<vmem>>, vector<16xf32>,
      %parallel_loop3A_1765 = arith.constant 30720 : i32
      %parallel_loop3A_1766 = arith.addi %parallel_loop3A_1765, %parallel_loop3A_16 : i32
      %parallel_loop3A_1767 = arith.index_cast %parallel_loop3A_1766 : i32 to index
      %parallel_loop3A_1768 = tpu.vector_load %arg5[%parallel_loop3A_1767] {strides = array<i32>} : memref<32768xf32, #tpu.memory_space<vmem>>, vector<16xf32>,
      %parallel_loop3A_1769 = arith.constant 31232 : i32
      %parallel_loop3A_1770 = arith.addi %parallel_loop3A_1769, %parallel_loop3A_16 : i32
      %parallel_loop3A_1771 = arith.index_cast %parallel_loop3A_1770 : i32 to index
      %parallel_loop3A_1772 = tpu.vector_load %arg5[%parallel_loop3A_1771] {strides = array<i32>} : memref<32768xf32, #tpu.memory_space<vmem>>, vector<16xf32>,
      %parallel_loop3A_1773 = arith.constant 31744 : i32
      %parallel_loop3A_1774 = arith.addi %parallel_loop3A_1773, %parallel_loop3A_16 : i32
      %parallel_loop3A_1775 = arith.index_cast %parallel_loop3A_1774 : i32 to index
      %parallel_loop3A_1776 = tpu.vector_load %arg5[%parallel_loop3A_1775] {strides = array<i32>} : memref<32768xf32, #tpu.memory_space<vmem>>, vector<16xf32>,
      %parallel_loop3A_1777 = arith.constant 32256 : i32
      %parallel_loop3A_1778 = arith.addi %parallel_loop3A_1777, %parallel_loop3A_16 : i32
      %parallel_loop3A_1779 = arith.index_cast %parallel_loop3A_1778 : i32 to index
      %parallel_loop3A_1780 = tpu.vector_load %arg5[%parallel_loop3A_1779] {strides = array<i32>} : memref<32768xf32, #tpu.memory_space<vmem>>, vector<16xf32>,
      %parallel_loop3A_1781 = math.exp %parallel_loop3A_1752 : vector<16xf32>
      %parallel_loop3A_1782 = arith.constant 896 : i32
      %parallel_loop3A_1783 = arith.addi %parallel_loop3A_18, %parallel_loop3A_1782 : i32
      %parallel_loop3A_1784 = arith.index_cast %parallel_loop3A_1783 : i32 to index
      %parallel_loop3A_1785 = tpu.vector_load %arg6[%parallel_loop3A_1784] {strides = array<i32>} : memref<32768xf32, #tpu.memory_space<vmem>>, vector<16xf32>,
      tpu.vector_store %arg6[%parallel_loop3A_1784], %parallel_loop3A_1781 {strides = array<i32>} : memref<32768xf32, #tpu.memory_space<vmem>>, vector<16xf32>,
      %parallel_loop3A_1786 = math.exp %parallel_loop3A_1756 : vector<16xf32>
      %parallel_loop3A_1787 = arith.constant 912 : i32
      %parallel_loop3A_1788 = arith.addi %parallel_loop3A_18, %parallel_loop3A_1787 : i32
      %parallel_loop3A_1789 = arith.index_cast %parallel_loop3A_1788 : i32 to index
      %parallel_loop3A_1790 = tpu.vector_load %arg6[%parallel_loop3A_1789] {strides = array<i32>} : memref<32768xf32, #tpu.memory_space<vmem>>, vector<16xf32>,
      tpu.vector_store %arg6[%parallel_loop3A_1789], %parallel_loop3A_1786 {strides = array<i32>} : memref<32768xf32, #tpu.memory_space<vmem>>, vector<16xf32>,
      %parallel_loop3A_1791 = math.exp %parallel_loop3A_1760 : vector<16xf32>
      %parallel_loop3A_1792 = arith.constant 928 : i32
      %parallel_loop3A_1793 = arith.addi %parallel_loop3A_18, %parallel_loop3A_1792 : i32
      %parallel_loop3A_1794 = arith.index_cast %parallel_loop3A_1793 : i32 to index
      %parallel_loop3A_1795 = tpu.vector_load %arg6[%parallel_loop3A_1794] {strides = array<i32>} : memref<32768xf32, #tpu.memory_space<vmem>>, vector<16xf32>,
      tpu.vector_store %arg6[%parallel_loop3A_1794], %parallel_loop3A_1791 {strides = array<i32>} : memref<32768xf32, #tpu.memory_space<vmem>>, vector<16xf32>,
      %parallel_loop3A_1796 = math.exp %parallel_loop3A_1764 : vector<16xf32>
      %parallel_loop3A_1797 = arith.constant 944 : i32
      %parallel_loop3A_1798 = arith.addi %parallel_loop3A_18, %parallel_loop3A_1797 : i32
      %parallel_loop3A_1799 = arith.index_cast %parallel_loop3A_1798 : i32 to index
      %parallel_loop3A_1800 = tpu.vector_load %arg6[%parallel_loop3A_1799] {strides = array<i32>} : memref<32768xf32, #tpu.memory_space<vmem>>, vector<16xf32>,
      tpu.vector_store %arg6[%parallel_loop3A_1799], %parallel_loop3A_1796 {strides = array<i32>} : memref<32768xf32, #tpu.memory_space<vmem>>, vector<16xf32>,
      %parallel_loop3A_1801 = math.exp %parallel_loop3A_1768 : vector<16xf32>
      %parallel_loop3A_1802 = arith.constant 960 : i32
      %parallel_loop3A_1803 = arith.addi %parallel_loop3A_18, %parallel_loop3A_1802 : i32
      %parallel_loop3A_1804 = arith.index_cast %parallel_loop3A_1803 : i32 to index
      %parallel_loop3A_1805 = tpu.vector_load %arg6[%parallel_loop3A_1804] {strides = array<i32>} : memref<32768xf32, #tpu.memory_space<vmem>>, vector<16xf32>,
      tpu.vector_store %arg6[%parallel_loop3A_1804], %parallel_loop3A_1801 {strides = array<i32>} : memref<32768xf32, #tpu.memory_space<vmem>>, vector<16xf32>,
      %parallel_loop3A_1806 = math.exp %parallel_loop3A_1772 : vector<16xf32>
      %parallel_loop3A_1807 = arith.constant 976 : i32
      %parallel_loop3A_1808 = arith.addi %parallel_loop3A_18, %parallel_loop3A_1807 : i32
      %parallel_loop3A_1809 = arith.index_cast %parallel_loop3A_1808 : i32 to index
      %parallel_loop3A_1810 = tpu.vector_load %arg6[%parallel_loop3A_1809] {strides = array<i32>} : memref<32768xf32, #tpu.memory_space<vmem>>, vector<16xf32>,
      tpu.vector_store %arg6[%parallel_loop3A_1809], %parallel_loop3A_1806 {strides = array<i32>} : memref<32768xf32, #tpu.memory_space<vmem>>, vector<16xf32>,
      %parallel_loop3A_1811 = math.exp %parallel_loop3A_1776 : vector<16xf32>
      %parallel_loop3A_1812 = arith.constant 992 : i32
      %parallel_loop3A_1813 = arith.addi %parallel_loop3A_18, %parallel_loop3A_1812 : i32
      %parallel_loop3A_1814 = arith.index_cast %parallel_loop3A_1813 : i32 to index
      %parallel_loop3A_1815 = tpu.vector_load %arg6[%parallel_loop3A_1814] {strides = array<i32>} : memref<32768xf32, #tpu.memory_space<vmem>>, vector<16xf32>,
      tpu.vector_store %arg6[%parallel_loop3A_1814], %parallel_loop3A_1811 {strides = array<i32>} : memref<32768xf32, #tpu.memory_space<vmem>>, vector<16xf32>,
      %parallel_loop3A_1816 = math.exp %parallel_loop3A_1780 : vector<16xf32>
      %parallel_loop3A_1817 = arith.constant 1008 : i32
      %parallel_loop3A_1818 = arith.addi %parallel_loop3A_18, %parallel_loop3A_1817 : i32
      %parallel_loop3A_1819 = arith.index_cast %parallel_loop3A_1818 : i32 to index
      %parallel_loop3A_1820 = tpu.vector_load %arg6[%parallel_loop3A_1819] {strides = array<i32>} : memref<32768xf32, #tpu.memory_space<vmem>>, vector<16xf32>,
      tpu.vector_store %arg6[%parallel_loop3A_1819], %parallel_loop3A_1816 {strides = array<i32>} : memref<32768xf32, #tpu.memory_space<vmem>>, vector<16xf32>,
      %parallel_loop3A_1821 = arith.maximumf %parallel_loop3A_1752, %parallel_loop3A_1756 : vector<16xf32>
      %parallel_loop3A_1822 = arith.minimumf %parallel_loop3A_1752, %parallel_loop3A_1756 : vector<16xf32>
      %parallel_loop3A_1823 = arith.maximumf %parallel_loop3A_1760, %parallel_loop3A_1764 : vector<16xf32>
      %parallel_loop3A_1824 = arith.minimumf %parallel_loop3A_1760, %parallel_loop3A_1764 : vector<16xf32>
      %parallel_loop3A_1825 = arith.maximumf %parallel_loop3A_1768, %parallel_loop3A_1772 : vector<16xf32>
      %parallel_loop3A_1826 = arith.minimumf %parallel_loop3A_1768, %parallel_loop3A_1772 : vector<16xf32>
      %parallel_loop3A_1827 = arith.maximumf %parallel_loop3A_1776, %parallel_loop3A_1780 : vector<16xf32>
      %parallel_loop3A_1828 = arith.minimumf %parallel_loop3A_1776, %parallel_loop3A_1780 : vector<16xf32>
      %parallel_loop3A_1829 = arith.maximumf %parallel_loop3A_1821, %parallel_loop3A_1823 : vector<16xf32>
      %parallel_loop3A_1830 = arith.minimumf %parallel_loop3A_1821, %parallel_loop3A_1823 : vector<16xf32>
      %parallel_loop3A_1831 = arith.maximumf %parallel_loop3A_1822, %parallel_loop3A_1824 : vector<16xf32>
      %parallel_loop3A_1832 = arith.minimumf %parallel_loop3A_1822, %parallel_loop3A_1824 : vector<16xf32>
      %parallel_loop3A_1833 = arith.maximumf %parallel_loop3A_1825, %parallel_loop3A_1827 : vector<16xf32>
      %parallel_loop3A_1834 = arith.minimumf %parallel_loop3A_1825, %parallel_loop3A_1827 : vector<16xf32>
      %parallel_loop3A_1835 = arith.maximumf %parallel_loop3A_1826, %parallel_loop3A_1828 : vector<16xf32>
      %parallel_loop3A_1836 = arith.minimumf %parallel_loop3A_1826, %parallel_loop3A_1828 : vector<16xf32>
      %parallel_loop3A_1837 = arith.maximumf %parallel_loop3A_1831, %parallel_loop3A_1830 : vector<16xf32>
      %parallel_loop3A_1838 = arith.minimumf %parallel_loop3A_1831, %parallel_loop3A_1830 : vector<16xf32>
      %parallel_loop3A_1839 = arith.maximumf %parallel_loop3A_1835, %parallel_loop3A_1834 : vector<16xf32>
      %parallel_loop3A_1840 = arith.minimumf %parallel_loop3A_1835, %parallel_loop3A_1834 : vector<16xf32>
      %parallel_loop3A_1841 = arith.maximumf %parallel_loop3A_1829, %parallel_loop3A_1833 : vector<16xf32>
      %parallel_loop3A_1842 = arith.minimumf %parallel_loop3A_1829, %parallel_loop3A_1833 : vector<16xf32>
      %parallel_loop3A_1843 = arith.maximumf %parallel_loop3A_1837, %parallel_loop3A_1839 : vector<16xf32>
      %parallel_loop3A_1844 = arith.minimumf %parallel_loop3A_1837, %parallel_loop3A_1839 : vector<16xf32>
      %parallel_loop3A_1845 = arith.maximumf %parallel_loop3A_1838, %parallel_loop3A_1840 : vector<16xf32>
      %parallel_loop3A_1846 = arith.minimumf %parallel_loop3A_1838, %parallel_loop3A_1840 : vector<16xf32>
      %parallel_loop3A_1847 = arith.maximumf %parallel_loop3A_1832, %parallel_loop3A_1836 : vector<16xf32>
      %parallel_loop3A_1848 = arith.minimumf %parallel_loop3A_1832, %parallel_loop3A_1836 : vector<16xf32>
      %parallel_loop3A_1849 = arith.maximumf %parallel_loop3A_1845, %parallel_loop3A_1842 : vector<16xf32>
      %parallel_loop3A_1850 = arith.minimumf %parallel_loop3A_1845, %parallel_loop3A_1842 : vector<16xf32>
      %parallel_loop3A_1851 = arith.maximumf %parallel_loop3A_1847, %parallel_loop3A_1844 : vector<16xf32>
      %parallel_loop3A_1852 = arith.minimumf %parallel_loop3A_1847, %parallel_loop3A_1844 : vector<16xf32>
      %parallel_loop3A_1853 = arith.maximumf %parallel_loop3A_1843, %parallel_loop3A_1849 : vector<16xf32>
      %parallel_loop3A_1854 = arith.minimumf %parallel_loop3A_1843, %parallel_loop3A_1849 : vector<16xf32>
      %parallel_loop3A_1855 = arith.maximumf %parallel_loop3A_1851, %parallel_loop3A_1850 : vector<16xf32>
      %parallel_loop3A_1856 = arith.minimumf %parallel_loop3A_1851, %parallel_loop3A_1850 : vector<16xf32>
      %parallel_loop3A_1857 = arith.maximumf %parallel_loop3A_1852, %parallel_loop3A_1846 : vector<16xf32>
      %parallel_loop3A_1858 = arith.minimumf %parallel_loop3A_1852, %parallel_loop3A_1846 : vector<16xf32>
      %parallel_loop3A_1859 = arith.maximumf %parallel_loop3A_1741, %parallel_loop3A_1848 : vector<16xf32>
      %parallel_loop3A_1860 = arith.maximumf %parallel_loop3A_1742, %parallel_loop3A_1858 : vector<16xf32>
      %parallel_loop3A_1861 = arith.maximumf %parallel_loop3A_1743, %parallel_loop3A_1857 : vector<16xf32>
      %parallel_loop3A_1862 = arith.maximumf %parallel_loop3A_1744, %parallel_loop3A_1856 : vector<16xf32>
      %parallel_loop3A_1863 = arith.maximumf %parallel_loop3A_1745, %parallel_loop3A_1855 : vector<16xf32>
      %parallel_loop3A_1864 = arith.maximumf %parallel_loop3A_1746, %parallel_loop3A_1854 : vector<16xf32>
      %parallel_loop3A_1865 = arith.maximumf %parallel_loop3A_1747, %parallel_loop3A_1853 : vector<16xf32>
      %parallel_loop3A_1866 = arith.maximumf %parallel_loop3A_1748, %parallel_loop3A_1841 : vector<16xf32>
      %parallel_loop3A_1867 = arith.maximumf %parallel_loop3A_1859, %parallel_loop3A_1863 : vector<16xf32>
      %parallel_loop3A_1868 = arith.minimumf %parallel_loop3A_1859, %parallel_loop3A_1863 : vector<16xf32>
      %parallel_loop3A_1869 = arith.maximumf %parallel_loop3A_1860, %parallel_loop3A_1864 : vector<16xf32>
      %parallel_loop3A_1870 = arith.minimumf %parallel_loop3A_1860, %parallel_loop3A_1864 : vector<16xf32>
      %parallel_loop3A_1871 = arith.maximumf %parallel_loop3A_1861, %parallel_loop3A_1865 : vector<16xf32>
      %parallel_loop3A_1872 = arith.minimumf %parallel_loop3A_1861, %parallel_loop3A_1865 : vector<16xf32>
      %parallel_loop3A_1873 = arith.maximumf %parallel_loop3A_1862, %parallel_loop3A_1866 : vector<16xf32>
      %parallel_loop3A_1874 = arith.minimumf %parallel_loop3A_1862, %parallel_loop3A_1866 : vector<16xf32>
      %parallel_loop3A_1875 = arith.maximumf %parallel_loop3A_1867, %parallel_loop3A_1871 : vector<16xf32>
      %parallel_loop3A_1876 = arith.minimumf %parallel_loop3A_1867, %parallel_loop3A_1871 : vector<16xf32>
      %parallel_loop3A_1877 = arith.maximumf %parallel_loop3A_1869, %parallel_loop3A_1873 : vector<16xf32>
      %parallel_loop3A_1878 = arith.minimumf %parallel_loop3A_1869, %parallel_loop3A_1873 : vector<16xf32>
      %parallel_loop3A_1879 = arith.maximumf %parallel_loop3A_1868, %parallel_loop3A_1872 : vector<16xf32>
      %parallel_loop3A_1880 = arith.minimumf %parallel_loop3A_1868, %parallel_loop3A_1872 : vector<16xf32>
      %parallel_loop3A_1881 = arith.maximumf %parallel_loop3A_1870, %parallel_loop3A_1874 : vector<16xf32>
      %parallel_loop3A_1882 = arith.minimumf %parallel_loop3A_1870, %parallel_loop3A_1874 : vector<16xf32>
      %parallel_loop3A_1883 = arith.maximumf %parallel_loop3A_1875, %parallel_loop3A_1877 : vector<16xf32>
      %parallel_loop3A_1884 = arith.minimumf %parallel_loop3A_1875, %parallel_loop3A_1877 : vector<16xf32>
      %parallel_loop3A_1885 = arith.maximumf %parallel_loop3A_1876, %parallel_loop3A_1878 : vector<16xf32>
      %parallel_loop3A_1886 = arith.minimumf %parallel_loop3A_1876, %parallel_loop3A_1878 : vector<16xf32>
      %parallel_loop3A_1887 = arith.maximumf %parallel_loop3A_1879, %parallel_loop3A_1881 : vector<16xf32>
      %parallel_loop3A_1888 = arith.minimumf %parallel_loop3A_1879, %parallel_loop3A_1881 : vector<16xf32>
      %parallel_loop3A_1889 = arith.maximumf %parallel_loop3A_1880, %parallel_loop3A_1882 : vector<16xf32>
      %parallel_loop3A_1890 = arith.minimumf %parallel_loop3A_1880, %parallel_loop3A_1882 : vector<16xf32>
      %parallel_loop3A_1891 = math.exp %parallel_loop3A_1890 : vector<16xf32>
      %parallel_loop3A_1892 = math.exp %parallel_loop3A_1883 : vector<16xf32>
      %parallel_loop3A_1893 = math.exp %parallel_loop3A_1884 : vector<16xf32>
      %parallel_loop3A_1894 = math.exp %parallel_loop3A_1885 : vector<16xf32>
      %parallel_loop3A_1895 = math.exp %parallel_loop3A_1886 : vector<16xf32>
      %parallel_loop3A_1896 = math.exp %parallel_loop3A_1887 : vector<16xf32>
      %parallel_loop3A_1897 = math.exp %parallel_loop3A_1888 : vector<16xf32>
      %parallel_loop3A_1898 = math.exp %parallel_loop3A_1889 : vector<16xf32>
      %parallel_loop3A_1899 = math.exp %parallel_loop3A_1890 : vector<16xf32>
      %parallel_loop3A_1900 = arith.addf %parallel_loop3A_1892, %parallel_loop3A_1893 : vector<16xf32>
      %parallel_loop3A_1901 = arith.addf %parallel_loop3A_1894, %parallel_loop3A_1895 : vector<16xf32>
      %parallel_loop3A_1902 = arith.addf %parallel_loop3A_1896, %parallel_loop3A_1897 : vector<16xf32>
      %parallel_loop3A_1903 = arith.addf %parallel_loop3A_1898, %parallel_loop3A_1899 : vector<16xf32>
      %parallel_loop3A_1904 = arith.addf %parallel_loop3A_1900, %parallel_loop3A_1901 : vector<16xf32>
      %parallel_loop3A_1905 = arith.addf %parallel_loop3A_1902, %parallel_loop3A_1903 : vector<16xf32>
      %parallel_loop3A_1906 = arith.addf %parallel_loop3A_1904, %parallel_loop3A_1905 : vector<16xf32>
      %parallel_loop3A_1907 = arith.constant 1.250000e+00 : f32
      %parallel_loop3A_1908 = vector.broadcast %parallel_loop3A_1907 : f32 to vector<16xf32>
      %parallel_loop3A_1909 = arith.divf %parallel_loop3A_1908, %parallel_loop3A_1906 : vector<16xf32>
      %parallel_loop3A_1910 = arith.constant 0 : i32
      %parallel_loop3A_1911 = arith.addi %parallel_loop3A_18, %parallel_loop3A_1910 : i32
      %parallel_loop3A_1912 = arith.index_cast %parallel_loop3A_1911 : i32 to index
      %parallel_loop3A_1913 = tpu.vector_load %arg6[%parallel_loop3A_1912] {strides = array<i32>} : memref<32768xf32, #tpu.memory_space<vmem>>, vector<16xf32>,
      %parallel_loop3A_1914 = arith.cmpf oge, %parallel_loop3A_1913, %parallel_loop3A_1891 : vector<16xf32>
      %parallel_loop3A_1915 = arith.mulf %parallel_loop3A_1913, %parallel_loop3A_1909 : vector<16xf32>
      %parallel_loop3A_1916 = arith.constant 0.000000e+00 : f32
      %parallel_loop3A_1917 = vector.broadcast %parallel_loop3A_1916 : f32 to vector<16xf32>
      %parallel_loop3A_1918 = arith.select %parallel_loop3A_1914, %parallel_loop3A_1915, %parallel_loop3A_1917 : vector<16xi1>, vector<16xf32>
      %parallel_loop3A_1919 = arith.constant 16 : i32
      %parallel_loop3A_1920 = arith.addi %parallel_loop3A_18, %parallel_loop3A_1919 : i32
      %parallel_loop3A_1921 = arith.index_cast %parallel_loop3A_1920 : i32 to index
      %parallel_loop3A_1922 = tpu.vector_load %arg6[%parallel_loop3A_1921] {strides = array<i32>} : memref<32768xf32, #tpu.memory_space<vmem>>, vector<16xf32>,
      %parallel_loop3A_1923 = arith.cmpf oge, %parallel_loop3A_1922, %parallel_loop3A_1891 : vector<16xf32>
      %parallel_loop3A_1924 = arith.mulf %parallel_loop3A_1922, %parallel_loop3A_1909 : vector<16xf32>
      %parallel_loop3A_1925 = arith.constant 0.000000e+00 : f32
      %parallel_loop3A_1926 = vector.broadcast %parallel_loop3A_1925 : f32 to vector<16xf32>
      %parallel_loop3A_1927 = arith.select %parallel_loop3A_1923, %parallel_loop3A_1924, %parallel_loop3A_1926 : vector<16xi1>, vector<16xf32>
      %parallel_loop3A_1928 = arith.constant 32 : i32
      %parallel_loop3A_1929 = arith.addi %parallel_loop3A_18, %parallel_loop3A_1928 : i32
      %parallel_loop3A_1930 = arith.index_cast %parallel_loop3A_1929 : i32 to index
      %parallel_loop3A_1931 = tpu.vector_load %arg6[%parallel_loop3A_1930] {strides = array<i32>} : memref<32768xf32, #tpu.memory_space<vmem>>, vector<16xf32>,
      %parallel_loop3A_1932 = arith.cmpf oge, %parallel_loop3A_1931, %parallel_loop3A_1891 : vector<16xf32>
      %parallel_loop3A_1933 = arith.mulf %parallel_loop3A_1931, %parallel_loop3A_1909 : vector<16xf32>
      %parallel_loop3A_1934 = arith.constant 0.000000e+00 : f32
      %parallel_loop3A_1935 = vector.broadcast %parallel_loop3A_1934 : f32 to vector<16xf32>
      %parallel_loop3A_1936 = arith.select %parallel_loop3A_1932, %parallel_loop3A_1933, %parallel_loop3A_1935 : vector<16xi1>, vector<16xf32>
      %parallel_loop3A_1937 = arith.constant 48 : i32
      %parallel_loop3A_1938 = arith.addi %parallel_loop3A_18, %parallel_loop3A_1937 : i32
      %parallel_loop3A_1939 = arith.index_cast %parallel_loop3A_1938 : i32 to index
      %parallel_loop3A_1940 = tpu.vector_load %arg6[%parallel_loop3A_1939] {strides = array<i32>} : memref<32768xf32, #tpu.memory_space<vmem>>, vector<16xf32>,
      %parallel_loop3A_1941 = arith.cmpf oge, %parallel_loop3A_1940, %parallel_loop3A_1891 : vector<16xf32>
      %parallel_loop3A_1942 = arith.mulf %parallel_loop3A_1940, %parallel_loop3A_1909 : vector<16xf32>
      %parallel_loop3A_1943 = arith.constant 0.000000e+00 : f32
      %parallel_loop3A_1944 = vector.broadcast %parallel_loop3A_1943 : f32 to vector<16xf32>
      %parallel_loop3A_1945 = arith.select %parallel_loop3A_1941, %parallel_loop3A_1942, %parallel_loop3A_1944 : vector<16xi1>, vector<16xf32>
      %parallel_loop3A_1946 = arith.constant 64 : i32
      %parallel_loop3A_1947 = arith.addi %parallel_loop3A_18, %parallel_loop3A_1946 : i32
      %parallel_loop3A_1948 = arith.index_cast %parallel_loop3A_1947 : i32 to index
      %parallel_loop3A_1949 = tpu.vector_load %arg6[%parallel_loop3A_1948] {strides = array<i32>} : memref<32768xf32, #tpu.memory_space<vmem>>, vector<16xf32>,
      %parallel_loop3A_1950 = arith.cmpf oge, %parallel_loop3A_1949, %parallel_loop3A_1891 : vector<16xf32>
      %parallel_loop3A_1951 = arith.mulf %parallel_loop3A_1949, %parallel_loop3A_1909 : vector<16xf32>
      %parallel_loop3A_1952 = arith.constant 0.000000e+00 : f32
      %parallel_loop3A_1953 = vector.broadcast %parallel_loop3A_1952 : f32 to vector<16xf32>
      %parallel_loop3A_1954 = arith.select %parallel_loop3A_1950, %parallel_loop3A_1951, %parallel_loop3A_1953 : vector<16xi1>, vector<16xf32>
      %parallel_loop3A_1955 = arith.constant 80 : i32
      %parallel_loop3A_1956 = arith.addi %parallel_loop3A_18, %parallel_loop3A_1955 : i32
      %parallel_loop3A_1957 = arith.index_cast %parallel_loop3A_1956 : i32 to index
      %parallel_loop3A_1958 = tpu.vector_load %arg6[%parallel_loop3A_1957] {strides = array<i32>} : memref<32768xf32, #tpu.memory_space<vmem>>, vector<16xf32>,
      %parallel_loop3A_1959 = arith.cmpf oge, %parallel_loop3A_1958, %parallel_loop3A_1891 : vector<16xf32>
      %parallel_loop3A_1960 = arith.mulf %parallel_loop3A_1958, %parallel_loop3A_1909 : vector<16xf32>
      %parallel_loop3A_1961 = arith.constant 0.000000e+00 : f32
      %parallel_loop3A_1962 = vector.broadcast %parallel_loop3A_1961 : f32 to vector<16xf32>
      %parallel_loop3A_1963 = arith.select %parallel_loop3A_1959, %parallel_loop3A_1960, %parallel_loop3A_1962 : vector<16xi1>, vector<16xf32>
      %parallel_loop3A_1964 = arith.constant 96 : i32
      %parallel_loop3A_1965 = arith.addi %parallel_loop3A_18, %parallel_loop3A_1964 : i32
      %parallel_loop3A_1966 = arith.index_cast %parallel_loop3A_1965 : i32 to index
      %parallel_loop3A_1967 = tpu.vector_load %arg6[%parallel_loop3A_1966] {strides = array<i32>} : memref<32768xf32, #tpu.memory_space<vmem>>, vector<16xf32>,
      %parallel_loop3A_1968 = arith.cmpf oge, %parallel_loop3A_1967, %parallel_loop3A_1891 : vector<16xf32>
      %parallel_loop3A_1969 = arith.mulf %parallel_loop3A_1967, %parallel_loop3A_1909 : vector<16xf32>
      %parallel_loop3A_1970 = arith.constant 0.000000e+00 : f32
      %parallel_loop3A_1971 = vector.broadcast %parallel_loop3A_1970 : f32 to vector<16xf32>
      %parallel_loop3A_1972 = arith.select %parallel_loop3A_1968, %parallel_loop3A_1969, %parallel_loop3A_1971 : vector<16xi1>, vector<16xf32>
      %parallel_loop3A_1973 = arith.constant 112 : i32
      %parallel_loop3A_1974 = arith.addi %parallel_loop3A_18, %parallel_loop3A_1973 : i32
      %parallel_loop3A_1975 = arith.index_cast %parallel_loop3A_1974 : i32 to index
      %parallel_loop3A_1976 = tpu.vector_load %arg6[%parallel_loop3A_1975] {strides = array<i32>} : memref<32768xf32, #tpu.memory_space<vmem>>, vector<16xf32>,
      %parallel_loop3A_1977 = arith.cmpf oge, %parallel_loop3A_1976, %parallel_loop3A_1891 : vector<16xf32>
      %parallel_loop3A_1978 = arith.mulf %parallel_loop3A_1976, %parallel_loop3A_1909 : vector<16xf32>
      %parallel_loop3A_1979 = arith.constant 0.000000e+00 : f32
      %parallel_loop3A_1980 = vector.broadcast %parallel_loop3A_1979 : f32 to vector<16xf32>
      %parallel_loop3A_1981 = arith.select %parallel_loop3A_1977, %parallel_loop3A_1978, %parallel_loop3A_1980 : vector<16xi1>, vector<16xf32>
      %parallel_loop3A_1982 = arith.constant 128 : i32
      %parallel_loop3A_1983 = arith.addi %parallel_loop3A_18, %parallel_loop3A_1982 : i32
      %parallel_loop3A_1984 = arith.index_cast %parallel_loop3A_1983 : i32 to index
      %parallel_loop3A_1985 = tpu.vector_load %arg6[%parallel_loop3A_1984] {strides = array<i32>} : memref<32768xf32, #tpu.memory_space<vmem>>, vector<16xf32>,
      %parallel_loop3A_1986 = arith.cmpf oge, %parallel_loop3A_1985, %parallel_loop3A_1891 : vector<16xf32>
      %parallel_loop3A_1987 = arith.mulf %parallel_loop3A_1985, %parallel_loop3A_1909 : vector<16xf32>
      %parallel_loop3A_1988 = arith.constant 0.000000e+00 : f32
      %parallel_loop3A_1989 = vector.broadcast %parallel_loop3A_1988 : f32 to vector<16xf32>
      %parallel_loop3A_1990 = arith.select %parallel_loop3A_1986, %parallel_loop3A_1987, %parallel_loop3A_1989 : vector<16xi1>, vector<16xf32>
      %parallel_loop3A_1991 = arith.constant 144 : i32
      %parallel_loop3A_1992 = arith.addi %parallel_loop3A_18, %parallel_loop3A_1991 : i32
      %parallel_loop3A_1993 = arith.index_cast %parallel_loop3A_1992 : i32 to index
      %parallel_loop3A_1994 = tpu.vector_load %arg6[%parallel_loop3A_1993] {strides = array<i32>} : memref<32768xf32, #tpu.memory_space<vmem>>, vector<16xf32>,
      %parallel_loop3A_1995 = arith.cmpf oge, %parallel_loop3A_1994, %parallel_loop3A_1891 : vector<16xf32>
      %parallel_loop3A_1996 = arith.mulf %parallel_loop3A_1994, %parallel_loop3A_1909 : vector<16xf32>
      %parallel_loop3A_1997 = arith.constant 0.000000e+00 : f32
      %parallel_loop3A_1998 = vector.broadcast %parallel_loop3A_1997 : f32 to vector<16xf32>
      %parallel_loop3A_1999 = arith.select %parallel_loop3A_1995, %parallel_loop3A_1996, %parallel_loop3A_1998 : vector<16xi1>, vector<16xf32>
      %parallel_loop3A_2000 = arith.constant 160 : i32
      %parallel_loop3A_2001 = arith.addi %parallel_loop3A_18, %parallel_loop3A_2000 : i32
      %parallel_loop3A_2002 = arith.index_cast %parallel_loop3A_2001 : i32 to index
      %parallel_loop3A_2003 = tpu.vector_load %arg6[%parallel_loop3A_2002] {strides = array<i32>} : memref<32768xf32, #tpu.memory_space<vmem>>, vector<16xf32>,
      %parallel_loop3A_2004 = arith.cmpf oge, %parallel_loop3A_2003, %parallel_loop3A_1891 : vector<16xf32>
      %parallel_loop3A_2005 = arith.mulf %parallel_loop3A_2003, %parallel_loop3A_1909 : vector<16xf32>
      %parallel_loop3A_2006 = arith.constant 0.000000e+00 : f32
      %parallel_loop3A_2007 = vector.broadcast %parallel_loop3A_2006 : f32 to vector<16xf32>
      %parallel_loop3A_2008 = arith.select %parallel_loop3A_2004, %parallel_loop3A_2005, %parallel_loop3A_2007 : vector<16xi1>, vector<16xf32>
      %parallel_loop3A_2009 = arith.constant 176 : i32
      %parallel_loop3A_2010 = arith.addi %parallel_loop3A_18, %parallel_loop3A_2009 : i32
      %parallel_loop3A_2011 = arith.index_cast %parallel_loop3A_2010 : i32 to index
      %parallel_loop3A_2012 = tpu.vector_load %arg6[%parallel_loop3A_2011] {strides = array<i32>} : memref<32768xf32, #tpu.memory_space<vmem>>, vector<16xf32>,
      %parallel_loop3A_2013 = arith.cmpf oge, %parallel_loop3A_2012, %parallel_loop3A_1891 : vector<16xf32>
      %parallel_loop3A_2014 = arith.mulf %parallel_loop3A_2012, %parallel_loop3A_1909 : vector<16xf32>
      %parallel_loop3A_2015 = arith.constant 0.000000e+00 : f32
      %parallel_loop3A_2016 = vector.broadcast %parallel_loop3A_2015 : f32 to vector<16xf32>
      %parallel_loop3A_2017 = arith.select %parallel_loop3A_2013, %parallel_loop3A_2014, %parallel_loop3A_2016 : vector<16xi1>, vector<16xf32>
      %parallel_loop3A_2018 = arith.constant 192 : i32
      %parallel_loop3A_2019 = arith.addi %parallel_loop3A_18, %parallel_loop3A_2018 : i32
      %parallel_loop3A_2020 = arith.index_cast %parallel_loop3A_2019 : i32 to index
      %parallel_loop3A_2021 = tpu.vector_load %arg6[%parallel_loop3A_2020] {strides = array<i32>} : memref<32768xf32, #tpu.memory_space<vmem>>, vector<16xf32>,
      %parallel_loop3A_2022 = arith.cmpf oge, %parallel_loop3A_2021, %parallel_loop3A_1891 : vector<16xf32>
      %parallel_loop3A_2023 = arith.mulf %parallel_loop3A_2021, %parallel_loop3A_1909 : vector<16xf32>
      %parallel_loop3A_2024 = arith.constant 0.000000e+00 : f32
      %parallel_loop3A_2025 = vector.broadcast %parallel_loop3A_2024 : f32 to vector<16xf32>
      %parallel_loop3A_2026 = arith.select %parallel_loop3A_2022, %parallel_loop3A_2023, %parallel_loop3A_2025 : vector<16xi1>, vector<16xf32>
      %parallel_loop3A_2027 = arith.constant 208 : i32
      %parallel_loop3A_2028 = arith.addi %parallel_loop3A_18, %parallel_loop3A_2027 : i32
      %parallel_loop3A_2029 = arith.index_cast %parallel_loop3A_2028 : i32 to index
      %parallel_loop3A_2030 = tpu.vector_load %arg6[%parallel_loop3A_2029] {strides = array<i32>} : memref<32768xf32, #tpu.memory_space<vmem>>, vector<16xf32>,
      %parallel_loop3A_2031 = arith.cmpf oge, %parallel_loop3A_2030, %parallel_loop3A_1891 : vector<16xf32>
      %parallel_loop3A_2032 = arith.mulf %parallel_loop3A_2030, %parallel_loop3A_1909 : vector<16xf32>
      %parallel_loop3A_2033 = arith.constant 0.000000e+00 : f32
      %parallel_loop3A_2034 = vector.broadcast %parallel_loop3A_2033 : f32 to vector<16xf32>
      %parallel_loop3A_2035 = arith.select %parallel_loop3A_2031, %parallel_loop3A_2032, %parallel_loop3A_2034 : vector<16xi1>, vector<16xf32>
      %parallel_loop3A_2036 = arith.constant 224 : i32
      %parallel_loop3A_2037 = arith.addi %parallel_loop3A_18, %parallel_loop3A_2036 : i32
      %parallel_loop3A_2038 = arith.index_cast %parallel_loop3A_2037 : i32 to index
      %parallel_loop3A_2039 = tpu.vector_load %arg6[%parallel_loop3A_2038] {strides = array<i32>} : memref<32768xf32, #tpu.memory_space<vmem>>, vector<16xf32>,
      %parallel_loop3A_2040 = arith.cmpf oge, %parallel_loop3A_2039, %parallel_loop3A_1891 : vector<16xf32>
      %parallel_loop3A_2041 = arith.mulf %parallel_loop3A_2039, %parallel_loop3A_1909 : vector<16xf32>
      %parallel_loop3A_2042 = arith.constant 0.000000e+00 : f32
      %parallel_loop3A_2043 = vector.broadcast %parallel_loop3A_2042 : f32 to vector<16xf32>
      %parallel_loop3A_2044 = arith.select %parallel_loop3A_2040, %parallel_loop3A_2041, %parallel_loop3A_2043 : vector<16xi1>, vector<16xf32>
      %parallel_loop3A_2045 = arith.constant 240 : i32
      %parallel_loop3A_2046 = arith.addi %parallel_loop3A_18, %parallel_loop3A_2045 : i32
      %parallel_loop3A_2047 = arith.index_cast %parallel_loop3A_2046 : i32 to index
      %parallel_loop3A_2048 = tpu.vector_load %arg6[%parallel_loop3A_2047] {strides = array<i32>} : memref<32768xf32, #tpu.memory_space<vmem>>, vector<16xf32>,
      %parallel_loop3A_2049 = arith.cmpf oge, %parallel_loop3A_2048, %parallel_loop3A_1891 : vector<16xf32>
      %parallel_loop3A_2050 = arith.mulf %parallel_loop3A_2048, %parallel_loop3A_1909 : vector<16xf32>
      %parallel_loop3A_2051 = arith.constant 0.000000e+00 : f32
      %parallel_loop3A_2052 = vector.broadcast %parallel_loop3A_2051 : f32 to vector<16xf32>
      %parallel_loop3A_2053 = arith.select %parallel_loop3A_2049, %parallel_loop3A_2050, %parallel_loop3A_2052 : vector<16xi1>, vector<16xf32>
      %parallel_loop3A_2054 = arith.constant 256 : i32
      %parallel_loop3A_2055 = arith.addi %parallel_loop3A_18, %parallel_loop3A_2054 : i32
      %parallel_loop3A_2056 = arith.index_cast %parallel_loop3A_2055 : i32 to index
      %parallel_loop3A_2057 = tpu.vector_load %arg6[%parallel_loop3A_2056] {strides = array<i32>} : memref<32768xf32, #tpu.memory_space<vmem>>, vector<16xf32>,
      %parallel_loop3A_2058 = arith.cmpf oge, %parallel_loop3A_2057, %parallel_loop3A_1891 : vector<16xf32>
      %parallel_loop3A_2059 = arith.mulf %parallel_loop3A_2057, %parallel_loop3A_1909 : vector<16xf32>
      %parallel_loop3A_2060 = arith.constant 0.000000e+00 : f32
      %parallel_loop3A_2061 = vector.broadcast %parallel_loop3A_2060 : f32 to vector<16xf32>
      %parallel_loop3A_2062 = arith.select %parallel_loop3A_2058, %parallel_loop3A_2059, %parallel_loop3A_2061 : vector<16xi1>, vector<16xf32>
      %parallel_loop3A_2063 = arith.constant 272 : i32
      %parallel_loop3A_2064 = arith.addi %parallel_loop3A_18, %parallel_loop3A_2063 : i32
      %parallel_loop3A_2065 = arith.index_cast %parallel_loop3A_2064 : i32 to index
      %parallel_loop3A_2066 = tpu.vector_load %arg6[%parallel_loop3A_2065] {strides = array<i32>} : memref<32768xf32, #tpu.memory_space<vmem>>, vector<16xf32>,
      %parallel_loop3A_2067 = arith.cmpf oge, %parallel_loop3A_2066, %parallel_loop3A_1891 : vector<16xf32>
      %parallel_loop3A_2068 = arith.mulf %parallel_loop3A_2066, %parallel_loop3A_1909 : vector<16xf32>
      %parallel_loop3A_2069 = arith.constant 0.000000e+00 : f32
      %parallel_loop3A_2070 = vector.broadcast %parallel_loop3A_2069 : f32 to vector<16xf32>
      %parallel_loop3A_2071 = arith.select %parallel_loop3A_2067, %parallel_loop3A_2068, %parallel_loop3A_2070 : vector<16xi1>, vector<16xf32>
      %parallel_loop3A_2072 = arith.constant 288 : i32
      %parallel_loop3A_2073 = arith.addi %parallel_loop3A_18, %parallel_loop3A_2072 : i32
      %parallel_loop3A_2074 = arith.index_cast %parallel_loop3A_2073 : i32 to index
      %parallel_loop3A_2075 = tpu.vector_load %arg6[%parallel_loop3A_2074] {strides = array<i32>} : memref<32768xf32, #tpu.memory_space<vmem>>, vector<16xf32>,
      %parallel_loop3A_2076 = arith.cmpf oge, %parallel_loop3A_2075, %parallel_loop3A_1891 : vector<16xf32>
      %parallel_loop3A_2077 = arith.mulf %parallel_loop3A_2075, %parallel_loop3A_1909 : vector<16xf32>
      %parallel_loop3A_2078 = arith.constant 0.000000e+00 : f32
      %parallel_loop3A_2079 = vector.broadcast %parallel_loop3A_2078 : f32 to vector<16xf32>
      %parallel_loop3A_2080 = arith.select %parallel_loop3A_2076, %parallel_loop3A_2077, %parallel_loop3A_2079 : vector<16xi1>, vector<16xf32>
      %parallel_loop3A_2081 = arith.constant 304 : i32
      %parallel_loop3A_2082 = arith.addi %parallel_loop3A_18, %parallel_loop3A_2081 : i32
      %parallel_loop3A_2083 = arith.index_cast %parallel_loop3A_2082 : i32 to index
      %parallel_loop3A_2084 = tpu.vector_load %arg6[%parallel_loop3A_2083] {strides = array<i32>} : memref<32768xf32, #tpu.memory_space<vmem>>, vector<16xf32>,
      %parallel_loop3A_2085 = arith.cmpf oge, %parallel_loop3A_2084, %parallel_loop3A_1891 : vector<16xf32>
      %parallel_loop3A_2086 = arith.mulf %parallel_loop3A_2084, %parallel_loop3A_1909 : vector<16xf32>
      %parallel_loop3A_2087 = arith.constant 0.000000e+00 : f32
      %parallel_loop3A_2088 = vector.broadcast %parallel_loop3A_2087 : f32 to vector<16xf32>
      %parallel_loop3A_2089 = arith.select %parallel_loop3A_2085, %parallel_loop3A_2086, %parallel_loop3A_2088 : vector<16xi1>, vector<16xf32>
      %parallel_loop3A_2090 = arith.constant 320 : i32
      %parallel_loop3A_2091 = arith.addi %parallel_loop3A_18, %parallel_loop3A_2090 : i32
      %parallel_loop3A_2092 = arith.index_cast %parallel_loop3A_2091 : i32 to index
      %parallel_loop3A_2093 = tpu.vector_load %arg6[%parallel_loop3A_2092] {strides = array<i32>} : memref<32768xf32, #tpu.memory_space<vmem>>, vector<16xf32>,
      %parallel_loop3A_2094 = arith.cmpf oge, %parallel_loop3A_2093, %parallel_loop3A_1891 : vector<16xf32>
      %parallel_loop3A_2095 = arith.mulf %parallel_loop3A_2093, %parallel_loop3A_1909 : vector<16xf32>
      %parallel_loop3A_2096 = arith.constant 0.000000e+00 : f32
      %parallel_loop3A_2097 = vector.broadcast %parallel_loop3A_2096 : f32 to vector<16xf32>
      %parallel_loop3A_2098 = arith.select %parallel_loop3A_2094, %parallel_loop3A_2095, %parallel_loop3A_2097 : vector<16xi1>, vector<16xf32>
      %parallel_loop3A_2099 = arith.constant 336 : i32
      %parallel_loop3A_2100 = arith.addi %parallel_loop3A_18, %parallel_loop3A_2099 : i32
      %parallel_loop3A_2101 = arith.index_cast %parallel_loop3A_2100 : i32 to index
      %parallel_loop3A_2102 = tpu.vector_load %arg6[%parallel_loop3A_2101] {strides = array<i32>} : memref<32768xf32, #tpu.memory_space<vmem>>, vector<16xf32>,
      %parallel_loop3A_2103 = arith.cmpf oge, %parallel_loop3A_2102, %parallel_loop3A_1891 : vector<16xf32>
      %parallel_loop3A_2104 = arith.mulf %parallel_loop3A_2102, %parallel_loop3A_1909 : vector<16xf32>
      %parallel_loop3A_2105 = arith.constant 0.000000e+00 : f32
      %parallel_loop3A_2106 = vector.broadcast %parallel_loop3A_2105 : f32 to vector<16xf32>
      %parallel_loop3A_2107 = arith.select %parallel_loop3A_2103, %parallel_loop3A_2104, %parallel_loop3A_2106 : vector<16xi1>, vector<16xf32>
      %parallel_loop3A_2108 = arith.constant 352 : i32
      %parallel_loop3A_2109 = arith.addi %parallel_loop3A_18, %parallel_loop3A_2108 : i32
      %parallel_loop3A_2110 = arith.index_cast %parallel_loop3A_2109 : i32 to index
      %parallel_loop3A_2111 = tpu.vector_load %arg6[%parallel_loop3A_2110] {strides = array<i32>} : memref<32768xf32, #tpu.memory_space<vmem>>, vector<16xf32>,
      %parallel_loop3A_2112 = arith.cmpf oge, %parallel_loop3A_2111, %parallel_loop3A_1891 : vector<16xf32>
      %parallel_loop3A_2113 = arith.mulf %parallel_loop3A_2111, %parallel_loop3A_1909 : vector<16xf32>
      %parallel_loop3A_2114 = arith.constant 0.000000e+00 : f32
      %parallel_loop3A_2115 = vector.broadcast %parallel_loop3A_2114 : f32 to vector<16xf32>
      %parallel_loop3A_2116 = arith.select %parallel_loop3A_2112, %parallel_loop3A_2113, %parallel_loop3A_2115 : vector<16xi1>, vector<16xf32>
      %parallel_loop3A_2117 = arith.constant 368 : i32
      %parallel_loop3A_2118 = arith.addi %parallel_loop3A_18, %parallel_loop3A_2117 : i32
      %parallel_loop3A_2119 = arith.index_cast %parallel_loop3A_2118 : i32 to index
      %parallel_loop3A_2120 = tpu.vector_load %arg6[%parallel_loop3A_2119] {strides = array<i32>} : memref<32768xf32, #tpu.memory_space<vmem>>, vector<16xf32>,
      %parallel_loop3A_2121 = arith.cmpf oge, %parallel_loop3A_2120, %parallel_loop3A_1891 : vector<16xf32>
      %parallel_loop3A_2122 = arith.mulf %parallel_loop3A_2120, %parallel_loop3A_1909 : vector<16xf32>
      %parallel_loop3A_2123 = arith.constant 0.000000e+00 : f32
      %parallel_loop3A_2124 = vector.broadcast %parallel_loop3A_2123 : f32 to vector<16xf32>
      %parallel_loop3A_2125 = arith.select %parallel_loop3A_2121, %parallel_loop3A_2122, %parallel_loop3A_2124 : vector<16xi1>, vector<16xf32>
      %parallel_loop3A_2126 = arith.constant 384 : i32
      %parallel_loop3A_2127 = arith.addi %parallel_loop3A_18, %parallel_loop3A_2126 : i32
      %parallel_loop3A_2128 = arith.index_cast %parallel_loop3A_2127 : i32 to index
      %parallel_loop3A_2129 = tpu.vector_load %arg6[%parallel_loop3A_2128] {strides = array<i32>} : memref<32768xf32, #tpu.memory_space<vmem>>, vector<16xf32>,
      %parallel_loop3A_2130 = arith.cmpf oge, %parallel_loop3A_2129, %parallel_loop3A_1891 : vector<16xf32>
      %parallel_loop3A_2131 = arith.mulf %parallel_loop3A_2129, %parallel_loop3A_1909 : vector<16xf32>
      %parallel_loop3A_2132 = arith.constant 0.000000e+00 : f32
      %parallel_loop3A_2133 = vector.broadcast %parallel_loop3A_2132 : f32 to vector<16xf32>
      %parallel_loop3A_2134 = arith.select %parallel_loop3A_2130, %parallel_loop3A_2131, %parallel_loop3A_2133 : vector<16xi1>, vector<16xf32>
      %parallel_loop3A_2135 = arith.constant 400 : i32
      %parallel_loop3A_2136 = arith.addi %parallel_loop3A_18, %parallel_loop3A_2135 : i32
      %parallel_loop3A_2137 = arith.index_cast %parallel_loop3A_2136 : i32 to index
      %parallel_loop3A_2138 = tpu.vector_load %arg6[%parallel_loop3A_2137] {strides = array<i32>} : memref<32768xf32, #tpu.memory_space<vmem>>, vector<16xf32>,
      %parallel_loop3A_2139 = arith.cmpf oge, %parallel_loop3A_2138, %parallel_loop3A_1891 : vector<16xf32>
      %parallel_loop3A_2140 = arith.mulf %parallel_loop3A_2138, %parallel_loop3A_1909 : vector<16xf32>
      %parallel_loop3A_2141 = arith.constant 0.000000e+00 : f32
      %parallel_loop3A_2142 = vector.broadcast %parallel_loop3A_2141 : f32 to vector<16xf32>
      %parallel_loop3A_2143 = arith.select %parallel_loop3A_2139, %parallel_loop3A_2140, %parallel_loop3A_2142 : vector<16xi1>, vector<16xf32>
      %parallel_loop3A_2144 = arith.constant 416 : i32
      %parallel_loop3A_2145 = arith.addi %parallel_loop3A_18, %parallel_loop3A_2144 : i32
      %parallel_loop3A_2146 = arith.index_cast %parallel_loop3A_2145 : i32 to index
      %parallel_loop3A_2147 = tpu.vector_load %arg6[%parallel_loop3A_2146] {strides = array<i32>} : memref<32768xf32, #tpu.memory_space<vmem>>, vector<16xf32>,
      %parallel_loop3A_2148 = arith.cmpf oge, %parallel_loop3A_2147, %parallel_loop3A_1891 : vector<16xf32>
      %parallel_loop3A_2149 = arith.mulf %parallel_loop3A_2147, %parallel_loop3A_1909 : vector<16xf32>
      %parallel_loop3A_2150 = arith.constant 0.000000e+00 : f32
      %parallel_loop3A_2151 = vector.broadcast %parallel_loop3A_2150 : f32 to vector<16xf32>
      %parallel_loop3A_2152 = arith.select %parallel_loop3A_2148, %parallel_loop3A_2149, %parallel_loop3A_2151 : vector<16xi1>, vector<16xf32>
      %parallel_loop3A_2153 = arith.constant 432 : i32
      %parallel_loop3A_2154 = arith.addi %parallel_loop3A_18, %parallel_loop3A_2153 : i32
      %parallel_loop3A_2155 = arith.index_cast %parallel_loop3A_2154 : i32 to index
      %parallel_loop3A_2156 = tpu.vector_load %arg6[%parallel_loop3A_2155] {strides = array<i32>} : memref<32768xf32, #tpu.memory_space<vmem>>, vector<16xf32>,
      %parallel_loop3A_2157 = arith.cmpf oge, %parallel_loop3A_2156, %parallel_loop3A_1891 : vector<16xf32>
      %parallel_loop3A_2158 = arith.mulf %parallel_loop3A_2156, %parallel_loop3A_1909 : vector<16xf32>
      %parallel_loop3A_2159 = arith.constant 0.000000e+00 : f32
      %parallel_loop3A_2160 = vector.broadcast %parallel_loop3A_2159 : f32 to vector<16xf32>
      %parallel_loop3A_2161 = arith.select %parallel_loop3A_2157, %parallel_loop3A_2158, %parallel_loop3A_2160 : vector<16xi1>, vector<16xf32>
      %parallel_loop3A_2162 = arith.constant 448 : i32
      %parallel_loop3A_2163 = arith.addi %parallel_loop3A_18, %parallel_loop3A_2162 : i32
      %parallel_loop3A_2164 = arith.index_cast %parallel_loop3A_2163 : i32 to index
      %parallel_loop3A_2165 = tpu.vector_load %arg6[%parallel_loop3A_2164] {strides = array<i32>} : memref<32768xf32, #tpu.memory_space<vmem>>, vector<16xf32>,
      %parallel_loop3A_2166 = arith.cmpf oge, %parallel_loop3A_2165, %parallel_loop3A_1891 : vector<16xf32>
      %parallel_loop3A_2167 = arith.mulf %parallel_loop3A_2165, %parallel_loop3A_1909 : vector<16xf32>
      %parallel_loop3A_2168 = arith.constant 0.000000e+00 : f32
      %parallel_loop3A_2169 = vector.broadcast %parallel_loop3A_2168 : f32 to vector<16xf32>
      %parallel_loop3A_2170 = arith.select %parallel_loop3A_2166, %parallel_loop3A_2167, %parallel_loop3A_2169 : vector<16xi1>, vector<16xf32>
      %parallel_loop3A_2171 = arith.constant 464 : i32
      %parallel_loop3A_2172 = arith.addi %parallel_loop3A_18, %parallel_loop3A_2171 : i32
      %parallel_loop3A_2173 = arith.index_cast %parallel_loop3A_2172 : i32 to index
      %parallel_loop3A_2174 = tpu.vector_load %arg6[%parallel_loop3A_2173] {strides = array<i32>} : memref<32768xf32, #tpu.memory_space<vmem>>, vector<16xf32>,
      %parallel_loop3A_2175 = arith.cmpf oge, %parallel_loop3A_2174, %parallel_loop3A_1891 : vector<16xf32>
      %parallel_loop3A_2176 = arith.mulf %parallel_loop3A_2174, %parallel_loop3A_1909 : vector<16xf32>
      %parallel_loop3A_2177 = arith.constant 0.000000e+00 : f32
      %parallel_loop3A_2178 = vector.broadcast %parallel_loop3A_2177 : f32 to vector<16xf32>
      %parallel_loop3A_2179 = arith.select %parallel_loop3A_2175, %parallel_loop3A_2176, %parallel_loop3A_2178 : vector<16xi1>, vector<16xf32>
      %parallel_loop3A_2180 = arith.constant 480 : i32
      %parallel_loop3A_2181 = arith.addi %parallel_loop3A_18, %parallel_loop3A_2180 : i32
      %parallel_loop3A_2182 = arith.index_cast %parallel_loop3A_2181 : i32 to index
      %parallel_loop3A_2183 = tpu.vector_load %arg6[%parallel_loop3A_2182] {strides = array<i32>} : memref<32768xf32, #tpu.memory_space<vmem>>, vector<16xf32>,
      %parallel_loop3A_2184 = arith.cmpf oge, %parallel_loop3A_2183, %parallel_loop3A_1891 : vector<16xf32>
      %parallel_loop3A_2185 = arith.mulf %parallel_loop3A_2183, %parallel_loop3A_1909 : vector<16xf32>
      %parallel_loop3A_2186 = arith.constant 0.000000e+00 : f32
      %parallel_loop3A_2187 = vector.broadcast %parallel_loop3A_2186 : f32 to vector<16xf32>
      %parallel_loop3A_2188 = arith.select %parallel_loop3A_2184, %parallel_loop3A_2185, %parallel_loop3A_2187 : vector<16xi1>, vector<16xf32>
      %parallel_loop3A_2189 = arith.constant 496 : i32
      %parallel_loop3A_2190 = arith.addi %parallel_loop3A_18, %parallel_loop3A_2189 : i32
      %parallel_loop3A_2191 = arith.index_cast %parallel_loop3A_2190 : i32 to index
      %parallel_loop3A_2192 = tpu.vector_load %arg6[%parallel_loop3A_2191] {strides = array<i32>} : memref<32768xf32, #tpu.memory_space<vmem>>, vector<16xf32>,
      %parallel_loop3A_2193 = arith.cmpf oge, %parallel_loop3A_2192, %parallel_loop3A_1891 : vector<16xf32>
      %parallel_loop3A_2194 = arith.mulf %parallel_loop3A_2192, %parallel_loop3A_1909 : vector<16xf32>
      %parallel_loop3A_2195 = arith.constant 0.000000e+00 : f32
      %parallel_loop3A_2196 = vector.broadcast %parallel_loop3A_2195 : f32 to vector<16xf32>
      %parallel_loop3A_2197 = arith.select %parallel_loop3A_2193, %parallel_loop3A_2194, %parallel_loop3A_2196 : vector<16xi1>, vector<16xf32>
      %parallel_loop3A_2198 = arith.constant 512 : i32
      %parallel_loop3A_2199 = arith.addi %parallel_loop3A_18, %parallel_loop3A_2198 : i32
      %parallel_loop3A_2200 = arith.index_cast %parallel_loop3A_2199 : i32 to index
      %parallel_loop3A_2201 = tpu.vector_load %arg6[%parallel_loop3A_2200] {strides = array<i32>} : memref<32768xf32, #tpu.memory_space<vmem>>, vector<16xf32>,
      %parallel_loop3A_2202 = arith.cmpf oge, %parallel_loop3A_2201, %parallel_loop3A_1891 : vector<16xf32>
      %parallel_loop3A_2203 = arith.mulf %parallel_loop3A_2201, %parallel_loop3A_1909 : vector<16xf32>
      %parallel_loop3A_2204 = arith.constant 0.000000e+00 : f32
      %parallel_loop3A_2205 = vector.broadcast %parallel_loop3A_2204 : f32 to vector<16xf32>
      %parallel_loop3A_2206 = arith.select %parallel_loop3A_2202, %parallel_loop3A_2203, %parallel_loop3A_2205 : vector<16xi1>, vector<16xf32>
      %parallel_loop3A_2207 = arith.constant 528 : i32
      %parallel_loop3A_2208 = arith.addi %parallel_loop3A_18, %parallel_loop3A_2207 : i32
      %parallel_loop3A_2209 = arith.index_cast %parallel_loop3A_2208 : i32 to index
      %parallel_loop3A_2210 = tpu.vector_load %arg6[%parallel_loop3A_2209] {strides = array<i32>} : memref<32768xf32, #tpu.memory_space<vmem>>, vector<16xf32>,
      %parallel_loop3A_2211 = arith.cmpf oge, %parallel_loop3A_2210, %parallel_loop3A_1891 : vector<16xf32>
      %parallel_loop3A_2212 = arith.mulf %parallel_loop3A_2210, %parallel_loop3A_1909 : vector<16xf32>
      %parallel_loop3A_2213 = arith.constant 0.000000e+00 : f32
      %parallel_loop3A_2214 = vector.broadcast %parallel_loop3A_2213 : f32 to vector<16xf32>
      %parallel_loop3A_2215 = arith.select %parallel_loop3A_2211, %parallel_loop3A_2212, %parallel_loop3A_2214 : vector<16xi1>, vector<16xf32>
      %parallel_loop3A_2216 = arith.constant 544 : i32
      %parallel_loop3A_2217 = arith.addi %parallel_loop3A_18, %parallel_loop3A_2216 : i32
      %parallel_loop3A_2218 = arith.index_cast %parallel_loop3A_2217 : i32 to index
      %parallel_loop3A_2219 = tpu.vector_load %arg6[%parallel_loop3A_2218] {strides = array<i32>} : memref<32768xf32, #tpu.memory_space<vmem>>, vector<16xf32>,
      %parallel_loop3A_2220 = arith.cmpf oge, %parallel_loop3A_2219, %parallel_loop3A_1891 : vector<16xf32>
      %parallel_loop3A_2221 = arith.mulf %parallel_loop3A_2219, %parallel_loop3A_1909 : vector<16xf32>
      %parallel_loop3A_2222 = arith.constant 0.000000e+00 : f32
      %parallel_loop3A_2223 = vector.broadcast %parallel_loop3A_2222 : f32 to vector<16xf32>
      %parallel_loop3A_2224 = arith.select %parallel_loop3A_2220, %parallel_loop3A_2221, %parallel_loop3A_2223 : vector<16xi1>, vector<16xf32>
      %parallel_loop3A_2225 = arith.constant 560 : i32
      %parallel_loop3A_2226 = arith.addi %parallel_loop3A_18, %parallel_loop3A_2225 : i32
      %parallel_loop3A_2227 = arith.index_cast %parallel_loop3A_2226 : i32 to index
      %parallel_loop3A_2228 = tpu.vector_load %arg6[%parallel_loop3A_2227] {strides = array<i32>} : memref<32768xf32, #tpu.memory_space<vmem>>, vector<16xf32>,
      %parallel_loop3A_2229 = arith.cmpf oge, %parallel_loop3A_2228, %parallel_loop3A_1891 : vector<16xf32>
      %parallel_loop3A_2230 = arith.mulf %parallel_loop3A_2228, %parallel_loop3A_1909 : vector<16xf32>
      %parallel_loop3A_2231 = arith.constant 0.000000e+00 : f32
      %parallel_loop3A_2232 = vector.broadcast %parallel_loop3A_2231 : f32 to vector<16xf32>
      %parallel_loop3A_2233 = arith.select %parallel_loop3A_2229, %parallel_loop3A_2230, %parallel_loop3A_2232 : vector<16xi1>, vector<16xf32>
      %parallel_loop3A_2234 = arith.constant 576 : i32
      %parallel_loop3A_2235 = arith.addi %parallel_loop3A_18, %parallel_loop3A_2234 : i32
      %parallel_loop3A_2236 = arith.index_cast %parallel_loop3A_2235 : i32 to index
      %parallel_loop3A_2237 = tpu.vector_load %arg6[%parallel_loop3A_2236] {strides = array<i32>} : memref<32768xf32, #tpu.memory_space<vmem>>, vector<16xf32>,
      %parallel_loop3A_2238 = arith.cmpf oge, %parallel_loop3A_2237, %parallel_loop3A_1891 : vector<16xf32>
      %parallel_loop3A_2239 = arith.mulf %parallel_loop3A_2237, %parallel_loop3A_1909 : vector<16xf32>
      %parallel_loop3A_2240 = arith.constant 0.000000e+00 : f32
      %parallel_loop3A_2241 = vector.broadcast %parallel_loop3A_2240 : f32 to vector<16xf32>
      %parallel_loop3A_2242 = arith.select %parallel_loop3A_2238, %parallel_loop3A_2239, %parallel_loop3A_2241 : vector<16xi1>, vector<16xf32>
      %parallel_loop3A_2243 = arith.constant 592 : i32
      %parallel_loop3A_2244 = arith.addi %parallel_loop3A_18, %parallel_loop3A_2243 : i32
      %parallel_loop3A_2245 = arith.index_cast %parallel_loop3A_2244 : i32 to index
      %parallel_loop3A_2246 = tpu.vector_load %arg6[%parallel_loop3A_2245] {strides = array<i32>} : memref<32768xf32, #tpu.memory_space<vmem>>, vector<16xf32>,
      %parallel_loop3A_2247 = arith.cmpf oge, %parallel_loop3A_2246, %parallel_loop3A_1891 : vector<16xf32>
      %parallel_loop3A_2248 = arith.mulf %parallel_loop3A_2246, %parallel_loop3A_1909 : vector<16xf32>
      %parallel_loop3A_2249 = arith.constant 0.000000e+00 : f32
      %parallel_loop3A_2250 = vector.broadcast %parallel_loop3A_2249 : f32 to vector<16xf32>
      %parallel_loop3A_2251 = arith.select %parallel_loop3A_2247, %parallel_loop3A_2248, %parallel_loop3A_2250 : vector<16xi1>, vector<16xf32>
      %parallel_loop3A_2252 = arith.constant 608 : i32
      %parallel_loop3A_2253 = arith.addi %parallel_loop3A_18, %parallel_loop3A_2252 : i32
      %parallel_loop3A_2254 = arith.index_cast %parallel_loop3A_2253 : i32 to index
      %parallel_loop3A_2255 = tpu.vector_load %arg6[%parallel_loop3A_2254] {strides = array<i32>} : memref<32768xf32, #tpu.memory_space<vmem>>, vector<16xf32>,
      %parallel_loop3A_2256 = arith.cmpf oge, %parallel_loop3A_2255, %parallel_loop3A_1891 : vector<16xf32>
      %parallel_loop3A_2257 = arith.mulf %parallel_loop3A_2255, %parallel_loop3A_1909 : vector<16xf32>
      %parallel_loop3A_2258 = arith.constant 0.000000e+00 : f32
      %parallel_loop3A_2259 = vector.broadcast %parallel_loop3A_2258 : f32 to vector<16xf32>
      %parallel_loop3A_2260 = arith.select %parallel_loop3A_2256, %parallel_loop3A_2257, %parallel_loop3A_2259 : vector<16xi1>, vector<16xf32>
      %parallel_loop3A_2261 = arith.constant 624 : i32
      %parallel_loop3A_2262 = arith.addi %parallel_loop3A_18, %parallel_loop3A_2261 : i32
      %parallel_loop3A_2263 = arith.index_cast %parallel_loop3A_2262 : i32 to index
      %parallel_loop3A_2264 = tpu.vector_load %arg6[%parallel_loop3A_2263] {strides = array<i32>} : memref<32768xf32, #tpu.memory_space<vmem>>, vector<16xf32>,
      %parallel_loop3A_2265 = arith.cmpf oge, %parallel_loop3A_2264, %parallel_loop3A_1891 : vector<16xf32>
      %parallel_loop3A_2266 = arith.mulf %parallel_loop3A_2264, %parallel_loop3A_1909 : vector<16xf32>
      %parallel_loop3A_2267 = arith.constant 0.000000e+00 : f32
      %parallel_loop3A_2268 = vector.broadcast %parallel_loop3A_2267 : f32 to vector<16xf32>
      %parallel_loop3A_2269 = arith.select %parallel_loop3A_2265, %parallel_loop3A_2266, %parallel_loop3A_2268 : vector<16xi1>, vector<16xf32>
      %parallel_loop3A_2270 = arith.constant 640 : i32
      %parallel_loop3A_2271 = arith.addi %parallel_loop3A_18, %parallel_loop3A_2270 : i32
      %parallel_loop3A_2272 = arith.index_cast %parallel_loop3A_2271 : i32 to index
      %parallel_loop3A_2273 = tpu.vector_load %arg6[%parallel_loop3A_2272] {strides = array<i32>} : memref<32768xf32, #tpu.memory_space<vmem>>, vector<16xf32>,
      %parallel_loop3A_2274 = arith.cmpf oge, %parallel_loop3A_2273, %parallel_loop3A_1891 : vector<16xf32>
      %parallel_loop3A_2275 = arith.mulf %parallel_loop3A_2273, %parallel_loop3A_1909 : vector<16xf32>
      %parallel_loop3A_2276 = arith.constant 0.000000e+00 : f32
      %parallel_loop3A_2277 = vector.broadcast %parallel_loop3A_2276 : f32 to vector<16xf32>
      %parallel_loop3A_2278 = arith.select %parallel_loop3A_2274, %parallel_loop3A_2275, %parallel_loop3A_2277 : vector<16xi1>, vector<16xf32>
      %parallel_loop3A_2279 = arith.constant 656 : i32
      %parallel_loop3A_2280 = arith.addi %parallel_loop3A_18, %parallel_loop3A_2279 : i32
      %parallel_loop3A_2281 = arith.index_cast %parallel_loop3A_2280 : i32 to index
      %parallel_loop3A_2282 = tpu.vector_load %arg6[%parallel_loop3A_2281] {strides = array<i32>} : memref<32768xf32, #tpu.memory_space<vmem>>, vector<16xf32>,
      %parallel_loop3A_2283 = arith.cmpf oge, %parallel_loop3A_2282, %parallel_loop3A_1891 : vector<16xf32>
      %parallel_loop3A_2284 = arith.mulf %parallel_loop3A_2282, %parallel_loop3A_1909 : vector<16xf32>
      %parallel_loop3A_2285 = arith.constant 0.000000e+00 : f32
      %parallel_loop3A_2286 = vector.broadcast %parallel_loop3A_2285 : f32 to vector<16xf32>
      %parallel_loop3A_2287 = arith.select %parallel_loop3A_2283, %parallel_loop3A_2284, %parallel_loop3A_2286 : vector<16xi1>, vector<16xf32>
      %parallel_loop3A_2288 = arith.constant 672 : i32
      %parallel_loop3A_2289 = arith.addi %parallel_loop3A_18, %parallel_loop3A_2288 : i32
      %parallel_loop3A_2290 = arith.index_cast %parallel_loop3A_2289 : i32 to index
      %parallel_loop3A_2291 = tpu.vector_load %arg6[%parallel_loop3A_2290] {strides = array<i32>} : memref<32768xf32, #tpu.memory_space<vmem>>, vector<16xf32>,
      %parallel_loop3A_2292 = arith.cmpf oge, %parallel_loop3A_2291, %parallel_loop3A_1891 : vector<16xf32>
      %parallel_loop3A_2293 = arith.mulf %parallel_loop3A_2291, %parallel_loop3A_1909 : vector<16xf32>
      %parallel_loop3A_2294 = arith.constant 0.000000e+00 : f32
      %parallel_loop3A_2295 = vector.broadcast %parallel_loop3A_2294 : f32 to vector<16xf32>
      %parallel_loop3A_2296 = arith.select %parallel_loop3A_2292, %parallel_loop3A_2293, %parallel_loop3A_2295 : vector<16xi1>, vector<16xf32>
      %parallel_loop3A_2297 = arith.constant 688 : i32
      %parallel_loop3A_2298 = arith.addi %parallel_loop3A_18, %parallel_loop3A_2297 : i32
      %parallel_loop3A_2299 = arith.index_cast %parallel_loop3A_2298 : i32 to index
      %parallel_loop3A_2300 = tpu.vector_load %arg6[%parallel_loop3A_2299] {strides = array<i32>} : memref<32768xf32, #tpu.memory_space<vmem>>, vector<16xf32>,
      %parallel_loop3A_2301 = arith.cmpf oge, %parallel_loop3A_2300, %parallel_loop3A_1891 : vector<16xf32>
      %parallel_loop3A_2302 = arith.mulf %parallel_loop3A_2300, %parallel_loop3A_1909 : vector<16xf32>
      %parallel_loop3A_2303 = arith.constant 0.000000e+00 : f32
      %parallel_loop3A_2304 = vector.broadcast %parallel_loop3A_2303 : f32 to vector<16xf32>
      %parallel_loop3A_2305 = arith.select %parallel_loop3A_2301, %parallel_loop3A_2302, %parallel_loop3A_2304 : vector<16xi1>, vector<16xf32>
      %parallel_loop3A_2306 = arith.constant 704 : i32
      %parallel_loop3A_2307 = arith.addi %parallel_loop3A_18, %parallel_loop3A_2306 : i32
      %parallel_loop3A_2308 = arith.index_cast %parallel_loop3A_2307 : i32 to index
      %parallel_loop3A_2309 = tpu.vector_load %arg6[%parallel_loop3A_2308] {strides = array<i32>} : memref<32768xf32, #tpu.memory_space<vmem>>, vector<16xf32>,
      %parallel_loop3A_2310 = arith.cmpf oge, %parallel_loop3A_2309, %parallel_loop3A_1891 : vector<16xf32>
      %parallel_loop3A_2311 = arith.mulf %parallel_loop3A_2309, %parallel_loop3A_1909 : vector<16xf32>
      %parallel_loop3A_2312 = arith.constant 0.000000e+00 : f32
      %parallel_loop3A_2313 = vector.broadcast %parallel_loop3A_2312 : f32 to vector<16xf32>
      %parallel_loop3A_2314 = arith.select %parallel_loop3A_2310, %parallel_loop3A_2311, %parallel_loop3A_2313 : vector<16xi1>, vector<16xf32>
      %parallel_loop3A_2315 = arith.constant 720 : i32
      %parallel_loop3A_2316 = arith.addi %parallel_loop3A_18, %parallel_loop3A_2315 : i32
      %parallel_loop3A_2317 = arith.index_cast %parallel_loop3A_2316 : i32 to index
      %parallel_loop3A_2318 = tpu.vector_load %arg6[%parallel_loop3A_2317] {strides = array<i32>} : memref<32768xf32, #tpu.memory_space<vmem>>, vector<16xf32>,
      %parallel_loop3A_2319 = arith.cmpf oge, %parallel_loop3A_2318, %parallel_loop3A_1891 : vector<16xf32>
      %parallel_loop3A_2320 = arith.mulf %parallel_loop3A_2318, %parallel_loop3A_1909 : vector<16xf32>
      %parallel_loop3A_2321 = arith.constant 0.000000e+00 : f32
      %parallel_loop3A_2322 = vector.broadcast %parallel_loop3A_2321 : f32 to vector<16xf32>
      %parallel_loop3A_2323 = arith.select %parallel_loop3A_2319, %parallel_loop3A_2320, %parallel_loop3A_2322 : vector<16xi1>, vector<16xf32>
      %parallel_loop3A_2324 = arith.constant 736 : i32
      %parallel_loop3A_2325 = arith.addi %parallel_loop3A_18, %parallel_loop3A_2324 : i32
      %parallel_loop3A_2326 = arith.index_cast %parallel_loop3A_2325 : i32 to index
      %parallel_loop3A_2327 = tpu.vector_load %arg6[%parallel_loop3A_2326] {strides = array<i32>} : memref<32768xf32, #tpu.memory_space<vmem>>, vector<16xf32>,
      %parallel_loop3A_2328 = arith.cmpf oge, %parallel_loop3A_2327, %parallel_loop3A_1891 : vector<16xf32>
      %parallel_loop3A_2329 = arith.mulf %parallel_loop3A_2327, %parallel_loop3A_1909 : vector<16xf32>
      %parallel_loop3A_2330 = arith.constant 0.000000e+00 : f32
      %parallel_loop3A_2331 = vector.broadcast %parallel_loop3A_2330 : f32 to vector<16xf32>
      %parallel_loop3A_2332 = arith.select %parallel_loop3A_2328, %parallel_loop3A_2329, %parallel_loop3A_2331 : vector<16xi1>, vector<16xf32>
      %parallel_loop3A_2333 = arith.constant 752 : i32
      %parallel_loop3A_2334 = arith.addi %parallel_loop3A_18, %parallel_loop3A_2333 : i32
      %parallel_loop3A_2335 = arith.index_cast %parallel_loop3A_2334 : i32 to index
      %parallel_loop3A_2336 = tpu.vector_load %arg6[%parallel_loop3A_2335] {strides = array<i32>} : memref<32768xf32, #tpu.memory_space<vmem>>, vector<16xf32>,
      %parallel_loop3A_2337 = arith.cmpf oge, %parallel_loop3A_2336, %parallel_loop3A_1891 : vector<16xf32>
      %parallel_loop3A_2338 = arith.mulf %parallel_loop3A_2336, %parallel_loop3A_1909 : vector<16xf32>
      %parallel_loop3A_2339 = arith.constant 0.000000e+00 : f32
      %parallel_loop3A_2340 = vector.broadcast %parallel_loop3A_2339 : f32 to vector<16xf32>
      %parallel_loop3A_2341 = arith.select %parallel_loop3A_2337, %parallel_loop3A_2338, %parallel_loop3A_2340 : vector<16xi1>, vector<16xf32>
      %parallel_loop3A_2342 = arith.constant 768 : i32
      %parallel_loop3A_2343 = arith.addi %parallel_loop3A_18, %parallel_loop3A_2342 : i32
      %parallel_loop3A_2344 = arith.index_cast %parallel_loop3A_2343 : i32 to index
      %parallel_loop3A_2345 = tpu.vector_load %arg6[%parallel_loop3A_2344] {strides = array<i32>} : memref<32768xf32, #tpu.memory_space<vmem>>, vector<16xf32>,
      %parallel_loop3A_2346 = arith.cmpf oge, %parallel_loop3A_2345, %parallel_loop3A_1891 : vector<16xf32>
      %parallel_loop3A_2347 = arith.mulf %parallel_loop3A_2345, %parallel_loop3A_1909 : vector<16xf32>
      %parallel_loop3A_2348 = arith.constant 0.000000e+00 : f32
      %parallel_loop3A_2349 = vector.broadcast %parallel_loop3A_2348 : f32 to vector<16xf32>
      %parallel_loop3A_2350 = arith.select %parallel_loop3A_2346, %parallel_loop3A_2347, %parallel_loop3A_2349 : vector<16xi1>, vector<16xf32>
      %parallel_loop3A_2351 = arith.constant 784 : i32
      %parallel_loop3A_2352 = arith.addi %parallel_loop3A_18, %parallel_loop3A_2351 : i32
      %parallel_loop3A_2353 = arith.index_cast %parallel_loop3A_2352 : i32 to index
      %parallel_loop3A_2354 = tpu.vector_load %arg6[%parallel_loop3A_2353] {strides = array<i32>} : memref<32768xf32, #tpu.memory_space<vmem>>, vector<16xf32>,
      %parallel_loop3A_2355 = arith.cmpf oge, %parallel_loop3A_2354, %parallel_loop3A_1891 : vector<16xf32>
      %parallel_loop3A_2356 = arith.mulf %parallel_loop3A_2354, %parallel_loop3A_1909 : vector<16xf32>
      %parallel_loop3A_2357 = arith.constant 0.000000e+00 : f32
      %parallel_loop3A_2358 = vector.broadcast %parallel_loop3A_2357 : f32 to vector<16xf32>
      %parallel_loop3A_2359 = arith.select %parallel_loop3A_2355, %parallel_loop3A_2356, %parallel_loop3A_2358 : vector<16xi1>, vector<16xf32>
      %parallel_loop3A_2360 = arith.constant 800 : i32
      %parallel_loop3A_2361 = arith.addi %parallel_loop3A_18, %parallel_loop3A_2360 : i32
      %parallel_loop3A_2362 = arith.index_cast %parallel_loop3A_2361 : i32 to index
      %parallel_loop3A_2363 = tpu.vector_load %arg6[%parallel_loop3A_2362] {strides = array<i32>} : memref<32768xf32, #tpu.memory_space<vmem>>, vector<16xf32>,
      %parallel_loop3A_2364 = arith.cmpf oge, %parallel_loop3A_2363, %parallel_loop3A_1891 : vector<16xf32>
      %parallel_loop3A_2365 = arith.mulf %parallel_loop3A_2363, %parallel_loop3A_1909 : vector<16xf32>
      %parallel_loop3A_2366 = arith.constant 0.000000e+00 : f32
      %parallel_loop3A_2367 = vector.broadcast %parallel_loop3A_2366 : f32 to vector<16xf32>
      %parallel_loop3A_2368 = arith.select %parallel_loop3A_2364, %parallel_loop3A_2365, %parallel_loop3A_2367 : vector<16xi1>, vector<16xf32>
      %parallel_loop3A_2369 = arith.constant 816 : i32
      %parallel_loop3A_2370 = arith.addi %parallel_loop3A_18, %parallel_loop3A_2369 : i32
      %parallel_loop3A_2371 = arith.index_cast %parallel_loop3A_2370 : i32 to index
      %parallel_loop3A_2372 = tpu.vector_load %arg6[%parallel_loop3A_2371] {strides = array<i32>} : memref<32768xf32, #tpu.memory_space<vmem>>, vector<16xf32>,
      %parallel_loop3A_2373 = arith.cmpf oge, %parallel_loop3A_2372, %parallel_loop3A_1891 : vector<16xf32>
      %parallel_loop3A_2374 = arith.mulf %parallel_loop3A_2372, %parallel_loop3A_1909 : vector<16xf32>
      %parallel_loop3A_2375 = arith.constant 0.000000e+00 : f32
      %parallel_loop3A_2376 = vector.broadcast %parallel_loop3A_2375 : f32 to vector<16xf32>
      %parallel_loop3A_2377 = arith.select %parallel_loop3A_2373, %parallel_loop3A_2374, %parallel_loop3A_2376 : vector<16xi1>, vector<16xf32>
      %parallel_loop3A_2378 = arith.constant 832 : i32
      %parallel_loop3A_2379 = arith.addi %parallel_loop3A_18, %parallel_loop3A_2378 : i32
      %parallel_loop3A_2380 = arith.index_cast %parallel_loop3A_2379 : i32 to index
      %parallel_loop3A_2381 = tpu.vector_load %arg6[%parallel_loop3A_2380] {strides = array<i32>} : memref<32768xf32, #tpu.memory_space<vmem>>, vector<16xf32>,
      %parallel_loop3A_2382 = arith.cmpf oge, %parallel_loop3A_2381, %parallel_loop3A_1891 : vector<16xf32>
      %parallel_loop3A_2383 = arith.mulf %parallel_loop3A_2381, %parallel_loop3A_1909 : vector<16xf32>
      %parallel_loop3A_2384 = arith.constant 0.000000e+00 : f32
      %parallel_loop3A_2385 = vector.broadcast %parallel_loop3A_2384 : f32 to vector<16xf32>
      %parallel_loop3A_2386 = arith.select %parallel_loop3A_2382, %parallel_loop3A_2383, %parallel_loop3A_2385 : vector<16xi1>, vector<16xf32>
      %parallel_loop3A_2387 = arith.constant 848 : i32
      %parallel_loop3A_2388 = arith.addi %parallel_loop3A_18, %parallel_loop3A_2387 : i32
      %parallel_loop3A_2389 = arith.index_cast %parallel_loop3A_2388 : i32 to index
      %parallel_loop3A_2390 = tpu.vector_load %arg6[%parallel_loop3A_2389] {strides = array<i32>} : memref<32768xf32, #tpu.memory_space<vmem>>, vector<16xf32>,
      %parallel_loop3A_2391 = arith.cmpf oge, %parallel_loop3A_2390, %parallel_loop3A_1891 : vector<16xf32>
      %parallel_loop3A_2392 = arith.mulf %parallel_loop3A_2390, %parallel_loop3A_1909 : vector<16xf32>
      %parallel_loop3A_2393 = arith.constant 0.000000e+00 : f32
      %parallel_loop3A_2394 = vector.broadcast %parallel_loop3A_2393 : f32 to vector<16xf32>
      %parallel_loop3A_2395 = arith.select %parallel_loop3A_2391, %parallel_loop3A_2392, %parallel_loop3A_2394 : vector<16xi1>, vector<16xf32>
      %parallel_loop3A_2396 = arith.constant 864 : i32
      %parallel_loop3A_2397 = arith.addi %parallel_loop3A_18, %parallel_loop3A_2396 : i32
      %parallel_loop3A_2398 = arith.index_cast %parallel_loop3A_2397 : i32 to index
      %parallel_loop3A_2399 = tpu.vector_load %arg6[%parallel_loop3A_2398] {strides = array<i32>} : memref<32768xf32, #tpu.memory_space<vmem>>, vector<16xf32>,
      %parallel_loop3A_2400 = arith.cmpf oge, %parallel_loop3A_2399, %parallel_loop3A_1891 : vector<16xf32>
      %parallel_loop3A_2401 = arith.mulf %parallel_loop3A_2399, %parallel_loop3A_1909 : vector<16xf32>
      %parallel_loop3A_2402 = arith.constant 0.000000e+00 : f32
      %parallel_loop3A_2403 = vector.broadcast %parallel_loop3A_2402 : f32 to vector<16xf32>
      %parallel_loop3A_2404 = arith.select %parallel_loop3A_2400, %parallel_loop3A_2401, %parallel_loop3A_2403 : vector<16xi1>, vector<16xf32>
      %parallel_loop3A_2405 = arith.constant 880 : i32
      %parallel_loop3A_2406 = arith.addi %parallel_loop3A_18, %parallel_loop3A_2405 : i32
      %parallel_loop3A_2407 = arith.index_cast %parallel_loop3A_2406 : i32 to index
      %parallel_loop3A_2408 = tpu.vector_load %arg6[%parallel_loop3A_2407] {strides = array<i32>} : memref<32768xf32, #tpu.memory_space<vmem>>, vector<16xf32>,
      %parallel_loop3A_2409 = arith.cmpf oge, %parallel_loop3A_2408, %parallel_loop3A_1891 : vector<16xf32>
      %parallel_loop3A_2410 = arith.mulf %parallel_loop3A_2408, %parallel_loop3A_1909 : vector<16xf32>
      %parallel_loop3A_2411 = arith.constant 0.000000e+00 : f32
      %parallel_loop3A_2412 = vector.broadcast %parallel_loop3A_2411 : f32 to vector<16xf32>
      %parallel_loop3A_2413 = arith.select %parallel_loop3A_2409, %parallel_loop3A_2410, %parallel_loop3A_2412 : vector<16xi1>, vector<16xf32>
      %parallel_loop3A_2414 = arith.constant 896 : i32
      %parallel_loop3A_2415 = arith.addi %parallel_loop3A_18, %parallel_loop3A_2414 : i32
      %parallel_loop3A_2416 = arith.index_cast %parallel_loop3A_2415 : i32 to index
      %parallel_loop3A_2417 = tpu.vector_load %arg6[%parallel_loop3A_2416] {strides = array<i32>} : memref<32768xf32, #tpu.memory_space<vmem>>, vector<16xf32>,
      %parallel_loop3A_2418 = arith.cmpf oge, %parallel_loop3A_2417, %parallel_loop3A_1891 : vector<16xf32>
      %parallel_loop3A_2419 = arith.mulf %parallel_loop3A_2417, %parallel_loop3A_1909 : vector<16xf32>
      %parallel_loop3A_2420 = arith.constant 0.000000e+00 : f32
      %parallel_loop3A_2421 = vector.broadcast %parallel_loop3A_2420 : f32 to vector<16xf32>
      %parallel_loop3A_2422 = arith.select %parallel_loop3A_2418, %parallel_loop3A_2419, %parallel_loop3A_2421 : vector<16xi1>, vector<16xf32>
      %parallel_loop3A_2423 = arith.constant 912 : i32
      %parallel_loop3A_2424 = arith.addi %parallel_loop3A_18, %parallel_loop3A_2423 : i32
      %parallel_loop3A_2425 = arith.index_cast %parallel_loop3A_2424 : i32 to index
      %parallel_loop3A_2426 = tpu.vector_load %arg6[%parallel_loop3A_2425] {strides = array<i32>} : memref<32768xf32, #tpu.memory_space<vmem>>, vector<16xf32>,
      %parallel_loop3A_2427 = arith.cmpf oge, %parallel_loop3A_2426, %parallel_loop3A_1891 : vector<16xf32>
      %parallel_loop3A_2428 = arith.mulf %parallel_loop3A_2426, %parallel_loop3A_1909 : vector<16xf32>
      %parallel_loop3A_2429 = arith.constant 0.000000e+00 : f32
      %parallel_loop3A_2430 = vector.broadcast %parallel_loop3A_2429 : f32 to vector<16xf32>
      %parallel_loop3A_2431 = arith.select %parallel_loop3A_2427, %parallel_loop3A_2428, %parallel_loop3A_2430 : vector<16xi1>, vector<16xf32>
      %parallel_loop3A_2432 = arith.constant 928 : i32
      %parallel_loop3A_2433 = arith.addi %parallel_loop3A_18, %parallel_loop3A_2432 : i32
      %parallel_loop3A_2434 = arith.index_cast %parallel_loop3A_2433 : i32 to index
      %parallel_loop3A_2435 = tpu.vector_load %arg6[%parallel_loop3A_2434] {strides = array<i32>} : memref<32768xf32, #tpu.memory_space<vmem>>, vector<16xf32>,
      %parallel_loop3A_2436 = arith.cmpf oge, %parallel_loop3A_2435, %parallel_loop3A_1891 : vector<16xf32>
      %parallel_loop3A_2437 = arith.mulf %parallel_loop3A_2435, %parallel_loop3A_1909 : vector<16xf32>
      %parallel_loop3A_2438 = arith.constant 0.000000e+00 : f32
      %parallel_loop3A_2439 = vector.broadcast %parallel_loop3A_2438 : f32 to vector<16xf32>
      %parallel_loop3A_2440 = arith.select %parallel_loop3A_2436, %parallel_loop3A_2437, %parallel_loop3A_2439 : vector<16xi1>, vector<16xf32>
      %parallel_loop3A_2441 = arith.constant 944 : i32
      %parallel_loop3A_2442 = arith.addi %parallel_loop3A_18, %parallel_loop3A_2441 : i32
      %parallel_loop3A_2443 = arith.index_cast %parallel_loop3A_2442 : i32 to index
      %parallel_loop3A_2444 = tpu.vector_load %arg6[%parallel_loop3A_2443] {strides = array<i32>} : memref<32768xf32, #tpu.memory_space<vmem>>, vector<16xf32>,
      %parallel_loop3A_2445 = arith.cmpf oge, %parallel_loop3A_2444, %parallel_loop3A_1891 : vector<16xf32>
      %parallel_loop3A_2446 = arith.mulf %parallel_loop3A_2444, %parallel_loop3A_1909 : vector<16xf32>
      %parallel_loop3A_2447 = arith.constant 0.000000e+00 : f32
      %parallel_loop3A_2448 = vector.broadcast %parallel_loop3A_2447 : f32 to vector<16xf32>
      %parallel_loop3A_2449 = arith.select %parallel_loop3A_2445, %parallel_loop3A_2446, %parallel_loop3A_2448 : vector<16xi1>, vector<16xf32>
      %parallel_loop3A_2450 = arith.constant 960 : i32
      %parallel_loop3A_2451 = arith.addi %parallel_loop3A_18, %parallel_loop3A_2450 : i32
      %parallel_loop3A_2452 = arith.index_cast %parallel_loop3A_2451 : i32 to index
      %parallel_loop3A_2453 = tpu.vector_load %arg6[%parallel_loop3A_2452] {strides = array<i32>} : memref<32768xf32, #tpu.memory_space<vmem>>, vector<16xf32>,
      %parallel_loop3A_2454 = arith.cmpf oge, %parallel_loop3A_2453, %parallel_loop3A_1891 : vector<16xf32>
      %parallel_loop3A_2455 = arith.mulf %parallel_loop3A_2453, %parallel_loop3A_1909 : vector<16xf32>
      %parallel_loop3A_2456 = arith.constant 0.000000e+00 : f32
      %parallel_loop3A_2457 = vector.broadcast %parallel_loop3A_2456 : f32 to vector<16xf32>
      %parallel_loop3A_2458 = arith.select %parallel_loop3A_2454, %parallel_loop3A_2455, %parallel_loop3A_2457 : vector<16xi1>, vector<16xf32>
      %parallel_loop3A_2459 = arith.constant 976 : i32
      %parallel_loop3A_2460 = arith.addi %parallel_loop3A_18, %parallel_loop3A_2459 : i32
      %parallel_loop3A_2461 = arith.index_cast %parallel_loop3A_2460 : i32 to index
      %parallel_loop3A_2462 = tpu.vector_load %arg6[%parallel_loop3A_2461] {strides = array<i32>} : memref<32768xf32, #tpu.memory_space<vmem>>, vector<16xf32>,
      %parallel_loop3A_2463 = arith.cmpf oge, %parallel_loop3A_2462, %parallel_loop3A_1891 : vector<16xf32>
      %parallel_loop3A_2464 = arith.mulf %parallel_loop3A_2462, %parallel_loop3A_1909 : vector<16xf32>
      %parallel_loop3A_2465 = arith.constant 0.000000e+00 : f32
      %parallel_loop3A_2466 = vector.broadcast %parallel_loop3A_2465 : f32 to vector<16xf32>
      %parallel_loop3A_2467 = arith.select %parallel_loop3A_2463, %parallel_loop3A_2464, %parallel_loop3A_2466 : vector<16xi1>, vector<16xf32>
      %parallel_loop3A_2468 = arith.constant 992 : i32
      %parallel_loop3A_2469 = arith.addi %parallel_loop3A_18, %parallel_loop3A_2468 : i32
      %parallel_loop3A_2470 = arith.index_cast %parallel_loop3A_2469 : i32 to index
      %parallel_loop3A_2471 = tpu.vector_load %arg6[%parallel_loop3A_2470] {strides = array<i32>} : memref<32768xf32, #tpu.memory_space<vmem>>, vector<16xf32>,
      %parallel_loop3A_2472 = arith.cmpf oge, %parallel_loop3A_2471, %parallel_loop3A_1891 : vector<16xf32>
      %parallel_loop3A_2473 = arith.mulf %parallel_loop3A_2471, %parallel_loop3A_1909 : vector<16xf32>
      %parallel_loop3A_2474 = arith.constant 0.000000e+00 : f32
      %parallel_loop3A_2475 = vector.broadcast %parallel_loop3A_2474 : f32 to vector<16xf32>
      %parallel_loop3A_2476 = arith.select %parallel_loop3A_2472, %parallel_loop3A_2473, %parallel_loop3A_2475 : vector<16xi1>, vector<16xf32>
      %parallel_loop3A_2477 = arith.constant 1008 : i32
      %parallel_loop3A_2478 = arith.addi %parallel_loop3A_18, %parallel_loop3A_2477 : i32
      %parallel_loop3A_2479 = arith.index_cast %parallel_loop3A_2478 : i32 to index
      %parallel_loop3A_2480 = tpu.vector_load %arg6[%parallel_loop3A_2479] {strides = array<i32>} : memref<32768xf32, #tpu.memory_space<vmem>>, vector<16xf32>,
      %parallel_loop3A_2481 = arith.cmpf oge, %parallel_loop3A_2480, %parallel_loop3A_1891 : vector<16xf32>
      %parallel_loop3A_2482 = arith.mulf %parallel_loop3A_2480, %parallel_loop3A_1909 : vector<16xf32>
      %parallel_loop3A_2483 = arith.constant 0.000000e+00 : f32
      %parallel_loop3A_2484 = vector.broadcast %parallel_loop3A_2483 : f32 to vector<16xf32>
      %parallel_loop3A_2485 = arith.select %parallel_loop3A_2481, %parallel_loop3A_2482, %parallel_loop3A_2484 : vector<16xi1>, vector<16xf32>
      %parallel_loop3A_2486 = vector.broadcast %parallel_loop3A_18 : i32 to vector<16xi32>
      %parallel_loop3A_2487 = arith.addi %parallel_loop3A_2486, %mul3A_7 : vector<16xi32>
      %parallel_loop3A_2488 = arith.constant 0 : i32
      %parallel_loop3A_2489 = vector.broadcast %parallel_loop3A_2488 : i32 to vector<16xi32>
      %parallel_loop3A_2490 = arith.addi %parallel_loop3A_2487, %parallel_loop3A_2489 : vector<16xi32>
      tpu.vector_store_idx %arg4[%parallel_loop3A_2490], %parallel_loop3A_1918 : memref<32768xf32, #tpu.memory_space<vmem>>[vector<16xi32>], vector<16xf32>,
      %parallel_loop3A_2491 = arith.constant 1 : i32
      %parallel_loop3A_2492 = vector.broadcast %parallel_loop3A_2491 : i32 to vector<16xi32>
      %parallel_loop3A_2493 = arith.addi %parallel_loop3A_2487, %parallel_loop3A_2492 : vector<16xi32>
      tpu.vector_store_idx %arg4[%parallel_loop3A_2493], %parallel_loop3A_1927 : memref<32768xf32, #tpu.memory_space<vmem>>[vector<16xi32>], vector<16xf32>,
      %parallel_loop3A_2494 = arith.constant 2 : i32
      %parallel_loop3A_2495 = vector.broadcast %parallel_loop3A_2494 : i32 to vector<16xi32>
      %parallel_loop3A_2496 = arith.addi %parallel_loop3A_2487, %parallel_loop3A_2495 : vector<16xi32>
      tpu.vector_store_idx %arg4[%parallel_loop3A_2496], %parallel_loop3A_1936 : memref<32768xf32, #tpu.memory_space<vmem>>[vector<16xi32>], vector<16xf32>,
      %parallel_loop3A_2497 = arith.constant 3 : i32
      %parallel_loop3A_2498 = vector.broadcast %parallel_loop3A_2497 : i32 to vector<16xi32>
      %parallel_loop3A_2499 = arith.addi %parallel_loop3A_2487, %parallel_loop3A_2498 : vector<16xi32>
      tpu.vector_store_idx %arg4[%parallel_loop3A_2499], %parallel_loop3A_1945 : memref<32768xf32, #tpu.memory_space<vmem>>[vector<16xi32>], vector<16xf32>,
      %parallel_loop3A_2500 = arith.constant 4 : i32
      %parallel_loop3A_2501 = vector.broadcast %parallel_loop3A_2500 : i32 to vector<16xi32>
      %parallel_loop3A_2502 = arith.addi %parallel_loop3A_2487, %parallel_loop3A_2501 : vector<16xi32>
      tpu.vector_store_idx %arg4[%parallel_loop3A_2502], %parallel_loop3A_1954 : memref<32768xf32, #tpu.memory_space<vmem>>[vector<16xi32>], vector<16xf32>,
      %parallel_loop3A_2503 = arith.constant 5 : i32
      %parallel_loop3A_2504 = vector.broadcast %parallel_loop3A_2503 : i32 to vector<16xi32>
      %parallel_loop3A_2505 = arith.addi %parallel_loop3A_2487, %parallel_loop3A_2504 : vector<16xi32>
      tpu.vector_store_idx %arg4[%parallel_loop3A_2505], %parallel_loop3A_1963 : memref<32768xf32, #tpu.memory_space<vmem>>[vector<16xi32>], vector<16xf32>,
      %parallel_loop3A_2506 = arith.constant 6 : i32
      %parallel_loop3A_2507 = vector.broadcast %parallel_loop3A_2506 : i32 to vector<16xi32>
      %parallel_loop3A_2508 = arith.addi %parallel_loop3A_2487, %parallel_loop3A_2507 : vector<16xi32>
      tpu.vector_store_idx %arg4[%parallel_loop3A_2508], %parallel_loop3A_1972 : memref<32768xf32, #tpu.memory_space<vmem>>[vector<16xi32>], vector<16xf32>,
      %parallel_loop3A_2509 = arith.constant 7 : i32
      %parallel_loop3A_2510 = vector.broadcast %parallel_loop3A_2509 : i32 to vector<16xi32>
      %parallel_loop3A_2511 = arith.addi %parallel_loop3A_2487, %parallel_loop3A_2510 : vector<16xi32>
      tpu.vector_store_idx %arg4[%parallel_loop3A_2511], %parallel_loop3A_1981 : memref<32768xf32, #tpu.memory_space<vmem>>[vector<16xi32>], vector<16xf32>,
      %parallel_loop3A_2512 = arith.constant 8 : i32
      %parallel_loop3A_2513 = vector.broadcast %parallel_loop3A_2512 : i32 to vector<16xi32>
      %parallel_loop3A_2514 = arith.addi %parallel_loop3A_2487, %parallel_loop3A_2513 : vector<16xi32>
      tpu.vector_store_idx %arg4[%parallel_loop3A_2514], %parallel_loop3A_1990 : memref<32768xf32, #tpu.memory_space<vmem>>[vector<16xi32>], vector<16xf32>,
      %parallel_loop3A_2515 = arith.constant 9 : i32
      %parallel_loop3A_2516 = vector.broadcast %parallel_loop3A_2515 : i32 to vector<16xi32>
      %parallel_loop3A_2517 = arith.addi %parallel_loop3A_2487, %parallel_loop3A_2516 : vector<16xi32>
      tpu.vector_store_idx %arg4[%parallel_loop3A_2517], %parallel_loop3A_1999 : memref<32768xf32, #tpu.memory_space<vmem>>[vector<16xi32>], vector<16xf32>,
      %parallel_loop3A_2518 = arith.constant 10 : i32
      %parallel_loop3A_2519 = vector.broadcast %parallel_loop3A_2518 : i32 to vector<16xi32>
      %parallel_loop3A_2520 = arith.addi %parallel_loop3A_2487, %parallel_loop3A_2519 : vector<16xi32>
      tpu.vector_store_idx %arg4[%parallel_loop3A_2520], %parallel_loop3A_2008 : memref<32768xf32, #tpu.memory_space<vmem>>[vector<16xi32>], vector<16xf32>,
      %parallel_loop3A_2521 = arith.constant 11 : i32
      %parallel_loop3A_2522 = vector.broadcast %parallel_loop3A_2521 : i32 to vector<16xi32>
      %parallel_loop3A_2523 = arith.addi %parallel_loop3A_2487, %parallel_loop3A_2522 : vector<16xi32>
      tpu.vector_store_idx %arg4[%parallel_loop3A_2523], %parallel_loop3A_2017 : memref<32768xf32, #tpu.memory_space<vmem>>[vector<16xi32>], vector<16xf32>,
      %parallel_loop3A_2524 = arith.constant 12 : i32
      %parallel_loop3A_2525 = vector.broadcast %parallel_loop3A_2524 : i32 to vector<16xi32>
      %parallel_loop3A_2526 = arith.addi %parallel_loop3A_2487, %parallel_loop3A_2525 : vector<16xi32>
      tpu.vector_store_idx %arg4[%parallel_loop3A_2526], %parallel_loop3A_2026 : memref<32768xf32, #tpu.memory_space<vmem>>[vector<16xi32>], vector<16xf32>,
      %parallel_loop3A_2527 = arith.constant 13 : i32
      %parallel_loop3A_2528 = vector.broadcast %parallel_loop3A_2527 : i32 to vector<16xi32>
      %parallel_loop3A_2529 = arith.addi %parallel_loop3A_2487, %parallel_loop3A_2528 : vector<16xi32>
      tpu.vector_store_idx %arg4[%parallel_loop3A_2529], %parallel_loop3A_2035 : memref<32768xf32, #tpu.memory_space<vmem>>[vector<16xi32>], vector<16xf32>,
      %parallel_loop3A_2530 = arith.constant 14 : i32
      %parallel_loop3A_2531 = vector.broadcast %parallel_loop3A_2530 : i32 to vector<16xi32>
      %parallel_loop3A_2532 = arith.addi %parallel_loop3A_2487, %parallel_loop3A_2531 : vector<16xi32>
      tpu.vector_store_idx %arg4[%parallel_loop3A_2532], %parallel_loop3A_2044 : memref<32768xf32, #tpu.memory_space<vmem>>[vector<16xi32>], vector<16xf32>,
      %parallel_loop3A_2533 = arith.constant 15 : i32
      %parallel_loop3A_2534 = vector.broadcast %parallel_loop3A_2533 : i32 to vector<16xi32>
      %parallel_loop3A_2535 = arith.addi %parallel_loop3A_2487, %parallel_loop3A_2534 : vector<16xi32>
      tpu.vector_store_idx %arg4[%parallel_loop3A_2535], %parallel_loop3A_2053 : memref<32768xf32, #tpu.memory_space<vmem>>[vector<16xi32>], vector<16xf32>,
      %parallel_loop3A_2536 = arith.constant 16 : i32
      %parallel_loop3A_2537 = vector.broadcast %parallel_loop3A_2536 : i32 to vector<16xi32>
      %parallel_loop3A_2538 = arith.addi %parallel_loop3A_2487, %parallel_loop3A_2537 : vector<16xi32>
      tpu.vector_store_idx %arg4[%parallel_loop3A_2538], %parallel_loop3A_2062 : memref<32768xf32, #tpu.memory_space<vmem>>[vector<16xi32>], vector<16xf32>,
      %parallel_loop3A_2539 = arith.constant 17 : i32
      %parallel_loop3A_2540 = vector.broadcast %parallel_loop3A_2539 : i32 to vector<16xi32>
      %parallel_loop3A_2541 = arith.addi %parallel_loop3A_2487, %parallel_loop3A_2540 : vector<16xi32>
      tpu.vector_store_idx %arg4[%parallel_loop3A_2541], %parallel_loop3A_2071 : memref<32768xf32, #tpu.memory_space<vmem>>[vector<16xi32>], vector<16xf32>,
      %parallel_loop3A_2542 = arith.constant 18 : i32
      %parallel_loop3A_2543 = vector.broadcast %parallel_loop3A_2542 : i32 to vector<16xi32>
      %parallel_loop3A_2544 = arith.addi %parallel_loop3A_2487, %parallel_loop3A_2543 : vector<16xi32>
      tpu.vector_store_idx %arg4[%parallel_loop3A_2544], %parallel_loop3A_2080 : memref<32768xf32, #tpu.memory_space<vmem>>[vector<16xi32>], vector<16xf32>,
      %parallel_loop3A_2545 = arith.constant 19 : i32
      %parallel_loop3A_2546 = vector.broadcast %parallel_loop3A_2545 : i32 to vector<16xi32>
      %parallel_loop3A_2547 = arith.addi %parallel_loop3A_2487, %parallel_loop3A_2546 : vector<16xi32>
      tpu.vector_store_idx %arg4[%parallel_loop3A_2547], %parallel_loop3A_2089 : memref<32768xf32, #tpu.memory_space<vmem>>[vector<16xi32>], vector<16xf32>,
      %parallel_loop3A_2548 = arith.constant 20 : i32
      %parallel_loop3A_2549 = vector.broadcast %parallel_loop3A_2548 : i32 to vector<16xi32>
      %parallel_loop3A_2550 = arith.addi %parallel_loop3A_2487, %parallel_loop3A_2549 : vector<16xi32>
      tpu.vector_store_idx %arg4[%parallel_loop3A_2550], %parallel_loop3A_2098 : memref<32768xf32, #tpu.memory_space<vmem>>[vector<16xi32>], vector<16xf32>,
      %parallel_loop3A_2551 = arith.constant 21 : i32
      %parallel_loop3A_2552 = vector.broadcast %parallel_loop3A_2551 : i32 to vector<16xi32>
      %parallel_loop3A_2553 = arith.addi %parallel_loop3A_2487, %parallel_loop3A_2552 : vector<16xi32>
      tpu.vector_store_idx %arg4[%parallel_loop3A_2553], %parallel_loop3A_2107 : memref<32768xf32, #tpu.memory_space<vmem>>[vector<16xi32>], vector<16xf32>,
      %parallel_loop3A_2554 = arith.constant 22 : i32
      %parallel_loop3A_2555 = vector.broadcast %parallel_loop3A_2554 : i32 to vector<16xi32>
      %parallel_loop3A_2556 = arith.addi %parallel_loop3A_2487, %parallel_loop3A_2555 : vector<16xi32>
      tpu.vector_store_idx %arg4[%parallel_loop3A_2556], %parallel_loop3A_2116 : memref<32768xf32, #tpu.memory_space<vmem>>[vector<16xi32>], vector<16xf32>,
      %parallel_loop3A_2557 = arith.constant 23 : i32
      %parallel_loop3A_2558 = vector.broadcast %parallel_loop3A_2557 : i32 to vector<16xi32>
      %parallel_loop3A_2559 = arith.addi %parallel_loop3A_2487, %parallel_loop3A_2558 : vector<16xi32>
      tpu.vector_store_idx %arg4[%parallel_loop3A_2559], %parallel_loop3A_2125 : memref<32768xf32, #tpu.memory_space<vmem>>[vector<16xi32>], vector<16xf32>,
      %parallel_loop3A_2560 = arith.constant 24 : i32
      %parallel_loop3A_2561 = vector.broadcast %parallel_loop3A_2560 : i32 to vector<16xi32>
      %parallel_loop3A_2562 = arith.addi %parallel_loop3A_2487, %parallel_loop3A_2561 : vector<16xi32>
      tpu.vector_store_idx %arg4[%parallel_loop3A_2562], %parallel_loop3A_2134 : memref<32768xf32, #tpu.memory_space<vmem>>[vector<16xi32>], vector<16xf32>,
      %parallel_loop3A_2563 = arith.constant 25 : i32
      %parallel_loop3A_2564 = vector.broadcast %parallel_loop3A_2563 : i32 to vector<16xi32>
      %parallel_loop3A_2565 = arith.addi %parallel_loop3A_2487, %parallel_loop3A_2564 : vector<16xi32>
      tpu.vector_store_idx %arg4[%parallel_loop3A_2565], %parallel_loop3A_2143 : memref<32768xf32, #tpu.memory_space<vmem>>[vector<16xi32>], vector<16xf32>,
      %parallel_loop3A_2566 = arith.constant 26 : i32
      %parallel_loop3A_2567 = vector.broadcast %parallel_loop3A_2566 : i32 to vector<16xi32>
      %parallel_loop3A_2568 = arith.addi %parallel_loop3A_2487, %parallel_loop3A_2567 : vector<16xi32>
      tpu.vector_store_idx %arg4[%parallel_loop3A_2568], %parallel_loop3A_2152 : memref<32768xf32, #tpu.memory_space<vmem>>[vector<16xi32>], vector<16xf32>,
      %parallel_loop3A_2569 = arith.constant 27 : i32
      %parallel_loop3A_2570 = vector.broadcast %parallel_loop3A_2569 : i32 to vector<16xi32>
      %parallel_loop3A_2571 = arith.addi %parallel_loop3A_2487, %parallel_loop3A_2570 : vector<16xi32>
      tpu.vector_store_idx %arg4[%parallel_loop3A_2571], %parallel_loop3A_2161 : memref<32768xf32, #tpu.memory_space<vmem>>[vector<16xi32>], vector<16xf32>,
      %parallel_loop3A_2572 = arith.constant 28 : i32
      %parallel_loop3A_2573 = vector.broadcast %parallel_loop3A_2572 : i32 to vector<16xi32>
      %parallel_loop3A_2574 = arith.addi %parallel_loop3A_2487, %parallel_loop3A_2573 : vector<16xi32>
      tpu.vector_store_idx %arg4[%parallel_loop3A_2574], %parallel_loop3A_2170 : memref<32768xf32, #tpu.memory_space<vmem>>[vector<16xi32>], vector<16xf32>,
      %parallel_loop3A_2575 = arith.constant 29 : i32
      %parallel_loop3A_2576 = vector.broadcast %parallel_loop3A_2575 : i32 to vector<16xi32>
      %parallel_loop3A_2577 = arith.addi %parallel_loop3A_2487, %parallel_loop3A_2576 : vector<16xi32>
      tpu.vector_store_idx %arg4[%parallel_loop3A_2577], %parallel_loop3A_2179 : memref<32768xf32, #tpu.memory_space<vmem>>[vector<16xi32>], vector<16xf32>,
      %parallel_loop3A_2578 = arith.constant 30 : i32
      %parallel_loop3A_2579 = vector.broadcast %parallel_loop3A_2578 : i32 to vector<16xi32>
      %parallel_loop3A_2580 = arith.addi %parallel_loop3A_2487, %parallel_loop3A_2579 : vector<16xi32>
      tpu.vector_store_idx %arg4[%parallel_loop3A_2580], %parallel_loop3A_2188 : memref<32768xf32, #tpu.memory_space<vmem>>[vector<16xi32>], vector<16xf32>,
      %parallel_loop3A_2581 = arith.constant 31 : i32
      %parallel_loop3A_2582 = vector.broadcast %parallel_loop3A_2581 : i32 to vector<16xi32>
      %parallel_loop3A_2583 = arith.addi %parallel_loop3A_2487, %parallel_loop3A_2582 : vector<16xi32>
      tpu.vector_store_idx %arg4[%parallel_loop3A_2583], %parallel_loop3A_2197 : memref<32768xf32, #tpu.memory_space<vmem>>[vector<16xi32>], vector<16xf32>,
      %parallel_loop3A_2584 = arith.constant 32 : i32
      %parallel_loop3A_2585 = vector.broadcast %parallel_loop3A_2584 : i32 to vector<16xi32>
      %parallel_loop3A_2586 = arith.addi %parallel_loop3A_2487, %parallel_loop3A_2585 : vector<16xi32>
      tpu.vector_store_idx %arg4[%parallel_loop3A_2586], %parallel_loop3A_2206 : memref<32768xf32, #tpu.memory_space<vmem>>[vector<16xi32>], vector<16xf32>,
      %parallel_loop3A_2587 = arith.constant 33 : i32
      %parallel_loop3A_2588 = vector.broadcast %parallel_loop3A_2587 : i32 to vector<16xi32>
      %parallel_loop3A_2589 = arith.addi %parallel_loop3A_2487, %parallel_loop3A_2588 : vector<16xi32>
      tpu.vector_store_idx %arg4[%parallel_loop3A_2589], %parallel_loop3A_2215 : memref<32768xf32, #tpu.memory_space<vmem>>[vector<16xi32>], vector<16xf32>,
      %parallel_loop3A_2590 = arith.constant 34 : i32
      %parallel_loop3A_2591 = vector.broadcast %parallel_loop3A_2590 : i32 to vector<16xi32>
      %parallel_loop3A_2592 = arith.addi %parallel_loop3A_2487, %parallel_loop3A_2591 : vector<16xi32>
      tpu.vector_store_idx %arg4[%parallel_loop3A_2592], %parallel_loop3A_2224 : memref<32768xf32, #tpu.memory_space<vmem>>[vector<16xi32>], vector<16xf32>,
      %parallel_loop3A_2593 = arith.constant 35 : i32
      %parallel_loop3A_2594 = vector.broadcast %parallel_loop3A_2593 : i32 to vector<16xi32>
      %parallel_loop3A_2595 = arith.addi %parallel_loop3A_2487, %parallel_loop3A_2594 : vector<16xi32>
      tpu.vector_store_idx %arg4[%parallel_loop3A_2595], %parallel_loop3A_2233 : memref<32768xf32, #tpu.memory_space<vmem>>[vector<16xi32>], vector<16xf32>,
      %parallel_loop3A_2596 = arith.constant 36 : i32
      %parallel_loop3A_2597 = vector.broadcast %parallel_loop3A_2596 : i32 to vector<16xi32>
      %parallel_loop3A_2598 = arith.addi %parallel_loop3A_2487, %parallel_loop3A_2597 : vector<16xi32>
      tpu.vector_store_idx %arg4[%parallel_loop3A_2598], %parallel_loop3A_2242 : memref<32768xf32, #tpu.memory_space<vmem>>[vector<16xi32>], vector<16xf32>,
      %parallel_loop3A_2599 = arith.constant 37 : i32
      %parallel_loop3A_2600 = vector.broadcast %parallel_loop3A_2599 : i32 to vector<16xi32>
      %parallel_loop3A_2601 = arith.addi %parallel_loop3A_2487, %parallel_loop3A_2600 : vector<16xi32>
      tpu.vector_store_idx %arg4[%parallel_loop3A_2601], %parallel_loop3A_2251 : memref<32768xf32, #tpu.memory_space<vmem>>[vector<16xi32>], vector<16xf32>,
      %parallel_loop3A_2602 = arith.constant 38 : i32
      %parallel_loop3A_2603 = vector.broadcast %parallel_loop3A_2602 : i32 to vector<16xi32>
      %parallel_loop3A_2604 = arith.addi %parallel_loop3A_2487, %parallel_loop3A_2603 : vector<16xi32>
      tpu.vector_store_idx %arg4[%parallel_loop3A_2604], %parallel_loop3A_2260 : memref<32768xf32, #tpu.memory_space<vmem>>[vector<16xi32>], vector<16xf32>,
      %parallel_loop3A_2605 = arith.constant 39 : i32
      %parallel_loop3A_2606 = vector.broadcast %parallel_loop3A_2605 : i32 to vector<16xi32>
      %parallel_loop3A_2607 = arith.addi %parallel_loop3A_2487, %parallel_loop3A_2606 : vector<16xi32>
      tpu.vector_store_idx %arg4[%parallel_loop3A_2607], %parallel_loop3A_2269 : memref<32768xf32, #tpu.memory_space<vmem>>[vector<16xi32>], vector<16xf32>,
      %parallel_loop3A_2608 = arith.constant 40 : i32
      %parallel_loop3A_2609 = vector.broadcast %parallel_loop3A_2608 : i32 to vector<16xi32>
      %parallel_loop3A_2610 = arith.addi %parallel_loop3A_2487, %parallel_loop3A_2609 : vector<16xi32>
      tpu.vector_store_idx %arg4[%parallel_loop3A_2610], %parallel_loop3A_2278 : memref<32768xf32, #tpu.memory_space<vmem>>[vector<16xi32>], vector<16xf32>,
      %parallel_loop3A_2611 = arith.constant 41 : i32
      %parallel_loop3A_2612 = vector.broadcast %parallel_loop3A_2611 : i32 to vector<16xi32>
      %parallel_loop3A_2613 = arith.addi %parallel_loop3A_2487, %parallel_loop3A_2612 : vector<16xi32>
      tpu.vector_store_idx %arg4[%parallel_loop3A_2613], %parallel_loop3A_2287 : memref<32768xf32, #tpu.memory_space<vmem>>[vector<16xi32>], vector<16xf32>,
      %parallel_loop3A_2614 = arith.constant 42 : i32
      %parallel_loop3A_2615 = vector.broadcast %parallel_loop3A_2614 : i32 to vector<16xi32>
      %parallel_loop3A_2616 = arith.addi %parallel_loop3A_2487, %parallel_loop3A_2615 : vector<16xi32>
      tpu.vector_store_idx %arg4[%parallel_loop3A_2616], %parallel_loop3A_2296 : memref<32768xf32, #tpu.memory_space<vmem>>[vector<16xi32>], vector<16xf32>,
      %parallel_loop3A_2617 = arith.constant 43 : i32
      %parallel_loop3A_2618 = vector.broadcast %parallel_loop3A_2617 : i32 to vector<16xi32>
      %parallel_loop3A_2619 = arith.addi %parallel_loop3A_2487, %parallel_loop3A_2618 : vector<16xi32>
      tpu.vector_store_idx %arg4[%parallel_loop3A_2619], %parallel_loop3A_2305 : memref<32768xf32, #tpu.memory_space<vmem>>[vector<16xi32>], vector<16xf32>,
      %parallel_loop3A_2620 = arith.constant 44 : i32
      %parallel_loop3A_2621 = vector.broadcast %parallel_loop3A_2620 : i32 to vector<16xi32>
      %parallel_loop3A_2622 = arith.addi %parallel_loop3A_2487, %parallel_loop3A_2621 : vector<16xi32>
      tpu.vector_store_idx %arg4[%parallel_loop3A_2622], %parallel_loop3A_2314 : memref<32768xf32, #tpu.memory_space<vmem>>[vector<16xi32>], vector<16xf32>,
      %parallel_loop3A_2623 = arith.constant 45 : i32
      %parallel_loop3A_2624 = vector.broadcast %parallel_loop3A_2623 : i32 to vector<16xi32>
      %parallel_loop3A_2625 = arith.addi %parallel_loop3A_2487, %parallel_loop3A_2624 : vector<16xi32>
      tpu.vector_store_idx %arg4[%parallel_loop3A_2625], %parallel_loop3A_2323 : memref<32768xf32, #tpu.memory_space<vmem>>[vector<16xi32>], vector<16xf32>,
      %parallel_loop3A_2626 = arith.constant 46 : i32
      %parallel_loop3A_2627 = vector.broadcast %parallel_loop3A_2626 : i32 to vector<16xi32>
      %parallel_loop3A_2628 = arith.addi %parallel_loop3A_2487, %parallel_loop3A_2627 : vector<16xi32>
      tpu.vector_store_idx %arg4[%parallel_loop3A_2628], %parallel_loop3A_2332 : memref<32768xf32, #tpu.memory_space<vmem>>[vector<16xi32>], vector<16xf32>,
      %parallel_loop3A_2629 = arith.constant 47 : i32
      %parallel_loop3A_2630 = vector.broadcast %parallel_loop3A_2629 : i32 to vector<16xi32>
      %parallel_loop3A_2631 = arith.addi %parallel_loop3A_2487, %parallel_loop3A_2630 : vector<16xi32>
      tpu.vector_store_idx %arg4[%parallel_loop3A_2631], %parallel_loop3A_2341 : memref<32768xf32, #tpu.memory_space<vmem>>[vector<16xi32>], vector<16xf32>,
      %parallel_loop3A_2632 = arith.constant 48 : i32
      %parallel_loop3A_2633 = vector.broadcast %parallel_loop3A_2632 : i32 to vector<16xi32>
      %parallel_loop3A_2634 = arith.addi %parallel_loop3A_2487, %parallel_loop3A_2633 : vector<16xi32>
      tpu.vector_store_idx %arg4[%parallel_loop3A_2634], %parallel_loop3A_2350 : memref<32768xf32, #tpu.memory_space<vmem>>[vector<16xi32>], vector<16xf32>,
      %parallel_loop3A_2635 = arith.constant 49 : i32
      %parallel_loop3A_2636 = vector.broadcast %parallel_loop3A_2635 : i32 to vector<16xi32>
      %parallel_loop3A_2637 = arith.addi %parallel_loop3A_2487, %parallel_loop3A_2636 : vector<16xi32>
      tpu.vector_store_idx %arg4[%parallel_loop3A_2637], %parallel_loop3A_2359 : memref<32768xf32, #tpu.memory_space<vmem>>[vector<16xi32>], vector<16xf32>,
      %parallel_loop3A_2638 = arith.constant 50 : i32
      %parallel_loop3A_2639 = vector.broadcast %parallel_loop3A_2638 : i32 to vector<16xi32>
      %parallel_loop3A_2640 = arith.addi %parallel_loop3A_2487, %parallel_loop3A_2639 : vector<16xi32>
      tpu.vector_store_idx %arg4[%parallel_loop3A_2640], %parallel_loop3A_2368 : memref<32768xf32, #tpu.memory_space<vmem>>[vector<16xi32>], vector<16xf32>,
      %parallel_loop3A_2641 = arith.constant 51 : i32
      %parallel_loop3A_2642 = vector.broadcast %parallel_loop3A_2641 : i32 to vector<16xi32>
      %parallel_loop3A_2643 = arith.addi %parallel_loop3A_2487, %parallel_loop3A_2642 : vector<16xi32>
      tpu.vector_store_idx %arg4[%parallel_loop3A_2643], %parallel_loop3A_2377 : memref<32768xf32, #tpu.memory_space<vmem>>[vector<16xi32>], vector<16xf32>,
      %parallel_loop3A_2644 = arith.constant 52 : i32
      %parallel_loop3A_2645 = vector.broadcast %parallel_loop3A_2644 : i32 to vector<16xi32>
      %parallel_loop3A_2646 = arith.addi %parallel_loop3A_2487, %parallel_loop3A_2645 : vector<16xi32>
      tpu.vector_store_idx %arg4[%parallel_loop3A_2646], %parallel_loop3A_2386 : memref<32768xf32, #tpu.memory_space<vmem>>[vector<16xi32>], vector<16xf32>,
      %parallel_loop3A_2647 = arith.constant 53 : i32
      %parallel_loop3A_2648 = vector.broadcast %parallel_loop3A_2647 : i32 to vector<16xi32>
      %parallel_loop3A_2649 = arith.addi %parallel_loop3A_2487, %parallel_loop3A_2648 : vector<16xi32>
      tpu.vector_store_idx %arg4[%parallel_loop3A_2649], %parallel_loop3A_2395 : memref<32768xf32, #tpu.memory_space<vmem>>[vector<16xi32>], vector<16xf32>,
      %parallel_loop3A_2650 = arith.constant 54 : i32
      %parallel_loop3A_2651 = vector.broadcast %parallel_loop3A_2650 : i32 to vector<16xi32>
      %parallel_loop3A_2652 = arith.addi %parallel_loop3A_2487, %parallel_loop3A_2651 : vector<16xi32>
      tpu.vector_store_idx %arg4[%parallel_loop3A_2652], %parallel_loop3A_2404 : memref<32768xf32, #tpu.memory_space<vmem>>[vector<16xi32>], vector<16xf32>,
      %parallel_loop3A_2653 = arith.constant 55 : i32
      %parallel_loop3A_2654 = vector.broadcast %parallel_loop3A_2653 : i32 to vector<16xi32>
      %parallel_loop3A_2655 = arith.addi %parallel_loop3A_2487, %parallel_loop3A_2654 : vector<16xi32>
      tpu.vector_store_idx %arg4[%parallel_loop3A_2655], %parallel_loop3A_2413 : memref<32768xf32, #tpu.memory_space<vmem>>[vector<16xi32>], vector<16xf32>,
      %parallel_loop3A_2656 = arith.constant 56 : i32
      %parallel_loop3A_2657 = vector.broadcast %parallel_loop3A_2656 : i32 to vector<16xi32>
      %parallel_loop3A_2658 = arith.addi %parallel_loop3A_2487, %parallel_loop3A_2657 : vector<16xi32>
      tpu.vector_store_idx %arg4[%parallel_loop3A_2658], %parallel_loop3A_2422 : memref<32768xf32, #tpu.memory_space<vmem>>[vector<16xi32>], vector<16xf32>,
      %parallel_loop3A_2659 = arith.constant 57 : i32
      %parallel_loop3A_2660 = vector.broadcast %parallel_loop3A_2659 : i32 to vector<16xi32>
      %parallel_loop3A_2661 = arith.addi %parallel_loop3A_2487, %parallel_loop3A_2660 : vector<16xi32>
      tpu.vector_store_idx %arg4[%parallel_loop3A_2661], %parallel_loop3A_2431 : memref<32768xf32, #tpu.memory_space<vmem>>[vector<16xi32>], vector<16xf32>,
      %parallel_loop3A_2662 = arith.constant 58 : i32
      %parallel_loop3A_2663 = vector.broadcast %parallel_loop3A_2662 : i32 to vector<16xi32>
      %parallel_loop3A_2664 = arith.addi %parallel_loop3A_2487, %parallel_loop3A_2663 : vector<16xi32>
      tpu.vector_store_idx %arg4[%parallel_loop3A_2664], %parallel_loop3A_2440 : memref<32768xf32, #tpu.memory_space<vmem>>[vector<16xi32>], vector<16xf32>,
      %parallel_loop3A_2665 = arith.constant 59 : i32
      %parallel_loop3A_2666 = vector.broadcast %parallel_loop3A_2665 : i32 to vector<16xi32>
      %parallel_loop3A_2667 = arith.addi %parallel_loop3A_2487, %parallel_loop3A_2666 : vector<16xi32>
      tpu.vector_store_idx %arg4[%parallel_loop3A_2667], %parallel_loop3A_2449 : memref<32768xf32, #tpu.memory_space<vmem>>[vector<16xi32>], vector<16xf32>,
      %parallel_loop3A_2668 = arith.constant 60 : i32
      %parallel_loop3A_2669 = vector.broadcast %parallel_loop3A_2668 : i32 to vector<16xi32>
      %parallel_loop3A_2670 = arith.addi %parallel_loop3A_2487, %parallel_loop3A_2669 : vector<16xi32>
      tpu.vector_store_idx %arg4[%parallel_loop3A_2670], %parallel_loop3A_2458 : memref<32768xf32, #tpu.memory_space<vmem>>[vector<16xi32>], vector<16xf32>,
      %parallel_loop3A_2671 = arith.constant 61 : i32
      %parallel_loop3A_2672 = vector.broadcast %parallel_loop3A_2671 : i32 to vector<16xi32>
      %parallel_loop3A_2673 = arith.addi %parallel_loop3A_2487, %parallel_loop3A_2672 : vector<16xi32>
      tpu.vector_store_idx %arg4[%parallel_loop3A_2673], %parallel_loop3A_2467 : memref<32768xf32, #tpu.memory_space<vmem>>[vector<16xi32>], vector<16xf32>,
      %parallel_loop3A_2674 = arith.constant 62 : i32
      %parallel_loop3A_2675 = vector.broadcast %parallel_loop3A_2674 : i32 to vector<16xi32>
      %parallel_loop3A_2676 = arith.addi %parallel_loop3A_2487, %parallel_loop3A_2675 : vector<16xi32>
      tpu.vector_store_idx %arg4[%parallel_loop3A_2676], %parallel_loop3A_2476 : memref<32768xf32, #tpu.memory_space<vmem>>[vector<16xi32>], vector<16xf32>,
      %parallel_loop3A_2677 = arith.constant 63 : i32
      %parallel_loop3A_2678 = vector.broadcast %parallel_loop3A_2677 : i32 to vector<16xi32>
      %parallel_loop3A_2679 = arith.addi %parallel_loop3A_2487, %parallel_loop3A_2678 : vector<16xi32>
      tpu.vector_store_idx %arg4[%parallel_loop3A_2679], %parallel_loop3A_2485 : memref<32768xf32, #tpu.memory_space<vmem>>[vector<16xi32>], vector<16xf32>,
    } {sc.loop_unroll_factor = 2 : i64, sc.parallel_access}
    "tpu.region"() ({
      %run_scoped3A = tpu.sem_alloc : memref<!tpu.dma_semaphore, #tpu.memory_space<semaphore_mem>>
      %dma_start3A = tpu.memref_slice %arg3[%mul3A_4] : memref<1048576xf32, #tpu.memory_space<hbm>> -> memref<32768xf32, #tpu.memory_space<hbm>>
      %dma_start3A_14 = tpu.memref_slice %arg3[%mul3A_4] : memref<1048576xf32, #tpu.memory_space<hbm>> -> memref<32768xf32, #tpu.memory_space<hbm>>
      tpu.enqueue_dma source(%arg4 : memref<32768xf32, #tpu.memory_space<vmem>>) target(%dma_start3A_14 : memref<32768xf32, #tpu.memory_space<hbm>>) target_semaphore(%run_scoped3A : memref<!tpu.dma_semaphore, #tpu.memory_space<semaphore_mem>>)
      %dma_wait3A = tpu.memref_slice %arg3[%mul3A_4] : memref<1048576xf32, #tpu.memory_space<hbm>> -> memref<32768xf32, #tpu.memory_space<hbm>>
      %dma_wait3A_15 = tpu.memref_slice %arg3[%mul3A_4] : memref<1048576xf32, #tpu.memory_space<hbm>> -> memref<32768xf32, #tpu.memory_space<hbm>>
      tpu.wait_dma2 semaphore(%run_scoped3A : memref<!tpu.dma_semaphore, #tpu.memory_space<semaphore_mem>>) src(%arg4 : memref<32768xf32, #tpu.memory_space<vmem>>) dst(%dma_wait3A_15 : memref<32768xf32, #tpu.memory_space<hbm>>)
      tpu.yield
    }) : () -> ()
    return
  }
}

module attributes {stable_mosaic.version = 14 : i64} {
  func.func @_tc_logits_body(%arg0: i32, %arg1: memref<512x2048xf32, #tpu.memory_space<vmem>>, %arg2: memref<64x2048xf32, #tpu.memory_space<vmem>>, %arg3: memref<1x64xf32, #tpu.memory_space<vmem>>, %arg4: memref<512x64xf32, #tpu.memory_space<vmem>>) attributes {dimension_semantics = [#tpu.dimension_semantics<arbitrary>], iteration_bounds = array<i64: 32>, scalar_prefetch = 0 : i64, scratch_operands = 0 : i64, tpu.core_type = #tpu.core_type<tc>, window_params = [{transform_indices = @transform_0, window_bounds = array<i64: 512, 2048>}, {pipeline_mode = #tpu.pipeline_mode<synchronous>, transform_indices = @transform_1, window_bounds = array<i64: 64, 2048>}, {pipeline_mode = #tpu.pipeline_mode<synchronous>, transform_indices = @transform_2, window_bounds = array<i64: 1, 64>}, {transform_indices = @transform_3, window_bounds = array<i64: 512, 64>}]} {
    %get3A = arith.constant 0 : index
    %get3A_0 = arith.constant 0 : index
    %get3A_1 = vector.load %arg1[%get3A, %get3A_0] : memref<512x2048xf32, #tpu.memory_space<vmem>>, vector<512x2048xf32>
    %get3A_2 = arith.constant 0 : index
    %get3A_3 = arith.constant 0 : index
    %get3A_4 = vector.load %arg2[%get3A_2, %get3A_3] : memref<64x2048xf32, #tpu.memory_space<vmem>>, vector<64x2048xf32>
    %dot_general3A = arith.constant dense<0.000000e+00> : vector<512x64xf32>
    %dot_general3A_5 = tpu.matmul %get3A_1, %get3A_4, %dot_general3A {dimension_numbers = #tpu.dot_dimension_numbers<[1], [1], [0], [0], [0, 0, 1, 0], [], []>, transpose_lhs_hint = false} : vector<512x2048xf32>, vector<64x2048xf32>, vector<512x64xf32> -> vector<512x64xf32>
    %get3A_6 = arith.constant 0 : index
    %get3A_7 = arith.constant 0 : index
    %get3A_8 = vector.load %arg3[%get3A_6, %get3A_7] : memref<1x64xf32, #tpu.memory_space<vmem>>, vector<1x64xf32>
    %add3A = vector.broadcast %get3A_8 : vector<1x64xf32> to vector<512x64xf32>
    %add3A_9 = arith.addf %dot_general3A_5, %add3A : vector<512x64xf32>
    %swap3A = arith.constant 0 : index
    %swap3A_10 = arith.constant 0 : index
    %swap3A_11 = vector.load %arg4[%swap3A, %swap3A_10] : memref<512x64xf32, #tpu.memory_space<vmem>>, vector<512x64xf32>
    tpu.vector_store %arg4[%swap3A, %swap3A_10], %add3A_9 {strides = array<i32>} : memref<512x64xf32, #tpu.memory_space<vmem>>, vector<512x64xf32>,
    return
  }
  func.func @transform_0(%arg0: i32) -> (i32, i32) {
    %c0_i32 = arith.constant 0 : i32
    %c0_i32_0 = arith.constant 0 : i32
    return %arg0, %c0_i32 : i32, i32
  }
  func.func @transform_1(%arg0: i32) -> (i32, i32) {
    %c0_i32 = arith.constant 0 : i32
    %c0_i32_0 = arith.constant 0 : i32
    %c0_i32_1 = arith.constant 0 : i32
    return %c0_i32, %c0_i32_0 : i32, i32
  }
  func.func @transform_2(%arg0: i32) -> (i32, i32) {
    %c0_i32 = arith.constant 0 : i32
    %c0_i32_0 = arith.constant 0 : i32
    %c0_i32_1 = arith.constant 0 : i32
    return %c0_i32, %c0_i32_0 : i32, i32
  }
  func.func @transform_3(%arg0: i32) -> (i32, i32) {
    %c0_i32 = arith.constant 0 : i32
    %c0_i32_0 = arith.constant 0 : i32
    return %arg0, %c0_i32 : i32, i32
  }
}

</mosaic_0001>

<sc_bundles>
// kernel: kernel.4.cloned.1.call-start
scs
__scs_entry_jumppad:
0x0: {  	(pc) =	sbr.rel $0x88, $3  }
0x1: {  	(tag) =	ssettag $0x0;
	lr =	simm.s32 $0x1  }
0x2: {  	[smem:$0x3F9E] =	sst lr;
	_ =	strace $0xD0000000  }
0x3: {  	_ = 	snop  }
0x4: {  	_ = 	snop  }
0x5: {  	_ = 	snop  }
0x6: {  	_ = 	snop  }
0x7: {  	_ = 	snop  }
__scs_overlays_trampoline_lowered:
0x8: {  	[smem:$0x3FAD] =	sst s0  }
0x9: {  	[smem:$0x3FAE] =	sst s1  }
0xa: {  	[smem:$0x3FAF] =	sst s2  }
0xb: {  	[smem:$0x3FB0] =	sst s3  }
0xc: {  	[smem:$0x3FB1] =	sst s4  }
0xd: {  	[smem:$0x3FB2] =	sst s5  }
0xe: {  	[smem:$0x3FB3] =	sst s6  }
0xf: {  	[smem:$0x3FB4] =	sst s7  }
0x10: {  	[smem:$0x3FB5] =	sst s8  }
0x11: {  	[smem:$0x3FB6] =	sst s9;
	s0 =	simm.s32 @!p0 $0x0  }
0x12: {  	s1 =	sld [smem:$0x3F9C];
	s0 =	simm.s32 @p0 $0x1  }
0x13: {  	[smem:$0x3FB7] =	sst s0;
	s0 =	simm.s32 @!p1 $0x0  }
0x14: {  	s2 =	sld [smem:$0x3F9B];
	s0 =	simm.s32 @p1 $0x1  }
0x15: {  	[smem:$0x3FB8] =	sst s0;
	s0 =	simm.s32 @!p2 $0x0  }
0x16: {  	s3 =	sld [smem:$0x3FDB];
	s0 =	simm.s32 @p2 $0x1  }
0x17: {  	s4 =	simm.s32 $0x1BF5;
	[smem:$0x3FBA] =	sst s0  }
0x18: {  	s0 =	sld [smem:$0x3F9D];
	_ =	swait.ge [sflag:s4], $0x0  }
0x19: {  	s7 =	sld [smem:$0x3F9E]  }
0x1a: {  	s8 =	sadd.s32 $0xFFFFE003, lr  }
0x1b: {  	s9 =	sadd.s32 $0xFFFFFEF7, lr;
	s5 =	simm.s32 $0xFFFFFFFF;
	p2 =	slt.u32 s8, $0xFFFFF086  }
0x1c: {  	p1 =	slt.u32 s9, $0xF7A;
	s5 =	simm.s32 @!p2 $0x0  }
0x1d: {  	s5 =	simm.s32 @p1 $0x1;
	p0 =	seq.s32 s7, s2  }
0x1e: {  	s7 =	smul.u32 @!p0 $0xF7A, s2;
	p2 =	seq.s32 @!p0 s5, $0x0  }
0x1f: {  	s9 =	smul.u32 $0xF7A, s1;
	s8 =	simm.s32 @!p0 $0x1BF5;
	p2 =	por !p2, p0  }
0x20: {  	[sflag:s8] =	ssyncset.s32 @!p0 $0xFFFFF086;
	s6 =	sadd.s32 @!p0 s3, s7;
	s7 =	simm.s32 @!p0 $0x108  }
0x21: {  	s3 =	sadd.s32 s3, s9;
	s6 =	sadd.s32 @!p0 $0x88, s6;
	s7 =	simm.s32 @p2 $0x1082  }
0x22: {  	[simem:s7], [sflag:s8] =	dma.local @!p0 [hbm:s6], $0xF7A  }
0x23: {  	s9 =	sor.u32 $0xD0000000, s2;
	s6 =	simm.s32 $0x108;
	_ =	swait.ge @!p0 [sflag:s8], $0x0  }
0x24: {  	s3 =	sadd.s32 $0x88, s3;
	s6 =	simm.s32 @!p1 $0x1082;
	[sflag:s4] =	ssyncset.s32 $0xFFFFF086  }
0x25: {  	[simem:s6], [sflag:s4] =	dma.local [hbm:s3], $0xF7A  }
0x26: {  	[smem:$0x3F9E] =	sst s1;
	(tag) =	ssettag s2;
	_ =	strace s9  }
0x27: {  	s1 =	sld [smem:$0x3FAE]  }
0x28: {  	s2 =	sld [smem:$0x3FAF]  }
0x29: {  	s4 =	sld [smem:$0x3FB1]  }
0x2a: {  	p0 =	seq.s32 s5, $0x0;
	s5 =	sld [smem:$0x3FB2]  }
0x2b: {  	s6 =	sld [smem:$0x3FB3]  }
0x2c: {  	s7 =	sld [smem:$0x3FB4]  }
0x2d: {  	s3 =	simm.s32 $0x108;
	s8 =	sld [smem:$0x3FB5]  }
0x2e: {  	s3 =	simm.s32 @!p0 $0x1082;
	s9 =	sld [smem:$0x3FB6]  }
0x2f: {  	lr =	sadd.s32 s0, s3;
	s0 =	sld [smem:$0x3FAD]  }
0x30: {  	s3 =	sld [smem:$0x3FB0]  }
0x31: {  	[smem:$0x3FB9] =	sst s10  }
0x32: {  	s10 =	sld [smem:$0x3FB7];
	_ =	sdelay $0x3  }
0x33: {  	p0 =	seq.s32 s10, $0x1;
	s10 =	sld [smem:$0x3FB9];
	_ =	sdelay $0x3  }
0x34: {  	[smem:$0x3FB9] =	sst s10  }
0x35: {  	s10 =	sld [smem:$0x3FB8];
	_ =	sdelay $0x3  }
0x36: {  	p1 =	seq.s32 s10, $0x1;
	s10 =	sld [smem:$0x3FB9];
	_ =	sdelay $0x3  }
0x37: {  	[smem:$0x3FB9] =	sst s10  }
0x38: {  	s10 =	sld [smem:$0x3FBA]  }
0x39: {  	_ = 	snop;
	(pc) =	sbr.ind lr, $3  }
0x3a: {  	_ = 	snop  }
0x3b: {  	_ = 	snop  }
0x3c: {  	p2 =	seq.s32 s10, $0x1;
	s10 =	sld [smem:$0x3FB9]  }
0x3d: {  	_ =	shalt  }
0x3e: {  	_ =	shalt  }
0x3f: {  	_ =	shalt  }
0x40: {  	_ =	shalt  }
0x41: {  	_ =	shalt  }
0x42: {  	_ =	shalt  }
0x43: {  	_ =	shalt  }
0x44: {  	_ =	shalt  }
0x45: {  	_ =	shalt  }
0x46: {  	_ =	shalt  }
0x47: {  	_ =	shalt  }
0x48: {  	_ =	shalt  }
0x49: {  	_ =	shalt  }
0x4a: {  	_ =	shalt  }
0x4b: {  	_ =	shalt  }
0x4c: {  	_ =	shalt  }
0x4d: {  	_ =	shalt  }
0x4e: {  	_ =	shalt  }
0x4f: {  	_ =	shalt  }
0x50: {  	_ =	shalt  }
0x51: {  	_ =	shalt  }
0x52: {  	_ =	shalt  }
0x53: {  	_ =	shalt  }
0x54: {  	_ =	shalt  }
0x55: {  	_ =	shalt  }
0x56: {  	_ =	shalt  }
0x57: {  	_ =	shalt  }
0x58: {  	_ =	shalt  }
0x59: {  	_ =	shalt  }
0x5a: {  	_ =	shalt  }
0x5b: {  	_ =	shalt  }
0x5c: {  	_ =	shalt  }
0x5d: {  	_ =	shalt  }
0x5e: {  	_ =	shalt  }
0x5f: {  	_ =	shalt  }
0x60: {  	_ =	shalt  }
0x61: {  	_ =	shalt  }
0x62: {  	_ =	shalt  }
0x63: {  	_ =	shalt  }
0x64: {  	_ =	shalt  }
0x65: {  	_ =	shalt  }
0x66: {  	_ =	shalt  }
0x67: {  	_ =	shalt  }
0x68: {  	_ =	shalt  }
0x69: {  	_ =	shalt  }
0x6a: {  	_ =	shalt  }
0x6b: {  	_ =	shalt  }
0x6c: {  	_ =	shalt  }
0x6d: {  	_ =	shalt  }
0x6e: {  	_ =	shalt  }
0x6f: {  	_ =	shalt  }
0x70: {  	_ =	shalt  }
0x71: {  	_ =	shalt  }
0x72: {  	_ =	shalt  }
0x73: {  	_ =	shalt  }
0x74: {  	_ =	shalt  }
0x75: {  	_ =	shalt  }
0x76: {  	_ =	shalt  }
0x77: {  	_ =	shalt  }
0x78: {  	_ =	shalt  }
0x79: {  	_ =	shalt  }
0x7a: {  	_ =	shalt  }
0x7b: {  	_ =	shalt  }
0x7c: {  	_ =	shalt  }
0x7d: {  	_ =	shalt  }
0x7e: {  	_ =	shalt  }
0x7f: {  	_ =	shalt  }
0x80: {  	_ =	shalt  }
0x81: {  	_ =	shalt  }
0x82: {  	_ =	shalt  }
0x83: {  	_ =	shalt  }
0x84: {  	_ =	shalt  }
0x85: {  	_ =	shalt  }
0x86: {  	_ =	shalt  }
0x87: {  	_ =	shalt  }
.Lfunc_end0:
.L_simem_size_0:
called_computation_lowered:
.L_overlay_start_0:
0x88: {  	s2 =	sld [smem:$0x3FD9]  }
0x89: {  	s3 =	sld [smem:$0x3FFE];
	_ =	sdelay $0x1  }
0x8a: {  	s1 =	srdreg.scid  }
0x8b: {  	s0 =	sand.u32 $0x1, s1  }
0x8c: {  	s17 =	sshll.u32 s0, $0xA;
	s2 =	sadd.s32 s3, s2  }
0x8d: {  	s2 =	sadd.s32 s2, s17  }
0x8e: {  	[smem:$0x3FC5] =	sst s2  }
0x8f: {  	_ = 	snop  }
0x90: {  	s2 =	sld [smem:$0x3FD0];
	(tm) =	ssettm $0x1  }
0x91: {  	s18 =	sld [smem:$0x3FFB];
	_ =	sdelay $0x3  }
0x92: {  	_ =	strace s18  }
0x93: {  	s3 =	sld [smem:$0x3FFC];
	_ =	sdelay $0x3  }
0x94: {  	_ =	strace s3  }
0x95: {  	s3 =	sld [smem:$0x3FFD];
	_ =	sdelay $0x3  }
0x96: {  	_ =	strace s3  }
0x97: {  	_ =	strace $0x8FFFFFFF  }
0x98: {  	s19 =	sld [smem:$0x3FDB];
	_ =	sdelay $0x1  }
0x99: {  	s4 =	simm.s32 $_scs_section_size  }
0x9a: {  	s5 =	simm.s32 $_size__tile_overlayer_lowered;
	s6 =	simm.s32 $_tile_overlayer_lowered  }
0x9b: {  	s22 =	simm.s32 $0x1BFF;
	s21 =	sshll.u32 s6, $0x1;
	s3 =	sadd.s32 s4, s19  }
0x9c: {  	s7 =	simm.s32 $0x0;
	s20 =	sshll.u32 s5, $0x1;
	s5 =	sadd.s32 s21, s3  }
0x9d: {  	[timem:s7], [sflag:s22] =	dma.local [hbm:s5], s20  }
0x9e: {  	_ =	swait.ge [sflag:s22], s20  }
0x9f: {  	s4 =	ssub.s32 $0x0, s20;
	[sflag:s22] =	ssyncset.done $0x0  }
0xa0: {  	[sflag:s22] =	ssyncadd.s32 s4;
	_ =	sdelay $0x1  }
0xa1: {  	s23 =	simm.s32 $0x1B8B  }
0xa2: {  	_ =	swait.ge [sflag:s23], $0x1  }
0xa3: {  	[sflag:s23] =	ssyncset.done $0x0  }
0xa4: {  	s25 =	simm.s32 $0x1B8E;
	s24 =	sld [smem:$0x3FFE];
	[sflag:s23] =	ssyncadd.s32 $0xFFFFFFFF  }
0xa5: {  	s26 =	simm.s32 $execute0_lowered;
	[smem:$0x3FD2] =	sst s25  }
0xa6: {  	s5 =	sshll.u32 s26, $0x1;
	_ =	strace $0x80000046;
	[dreg:$0x1] =	wrdreg $0xFFFFFFFF  }
0xa7: {  	s28 =	simm.s32 $_size_execute0_lowered;
	s3 =	sadd.s32 s3, s5;
	[dreg:$0x0] =	wrdreg $0x0  }
0xa8: {  	s5 =	sshll.u32 s28, $0x1;
	[dreg:$0x2] =	wrdreg s3  }
0xa9: {  	[dreg:$0x3] =	wrdreg s5  }
0xaa: {  	[dreg:$0x4] =	wrdreg $0xC0  }
0xab: {  	_ =	task [dreg:s7], $0x5FFFF  }
0xac: {  	[dreg:$0x1] =	wrdreg $0xFFFFFFFF  }
0xad: {  	[dreg:$0x0] =	wrdreg $0x60  }
0xae: {  	[dreg:$0x2] =	wrdreg s2  }
0xaf: {  	[dreg:$0x3] =	wrdreg s24  }
0xb0: {  	[dreg:$0x4] =	wrdreg $0x9  }
0xb1: {  	_ =	task.clear_ibuf [dreg:s7], $0x5FFFF;
	_ =	strace $0x90000046  }
0xb2: {  	s29 =	simm.s32 $0x9;
	_ =	strace $0x80000048  }
0xb3: {  	_ =	swait.ge [sflag:s29], $0x1  }
0xb4: {  	[sflag:s29] =	ssyncadd.s32 $0xFFFFFFFF  }
0xb5: {  	_ =	strace $0x90000048  }
0xb6: {  	_ =	sfence  }
0xb7: {  	s30 =	sld [smem:$0x0];
	_ =	sdelay $0x2  }
0xb8: {  	s31 =	sshll.u32 s1, $0xD;
	s1 =	sshrl.u32 s1, $0x2  }
0xb9: {  	s3 =	sand.u32 $0x4000, s31;
	s1 =	sadd.s32 s1, s30  }
0xba: {  	s0 =	sor.u32 s3, s0;
	s1 =	sshll.u32 s1, $0x11  }
0xbb: {  	s0 =	sor.u32 s1, s0  }
0xbc: {  	s0 =	sadd.s32 $0x8F2B, s0  }
0xbd: {  	[sflag:s0] =	ssyncadd.remote.s32 $0x1  }
0xbe: {  	_ =	sfence.sel $0xFFFF  }
0xbf: {  	[dreg:$0x0] =	wrdreg $0xFFFFFFFF;
	(pc) =	sbr.abs _section_cstart, $3  }
0xc0: {  	[dreg:$0x1] =	wrdreg $0xFFFFFFFF  }
0xc1: {  	_ =	task.clear_ibuf [dreg:s7], $0x2FFFF;
	_ =	strace $0x9FFFFFFF  }
0xc2: {  	(tm) =	ssettm $0x7FFFFFFF  }
0xc3: {  	_ =	shalt  }
tec
execute0_lowered:
.L_overlay_start_1:
0x0: {  	(tag) =	ssettag $0x1  }
0x1: {  	v0 =	vlaneseq.u32  }
0x2: {  	v1 =	vand.u32 $0x1, v0  }
0x3: {  	v3 =	vmul.u32 $0x40, v0;
	v1 =	vmul.u32 $0x40, v1;
	_ =	sdelay $0x1  }
0x4: {  	v38 =	vmul.u32 $0x200, v0;
	v0 =	vor.u32 $0x4, v3;
	[tilespmem:$0x1FC60] =	vst v1  }
0x5: {  	[tilespmem:$0x1FC70] =	vst v0;
	v0 =	vor.u32 $0x5, v3  }
0x6: {  	[tilespmem:$0x1FC80] =	vst v0;
	v0 =	vor.u32 $0xD, v3  }
0x7: {  	[tilespmem:$0x1FC90] =	vst v0;
	v0 =	vor.u32 $0xE, v3  }
0x8: {  	[tilespmem:$0x1FCA0] =	vst v0;
	v0 =	vor.u32 $0xF, v3  }
0x9: {  	[tilespmem:$0x1FCB0] =	vst v0;
	v0 =	vor.u32 $0x10, v3  }
0xa: {  	[tilespmem:$0x1FCC0] =	vst v0;
	v0 =	vor.u32 $0x12, v3  }
0xb: {  	[tilespmem:$0x1FCD0] =	vst v0;
	v0 =	vor.u32 $0x13, v3  }
0xc: {  	[tilespmem:$0x1FCE0] =	vst v0;
	v0 =	vor.u32 $0x14, v3  }
0xd: {  	[tilespmem:$0x1FCF0] =	vst v0;
	v0 =	vor.u32 $0x15, v3  }
0xe: {  	[tilespmem:$0x1FD00] =	vst v0;
	v0 =	vor.u32 $0x16, v3  }
0xf: {  	[tilespmem:$0x1FD10] =	vst v0;
	v0 =	vor.u32 $0x1A, v3  }
0x10: {  	[tilespmem:$0x1FD20] =	vst v0;
	v0 =	vor.u32 $0x1B, v3  }
0x11: {  	[tilespmem:$0x1FD30] =	vst v0;
	v0 =	vor.u32 $0x1C, v3  }
0x12: {  	[tilespmem:$0x1FD40] =	vst v0;
	v0 =	vor.u32 $0x1E, v3  }
0x13: {  	[tilespmem:$0x1FD50] =	vst v0;
	v0 =	vor.u32 $0x1F, v3  }
0x14: {  	[tilespmem:$0x1FD60] =	vst v0;
	v0 =	vor.u32 $0x23, v3  }
0x15: {  	[tilespmem:$0x1FD70] =	vst v0;
	v0 =	vor.u32 $0x24, v3  }
0x16: {  	[tilespmem:$0x1FD80] =	vst v0;
	v0 =	vor.u32 $0x28, v3  }
0x17: {  	s3 =	rddreg [dreg:$0x0];
	[tilespmem:$0x1FD90] =	vst v0;
	v0 =	vor.u32 $0x29, v3  }
0x18: {  	s4 =	rddreg [dreg:$0x1];
	s2 =	simm.s32 $0x0;
	[tilespmem:$0x1FDA0] =	vst v0;
	v0 =	vor.u32 $0x2C, v3  }
0x19: {  	[smem:$0x7FF] =	sst s2;
	v63 =	vor.u32 $0xFFFFFB80, v1;
	[tilespmem:$0x1FDB0] =	vst v0  }
0x1a: {  	s0 =	rddreg [dreg:$0x2];
	v60 =	vor.u32 $0x6, v3;
	_ =	strace $0x80000047;
	[tilespmem:$0x1FDC0] =	vst v63  }
0x1b: {  	v54 =	vor.u32 $0x7, v3;
	[tilespmem:$0x1FDD0] =	vst v60  }
0x1c: {  	v57 =	vor.u32 $0x8, v3;
	[tilespmem:$0x1FDE0] =	vst v54  }
0x1d: {  	v61 =	vor.u32 $0x9, v3;
	[tilespmem:$0x1FDF0] =	vst v57  }
0x1e: {  	v58 =	vor.u32 $0xA, v3;
	[tilespmem:$0x1FE00] =	vst v61  }
0x1f: {  	v62 =	vor.u32 $0xB, v3;
	[tilespmem:$0x1FE10] =	vst v58  }
0x20: {  	v20 =	vor.u32 $0xC, v3;
	[tilespmem:$0x1FE20] =	vst v62  }
0x21: {  	v21 =	vor.u32 $0x11, v3;
	[tilespmem:$0x1FE30] =	vst v20  }
0x22: {  	v36 =	vor.u32 $0x17, v3;
	[tilespmem:$0x1FE40] =	vst v21  }
0x23: {  	v22 =	vor.u32 $0x18, v3;
	[tilespmem:$0x1FE50] =	vst v36  }
0x24: {  	v25 =	vor.u32 $0x19, v3;
	[tilespmem:$0x1FE60] =	vst v22  }
0x25: {  	v24 =	vor.u32 $0x1D, v3;
	[tilespmem:$0x1FE70] =	vst v25  }
0x26: {  	v55 =	vor.u32 $0x20, v3;
	[tilespmem:$0x1FE80] =	vst v24  }
0x27: {  	v19 =	vor.u32 $0x21, v3;
	[tilespmem:$0x1FE90] =	vst v55  }
0x28: {  	v56 =	vor.u32 $0x22, v3;
	[tilespmem:$0x1FEA0] =	vst v19  }
0x29: {  	v17 =	vor.u32 $0x25, v3;
	[tilespmem:$0x1FEB0] =	vst v56  }
0x2a: {  	v18 =	vor.u32 $0x26, v3;
	[tilespmem:$0x1FEC0] =	vst v17  }
0x2b: {  	v49 =	vor.u32 $0x27, v3;
	[tilespmem:$0x1FED0] =	vst v18  }
0x2c: {  	v16 =	vor.u32 $0x2A, v3;
	[tilespmem:$0x1FEE0] =	vst v49  }
0x2d: {  	v14 =	vor.u32 $0x2B, v3;
	[tilespmem:$0x1FEF0] =	vst v16  }
0x2e: {  	v39 =	vor.u32 $0x2D, v3;
	[tilespmem:$0x1FF00] =	vst v14  }
0x2f: {  	v44 =	vor.u32 $0x2E, v3;
	[tilespmem:$0x1FF10] =	vst v39  }
0x30: {  	v15 =	vor.u32 $0x2F, v3;
	[tilespmem:$0x1FF20] =	vst v44  }
0x31: {  	v37 =	vor.u32 $0x30, v3;
	[tilespmem:$0x1FF30] =	vst v15  }
0x32: {  	v29 =	vor.u32 $0x31, v3;
	[tilespmem:$0x1FF40] =	vst v37  }
0x33: {  	v40 =	vor.u32 $0x32, v3;
	[tilespmem:$0x1FF50] =	vst v29  }
0x34: {  	v13 =	vor.u32 $0x33, v3;
	[tilespmem:$0x1FF60] =	vst v40  }
0x35: {  	v11 =	vor.u32 $0x34, v3;
	[tilespmem:$0x1FF70] =	vst v13  }
0x36: {  	v30 =	vor.u32 $0x35, v3;
	[tilespmem:$0x1FF80] =	vst v11  }
0x37: {  	v28 =	vor.u32 $0x36, v3;
	[tilespmem:$0x1FF90] =	vst v30  }
0x38: {  	s5 =	srdreg.scid;
	v43 =	vor.u32 $0x37, v3;
	[tilespmem:$0x1FFA0] =	vst v28  }
0x39: {  	s1 =	stileid.u32;
	s8 =	simm.s32 $0x0;
	s5 =	sand.u32 $0x1, s5;
	v12 =	vor.u32 $0x38, v3;
	[tilespmem:$0x1FFB0] =	vst v43  }
0x3a: {  	s6 =	sshll.u32 s1, $0xD;
	s7 =	sshll.u32 s5, $0xC;
	s5 =	ssub.s32 $0x2, s5;
	v10 =	vor.u32 $0x39, v3;
	[tilespmem:$0x1FFC0] =	vst v12  }
0x3b: {  	s6 =	sor.u32 s7, s6;
	s31 =	sshrl.u32 s5, $0x1;
	s7 =	simm.s32 $0x8000;
	v26 =	vor.u32 $0x3A, v3;
	[tilespmem:$0x1FFD0] =	vst v10  }
0x3c: {  	v27 =	vor.u32 $0x3B, v3;
	s4 =	sadd.s32 s6, s4;
	s5 =	ssub.s32 s5, s31;
	s3 =	sadd.s32 s3, s6;
	[tilespmem:$0x1FFE0] =	vst v26  }
0x3d: {  	v51 =	vor.u32 $0x1, v3;
	v52 =	vor.u32 $0x2, v3;
	v53 =	vor.u32 $0x3, v3;
	v2 =	vmovc v3;
	s6 =	simm.s32 $0x1;
	s4 =	sadd.s32 $0x800, s4;
	s5 =	smax.u32 s5, $0x1;
	[tilespmem:$0x1FFF0] =	vst v27  }
.LBB2_1:
0x3e: {  	[tilespmem:s2], [sflag:$0x1] =	stream.linear.gather [hbm4b:s3+s2], $0x8000, $0x38;
	[tilespmem:$0x18000] =	vst v63  }
0x3f: {  	_ =	swait.ge [sflag:s6], $0x8000  }
0x40: {  	[sflag:s6] =	ssyncset.done $0x0  }
0x41: {  	s9 =	simm.s32 $0x0;
	[sflag:s6] =	ssyncadd.s32 $0xFFFF8000  }
.LBB2_2:
0x42: {  	s14 =	sshll.u32 s9, $0x4;
	s10 =	sshll.u32 s9, $0xA  }
0x43: {  	v0 =	vld [tilespmem:s10+$0x0];
	v1 =	vor.u32 s14, v38;
	_ =	sdelay $0x4  }
0x44: {  	s15 =	sor.u32 $0x2000, s14;
	[tilespmem:v1+s7+$0x0] =	vst.idx.msk $0xffff, v0  }
0x45: {  	v1 =	vor.u32 s15, v38;
	v0 =	vld [tilespmem:s10+$0x10];
	_ =	sdelay $0x4  }
0x46: {  	s13 =	sor.u32 $0x4000, s14;
	[tilespmem:v1+s7+$0x0] =	vst.idx.msk $0xffff, v0  }
0x47: {  	v1 =	vor.u32 s13, v38;
	v0 =	vld [tilespmem:s10+$0x20];
	_ =	sdelay $0x4  }
0x48: {  	s11 =	sor.u32 $0x6000, s14;
	[tilespmem:v1+s7+$0x0] =	vst.idx.msk $0xffff, v0  }
0x49: {  	v1 =	vor.u32 s11, v38;
	v0 =	vld [tilespmem:s10+$0x30];
	_ =	sdelay $0x4  }
0x4a: {  	s12 =	sor.u32 $0x1, s14;
	[tilespmem:v1+s7+$0x0] =	vst.idx.msk $0xffff, v0  }
0x4b: {  	v1 =	vor.u32 s12, v38;
	v0 =	vld [tilespmem:s10+$0x40];
	_ =	sdelay $0x4  }
0x4c: {  	s23 =	sor.u32 $0x2001, s14;
	[tilespmem:v1+s7+$0x0] =	vst.idx.msk $0xffff, v0  }
0x4d: {  	v1 =	vor.u32 s23, v38;
	v0 =	vld [tilespmem:s10+$0x50];
	_ =	sdelay $0x4  }
0x4e: {  	s24 =	sor.u32 $0x4001, s14;
	[tilespmem:v1+s7+$0x0] =	vst.idx.msk $0xffff, v0  }
0x4f: {  	v1 =	vor.u32 s24, v38;
	v0 =	vld [tilespmem:s10+$0x60];
	_ =	sdelay $0x4  }
0x50: {  	s25 =	sor.u32 $0x6001, s14;
	[tilespmem:v1+s7+$0x0] =	vst.idx.msk $0xffff, v0  }
0x51: {  	v1 =	vor.u32 s25, v38;
	v0 =	vld [tilespmem:s10+$0x70];
	_ =	sdelay $0x4  }
0x52: {  	s26 =	sor.u32 $0x2, s14;
	[tilespmem:v1+s7+$0x0] =	vst.idx.msk $0xffff, v0  }
0x53: {  	v1 =	vor.u32 s26, v38;
	v0 =	vld [tilespmem:s10+$0x80];
	_ =	sdelay $0x4  }
0x54: {  	s28 =	sor.u32 $0x2002, s14;
	[tilespmem:v1+s7+$0x0] =	vst.idx.msk $0xffff, v0  }
0x55: {  	v1 =	vor.u32 s28, v38;
	v0 =	vld [tilespmem:s10+$0x90];
	_ =	sdelay $0x4  }
0x56: {  	s29 =	sor.u32 $0x4002, s14;
	[tilespmem:v1+s7+$0x0] =	vst.idx.msk $0xffff, v0  }
0x57: {  	v1 =	vor.u32 s29, v38;
	v0 =	vld [tilespmem:s10+$0xA0];
	_ =	sdelay $0x4  }
0x58: {  	s30 =	sor.u32 $0x6002, s14;
	[tilespmem:v1+s7+$0x0] =	vst.idx.msk $0xffff, v0  }
0x59: {  	v1 =	vor.u32 s30, v38;
	v0 =	vld [tilespmem:s10+$0xB0];
	_ =	sdelay $0x4  }
0x5a: {  	s31 =	sor.u32 $0x3, s14;
	[tilespmem:v1+s7+$0x0] =	vst.idx.msk $0xffff, v0  }
0x5b: {  	v1 =	vor.u32 s31, v38;
	v0 =	vld [tilespmem:s10+$0xC0];
	_ =	sdelay $0x4  }
0x5c: {  	s16 =	sor.u32 $0x2003, s14;
	[tilespmem:v1+s7+$0x0] =	vst.idx.msk $0xffff, v0  }
0x5d: {  	v1 =	vor.u32 s16, v38;
	v0 =	vld [tilespmem:s10+$0xD0];
	_ =	sdelay $0x4  }
0x5e: {  	s17 =	sor.u32 $0x4003, s14;
	[tilespmem:v1+s7+$0x0] =	vst.idx.msk $0xffff, v0  }
0x5f: {  	v1 =	vor.u32 s17, v38;
	v0 =	vld [tilespmem:s10+$0xE0];
	_ =	sdelay $0x4  }
0x60: {  	s18 =	sor.u32 $0x6003, s14;
	[tilespmem:v1+s7+$0x0] =	vst.idx.msk $0xffff, v0  }
0x61: {  	v1 =	vor.u32 s18, v38;
	v0 =	vld [tilespmem:s10+$0xF0];
	_ =	sdelay $0x4  }
0x62: {  	s19 =	sor.u32 $0x4, s14;
	[tilespmem:v1+s7+$0x0] =	vst.idx.msk $0xffff, v0  }
0x63: {  	v1 =	vor.u32 s19, v38;
	v0 =	vld [tilespmem:s10+$0x100];
	_ =	sdelay $0x4  }
0x64: {  	s20 =	sor.u32 $0x2004, s14;
	[tilespmem:v1+s7+$0x0] =	vst.idx.msk $0xffff, v0  }
0x65: {  	v1 =	vor.u32 s20, v38;
	v0 =	vld [tilespmem:s10+$0x110];
	_ =	sdelay $0x4  }
0x66: {  	s21 =	sor.u32 $0x4004, s14;
	[tilespmem:v1+s7+$0x0] =	vst.idx.msk $0xffff, v0  }
0x67: {  	v1 =	vor.u32 s21, v38;
	v0 =	vld [tilespmem:s10+$0x120];
	_ =	sdelay $0x4  }
0x68: {  	s22 =	sor.u32 $0x6004, s14;
	[tilespmem:v1+s7+$0x0] =	vst.idx.msk $0xffff, v0  }
0x69: {  	v1 =	vor.u32 s22, v38;
	v0 =	vld [tilespmem:s10+$0x130];
	_ =	sdelay $0x4  }
0x6a: {  	s23 =	sor.u32 $0x5, s14;
	[tilespmem:v1+s7+$0x0] =	vst.idx.msk $0xffff, v0  }
0x6b: {  	v1 =	vor.u32 s23, v38;
	v0 =	vld [tilespmem:s10+$0x140];
	_ =	sdelay $0x4  }
0x6c: {  	s24 =	sor.u32 $0x2005, s14;
	[tilespmem:v1+s7+$0x0] =	vst.idx.msk $0xffff, v0  }
0x6d: {  	v1 =	vor.u32 s24, v38;
	v0 =	vld [tilespmem:s10+$0x150];
	_ =	sdelay $0x4  }
0x6e: {  	s25 =	sor.u32 $0x4005, s14;
	[tilespmem:v1+s7+$0x0] =	vst.idx.msk $0xffff, v0  }
0x6f: {  	v1 =	vor.u32 s25, v38;
	v0 =	vld [tilespmem:s10+$0x160];
	_ =	sdelay $0x4  }
0x70: {  	s26 =	sor.u32 $0x6005, s14;
	[tilespmem:v1+s7+$0x0] =	vst.idx.msk $0xffff, v0  }
0x71: {  	v1 =	vor.u32 s26, v38;
	v0 =	vld [tilespmem:s10+$0x170];
	_ =	sdelay $0x4  }
0x72: {  	s28 =	sor.u32 $0x6, s14;
	[tilespmem:v1+s7+$0x0] =	vst.idx.msk $0xffff, v0  }
0x73: {  	v1 =	vor.u32 s28, v38;
	v0 =	vld [tilespmem:s10+$0x180];
	_ =	sdelay $0x4  }
0x74: {  	s29 =	sor.u32 $0x2006, s14;
	[tilespmem:v1+s7+$0x0] =	vst.idx.msk $0xffff, v0  }
0x75: {  	v1 =	vor.u32 s29, v38;
	v0 =	vld [tilespmem:s10+$0x190];
	_ =	sdelay $0x4  }
0x76: {  	s30 =	sor.u32 $0x4006, s14;
	[tilespmem:v1+s7+$0x0] =	vst.idx.msk $0xffff, v0  }
0x77: {  	v1 =	vor.u32 s30, v38;
	v0 =	vld [tilespmem:s10+$0x1A0];
	_ =	sdelay $0x4  }
0x78: {  	s31 =	sor.u32 $0x6006, s14;
	[tilespmem:v1+s7+$0x0] =	vst.idx.msk $0xffff, v0  }
0x79: {  	v1 =	vor.u32 s31, v38;
	v0 =	vld [tilespmem:s10+$0x1B0];
	_ =	sdelay $0x4  }
0x7a: {  	s16 =	sor.u32 $0x7, s14;
	[tilespmem:v1+s7+$0x0] =	vst.idx.msk $0xffff, v0  }
0x7b: {  	v1 =	vor.u32 s16, v38;
	v0 =	vld [tilespmem:s10+$0x1C0];
	_ =	sdelay $0x4  }
0x7c: {  	s17 =	sor.u32 $0x2007, s14;
	[tilespmem:v1+s7+$0x0] =	vst.idx.msk $0xffff, v0  }
0x7d: {  	v1 =	vor.u32 s17, v38;
	v0 =	vld [tilespmem:s10+$0x1D0];
	_ =	sdelay $0x4  }
0x7e: {  	s18 =	sor.u32 $0x4007, s14;
	[tilespmem:v1+s7+$0x0] =	vst.idx.msk $0xffff, v0  }
0x7f: {  	v1 =	vor.u32 s18, v38;
	v0 =	vld [tilespmem:s10+$0x1E0];
	_ =	sdelay $0x4  }
0x80: {  	s19 =	sor.u32 $0x6007, s14;
	[tilespmem:v1+s7+$0x0] =	vst.idx.msk $0xffff, v0  }
0x81: {  	v1 =	vor.u32 s19, v38;
	v0 =	vld [tilespmem:s10+$0x1F0];
	_ =	sdelay $0x4  }
0x82: {  	s20 =	sor.u32 $0x8, s14;
	[tilespmem:v1+s7+$0x0] =	vst.idx.msk $0xffff, v0  }
0x83: {  	v1 =	vor.u32 s20, v38;
	v0 =	vld [tilespmem:s10+$0x200];
	_ =	sdelay $0x4  }
0x84: {  	s21 =	sor.u32 $0x2008, s14;
	[tilespmem:v1+s7+$0x0] =	vst.idx.msk $0xffff, v0  }
0x85: {  	v1 =	vor.u32 s21, v38;
	v0 =	vld [tilespmem:s10+$0x210];
	_ =	sdelay $0x4  }
0x86: {  	s22 =	sor.u32 $0x4008, s14;
	[tilespmem:v1+s7+$0x0] =	vst.idx.msk $0xffff, v0  }
0x87: {  	v1 =	vor.u32 s22, v38;
	v0 =	vld [tilespmem:s10+$0x220];
	_ =	sdelay $0x4  }
0x88: {  	s23 =	sor.u32 $0x6008, s14;
	[tilespmem:v1+s7+$0x0] =	vst.idx.msk $0xffff, v0  }
0x89: {  	v1 =	vor.u32 s23, v38;
	v0 =	vld [tilespmem:s10+$0x230];
	_ =	sdelay $0x4  }
0x8a: {  	s24 =	sor.u32 $0x9, s14;
	[tilespmem:v1+s7+$0x0] =	vst.idx.msk $0xffff, v0  }
0x8b: {  	v1 =	vor.u32 s24, v38;
	v0 =	vld [tilespmem:s10+$0x240];
	_ =	sdelay $0x4  }
0x8c: {  	s25 =	sor.u32 $0x2009, s14;
	[tilespmem:v1+s7+$0x0] =	vst.idx.msk $0xffff, v0  }
0x8d: {  	v1 =	vor.u32 s25, v38;
	v0 =	vld [tilespmem:s10+$0x250];
	_ =	sdelay $0x4  }
0x8e: {  	s26 =	sor.u32 $0x4009, s14;
	[tilespmem:v1+s7+$0x0] =	vst.idx.msk $0xffff, v0  }
0x8f: {  	v1 =	vor.u32 s26, v38;
	v0 =	vld [tilespmem:s10+$0x260];
	_ =	sdelay $0x4  }
0x90: {  	s28 =	sor.u32 $0x6009, s14;
	[tilespmem:v1+s7+$0x0] =	vst.idx.msk $0xffff, v0  }
0x91: {  	v1 =	vor.u32 s28, v38;
	v0 =	vld [tilespmem:s10+$0x270];
	_ =	sdelay $0x4  }
0x92: {  	s29 =	sor.u32 $0xA, s14;
	[tilespmem:v1+s7+$0x0] =	vst.idx.msk $0xffff, v0  }
0x93: {  	v1 =	vor.u32 s29, v38;
	v0 =	vld [tilespmem:s10+$0x280];
	_ =	sdelay $0x4  }
0x94: {  	s30 =	sor.u32 $0x200A, s14;
	[tilespmem:v1+s7+$0x0] =	vst.idx.msk $0xffff, v0  }
0x95: {  	v1 =	vor.u32 s30, v38;
	v0 =	vld [tilespmem:s10+$0x290];
	_ =	sdelay $0x4  }
0x96: {  	s31 =	sor.u32 $0x400A, s14;
	[tilespmem:v1+s7+$0x0] =	vst.idx.msk $0xffff, v0  }
0x97: {  	v1 =	vor.u32 s31, v38;
	v0 =	vld [tilespmem:s10+$0x2A0];
	_ =	sdelay $0x4  }
0x98: {  	s16 =	sor.u32 $0x600A, s14;
	[tilespmem:v1+s7+$0x0] =	vst.idx.msk $0xffff, v0  }
0x99: {  	v1 =	vor.u32 s16, v38;
	v0 =	vld [tilespmem:s10+$0x2B0];
	_ =	sdelay $0x4  }
0x9a: {  	s17 =	sor.u32 $0xB, s14;
	[tilespmem:v1+s7+$0x0] =	vst.idx.msk $0xffff, v0  }
0x9b: {  	v1 =	vor.u32 s17, v38;
	v0 =	vld [tilespmem:s10+$0x2C0];
	_ =	sdelay $0x4  }
0x9c: {  	s18 =	sor.u32 $0x200B, s14;
	[tilespmem:v1+s7+$0x0] =	vst.idx.msk $0xffff, v0  }
0x9d: {  	v1 =	vor.u32 s18, v38;
	v0 =	vld [tilespmem:s10+$0x2D0];
	_ =	sdelay $0x4  }
0x9e: {  	s19 =	sor.u32 $0x400B, s14;
	[tilespmem:v1+s7+$0x0] =	vst.idx.msk $0xffff, v0  }
0x9f: {  	v1 =	vor.u32 s19, v38;
	v0 =	vld [tilespmem:s10+$0x2E0];
	_ =	sdelay $0x4  }
0xa0: {  	s20 =	sor.u32 $0x600B, s14;
	[tilespmem:v1+s7+$0x0] =	vst.idx.msk $0xffff, v0  }
0xa1: {  	v1 =	vor.u32 s20, v38;
	v0 =	vld [tilespmem:s10+$0x2F0];
	_ =	sdelay $0x4  }
0xa2: {  	s21 =	sor.u32 $0xC, s14;
	[tilespmem:v1+s7+$0x0] =	vst.idx.msk $0xffff, v0  }
0xa3: {  	v1 =	vor.u32 s21, v38;
	v0 =	vld [tilespmem:s10+$0x300];
	_ =	sdelay $0x4  }
0xa4: {  	s22 =	sor.u32 $0x200C, s14;
	[tilespmem:v1+s7+$0x0] =	vst.idx.msk $0xffff, v0  }
0xa5: {  	v1 =	vor.u32 s22, v38;
	v0 =	vld [tilespmem:s10+$0x310];
	_ =	sdelay $0x4  }
0xa6: {  	s23 =	sor.u32 $0x400C, s14;
	[tilespmem:v1+s7+$0x0] =	vst.idx.msk $0xffff, v0  }
0xa7: {  	v1 =	vor.u32 s23, v38;
	v0 =	vld [tilespmem:s10+$0x320];
	_ =	sdelay $0x4  }
0xa8: {  	s24 =	sor.u32 $0x600C, s14;
	[tilespmem:v1+s7+$0x0] =	vst.idx.msk $0xffff, v0  }
0xa9: {  	v1 =	vor.u32 s24, v38;
	v0 =	vld [tilespmem:s10+$0x330];
	_ =	sdelay $0x4  }
0xaa: {  	s25 =	sor.u32 $0xD, s14;
	[tilespmem:v1+s7+$0x0] =	vst.idx.msk $0xffff, v0  }
0xab: {  	v1 =	vor.u32 s25, v38;
	v0 =	vld [tilespmem:s10+$0x340];
	_ =	sdelay $0x4  }
0xac: {  	s26 =	sor.u32 $0x200D, s14;
	[tilespmem:v1+s7+$0x0] =	vst.idx.msk $0xffff, v0  }
0xad: {  	v1 =	vor.u32 s26, v38;
	v0 =	vld [tilespmem:s10+$0x350];
	_ =	sdelay $0x4  }
0xae: {  	s28 =	sor.u32 $0x400D, s14;
	[tilespmem:v1+s7+$0x0] =	vst.idx.msk $0xffff, v0  }
0xaf: {  	v1 =	vor.u32 s28, v38;
	v0 =	vld [tilespmem:s10+$0x360];
	_ =	sdelay $0x4  }
0xb0: {  	s29 =	sor.u32 $0x600D, s14;
	[tilespmem:v1+s7+$0x0] =	vst.idx.msk $0xffff, v0  }
0xb1: {  	v1 =	vor.u32 s29, v38;
	v0 =	vld [tilespmem:s10+$0x370];
	_ =	sdelay $0x4  }
0xb2: {  	s30 =	sor.u32 $0xE, s14;
	[tilespmem:v1+s7+$0x0] =	vst.idx.msk $0xffff, v0  }
0xb3: {  	v1 =	vor.u32 s30, v38;
	v0 =	vld [tilespmem:s10+$0x380];
	_ =	sdelay $0x4  }
0xb4: {  	s31 =	sor.u32 $0x200E, s14;
	[tilespmem:v1+s7+$0x0] =	vst.idx.msk $0xffff, v0  }
0xb5: {  	v1 =	vor.u32 s31, v38;
	v0 =	vld [tilespmem:s10+$0x390];
	_ =	sdelay $0x4  }
0xb6: {  	s16 =	sor.u32 $0x400E, s14;
	[tilespmem:v1+s7+$0x0] =	vst.idx.msk $0xffff, v0  }
0xb7: {  	v1 =	vor.u32 s16, v38;
	v0 =	vld [tilespmem:s10+$0x3A0];
	_ =	sdelay $0x4  }
0xb8: {  	s17 =	sor.u32 $0x600E, s14;
	[tilespmem:v1+s7+$0x0] =	vst.idx.msk $0xffff, v0  }
0xb9: {  	v1 =	vor.u32 s17, v38;
	v0 =	vld [tilespmem:s10+$0x3B0];
	_ =	sdelay $0x4  }
0xba: {  	s18 =	sshllo.u32 s9, $0x4;
	[tilespmem:v1+s7+$0x0] =	vst.idx.msk $0xffff, v0  }
0xbb: {  	v1 =	vor.u32 s18, v38;
	v0 =	vld [tilespmem:s10+$0x3C0];
	_ =	sdelay $0x4  }
0xbc: {  	s19 =	sor.u32 $0x200F, s14;
	[tilespmem:v1+s7+$0x0] =	vst.idx.msk $0xffff, v0  }
0xbd: {  	v1 =	vor.u32 s19, v38;
	v0 =	vld [tilespmem:s10+$0x3D0];
	_ =	sdelay $0x4  }
0xbe: {  	s20 =	sor.u32 $0x400F, s14;
	[tilespmem:v1+s7+$0x0] =	vst.idx.msk $0xffff, v0  }
0xbf: {  	v1 =	vor.u32 s20, v38;
	v0 =	vld [tilespmem:s10+$0x3E0];
	_ =	sdelay $0x4  }
0xc0: {  	s21 =	sor.u32 $0x600F, s14;
	[tilespmem:v1+s7+$0x0] =	vst.idx.msk $0xffff, v0  }
0xc1: {  	v1 =	vor.u32 s21, v38;
	v0 =	vld [tilespmem:s10+$0x3F0];
	_ =	sdelay $0x4  }
0xc2: {  	[tilespmem:v1+s7+$0x0] =	vst.idx.msk $0xffff, v0  }
0xc3: {  	s22 =	sand.u32 $0x1E0, s14;
	v0 =	vld [tilespmem:s14+$0x8000]  }
0xc4: {  	v1 =	vld [tilespmem:s22+$0x8200]  }
0xc5: {  	v3 =	vld [tilespmem:s22+$0x8400]  }
0xc6: {  	v4 =	vld [tilespmem:s22+$0x8600]  }
0xc7: {  	v5 =	vld [tilespmem:s22+$0x8800]  }
0xc8: {  	v6 =	vld [tilespmem:s22+$0x8A00];
	v7 =	vmul.f32 $1.442695020e+00, v0  }
0xc9: {  	v8 =	vld [tilespmem:s22+$0x8C00];
	v9 =	vmul.f32 $1.442695020e+00, v1  }
0xca: {  	v10 =	vld [tilespmem:s22+$0x8E00];
	v26 =	vmul.f32 $1.442695020e+00, v3;
	(erf) = vpow2.f32 v7  }
0xcb: {  	v27 =	vmul.f32 $1.442695020e+00, v4;
	(erf) = vpow2.f32 v9  }
0xcc: {  	v28 =	vmul.f32 $1.442695020e+00, v5;
	(erf) = vpow2.f32 v26  }
0xcd: {  	v29 =	vmul.f32 $1.442695020e+00, v6;
	(erf) = vpow2.f32 v27  }
0xce: {  	v30 =	vmul.f32 $1.442695020e+00, v8;
	(erf) = vpow2.f32 v28  }
0xcf: {  	v31 =	vmul.f32 $1.442695020e+00, v10;
	(erf) = vpow2.f32 v29  }
0xd0: {  	(erf) = vpow2.f32 v30  }
0xd1: {  	(erf) = vpow2.f32 v31;
	_ =	sdelay $0x1  }
0xd2: {  	v41 =	vpop (erf)  }
0xd3: {  	[tilespmem:s10+$0x10000] =	vst v41;
	v39 =	vpop (erf)  }
0xd4: {  	[tilespmem:s10+$0x10010] =	vst v39;
	v40 =	vpop (erf)  }
0xd5: {  	[tilespmem:s10+$0x10020] =	vst v40;
	v42 =	vpop (erf)  }
0xd6: {  	[tilespmem:s10+$0x10030] =	vst v42;
	v55 =	vpop (erf)  }
0xd7: {  	[tilespmem:s10+$0x10040] =	vst v55;
	v45 =	vpop (erf)  }
0xd8: {  	v32 =	vmax.f32 v0, v1;
	v0 =	vmin.f32 v0, v1;
	[tilespmem:s10+$0x10050] =	vst v45;
	v36 =	vpop (erf)  }
0xd9: {  	v1 =	vmax.f32 v3, v4;
	v3 =	vmin.f32 v3, v4;
	v33 =	vmax.f32 v5, v6;
	[tilespmem:s10+$0x10060] =	vst v36;
	v37 =	vpop (erf)  }
0xda: {  	v5 =	vmin.f32 v5, v6;
	v34 =	vmax.f32 v8, v10;
	v8 =	vmin.f32 v8, v10;
	[tilespmem:s10+$0x10070] =	vst v37  }
0xdb: {  	v35 =	vmax.f32 v32, v1;
	v1 =	vmin.f32 v32, v1;
	v43 =	vmax.f32 v0, v3;
	v44 =	vld [tilespmem:s22+$0x9000]  }
0xdc: {  	v0 =	vmin.f32 v0, v3;
	v3 =	vmax.f32 v33, v34;
	v4 =	vmin.f32 v33, v34;
	v47 =	vld [tilespmem:s22+$0x9200]  }
0xdd: {  	v46 =	vmax.f32 v5, v8;
	v5 =	vmin.f32 v5, v8;
	v11 =	vmax.f32 v43, v1;
	v12 =	vld [tilespmem:s22+$0x9400]  }
0xde: {  	v62 =	vmovc v58;
	v1 =	vmin.f32 v43, v1;
	v48 =	vmax.f32 v46, v4;
	v4 =	vmin.f32 v46, v4;
	v49 =	vld [tilespmem:s22+$0x9600]  }
0xdf: {  	v58 =	vmovc v54;
	v6 =	vmax.f32 v35, v3;
	v3 =	vmin.f32 v35, v3;
	v54 =	vmax.f32 v0, v5;
	v14 =	vld [tilespmem:s22+$0x9800]  }
0xe0: {  	v17 =	vmin.f32 v0, v5;
	v13 =	vmax.f32 v11, v48;
	v50 =	vmax.f32 v1, v4;
	v15 =	vld [tilespmem:s22+$0x9A00]  }
0xe1: {  	v7 =	vmin.f32 v11, v48;
	v1 =	vmin.f32 v1, v4;
	v0 =	vmax.f32 v50, v3;
	v59 =	vld [tilespmem:s22+$0x9E00]  }
0xe2: {  	v3 =	vmin.f32 v50, v3;
	v19 =	vmax.f32 v54, v7;
	v4 =	vmin.f32 v54, v7  }
0xe3: {  	v25 =	vmax.f32 v19, v3;
	v56 =	vld [tilespmem:s22+$0x9C00];
	v16 =	vmul.f32 $1.442695020e+00, v44;
	v18 =	vmul.f32 $1.442695020e+00, v47  }
0xe4: {  	v19 =	vmin.f32 v19, v3;
	v21 =	vmul.f32 $1.442695020e+00, v12;
	v22 =	vmul.f32 $1.442695020e+00, v49  }
0xe5: {  	v20 =	vmax.f32 v4, v1;
	v23 =	vmul.f32 $1.442695020e+00, v14;
	v24 =	vmul.f32 $1.442695020e+00, v15  }
0xe6: {  	v26 =	vmul.f32 $1.442695020e+00, v59;
	v3 =	vmax.f32 v12, v49;
	(erf) = vpow2.f32 v16  }
0xe7: {  	v27 =	vmin.f32 v12, v49;
	v28 =	vmax.f32 v14, v15;
	(erf) = vpow2.f32 v18  }
0xe8: {  	v29 =	vmin.f32 v14, v15;
	v30 =	vmax.f32 v56, v59;
	(erf) = vpow2.f32 v21  }
0xe9: {  	v5 =	vmin.f32 v56, v59;
	v16 =	vmax.f32 v13, v0;
	(erf) = vpow2.f32 v22  }
0xea: {  	v13 =	vmin.f32 v13, v0;
	v0 =	vmul.f32 $1.442695020e+00, v56;
	(erf) = vpow2.f32 v23  }
0xeb: {  	v32 =	vmax.f32 v28, v30;
	v8 =	vmin.f32 v28, v30;
	(erf) = vpow2.f32 v24  }
0xec: {  	v33 =	vmax.f32 v29, v5;
	v21 =	vmin.f32 v4, v1;
	(erf) = vpow2.f32 v0  }
0xed: {  	v1 =	vmin.f32 v44, v47;
	v0 =	vmax.f32 v44, v47;
	(erf) = vpow2.f32 v26  }
0xee: {  	v31 =	vmax.f32 v0, v3;
	v0 =	vmin.f32 v0, v3;
	v3 =	vmax.f32 v1, v27  }
0xef: {  	v5 =	vmin.f32 v29, v5;
	v35 =	vmax.f32 v33, v8;
	v8 =	vmin.f32 v33, v8;
	v46 =	vpop (erf)  }
0xf0: {  	v1 =	vmin.f32 v1, v27;
	v34 =	vmax.f32 v3, v0;
	v0 =	vmin.f32 v3, v0;
	[tilespmem:s10+$0x10080] =	vst v46;
	v44 =	vpop (erf)  }
0xf1: {  	v48 =	vmax.f32 v31, v32;
	v11 =	vmin.f32 v31, v32;
	v54 =	vmin.f32 v1, v5;
	[tilespmem:s10+$0x10090] =	vst v44;
	v3 =	vpop (erf)  }
0xf2: {  	v50 =	vmax.f32 v0, v8;
	v8 =	vmin.f32 v0, v8;
	v0 =	vmax.f32 v1, v5;
	[tilespmem:s10+$0x100A0] =	vst v3;
	v4 =	vpop (erf)  }
0xf3: {  	v49 =	vmax.f32 v34, v35;
	v9 =	vmin.f32 v34, v35;
	v1 =	vmax.f32 v50, v11;
	[tilespmem:s10+$0x100B0] =	vst v4;
	v5 =	vpop (erf)  }
0xf4: {  	v6 =	vmax.f32 v6, v54;
	v10 =	vmax.f32 v17, v48;
	v11 =	vmin.f32 v50, v11;
	[tilespmem:s10+$0x100C0] =	vst v5;
	v43 =	vpop (erf)  }
0xf5: {  	v56 =	vmax.f32 v0, v9;
	v9 =	vmin.f32 v0, v9;
	v59 =	vmax.f32 v49, v1;
	[tilespmem:s10+$0x100D0] =	vst v43;
	v0 =	vpop (erf)  }
0xf6: {  	s15 =	sand.u32 $0x2180, s15;
	s14 =	sand.u32 $0x60, s14;
	v14 =	vmin.f32 v49, v1;
	v22 =	vmax.f32 v56, v11;
	v23 =	vmin.f32 v9, v8;
	[tilespmem:s10+$0x100E0] =	vst v0;
	v1 =	vpop (erf)  }
0xf7: {  	s15 =	sor.u32 s14, s15;
	v11 =	vmin.f32 v56, v11;
	v8 =	vmax.f32 v9, v8;
	v24 =	vmax.f32 v16, v23;
	[tilespmem:s10+$0x100F0] =	vst v1  }
0xf8: {  	v7 =	vmax.f32 v25, v11;
	v25 =	vmax.f32 v19, v22;
	v26 =	vmax.f32 v20, v14;
	v14 =	vld [tilespmem:s15+$0x8000]  }
0xf9: {  	v8 =	vmax.f32 v13, v8;
	v27 =	vmax.f32 v21, v59;
	v15 =	vmax.f32 v6, v25;
	v16 =	vld [tilespmem:s22+$0xA200]  }
0xfa: {  	v6 =	vmin.f32 v6, v25;
	v28 =	vmax.f32 v24, v26;
	v9 =	vmin.f32 v24, v26;
	v13 =	vld [tilespmem:s22+$0xA400]  }
0xfb: {  	v29 =	vmax.f32 v8, v27;
	v8 =	vmin.f32 v8, v27;
	v17 =	vmax.f32 v7, v10;
	v31 =	vld [tilespmem:s22+$0xA600]  }
0xfc: {  	v7 =	vmin.f32 v7, v10;
	v32 =	vmax.f32 v28, v17;
	v11 =	vmin.f32 v28, v17;
	v17 =	vld [tilespmem:s22+$0xA800]  }
0xfd: {  	v30 =	vmax.f32 v15, v29;
	v12 =	vmin.f32 v15, v29;
	v33 =	vmax.f32 v6, v8;
	v34 =	vld [tilespmem:s22+$0xAA00]  }
0xfe: {  	v6 =	vmin.f32 v6, v8;
	v47 =	vmax.f32 v9, v7;
	v7 =	vmin.f32 v9, v7;
	v48 =	vld [tilespmem:s22+$0xAC00]  }
0xff: {  	v23 =	vmax.f32 v30, v32;
	v15 =	vmin.f32 v30, v32;
	v22 =	vmax.f32 v12, v11;
	v24 =	vld [tilespmem:s22+$0xAE00]  }
0x100: {  	v25 =	vmin.f32 v12, v11;
	v35 =	vmul.f32 $1.442695020e+00, v14;
	v49 =	vmul.f32 $1.442695020e+00, v16  }
0x101: {  	v26 =	vmax.f32 v33, v47;
	v50 =	vmul.f32 $1.442695020e+00, v13;
	v54 =	vmul.f32 $1.442695020e+00, v31  }
0x102: {  	v19 =	vmin.f32 v33, v47;
	v56 =	vmul.f32 $1.442695020e+00, v17;
	v59 =	vmul.f32 $1.442695020e+00, v34  }
0x103: {  	v20 =	vmax.f32 v6, v7;
	v12 =	vmul.f32 $1.442695020e+00, v48;
	(erf) = vpow2.f32 v35  }
0x104: {  	v21 =	vmin.f32 v6, v7;
	v27 =	vmul.f32 $1.442695020e+00, v24;
	(erf) = vpow2.f32 v49  }
0x105: {  	v28 =	vmax.f32 v14, v16;
	v29 =	vmin.f32 v14, v16;
	(erf) = vpow2.f32 v50  }
0x106: {  	v30 =	vmax.f32 v13, v31;
	v31 =	vmin.f32 v13, v31;
	(erf) = vpow2.f32 v54  }
0x107: {  	v32 =	vmax.f32 v17, v34;
	v8 =	vmin.f32 v17, v34;
	(erf) = vpow2.f32 v56  }
0x108: {  	v33 =	vmax.f32 v48, v24;
	v9 =	vmin.f32 v48, v24;
	(erf) = vpow2.f32 v59  }
0x109: {  	v34 =	vmax.f32 v28, v30;
	v6 =	vmin.f32 v28, v30;
	(erf) = vpow2.f32 v12  }
0x10a: {  	v7 =	vmin.f32 v29, v31;
	v47 =	vmax.f32 v32, v33;
	(erf) = vpow2.f32 v27  }
0x10b: {  	v17 =	vmax.f32 v8, v9;
	v8 =	vmin.f32 v8, v9;
	v12 =	vmin.f32 v32, v33  }
0x10c: {  	v35 =	vmax.f32 v29, v31;
	v14 =	vmin.f32 v34, v47;
	v28 =	vmin.f32 v7, v8;
	v13 =	vpop (erf)  }
0x10d: {  	v48 =	vmax.f32 v35, v6;
	v6 =	vmin.f32 v35, v6;
	v35 =	vmax.f32 v23, v28;
	[tilespmem:s10+$0x10100] =	vst v13;
	v11 =	vpop (erf)  }
0x10e: {  	v50 =	vmax.f32 v34, v47;
	v49 =	vmax.f32 v17, v12;
	v17 =	vmin.f32 v17, v12;
	[tilespmem:s10+$0x10110] =	vst v11;
	v12 =	vpop (erf)  }
0x10f: {  	v21 =	vmax.f32 v21, v50;
	v56 =	vmax.f32 v7, v8;
	v54 =	vmax.f32 v48, v49;
	[tilespmem:s10+$0x10120] =	vst v12;
	v9 =	vpop (erf)  }
0x110: {  	v18 =	vmin.f32 v48, v49;
	v27 =	vmax.f32 v6, v17;
	v17 =	vmin.f32 v6, v17;
	[tilespmem:s10+$0x10130] =	vst v9;
	v10 =	vpop (erf)  }
0x111: {  	v29 =	vmax.f32 v27, v14;
	v14 =	vmin.f32 v27, v14;
	v59 =	vmax.f32 v56, v18;
	[tilespmem:s10+$0x10140] =	vst v10;
	v7 =	vpop (erf)  }
0x112: {  	v18 =	vmin.f32 v56, v18;
	v30 =	vmax.f32 v54, v29;
	v16 =	vmin.f32 v54, v29;
	[tilespmem:s10+$0x10150] =	vst v7;
	v8 =	vpop (erf)  }
0x113: {  	v33 =	vmax.f32 v59, v14;
	v34 =	vmax.f32 v18, v17;
	v17 =	vmin.f32 v18, v17;
	[tilespmem:s10+$0x10160] =	vst v8;
	v6 =	vpop (erf)  }
0x114: {  	v14 =	vmin.f32 v59, v14;
	v15 =	vmax.f32 v15, v17;
	v47 =	vmax.f32 v22, v34;
	[tilespmem:s10+$0x10170] =	vst v6  }
0x115: {  	v14 =	vmax.f32 v25, v14;
	v48 =	vmax.f32 v26, v33;
	v16 =	vmax.f32 v19, v16;
	v19 =	vld [tilespmem:s22+$0xB000]  }
0x116: {  	v20 =	vmax.f32 v20, v30;
	v23 =	vmax.f32 v35, v48;
	v18 =	vmin.f32 v35, v48;
	v24 =	vld [tilespmem:s22+$0xB200]  }
0x117: {  	v49 =	vmax.f32 v15, v16;
	v15 =	vmin.f32 v15, v16;
	v50 =	vmax.f32 v47, v20;
	v16 =	vld [tilespmem:s22+$0xB400]  }
0x118: {  	v17 =	vmin.f32 v47, v20;
	v54 =	vmax.f32 v14, v21;
	v14 =	vmin.f32 v14, v21;
	v26 =	vld [tilespmem:s22+$0xB600]  }
0x119: {  	v56 =	vmax.f32 v23, v50;
	v23 =	vmin.f32 v23, v50;
	v59 =	vmax.f32 v49, v54;
	v25 =	vld [tilespmem:s22+$0xB800]  }
0x11a: {  	v20 =	vmin.f32 v49, v54;
	v29 =	vmax.f32 v18, v17;
	v17 =	vmin.f32 v18, v17;
	v22 =	vld [tilespmem:s22+$0xBA00]  }
0x11b: {  	v31 =	vmax.f32 v15, v14;
	v14 =	vmin.f32 v15, v14;
	v30 =	vmax.f32 v56, v59;
	v18 =	vld [tilespmem:s22+$0xBC00]  }
0x11c: {  	v21 =	vmin.f32 v56, v59;
	v27 =	vmax.f32 v23, v20;
	v32 =	vld [tilespmem:s22+$0xBE00];
	v47 =	vmul.f32 $1.442695020e+00, v19  }
0x11d: {  	v23 =	vmin.f32 v23, v20;
	v48 =	vmul.f32 $1.442695020e+00, v24;
	v49 =	vmul.f32 $1.442695020e+00, v16  }
0x11e: {  	v33 =	vmax.f32 v29, v31;
	v50 =	vmul.f32 $1.442695020e+00, v26;
	v54 =	vmul.f32 $1.442695020e+00, v25  }
0x11f: {  	v29 =	vmin.f32 v29, v31;
	v56 =	vmul.f32 $1.442695020e+00, v22;
	(erf) = vpow2.f32 v47  }
0x120: {  	v28 =	vmax.f32 v17, v14;
	v59 =	vmul.f32 $1.442695020e+00, v18;
	(erf) = vpow2.f32 v48  }
0x121: {  	v31 =	vmin.f32 v17, v14;
	v47 =	vmul.f32 $1.442695020e+00, v32;
	(erf) = vpow2.f32 v49  }
0x122: {  	v48 =	vmax.f32 v19, v24;
	v49 =	vmin.f32 v19, v24;
	(erf) = vpow2.f32 v50  }
0x123: {  	v50 =	vmax.f32 v16, v26;
	v16 =	vmin.f32 v16, v26;
	(erf) = vpow2.f32 v54  }
0x124: {  	v54 =	vmax.f32 v25, v22;
	v22 =	vmin.f32 v25, v22;
	v14 =	vmin.f32 v48, v50  }
0x125: {  	(erf) = vpow2.f32 v56;
	v56 =	vmax.f32 v18, v32;
	v18 =	vmin.f32 v18, v32  }
0x126: {  	(erf) = vpow2.f32 v59;
	v59 =	vmax.f32 v48, v50;
	v48 =	vmax.f32 v54, v56  }
0x127: {  	v19 =	vmin.f32 v54, v56;
	v25 =	vmax.f32 v22, v18;
	v22 =	vmin.f32 v22, v18  }
0x128: {  	(erf) = vpow2.f32 v47;
	v47 =	vmax.f32 v49, v16;
	v16 =	vmin.f32 v49, v16  }
0x129: {  	v54 =	vmax.f32 v25, v19;
	v19 =	vmin.f32 v25, v19;
	v25 =	vmax.f32 v59, v48  }
0x12a: {  	v24 =	vmin.f32 v59, v48;
	v49 =	vmax.f32 v47, v14;
	v50 =	vmin.f32 v47, v14;
	v20 =	vpop (erf)  }
0x12b: {  	v56 =	vmax.f32 v16, v22;
	v22 =	vmin.f32 v16, v22;
	v25 =	vmax.f32 v31, v25;
	[tilespmem:s10+$0x10180] =	vst v20;
	v17 =	vpop (erf)  }
0x12c: {  	v34 =	vmax.f32 v49, v54;
	v26 =	vmin.f32 v49, v54;
	v35 =	vmax.f32 v50, v19;
	[tilespmem:s10+$0x10190] =	vst v17;
	v18 =	vpop (erf)  }
0x12d: {  	v32 =	vmin.f32 v50, v19;
	v22 =	vmax.f32 v30, v22;
	v47 =	vmax.f32 v35, v24;
	[tilespmem:s10+$0x101A0] =	vst v18;
	v14 =	vpop (erf)  }
0x12e: {  	v24 =	vmin.f32 v35, v24;
	v59 =	vmax.f32 v56, v26;
	v26 =	vmin.f32 v56, v26;
	[tilespmem:s10+$0x101B0] =	vst v14;
	v15 =	vpop (erf)  }
0x12f: {  	v48 =	vmax.f32 v34, v47;
	v34 =	vmin.f32 v34, v47;
	v54 =	vmax.f32 v59, v24;
	[tilespmem:s10+$0x101C0] =	vst v15;
	v16 =	vpop (erf)  }
0x130: {  	v24 =	vmin.f32 v59, v24;
	v56 =	vmax.f32 v26, v32;
	v26 =	vmin.f32 v26, v32;
	[tilespmem:s10+$0x101D0] =	vst v16;
	v19 =	vpop (erf)  }
0x131: {  	s13 =	sand.u32 $0x4180, s13;
	v21 =	vmax.f32 v21, v26;
	v59 =	vmax.f32 v27, v56;
	v47 =	vmax.f32 v33, v54;
	[tilespmem:s10+$0x101E0] =	vst v19;
	v49 =	vpop (erf)  }
0x132: {  	s13 =	sor.u32 s14, s13;
	v23 =	vmax.f32 v23, v24;
	v28 =	vmax.f32 v28, v48;
	v30 =	vmax.f32 v22, v47;
	[tilespmem:s10+$0x101F0] =	vst v49  }
0x133: {  	v22 =	vmin.f32 v22, v47;
	v54 =	vmax.f32 v59, v28;
	[tilespmem:$0x1F770] =	vst v49;
	v49 =	vmax.f32 v29, v34;
	v29 =	vld [tilespmem:s13+$0x8000]  }
0x134: {  	v26 =	vmin.f32 v59, v28;
	v56 =	vmax.f32 v23, v25;
	v23 =	vmin.f32 v23, v25;
	v24 =	vld [tilespmem:s22+$0xC200]  }
0x135: {  	v33 =	vmax.f32 v30, v54;
	v27 =	vmin.f32 v30, v54;
	v31 =	vmax.f32 v22, v26;
	v32 =	vld [tilespmem:s22+$0xC400]  }
0x136: {  	v22 =	vmin.f32 v22, v26;
	v50 =	vmax.f32 v21, v49;
	v21 =	vmin.f32 v21, v49;
	v25 =	vld [tilespmem:s22+$0xC600]  }
0x137: {  	v34 =	vld [tilespmem:s22+$0xC800];
	v30 =	vmax.f32 v50, v56;
	v28 =	vmin.f32 v50, v56;
	v26 =	vmax.f32 v21, v23  }
0x138: {  	v35 =	vld [tilespmem:s22+$0xCA00];
	v21 =	vmin.f32 v21, v23;
	v50 =	vmax.f32 v33, v30;
	v59 =	vmul.f32 $1.442695020e+00, v29  }
0x139: {  	v48 =	vld [tilespmem:s22+$0xCC00];
	v30 =	vmin.f32 v33, v30;
	v33 =	vmax.f32 v31, v26;
	v54 =	vmul.f32 $1.442695020e+00, v24  }
0x13a: {  	v23 =	vld [tilespmem:s22+$0xCE00];
	v26 =	vmin.f32 v31, v26;
	v56 =	vmul.f32 $1.442695020e+00, v32;
	(erf) = vpow2.f32 v59  }
0x13b: {  	v31 =	vmax.f32 v22, v21;
	v59 =	vmul.f32 $1.442695020e+00, v25;
	(erf) = vpow2.f32 v54  }
0x13c: {  	v21 =	vmin.f32 v22, v21;
	v54 =	vmul.f32 $1.442695020e+00, v34;
	(erf) = vpow2.f32 v56  }
0x13d: {  	v22 =	vmax.f32 v29, v24;
	v56 =	vmul.f32 $1.442695020e+00, v35;
	(erf) = vpow2.f32 v59  }
0x13e: {  	v24 =	vmin.f32 v29, v24;
	v59 =	vmul.f32 $1.442695020e+00, v48;
	(erf) = vpow2.f32 v54  }
0x13f: {  	v49 =	vmin.f32 v34, v35;
	v54 =	vmul.f32 $1.442695020e+00, v23;
	(erf) = vpow2.f32 v56  }
0x140: {  	v56 =	vmax.f32 v32, v25;
	(erf) = vpow2.f32 v59;
	v59 =	vmax.f32 v34, v35  }
0x141: {  	v25 =	vmin.f32 v32, v25;
	v35 =	vmax.f32 v22, v56;
	v22 =	vmin.f32 v22, v56  }
0x142: {  	v56 =	vmax.f32 v24, v25;
	(erf) = vpow2.f32 v54;
	v54 =	vmax.f32 v48, v23  }
0x143: {  	v24 =	vmin.f32 v24, v25;
	v25 =	vmax.f32 v59, v54;
	v29 =	vmin.f32 v59, v54;
	v59 =	vpop (erf)  }
0x144: {  	v23 =	vmin.f32 v48, v23;
	[tilespmem:$0x1F780] =	vst v59  }
0x145: {  	v32 =	vmax.f32 v56, v22;
	v22 =	vmin.f32 v56, v22;
	v34 =	vmax.f32 v49, v23;
	[tilespmem:s10+$0x10200] =	vst v59;
	v56 =	vpop (erf)  }
0x146: {  	v54 =	vmax.f32 v34, v29;
	[tilespmem:$0x1F790] =	vst v56  }
0x147: {  	v47 =	vmax.f32 v27, v28;
	[tilespmem:s10+$0x10210] =	vst v56;
	v59 =	vpop (erf)  }
0x148: {  	v27 =	vmin.f32 v27, v28;
	v29 =	vmin.f32 v34, v29;
	v34 =	vmax.f32 v35, v25;
	[tilespmem:$0x1F7A0] =	vst v59  }
0x149: {  	v25 =	vmin.f32 v35, v25;
	v35 =	vmax.f32 v32, v54;
	v28 =	vmin.f32 v32, v54;
	[tilespmem:s10+$0x10220] =	vst v59;
	v54 =	vpop (erf)  }
0x14a: {  	[tilespmem:$0x1F7B0] =	vst v54  }
0x14b: {  	v23 =	vmin.f32 v49, v23;
	v32 =	vmax.f32 v22, v29;
	v22 =	vmin.f32 v22, v29;
	[tilespmem:s10+$0x10230] =	vst v54;
	v56 =	vpop (erf)  }
0x14c: {  	v29 =	vmax.f32 v24, v23;
	v23 =	vmin.f32 v24, v23;
	v59 =	vmax.f32 v32, v25;
	[tilespmem:$0x1F7C0] =	vst v56  }
0x14d: {  	v21 =	vmax.f32 v21, v34;
	v23 =	vmax.f32 v50, v23;
	[tilespmem:s10+$0x10240] =	vst v56;
	v56 =	vpop (erf)  }
0x14e: {  	v25 =	vmin.f32 v32, v25;
	v54 =	vmax.f32 v29, v28;
	v28 =	vmin.f32 v29, v28;
	[tilespmem:$0x1F7D0] =	vst v56  }
0x14f: {  	v29 =	vmax.f32 v35, v59;
	v24 =	vmin.f32 v35, v59;
	v35 =	vmax.f32 v54, v25;
	[tilespmem:s10+$0x10250] =	vst v56;
	v59 =	vpop (erf)  }
0x150: {  	v25 =	vmin.f32 v54, v25;
	v54 =	vmin.f32 v28, v22;
	v22 =	vmax.f32 v28, v22;
	[tilespmem:s10+$0x10260] =	vst v59;
	v56 =	vpop (erf)  }
0x151: {  	v24 =	vmax.f32 v26, v24;
	v22 =	vmax.f32 v47, v22;
	v25 =	vmax.f32 v27, v25;
	[tilespmem:s10+$0x10270] =	vst v56  }
0x152: {  	v33 =	vmax.f32 v33, v35;
	v35 =	vmax.f32 v31, v29;
	[tilespmem:$0x1F7E0] =	vst v59;
	v59 =	vmax.f32 v30, v54;
	v29 =	vld [tilespmem:s22+$0xD000]  }
0x153: {  	v47 =	vmax.f32 v23, v33;
	v23 =	vmin.f32 v23, v33;
	v49 =	vmax.f32 v22, v35  }
0x154: {  	v22 =	vmin.f32 v22, v35;
	v50 =	vmax.f32 v25, v21;
	v21 =	vmin.f32 v25, v21;
	v31 =	vld [tilespmem:s22+$0xD200]  }
0x155: {  	v48 =	vmax.f32 v59, v24;
	v24 =	vmin.f32 v59, v24;
	v25 =	vmax.f32 v47, v49;
	v26 =	vld [tilespmem:s22+$0xD400]  }
0x156: {  	v28 =	vmin.f32 v47, v49;
	v34 =	vmax.f32 v23, v22;
	v22 =	vmin.f32 v23, v22;
	v33 =	vld [tilespmem:s22+$0xD600]  }
0x157: {  	v30 =	vmax.f32 v48, v50;
	v27 =	vmin.f32 v48, v50;
	v32 =	vld [tilespmem:s22+$0xD800];
	v54 =	vmul.f32 $1.442695020e+00, v29  }
0x158: {  	v23 =	vld [tilespmem:s22+$0xDA00];
	v47 =	vmax.f32 v24, v21;
	v21 =	vmin.f32 v24, v21;
	v49 =	vmax.f32 v25, v30  }
0x159: {  	[tilespmem:$0x1F7F0] =	vst v56;
	v24 =	vld [tilespmem:s22+$0xDC00];
	v25 =	vmin.f32 v25, v30;
	v56 =	vmul.f32 $1.442695020e+00, v31;
	(erf) = vpow2.f32 v54  }
0x15a: {  	v50 =	vld [tilespmem:s22+$0xDE00];
	v48 =	vmax.f32 v28, v27;
	v27 =	vmin.f32 v28, v27;
	v59 =	vmul.f32 $1.442695020e+00, v26  }
0x15b: {  	v30 =	vmax.f32 v34, v47;
	v54 =	vmul.f32 $1.442695020e+00, v33;
	(erf) = vpow2.f32 v56  }
0x15c: {  	v34 =	vmin.f32 v34, v47;
	v56 =	vmul.f32 $1.442695020e+00, v32;
	(erf) = vpow2.f32 v59  }
0x15d: {  	v47 =	vmax.f32 v22, v21;
	v59 =	vmul.f32 $1.442695020e+00, v23;
	(erf) = vpow2.f32 v54  }
0x15e: {  	v21 =	vmin.f32 v22, v21;
	v54 =	vmul.f32 $1.442695020e+00, v24;
	(erf) = vpow2.f32 v56  }
0x15f: {  	v22 =	vmax.f32 v29, v31;
	v56 =	vmul.f32 $1.442695020e+00, v50;
	(erf) = vpow2.f32 v59  }
0x160: {  	v28 =	vmin.f32 v29, v31;
	v59 =	vmax.f32 v26, v33;
	(erf) = vpow2.f32 v54  }
0x161: {  	v26 =	vmin.f32 v26, v33;
	(erf) = vpow2.f32 v56;
	v56 =	vmax.f32 v24, v50  }
0x162: {  	v54 =	vmax.f32 v32, v23;
	v23 =	vmin.f32 v32, v23;
	v24 =	vmin.f32 v24, v50;
	v50 =	vpop (erf)  }
0x163: {  	v33 =	vmax.f32 v22, v59;
	v22 =	vmin.f32 v22, v59;
	v59 =	vmax.f32 v28, v26;
	[tilespmem:$0x1F800] =	vst v50  }
0x164: {  	v26 =	vmin.f32 v28, v26;
	v28 =	vmax.f32 v54, v56;
	v31 =	vmin.f32 v54, v56;
	[tilespmem:s10+$0x10280] =	vst v50;
	v56 =	vpop (erf)  }
0x165: {  	v54 =	vmax.f32 v23, v24;
	[tilespmem:$0x1F810] =	vst v56  }
0x166: {  	[tilespmem:s10+$0x10290] =	vst v56;
	v50 =	vpop (erf)  }
0x167: {  	v23 =	vmin.f32 v23, v24;
	v24 =	vmax.f32 v59, v22;
	[tilespmem:$0x1F820] =	vst v50  }
0x168: {  	v22 =	vmin.f32 v59, v22;
	v59 =	vmax.f32 v54, v31;
	v31 =	vmin.f32 v54, v31;
	[tilespmem:s10+$0x102A0] =	vst v50;
	v54 =	vpop (erf)  }
0x169: {  	v32 =	vmax.f32 v33, v28;
	v28 =	vmin.f32 v33, v28;
	v33 =	vmax.f32 v24, v59;
	[tilespmem:$0x1F830] =	vst v54  }
0x16a: {  	v24 =	vmin.f32 v24, v59;
	v29 =	vmax.f32 v22, v31;
	v22 =	vmin.f32 v22, v31;
	[tilespmem:s10+$0x102B0] =	vst v54;
	v56 =	vpop (erf)  }
0x16b: {  	v59 =	vmax.f32 v26, v23;
	v23 =	vmin.f32 v26, v23;
	v21 =	vmax.f32 v21, v32;
	[tilespmem:$0x1F840] =	vst v56  }
0x16c: {  	v23 =	vmax.f32 v49, v23;
	v50 =	vmax.f32 v29, v28;
	v28 =	vmin.f32 v29, v28;
	[tilespmem:s10+$0x102C0] =	vst v56;
	v54 =	vpop (erf)  }
0x16d: {  	v31 =	vmax.f32 v33, v50;
	v26 =	vmin.f32 v33, v50;
	v56 =	vmax.f32 v59, v24;
	[tilespmem:$0x1F850] =	vst v54  }
0x16e: {  	v24 =	vmin.f32 v59, v24;
	v26 =	vmax.f32 v34, v26;
	[tilespmem:s10+$0x102D0] =	vst v54;
	v59 =	vpop (erf);
	v33 =	vmax.f32 v56, v28  }
0x16f: {  	v28 =	vmin.f32 v56, v28;
	v50 =	vmax.f32 v24, v22;
	v22 =	vmin.f32 v24, v22;
	[tilespmem:$0x1F860] =	vst v59  }
0x170: {  	s11 =	sand.u32 $0x6180, s11;
	[tilespmem:s10+$0x102E0] =	vst v59;
	v54 =	vpop (erf);
	v22 =	vmax.f32 v25, v22;
	v56 =	vmax.f32 v48, v50;
	v35 =	vmax.f32 v30, v33  }
0x171: {  	s11 =	sor.u32 s14, s11;
	v59 =	vmax.f32 v27, v28;
	v48 =	vmax.f32 v47, v31;
	[tilespmem:s10+$0x102F0] =	vst v54;
	v30 =	vmax.f32 v23, v35  }
0x172: {  	v23 =	vmin.f32 v23, v35;
	v49 =	vmax.f32 v22, v26;
	v22 =	vmin.f32 v22, v26;
	v28 =	vld [tilespmem:s11+$0x8000]  }
0x173: {  	[tilespmem:$0x1F870] =	vst v54;
	v50 =	vmax.f32 v56, v48;
	v24 =	vmin.f32 v56, v48;
	v54 =	vmax.f32 v59, v21;
	v31 =	vld [tilespmem:s22+$0xE200]  }
0x174: {  	v21 =	vmin.f32 v59, v21;
	v26 =	vld [tilespmem:s22+$0xE400];
	v25 =	vmax.f32 v30, v50;
	v30 =	vmin.f32 v30, v50  }
0x175: {  	v33 =	vld [tilespmem:s22+$0xE600];
	v34 =	vmax.f32 v49, v54;
	v27 =	vmin.f32 v49, v54;
	v47 =	vmax.f32 v23, v24  }
0x176: {  	v32 =	vld [tilespmem:s22+$0xE800];
	v23 =	vmin.f32 v23, v24;
	v35 =	vmax.f32 v22, v21;
	v21 =	vmin.f32 v22, v21  }
0x177: {  	v29 =	vld [tilespmem:s22+$0xEA00];
	v48 =	vmax.f32 v25, v34;
	v25 =	vmin.f32 v25, v34;
	v56 =	vmul.f32 $1.442695020e+00, v28  }
0x178: {  	v24 =	vld [tilespmem:s22+$0xEC00];
	v34 =	vmax.f32 v30, v27;
	v27 =	vmin.f32 v30, v27;
	v59 =	vmul.f32 $1.442695020e+00, v31  }
0x179: {  	v49 =	vld [tilespmem:s22+$0xEE00];
	v30 =	vmax.f32 v47, v35;
	v54 =	vmul.f32 $1.442695020e+00, v26;
	(erf) = vpow2.f32 v56  }
0x17a: {  	v35 =	vmin.f32 v47, v35;
	v56 =	vmul.f32 $1.442695020e+00, v33;
	(erf) = vpow2.f32 v59  }
0x17b: {  	v47 =	vmax.f32 v23, v21;
	v59 =	vmul.f32 $1.442695020e+00, v32;
	(erf) = vpow2.f32 v54  }
0x17c: {  	v21 =	vmin.f32 v23, v21;
	v54 =	vmul.f32 $1.442695020e+00, v29;
	(erf) = vpow2.f32 v56  }
0x17d: {  	v50 =	vmax.f32 v28, v31;
	v56 =	vmul.f32 $1.442695020e+00, v24;
	(erf) = vpow2.f32 v59  }
0x17e: {  	v23 =	vmin.f32 v28, v31;
	v59 =	vmul.f32 $1.442695020e+00, v49;
	(erf) = vpow2.f32 v54  }
0x17f: {  	v54 =	vmax.f32 v26, v33;
	v26 =	vmin.f32 v26, v33;
	(erf) = vpow2.f32 v56  }
0x180: {  	v56 =	vmax.f32 v32, v29;
	v29 =	vmin.f32 v32, v29;
	v33 =	vmax.f32 v50, v54  }
0x181: {  	(erf) = vpow2.f32 v59;
	v59 =	vmax.f32 v24, v49;
	v24 =	vmin.f32 v24, v49  }
0x182: {  	v22 =	vmin.f32 v50, v54;
	v50 =	vmax.f32 v23, v26;
	v54 =	vmax.f32 v29, v24  }
0x183: {  	v23 =	vmin.f32 v23, v26;
	v26 =	vmax.f32 v56, v59;
	v31 =	vmin.f32 v56, v59;
	v56 =	vpop (erf)  }
0x184: {  	[tilespmem:$0x1F880] =	vst v56  }
0x185: {  	v59 =	vmax.f32 v54, v31;
	v31 =	vmin.f32 v54, v31;
	[tilespmem:s10+$0x10300] =	vst v56;
	v54 =	vpop (erf)  }
0x186: {  	v24 =	vmin.f32 v29, v24;
	v29 =	vmax.f32 v50, v22;
	[tilespmem:$0x1F890] =	vst v54  }
0x187: {  	v22 =	vmin.f32 v50, v22;
	v32 =	vmax.f32 v33, v26;
	v26 =	vmin.f32 v33, v26;
	[tilespmem:s10+$0x10310] =	vst v54;
	v56 =	vpop (erf)  }
0x188: {  	v33 =	vmax.f32 v29, v59;
	v28 =	vmin.f32 v29, v59;
	v59 =	vmax.f32 v22, v31;
	[tilespmem:$0x1F8A0] =	vst v56  }
0x189: {  	[tilespmem:s10+$0x10320] =	vst v56;
	v54 =	vpop (erf)  }
0x18a: {  	v56 =	vmax.f32 v23, v24;
	[tilespmem:$0x1F8B0] =	vst v54  }
0x18b: {  	v23 =	vmin.f32 v23, v24;
	v24 =	vmax.f32 v59, v26;
	v26 =	vmin.f32 v59, v26;
	[tilespmem:s10+$0x10330] =	vst v54;
	v59 =	vpop (erf)  }
0x18c: {  	v22 =	vmin.f32 v22, v31;
	[tilespmem:$0x1F8C0] =	vst v59  }
0x18d: {  	v21 =	vmax.f32 v21, v32;
	v54 =	vmax.f32 v56, v28;
	v28 =	vmin.f32 v56, v28;
	[tilespmem:s10+$0x10340] =	vst v59;
	v56 =	vpop (erf)  }
0x18e: {  	v31 =	vmax.f32 v33, v24;
	v24 =	vmin.f32 v33, v24;
	v23 =	vmax.f32 v48, v23;
	[tilespmem:$0x1F8D0] =	vst v56  }
0x18f: {  	v33 =	vmax.f32 v54, v26;
	v26 =	vmin.f32 v54, v26;
	v54 =	vmax.f32 v28, v22;
	[tilespmem:s10+$0x10350] =	vst v56;
	v59 =	vpop (erf)  }
0x190: {  	v22 =	vmin.f32 v28, v22;
	v24 =	vmax.f32 v35, v24;
	v49 =	vmax.f32 v47, v31;
	[tilespmem:$0x1F8E0] =	vst v59  }
0x191: {  	v22 =	vmax.f32 v25, v22;
	v26 =	vmax.f32 v27, v26;
	v48 =	vmax.f32 v30, v33;
	[tilespmem:s10+$0x10360] =	vst v59;
	v56 =	vpop (erf)  }
0x192: {  	v30 =	vmax.f32 v23, v48;
	v23 =	vmin.f32 v23, v48;
	v59 =	vmax.f32 v34, v54;
	[tilespmem:s10+$0x10370] =	vst v56  }
0x193: {  	v50 =	vmax.f32 v22, v24;
	v22 =	vmin.f32 v22, v24;
	v54 =	vmax.f32 v59, v49;
	v29 =	vld [tilespmem:s22+$0xF000]  }
0x194: {  	[tilespmem:$0x1F8F0] =	vst v56;
	v25 =	vmin.f32 v59, v49;
	v56 =	vmax.f32 v26, v21;
	v21 =	vmin.f32 v26, v21;
	v27 =	vld [tilespmem:s22+$0xF200]  }
0x195: {  	v32 =	vld [tilespmem:s22+$0xF400];
	v33 =	vmax.f32 v30, v54;
	v24 =	vmin.f32 v30, v54;
	v30 =	vmax.f32 v50, v56  }
0x196: {  	v26 =	vld [tilespmem:s22+$0xF600];
	v28 =	vmin.f32 v50, v56;
	v31 =	vmax.f32 v23, v25;
	v23 =	vmin.f32 v23, v25  }
0x197: {  	v34 =	vld [tilespmem:s22+$0xF800];
	v25 =	vmax.f32 v22, v21;
	v21 =	vmin.f32 v22, v21;
	v49 =	vmax.f32 v33, v30  }
0x198: {  	v35 =	vld [tilespmem:s22+$0xFA00];
	v30 =	vmin.f32 v33, v30;
	v47 =	vmax.f32 v24, v28;
	v59 =	vmul.f32 $1.442695020e+00, v29  }
0x199: {  	v48 =	vld [tilespmem:s22+$0xFC00];
	v24 =	vmin.f32 v24, v28;
	v33 =	vmax.f32 v31, v25;
	v54 =	vmul.f32 $1.442695020e+00, v27  }
0x19a: {  	v22 =	vld [tilespmem:s22+$0xFE00];
	v25 =	vmin.f32 v31, v25;
	v56 =	vmul.f32 $1.442695020e+00, v32;
	(erf) = vpow2.f32 v59  }
0x19b: {  	v28 =	vmax.f32 v23, v21;
	v59 =	vmul.f32 $1.442695020e+00, v26;
	(erf) = vpow2.f32 v54  }
0x19c: {  	v21 =	vmin.f32 v23, v21;
	v54 =	vmul.f32 $1.442695020e+00, v34;
	(erf) = vpow2.f32 v56  }
0x19d: {  	v31 =	vmax.f32 v34, v35;
	v56 =	vmul.f32 $1.442695020e+00, v35;
	(erf) = vpow2.f32 v59  }
0x19e: {  	v50 =	vmin.f32 v34, v35;
	v59 =	vmul.f32 $1.442695020e+00, v48;
	(erf) = vpow2.f32 v54  }
0x19f: {  	v54 =	vmul.f32 $1.442695020e+00, v22;
	(erf) = vpow2.f32 v56;
	v56 =	vmax.f32 v29, v27  }
0x1a0: {  	v27 =	vmin.f32 v29, v27;
	(erf) = vpow2.f32 v59;
	v59 =	vmax.f32 v32, v26  }
0x1a1: {  	v26 =	vmin.f32 v32, v26;
	(erf) = vpow2.f32 v54;
	v54 =	vmax.f32 v48, v22  }
0x1a2: {  	v22 =	vmin.f32 v48, v22;
	v35 =	vmax.f32 v56, v59;
	v23 =	vmin.f32 v56, v59  }
0x1a3: {  	v56 =	vmax.f32 v27, v26;
	v26 =	vmin.f32 v27, v26;
	v59 =	vmax.f32 v31, v54  }
0x1a4: {  	v31 =	vmin.f32 v31, v54;
	v48 =	vmax.f32 v50, v22;
	v22 =	vmin.f32 v50, v22  }
0x1a5: {  	v50 =	vmax.f32 v56, v23;
	v23 =	vmin.f32 v56, v23;
	v54 =	vmax.f32 v48, v31  }
0x1a6: {  	v31 =	vmin.f32 v48, v31;
	v34 =	vmax.f32 v35, v59;
	v27 =	vmin.f32 v35, v59  }
0x1a7: {  	v59 =	vmax.f32 v26, v22;
	v22 =	vmin.f32 v26, v22;
	v35 =	vmax.f32 v50, v54  }
0x1a8: {  	v29 =	vmin.f32 v50, v54;
	v56 =	vmax.f32 v23, v31;
	v23 =	vmin.f32 v23, v31  }
0x1a9: {  	v22 =	vmax.f32 v49, v22;
	v21 =	vmax.f32 v21, v34;
	v48 =	vmax.f32 v56, v27  }
0x1aa: {  	v27 =	vmin.f32 v56, v27;
	v50 =	vmax.f32 v59, v29;
	v29 =	vmin.f32 v59, v29  }
0x1ab: {  	v54 =	vmax.f32 v35, v48;
	v26 =	vmin.f32 v35, v48;
	v56 =	vmax.f32 v50, v27  }
0x1ac: {  	v27 =	vmin.f32 v50, v27;
	v59 =	vmin.f32 v29, v23;
	v23 =	vmax.f32 v29, v23  }
0x1ad: {  	v32 =	vmax.f32 v30, v59;
	v23 =	vmax.f32 v47, v23;
	v24 =	vmax.f32 v24, v27  }
0x1ae: {  	v35 =	vmax.f32 v33, v56;
	v25 =	vmax.f32 v25, v26;
	v47 =	vmax.f32 v28, v54  }
0x1af: {  	v48 =	vmax.f32 v22, v35;
	v22 =	vmin.f32 v22, v35;
	v49 =	vmax.f32 v32, v25  }
0x1b0: {  	v25 =	vmin.f32 v32, v25;
	v50 =	vmax.f32 v23, v47;
	v23 =	vmin.f32 v23, v47  }
0x1b1: {  	v54 =	vmax.f32 v24, v21;
	v21 =	vmin.f32 v24, v21;
	v56 =	vmax.f32 v48, v50  }
0x1b2: {  	v28 =	vmin.f32 v48, v50;
	v29 =	vmin.f32 v22, v23;
	v30 =	vmin.f32 v25, v21  }
0x1b3: {  	v59 =	vmax.f32 v49, v54;
	v26 =	vmin.f32 v49, v54;
	v32 =	vmin.f32 v29, v30  }
0x1b4: {  	v22 =	vmax.f32 v22, v23;
	v34 =	vmax.f32 v56, v59;
	v33 =	vmul.f32 $1.442695020e+00, v32  }
0x1b5: {  	v21 =	vmax.f32 v25, v21;
	v24 =	vmin.f32 v56, v59;
	v35 =	vmul.f32 $1.442695020e+00, v34  }
0x1b6: {  	v48 =	vmax.f32 v28, v26;
	v47 =	vmul.f32 $1.442695020e+00, v24;
	(erf) = vpow2.f32 v33  }
0x1b7: {  	v26 =	vmin.f32 v28, v26;
	v24 =	vmul.f32 $1.442695020e+00, v48;
	v59 =	vpop (erf);
	(erf) = vpow2.f32 v35  }
0x1b8: {  	v50 =	vmax.f32 v22, v21;
	v49 =	vmul.f32 $1.442695020e+00, v26;
	v27 =	vpop (erf);
	(erf) = vpow2.f32 v47  }
0x1b9: {  	v21 =	vmin.f32 v22, v21;
	v54 =	vmul.f32 $1.442695020e+00, v50;
	v28 =	vpop (erf);
	(erf) = vpow2.f32 v24  }
0x1ba: {  	v56 =	vmax.f32 v29, v30;
	v21 =	vmul.f32 $1.442695020e+00, v21;
	v30 =	vpop (erf);
	(erf) = vpow2.f32 v49  }
0x1bb: {  	v26 =	vmul.f32 $1.442695020e+00, v56;
	v31 =	vpop (erf);
	(erf) = vpow2.f32 v54  }
0x1bc: {  	v33 =	vpop (erf);
	(erf) = vpow2.f32 v21  }
0x1bd: {  	v49 =	vpop (erf);
	(erf) = vpow2.f32 v26  }
0x1be: {  	v48 =	vpop (erf)  }
0x1bf: {  	v35 =	vpop (erf)  }
0x1c0: {  	v29 =	vpop (erf)  }
0x1c1: {  	v32 =	vpop (erf)  }
0x1c2: {  	v34 =	vpop (erf)  }
0x1c3: {  	v47 =	vpop (erf)  }
0x1c4: {  	v50 =	vpop (erf)  }
0x1c5: {  	v54 =	vpop (erf)  }
0x1c6: {  	v21 =	vadd.f32 v32, v29;
	v56 =	vadd.f32 v47, v34;
	v29 =	vpop (erf)  }
0x1c7: {  	v32 =	vadd.f32 v54, v50;
	v23 =	vadd.f32 v35, v29;
	_ =	sdelay $0x1  }
0x1c8: {  	v21 =	vadd.f32 v56, v21;
	v34 =	vadd.f32 v23, v32;
	_ =	sdelay $0x1  }
0x1c9: {  	v21 =	vadd.f32 v34, v21;
	_ =	sdelay $0x1  }
0x1ca: {  	(erf) = vrcp.f32 v21;
	_ =	sdelay $0x8  }
0x1cb: {  	v21 =	vpop (erf)  }
0x1cc: {  	[tilespmem:s10+$0x10380] =	vst v59;
	v34 =	vmul.f32 $1.250000000e+00, v21  }
0x1cd: {  	[tilespmem:s10+$0x10390] =	vst v27;
	vm0 =	vge.f32 v41, v35;
	vm15 =	vge.f32 v39, v35;
	vm1 =	vge.f32 v40, v35  }
0x1ce: {  	[tilespmem:s10+$0x103A0] =	vst v28;
	vm2 =	vge.f32 v42, v35;
	vm3 =	vge.f32 v55, v35;
	v39 =	vmul.f32 v34, v39  }
0x1cf: {  	[tilespmem:$0x1F900] =	vst v30;
	v47 =	vmul.f32 v34, v55;
	v55 =	vor.u32 s10, v2;
	v56 =	vmul.f32 v34, v46  }
0x1d0: {  	[tilespmem:s10+$0x103B0] =	vst v30;
	vm8 =	vge.f32 v46, v35;
	v50 =	vmul.f32 v34, v45;
	v29 =	vand.u32 v63, v55;
	v55 =	vld [tilespmem:$0x1FC70]  }
0x1d1: {  	[tilespmem:$0x1F910] =	vst v31;
	vm5 =	vge.f32 v45, v35;
	vm9 =	vge.f32 v44, v35;
	v30 =	vnsel vm8, $0x0, v56;
	v56 =	vld [tilespmem:$0x1FC80]  }
0x1d2: {  	[tilespmem:s10+$0x103C0] =	vst v31;
	v63 =	vmul.f32 v34, v44;
	v26 =	vnsel vm5, $0x0, v50;
	v50 =	vor.u32 s10, v51  }
0x1d3: {  	[tilespmem:s10+$0x103D0] =	vst v33;
	v21 =	vmul.f32 v34, v41;
	v22 =	vnsel vm15, $0x0, v39;
	v39 =	vmovc v51;
	v51 =	vor.u32 s10, v52  }
0x1d4: {  	[tilespmem:s10+$0x103E0] =	vst v49;
	v41 =	vmul.f32 v34, v40;
	v31 =	vnsel vm9, $0x0, v63;
	v63 =	vor.u32 s10, v53  }
0x1d5: {  	[tilespmem:s10+$0x103F0] =	vst v48;
	v42 =	vmul.f32 v34, v42;
	v21 =	vnsel vm0, $0x0, v21;
	v40 =	vor.u32 s10, v55  }
0x1d6: {  	v25 =	vnsel vm3, $0x0, v47;
	[tilespmem:v29+s2+$0x0] =	vst.idx.msk $0xffff, v21;
	v47 =	vor.u32 s10, v56  }
0x1d7: {  	v54 =	vmul.f32 v34, v37;
	v45 =	vmovc v48;
	v48 =	vor.u32 s10, v60;
	v23 =	vnsel vm1, $0x0, v41;
	[tilespmem:v50+s2+$0x0] =	vst.idx.msk $0xffff, v22  }
0x1d8: {  	vm6 =	vge.f32 v36, v35;
	v24 =	vnsel vm2, $0x0, v42;
	v50 =	vor.u32 s10, v58;
	[tilespmem:v51+s2+$0x0] =	vst.idx.msk $0xffff, v23  }
0x1d9: {  	v42 =	vmov v27;
	v27 =	vmul.f32 v34, v36;
	v51 =	vor.u32 s10, v57;
	[tilespmem:v63+s2+$0x0] =	vst.idx.msk $0xffff, v24  }
0x1da: {  	vm7 =	vge.f32 v37, v35;
	v44 =	vmov v52;
	v52 =	vor.u32 s10, v61;
	[tilespmem:v40+s2+$0x0] =	vst.idx.msk $0xffff, v25  }
0x1db: {  	v41 =	vmovc v28;
	v28 =	vnsel vm7, $0x0, v54;
	v54 =	vmovc v53;
	v53 =	vor.u32 s10, v62;
	v27 =	vnsel vm6, $0x0, v27;
	[tilespmem:v47+s2+$0x0] =	vst.idx.msk $0xffff, v26  }
0x1dc: {  	v57 =	vld [tilespmem:$0x1FE20];
	[tilespmem:v48+s2+$0x0] =	vst.idx.msk $0xffff, v27  }
0x1dd: {  	vm10 =	vge.f32 v3, v35;
	v3 =	vmul.f32 v34, v3;
	v60 =	vld [tilespmem:$0x1FE30];
	[tilespmem:v50+s2+$0x0] =	vst.idx.msk $0xffff, v28  }
0x1de: {  	v61 =	vld [tilespmem:$0x1FC90];
	[tilespmem:v51+s2+$0x0] =	vst.idx.msk $0xffff, v30  }
0x1df: {  	v3 =	vnsel vm10, $0x0, v3;
	v28 =	vld [tilespmem:$0x1FCA0];
	[tilespmem:v52+s2+$0x0] =	vst.idx.msk $0xffff, v31  }
0x1e0: {  	[tilespmem:v53+s2+$0x0] =	vst.idx.msk $0xffff, v3;
	v3 =	vld [tilespmem:$0x1FCB0]  }
0x1e1: {  	vm11 =	vge.f32 v4, v35;
	vm12 =	vge.f32 v5, v35;
	v22 =	vor.u32 s10, v57  }
0x1e2: {  	vm13 =	vge.f32 v43, v35;
	vm4 =	vge.f32 v13, v35;
	v27 =	vor.u32 s10, v60  }
0x1e3: {  	v4 =	vmul.f32 v34, v4;
	v58 =	vmul.f32 v34, v13;
	v13 =	vor.u32 s10, v61  }
0x1e4: {  	vm14 =	vge.f32 v0, v35;
	v5 =	vmul.f32 v34, v5;
	v25 =	vor.u32 s10, v28  }
0x1e5: {  	[tilespmem:$0x1F920] =	vst v49;
	v49 =	vmul.f32 v34, v43;
	v4 =	vnsel vm11, $0x0, v4;
	v3 =	vor.u32 s10, v3  }
0x1e6: {  	v46 =	vmov v33;
	v0 =	vmul.f32 v34, v0;
	v5 =	vnsel vm12, $0x0, v5;
	v31 =	vld [tilespmem:$0x1FCC0];
	[tilespmem:v22+s2+$0x0] =	vst.idx.msk $0xffff, v4  }
0x1e7: {  	v33 =	vld [tilespmem:$0x1FE40];
	vm15 =	vge.f32 v1, v35;
	v1 =	vmul.f32 v34, v1;
	v23 =	vnsel vm13, $0x0, v49;
	[tilespmem:v27+s2+$0x0] =	vst.idx.msk $0xffff, v5  }
0x1e8: {  	v37 =	vld [tilespmem:$0x1FCD0];
	v0 =	vnsel vm14, $0x0, v0;
	[tilespmem:v13+s2+$0x0] =	vst.idx.msk $0xffff, v23  }
0x1e9: {  	v1 =	vnsel vm15, $0x0, v1;
	[tilespmem:v25+s2+$0x0] =	vst.idx.msk $0xffff, v0;
	v0 =	vld [tilespmem:$0x1FCE0]  }
0x1ea: {  	[tilespmem:v3+s2+$0x0] =	vst.idx.msk $0xffff, v1;
	v1 =	vld [tilespmem:$0x1FCF0]  }
0x1eb: {  	v4 =	vor.u32 s10, v31  }
0x1ec: {  	v5 =	vor.u32 s10, v33  }
0x1ed: {  	v13 =	vor.u32 s10, v37  }
0x1ee: {  	vm5 =	vge.f32 v11, v35;
	v63 =	vmul.f32 v34, v11;
	v0 =	vor.u32 s10, v0  }
0x1ef: {  	v29 =	vmul.f32 v34, v12;
	v62 =	vnsel vm4, $0x0, v58;
	v1 =	vor.u32 s10, v1  }
0x1f0: {  	v32 =	vmul.f32 v34, v9;
	v43 =	vld [tilespmem:$0x1FD00];
	vm6 =	vge.f32 v12, v35;
	v30 =	vnsel vm5, $0x0, v63;
	[tilespmem:v4+s2+$0x0] =	vst.idx.msk $0xffff, v62  }
0x1f1: {  	vm7 =	vge.f32 v9, v35;
	v36 =	vmul.f32 v34, v10;
	v11 =	vnsel vm6, $0x0, v29;
	v47 =	vld [tilespmem:$0x1FD10];
	[tilespmem:v5+s2+$0x0] =	vst.idx.msk $0xffff, v30  }
0x1f2: {  	vm8 =	vge.f32 v10, v35;
	v12 =	vnsel vm7, $0x0, v32;
	v49 =	vld [tilespmem:$0x1FE50];
	[tilespmem:v13+s2+$0x0] =	vst.idx.msk $0xffff, v11  }
0x1f3: {  	v9 =	vnsel vm8, $0x0, v36;
	[tilespmem:v0+s2+$0x0] =	vst.idx.msk $0xffff, v12;
	v0 =	vld [tilespmem:$0x1FE60]  }
0x1f4: {  	[tilespmem:v1+s2+$0x0] =	vst.idx.msk $0xffff, v9;
	v1 =	vld [tilespmem:$0x1FE70]  }
0x1f5: {  	v4 =	vor.u32 s10, v43  }
0x1f6: {  	v5 =	vor.u32 s10, v47  }
0x1f7: {  	vm10 =	vge.f32 v8, v35;
	v40 =	vmul.f32 v34, v7;
	v10 =	vor.u32 s10, v49  }
0x1f8: {  	vm9 =	vge.f32 v7, v35;
	v3 =	vmul.f32 v34, v8;
	v0 =	vor.u32 s10, v0  }
0x1f9: {  	v7 =	vnsel vm9, $0x0, v40;
	v48 =	vmul.f32 v34, v6;
	v1 =	vor.u32 s10, v1  }
0x1fa: {  	vm11 =	vge.f32 v6, v35;
	v50 =	vmul.f32 v34, v20;
	v52 =	vld [tilespmem:$0x1FD20];
	v3 =	vnsel vm10, $0x0, v3;
	[tilespmem:v4+s2+$0x0] =	vst.idx.msk $0xffff, v7  }
0x1fb: {  	vm12 =	vge.f32 v20, v35;
	v51 =	vmul.f32 v34, v17;
	v8 =	vnsel vm11, $0x0, v48;
	[tilespmem:v5+s2+$0x0] =	vst.idx.msk $0xffff, v3;
	v3 =	vld [tilespmem:$0x1FD30]  }
0x1fc: {  	vm13 =	vge.f32 v17, v35;
	v58 =	vld [tilespmem:$0x1FD40];
	v6 =	vnsel vm12, $0x0, v50;
	[tilespmem:v10+s2+$0x0] =	vst.idx.msk $0xffff, v8  }
0x1fd: {  	v57 =	vnsel vm13, $0x0, v51;
	[tilespmem:v0+s2+$0x0] =	vst.idx.msk $0xffff, v6;
	v0 =	vld [tilespmem:$0x1FE80]  }
0x1fe: {  	[tilespmem:v1+s2+$0x0] =	vst.idx.msk $0xffff, v57;
	v1 =	vld [tilespmem:$0x1FD50]  }
0x1ff: {  	v4 =	vor.u32 s10, v52  }
0x200: {  	v3 =	vor.u32 s10, v3  }
0x201: {  	vm14 =	vge.f32 v18, v35;
	v53 =	vmul.f32 v34, v18;
	v8 =	vor.u32 s10, v58  }
0x202: {  	vm15 =	vge.f32 v14, v35;
	v60 =	vmul.f32 v34, v14;
	v0 =	vor.u32 s10, v0  }
0x203: {  	v61 =	vmul.f32 v34, v15;
	v7 =	vnsel vm14, $0x0, v53;
	v1 =	vor.u32 s10, v1  }
0x204: {  	vm4 =	vge.f32 v15, v35;
	v63 =	vmul.f32 v34, v16;
	v62 =	vnsel vm15, $0x0, v60;
	[tilespmem:v4+s2+$0x0] =	vst.idx.msk $0xffff, v7  }
0x205: {  	vm5 =	vge.f32 v16, v35;
	v11 =	vnsel vm4, $0x0, v61;
	v12 =	vmul.f32 v34, v19;
	[tilespmem:v3+s2+$0x0] =	vst.idx.msk $0xffff, v62  }
0x206: {  	s13 =	sor.u32 $0x1, s9;
	vm6 =	vge.f32 v19, v35;
	v3 =	vnsel vm5, $0x0, v63;
	[tilespmem:v8+s2+$0x0] =	vst.idx.msk $0xffff, v11  }
0x207: {  	s15 =	sshll.u32 s13, $0x4;
	s11 =	sshll.u32 s13, $0xA;
	v13 =	vnsel vm6, $0x0, v12;
	[tilespmem:v0+s2+$0x0] =	vst.idx.msk $0xffff, v3  }
0x208: {  	v0 =	vld [tilespmem:s11+$0x0];
	[tilespmem:v1+s2+$0x0] =	vst.idx.msk $0xffff, v13;
	v1 =	vor.u32 s15, v38;
	_ =	sdelay $0x4  }
0x209: {  	s16 =	sor.u32 $0x2000, s15;
	[tilespmem:v1+s7+$0x0] =	vst.idx.msk $0xffff, v0  }
0x20a: {  	v1 =	vor.u32 s16, v38;
	v0 =	vld [tilespmem:s11+$0x10];
	_ =	sdelay $0x4  }
0x20b: {  	s14 =	sor.u32 $0x4000, s15;
	[tilespmem:v1+s7+$0x0] =	vst.idx.msk $0xffff, v0  }
0x20c: {  	v1 =	vor.u32 s14, v38;
	v0 =	vld [tilespmem:s11+$0x20];
	_ =	sdelay $0x4  }
0x20d: {  	s12 =	sor.u32 $0x6000, s15;
	[tilespmem:v1+s7+$0x0] =	vst.idx.msk $0xffff, v0  }
0x20e: {  	v1 =	vor.u32 s12, v38;
	v0 =	vld [tilespmem:s11+$0x30];
	_ =	sdelay $0x4  }
0x20f: {  	s17 =	sor.u32 $0x1, s15;
	[tilespmem:v1+s7+$0x0] =	vst.idx.msk $0xffff, v0  }
0x210: {  	v1 =	vor.u32 s17, v38;
	v0 =	vld [tilespmem:s11+$0x40];
	_ =	sdelay $0x4  }
0x211: {  	s23 =	sor.u32 $0x2001, s15;
	[tilespmem:v1+s7+$0x0] =	vst.idx.msk $0xffff, v0  }
0x212: {  	v1 =	vor.u32 s23, v38;
	v0 =	vld [tilespmem:s11+$0x50];
	_ =	sdelay $0x4  }
0x213: {  	s24 =	sor.u32 $0x4001, s15;
	[tilespmem:v1+s7+$0x0] =	vst.idx.msk $0xffff, v0  }
0x214: {  	v1 =	vor.u32 s24, v38;
	v0 =	vld [tilespmem:s11+$0x60];
	_ =	sdelay $0x4  }
0x215: {  	s25 =	sor.u32 $0x6001, s15;
	[tilespmem:v1+s7+$0x0] =	vst.idx.msk $0xffff, v0  }
0x216: {  	v1 =	vor.u32 s25, v38;
	v0 =	vld [tilespmem:s11+$0x70];
	_ =	sdelay $0x4  }
0x217: {  	s26 =	sor.u32 $0x2, s15;
	[tilespmem:v1+s7+$0x0] =	vst.idx.msk $0xffff, v0  }
0x218: {  	v1 =	vor.u32 s26, v38;
	v0 =	vld [tilespmem:s11+$0x80];
	_ =	sdelay $0x4  }
0x219: {  	s28 =	sor.u32 $0x2002, s15;
	[tilespmem:v1+s7+$0x0] =	vst.idx.msk $0xffff, v0  }
0x21a: {  	v1 =	vor.u32 s28, v38;
	v0 =	vld [tilespmem:s11+$0x90];
	_ =	sdelay $0x4  }
0x21b: {  	s29 =	sor.u32 $0x4002, s15;
	[tilespmem:v1+s7+$0x0] =	vst.idx.msk $0xffff, v0  }
0x21c: {  	v1 =	vor.u32 s29, v38;
	v0 =	vld [tilespmem:s11+$0xA0];
	_ =	sdelay $0x4  }
0x21d: {  	s30 =	sor.u32 $0x6002, s15;
	[tilespmem:v1+s7+$0x0] =	vst.idx.msk $0xffff, v0  }
0x21e: {  	v1 =	vor.u32 s30, v38;
	v0 =	vld [tilespmem:s11+$0xB0];
	_ =	sdelay $0x4  }
0x21f: {  	s31 =	sor.u32 $0x3, s15;
	[tilespmem:v1+s7+$0x0] =	vst.idx.msk $0xffff, v0  }
0x220: {  	v1 =	vor.u32 s31, v38;
	v0 =	vld [tilespmem:s11+$0xC0];
	_ =	sdelay $0x4  }
0x221: {  	s18 =	sor.u32 $0x2003, s15;
	[tilespmem:v1+s7+$0x0] =	vst.idx.msk $0xffff, v0  }
0x222: {  	v1 =	vor.u32 s18, v38;
	v0 =	vld [tilespmem:s11+$0xD0];
	_ =	sdelay $0x4  }
0x223: {  	s19 =	sor.u32 $0x4003, s15;
	[tilespmem:v1+s7+$0x0] =	vst.idx.msk $0xffff, v0  }
0x224: {  	v1 =	vor.u32 s19, v38;
	v0 =	vld [tilespmem:s11+$0xE0];
	_ =	sdelay $0x4  }
0x225: {  	s20 =	sor.u32 $0x6003, s15;
	[tilespmem:v1+s7+$0x0] =	vst.idx.msk $0xffff, v0  }
0x226: {  	v1 =	vor.u32 s20, v38;
	v0 =	vld [tilespmem:s11+$0xF0];
	_ =	sdelay $0x4  }
0x227: {  	s21 =	sor.u32 $0x4, s15;
	[tilespmem:v1+s7+$0x0] =	vst.idx.msk $0xffff, v0  }
0x228: {  	v1 =	vor.u32 s21, v38;
	v0 =	vld [tilespmem:s11+$0x100];
	_ =	sdelay $0x4  }
0x229: {  	s22 =	sor.u32 $0x2004, s15;
	[tilespmem:v1+s7+$0x0] =	vst.idx.msk $0xffff, v0  }
0x22a: {  	v1 =	vor.u32 s22, v38;
	v0 =	vld [tilespmem:s11+$0x110];
	_ =	sdelay $0x4  }
0x22b: {  	s23 =	sor.u32 $0x4004, s15;
	[tilespmem:v1+s7+$0x0] =	vst.idx.msk $0xffff, v0  }
0x22c: {  	v1 =	vor.u32 s23, v38;
	v0 =	vld [tilespmem:s11+$0x120];
	_ =	sdelay $0x4  }
0x22d: {  	s24 =	sor.u32 $0x6004, s15;
	[tilespmem:v1+s7+$0x0] =	vst.idx.msk $0xffff, v0  }
0x22e: {  	v1 =	vor.u32 s24, v38;
	v0 =	vld [tilespmem:s11+$0x130];
	_ =	sdelay $0x4  }
0x22f: {  	s25 =	sor.u32 $0x5, s15;
	[tilespmem:v1+s7+$0x0] =	vst.idx.msk $0xffff, v0  }
0x230: {  	v1 =	vor.u32 s25, v38;
	v0 =	vld [tilespmem:s11+$0x140];
	_ =	sdelay $0x4  }
0x231: {  	s26 =	sor.u32 $0x2005, s15;
	[tilespmem:v1+s7+$0x0] =	vst.idx.msk $0xffff, v0  }
0x232: {  	v1 =	vor.u32 s26, v38;
	v0 =	vld [tilespmem:s11+$0x150];
	_ =	sdelay $0x4  }
0x233: {  	s28 =	sor.u32 $0x4005, s15;
	[tilespmem:v1+s7+$0x0] =	vst.idx.msk $0xffff, v0  }
0x234: {  	v1 =	vor.u32 s28, v38;
	v0 =	vld [tilespmem:s11+$0x160];
	_ =	sdelay $0x4  }
0x235: {  	s29 =	sor.u32 $0x6005, s15;
	[tilespmem:v1+s7+$0x0] =	vst.idx.msk $0xffff, v0  }
0x236: {  	v1 =	vor.u32 s29, v38;
	v0 =	vld [tilespmem:s11+$0x170];
	_ =	sdelay $0x4  }
0x237: {  	s30 =	sor.u32 $0x6, s15;
	[tilespmem:v1+s7+$0x0] =	vst.idx.msk $0xffff, v0  }
0x238: {  	v1 =	vor.u32 s30, v38;
	v0 =	vld [tilespmem:s11+$0x180];
	_ =	sdelay $0x4  }
0x239: {  	s31 =	sor.u32 $0x2006, s15;
	[tilespmem:v1+s7+$0x0] =	vst.idx.msk $0xffff, v0  }
0x23a: {  	v1 =	vor.u32 s31, v38;
	v0 =	vld [tilespmem:s11+$0x190];
	_ =	sdelay $0x4  }
0x23b: {  	s18 =	sor.u32 $0x4006, s15;
	[tilespmem:v1+s7+$0x0] =	vst.idx.msk $0xffff, v0  }
0x23c: {  	v1 =	vor.u32 s18, v38;
	v0 =	vld [tilespmem:s11+$0x1A0];
	_ =	sdelay $0x4  }
0x23d: {  	s19 =	sor.u32 $0x6006, s15;
	[tilespmem:v1+s7+$0x0] =	vst.idx.msk $0xffff, v0  }
0x23e: {  	v1 =	vor.u32 s19, v38;
	v0 =	vld [tilespmem:s11+$0x1B0];
	_ =	sdelay $0x4  }
0x23f: {  	s20 =	sor.u32 $0x7, s15;
	[tilespmem:v1+s7+$0x0] =	vst.idx.msk $0xffff, v0  }
0x240: {  	v1 =	vor.u32 s20, v38;
	v0 =	vld [tilespmem:s11+$0x1C0];
	_ =	sdelay $0x4  }
0x241: {  	s21 =	sor.u32 $0x2007, s15;
	[tilespmem:v1+s7+$0x0] =	vst.idx.msk $0xffff, v0  }
0x242: {  	v1 =	vor.u32 s21, v38;
	v0 =	vld [tilespmem:s11+$0x1D0];
	_ =	sdelay $0x4  }
0x243: {  	s22 =	sor.u32 $0x4007, s15;
	[tilespmem:v1+s7+$0x0] =	vst.idx.msk $0xffff, v0  }
0x244: {  	v1 =	vor.u32 s22, v38;
	v0 =	vld [tilespmem:s11+$0x1E0];
	_ =	sdelay $0x4  }
0x245: {  	s23 =	sor.u32 $0x6007, s15;
	[tilespmem:v1+s7+$0x0] =	vst.idx.msk $0xffff, v0  }
0x246: {  	v1 =	vor.u32 s23, v38;
	v0 =	vld [tilespmem:s11+$0x1F0];
	_ =	sdelay $0x4  }
0x247: {  	s24 =	sor.u32 $0x8, s15;
	[tilespmem:v1+s7+$0x0] =	vst.idx.msk $0xffff, v0  }
0x248: {  	v1 =	vor.u32 s24, v38;
	v0 =	vld [tilespmem:s11+$0x200];
	_ =	sdelay $0x4  }
0x249: {  	s25 =	sor.u32 $0x2008, s15;
	[tilespmem:v1+s7+$0x0] =	vst.idx.msk $0xffff, v0  }
0x24a: {  	v1 =	vor.u32 s25, v38;
	v0 =	vld [tilespmem:s11+$0x210];
	_ =	sdelay $0x4  }
0x24b: {  	s26 =	sor.u32 $0x4008, s15;
	[tilespmem:v1+s7+$0x0] =	vst.idx.msk $0xffff, v0  }
0x24c: {  	v1 =	vor.u32 s26, v38;
	v0 =	vld [tilespmem:s11+$0x220];
	_ =	sdelay $0x4  }
0x24d: {  	s28 =	sor.u32 $0x6008, s15;
	[tilespmem:v1+s7+$0x0] =	vst.idx.msk $0xffff, v0  }
0x24e: {  	v1 =	vor.u32 s28, v38;
	v0 =	vld [tilespmem:s11+$0x230];
	_ =	sdelay $0x4  }
0x24f: {  	s29 =	sor.u32 $0x9, s15;
	[tilespmem:v1+s7+$0x0] =	vst.idx.msk $0xffff, v0  }
0x250: {  	v1 =	vor.u32 s29, v38;
	v0 =	vld [tilespmem:s11+$0x240];
	_ =	sdelay $0x4  }
0x251: {  	s30 =	sor.u32 $0x2009, s15;
	[tilespmem:v1+s7+$0x0] =	vst.idx.msk $0xffff, v0  }
0x252: {  	v1 =	vor.u32 s30, v38;
	v0 =	vld [tilespmem:s11+$0x250];
	_ =	sdelay $0x4  }
0x253: {  	s31 =	sor.u32 $0x4009, s15;
	[tilespmem:v1+s7+$0x0] =	vst.idx.msk $0xffff, v0  }
0x254: {  	v1 =	vor.u32 s31, v38;
	v0 =	vld [tilespmem:s11+$0x260];
	_ =	sdelay $0x4  }
0x255: {  	s18 =	sor.u32 $0x6009, s15;
	[tilespmem:v1+s7+$0x0] =	vst.idx.msk $0xffff, v0  }
0x256: {  	v1 =	vor.u32 s18, v38;
	v0 =	vld [tilespmem:s11+$0x270];
	_ =	sdelay $0x4  }
0x257: {  	s19 =	sor.u32 $0xA, s15;
	[tilespmem:v1+s7+$0x0] =	vst.idx.msk $0xffff, v0  }
0x258: {  	v1 =	vor.u32 s19, v38;
	v0 =	vld [tilespmem:s11+$0x280];
	_ =	sdelay $0x4  }
0x259: {  	s20 =	sor.u32 $0x200A, s15;
	[tilespmem:v1+s7+$0x0] =	vst.idx.msk $0xffff, v0  }
0x25a: {  	v1 =	vor.u32 s20, v38;
	v0 =	vld [tilespmem:s11+$0x290];
	_ =	sdelay $0x4  }
0x25b: {  	s21 =	sor.u32 $0x400A, s15;
	[tilespmem:v1+s7+$0x0] =	vst.idx.msk $0xffff, v0  }
0x25c: {  	v1 =	vor.u32 s21, v38;
	v0 =	vld [tilespmem:s11+$0x2A0];
	_ =	sdelay $0x4  }
0x25d: {  	s22 =	sor.u32 $0x600A, s15;
	[tilespmem:v1+s7+$0x0] =	vst.idx.msk $0xffff, v0  }
0x25e: {  	v1 =	vor.u32 s22, v38;
	v0 =	vld [tilespmem:s11+$0x2B0];
	_ =	sdelay $0x4  }
0x25f: {  	s23 =	sor.u32 $0xB, s15;
	[tilespmem:v1+s7+$0x0] =	vst.idx.msk $0xffff, v0  }
0x260: {  	v1 =	vor.u32 s23, v38;
	v0 =	vld [tilespmem:s11+$0x2C0];
	_ =	sdelay $0x4  }
0x261: {  	s24 =	sor.u32 $0x200B, s15;
	[tilespmem:v1+s7+$0x0] =	vst.idx.msk $0xffff, v0  }
0x262: {  	v1 =	vor.u32 s24, v38;
	v0 =	vld [tilespmem:s11+$0x2D0];
	_ =	sdelay $0x4  }
0x263: {  	s25 =	sor.u32 $0x400B, s15;
	[tilespmem:v1+s7+$0x0] =	vst.idx.msk $0xffff, v0  }
0x264: {  	v1 =	vor.u32 s25, v38;
	v0 =	vld [tilespmem:s11+$0x2E0];
	_ =	sdelay $0x4  }
0x265: {  	s26 =	sor.u32 $0x600B, s15;
	[tilespmem:v1+s7+$0x0] =	vst.idx.msk $0xffff, v0  }
0x266: {  	v1 =	vor.u32 s26, v38;
	v0 =	vld [tilespmem:s11+$0x2F0];
	_ =	sdelay $0x4  }
0x267: {  	s28 =	sor.u32 $0xC, s15;
	[tilespmem:v1+s7+$0x0] =	vst.idx.msk $0xffff, v0  }
0x268: {  	v1 =	vor.u32 s28, v38;
	v0 =	vld [tilespmem:s11+$0x300];
	_ =	sdelay $0x4  }
0x269: {  	s29 =	sor.u32 $0x200C, s15;
	[tilespmem:v1+s7+$0x0] =	vst.idx.msk $0xffff, v0  }
0x26a: {  	v1 =	vor.u32 s29, v38;
	v0 =	vld [tilespmem:s11+$0x310];
	_ =	sdelay $0x4  }
0x26b: {  	s30 =	sor.u32 $0x400C, s15;
	[tilespmem:v1+s7+$0x0] =	vst.idx.msk $0xffff, v0  }
0x26c: {  	v1 =	vor.u32 s30, v38;
	v0 =	vld [tilespmem:s11+$0x320];
	_ =	sdelay $0x4  }
0x26d: {  	s31 =	sor.u32 $0x600C, s15;
	[tilespmem:v1+s7+$0x0] =	vst.idx.msk $0xffff, v0  }
0x26e: {  	v1 =	vor.u32 s31, v38;
	v0 =	vld [tilespmem:s11+$0x330];
	_ =	sdelay $0x4  }
0x26f: {  	s18 =	sor.u32 $0xD, s15;
	[tilespmem:v1+s7+$0x0] =	vst.idx.msk $0xffff, v0  }
0x270: {  	v1 =	vor.u32 s18, v38;
	v0 =	vld [tilespmem:s11+$0x340];
	_ =	sdelay $0x4  }
0x271: {  	s19 =	sor.u32 $0x200D, s15;
	[tilespmem:v1+s7+$0x0] =	vst.idx.msk $0xffff, v0  }
0x272: {  	v1 =	vor.u32 s19, v38;
	v0 =	vld [tilespmem:s11+$0x350];
	_ =	sdelay $0x4  }
0x273: {  	s20 =	sor.u32 $0x400D, s15;
	[tilespmem:v1+s7+$0x0] =	vst.idx.msk $0xffff, v0  }
0x274: {  	v1 =	vor.u32 s20, v38;
	v0 =	vld [tilespmem:s11+$0x360];
	_ =	sdelay $0x4  }
0x275: {  	s21 =	sor.u32 $0x600D, s15;
	[tilespmem:v1+s7+$0x0] =	vst.idx.msk $0xffff, v0  }
0x276: {  	v1 =	vor.u32 s21, v38;
	v0 =	vld [tilespmem:s11+$0x370];
	_ =	sdelay $0x4  }
0x277: {  	s22 =	sor.u32 $0xE, s15;
	[tilespmem:v1+s7+$0x0] =	vst.idx.msk $0xffff, v0  }
0x278: {  	v1 =	vor.u32 s22, v38;
	v0 =	vld [tilespmem:s11+$0x380];
	_ =	sdelay $0x4  }
0x279: {  	s23 =	sor.u32 $0x200E, s15;
	[tilespmem:v1+s7+$0x0] =	vst.idx.msk $0xffff, v0  }
0x27a: {  	v1 =	vor.u32 s23, v38;
	v0 =	vld [tilespmem:s11+$0x390];
	_ =	sdelay $0x4  }
0x27b: {  	s24 =	sor.u32 $0x400E, s15;
	[tilespmem:v1+s7+$0x0] =	vst.idx.msk $0xffff, v0  }
0x27c: {  	v1 =	vor.u32 s24, v38;
	v0 =	vld [tilespmem:s11+$0x3A0];
	_ =	sdelay $0x4  }
0x27d: {  	s25 =	sor.u32 $0x600E, s15;
	[tilespmem:v1+s7+$0x0] =	vst.idx.msk $0xffff, v0  }
0x27e: {  	v0 =	vor.u32 s25, v38;
	v1 =	vld [tilespmem:s11+$0x3B0];
	_ =	sdelay $0x4  }
0x27f: {  	s13 =	sshllo.u32 s13, $0x4;
	[tilespmem:v0+s7+$0x0] =	vst.idx.msk $0xffff, v1  }
0x280: {  	v1 =	vor.u32 s13, v38;
	v0 =	vld [tilespmem:s11+$0x3C0];
	_ =	sdelay $0x4  }
0x281: {  	s26 =	sor.u32 $0x200F, s15;
	[tilespmem:v1+s7+$0x0] =	vst.idx.msk $0xffff, v0  }
0x282: {  	v1 =	vor.u32 s26, v38;
	v0 =	vld [tilespmem:s11+$0x3D0];
	_ =	sdelay $0x4  }
0x283: {  	s28 =	sor.u32 $0x400F, s15;
	[tilespmem:v1+s7+$0x0] =	vst.idx.msk $0xffff, v0  }
0x284: {  	v1 =	vor.u32 s28, v38;
	v0 =	vld [tilespmem:s11+$0x3E0];
	_ =	sdelay $0x4  }
0x285: {  	s29 =	sor.u32 $0x600F, s15;
	[tilespmem:v1+s7+$0x0] =	vst.idx.msk $0xffff, v0  }
0x286: {  	v1 =	vor.u32 s29, v38;
	v0 =	vld [tilespmem:s11+$0x3F0];
	_ =	sdelay $0x4  }
0x287: {  	[tilespmem:v1+s7+$0x0] =	vst.idx.msk $0xffff, v0  }
0x288: {  	s30 =	sand.u32 $0x1F0, s15;
	v0 =	vld [tilespmem:s15+$0x8000]  }
0x289: {  	v1 =	vld [tilespmem:s30+$0x8200]  }
0x28a: {  	v3 =	vld [tilespmem:s30+$0x8400]  }
0x28b: {  	v14 =	vld [tilespmem:s30+$0x8600]  }
0x28c: {  	v15 =	vld [tilespmem:s30+$0x8800]  }
0x28d: {  	v16 =	vld [tilespmem:s30+$0x8A00];
	v17 =	vmul.f32 $1.442695020e+00, v0  }
0x28e: {  	v18 =	vld [tilespmem:s30+$0x8C00];
	v19 =	vmul.f32 $1.442695020e+00, v1  }
0x28f: {  	v20 =	vld [tilespmem:s30+$0x8E00];
	v21 =	vmul.f32 $1.442695020e+00, v3;
	(erf) = vpow2.f32 v17  }
0x290: {  	v22 =	vmul.f32 $1.442695020e+00, v14;
	(erf) = vpow2.f32 v19  }
0x291: {  	v23 =	vmul.f32 $1.442695020e+00, v15;
	(erf) = vpow2.f32 v21  }
0x292: {  	v24 =	vmul.f32 $1.442695020e+00, v16;
	(erf) = vpow2.f32 v22  }
0x293: {  	v25 =	vmul.f32 $1.442695020e+00, v18;
	(erf) = vpow2.f32 v23  }
0x294: {  	v26 =	vmul.f32 $1.442695020e+00, v20;
	(erf) = vpow2.f32 v24  }
0x295: {  	(erf) = vpow2.f32 v25  }
0x296: {  	(erf) = vpow2.f32 v26;
	_ =	sdelay $0x1  }
0x297: {  	v27 =	vpop (erf)  }
0x298: {  	[tilespmem:s11+$0x10000] =	vst v27;
	v28 =	vpop (erf)  }
0x299: {  	[tilespmem:s11+$0x10010] =	vst v28;
	v29 =	vpop (erf)  }
0x29a: {  	[tilespmem:s11+$0x10020] =	vst v29;
	v30 =	vpop (erf)  }
0x29b: {  	[tilespmem:s11+$0x10030] =	vst v30;
	v31 =	vpop (erf)  }
0x29c: {  	[tilespmem:s11+$0x10040] =	vst v31;
	v32 =	vpop (erf)  }
0x29d: {  	v33 =	vmax.f32 v0, v1;
	[tilespmem:s11+$0x10050] =	vst v32;
	v36 =	vpop (erf)  }
0x29e: {  	v0 =	vmin.f32 v0, v1;
	v1 =	vmax.f32 v3, v14;
	v3 =	vmin.f32 v3, v14;
	[tilespmem:s11+$0x10060] =	vst v36;
	v37 =	vpop (erf)  }
0x29f: {  	v40 =	vmax.f32 v15, v16;
	v5 =	vmin.f32 v15, v16;
	v43 =	vmax.f32 v18, v20;
	[tilespmem:s11+$0x10070] =	vst v37  }
0x2a0: {  	v8 =	vmin.f32 v18, v20;
	v47 =	vmax.f32 v33, v1;
	v1 =	vmin.f32 v33, v1;
	v49 =	vld [tilespmem:s30+$0x9000]  }
0x2a1: {  	v48 =	vmax.f32 v0, v3;
	v0 =	vmin.f32 v0, v3;
	v3 =	vmax.f32 v40, v43  }
0x2a2: {  	v4 =	vmin.f32 v40, v43;
	v50 =	vmax.f32 v5, v8;
	v5 =	vmin.f32 v5, v8;
	v51 =	vld [tilespmem:s30+$0x9200]  }
0x2a3: {  	v52 =	vmax.f32 v48, v1;
	v1 =	vmin.f32 v48, v1;
	v53 =	vmax.f32 v50, v4  }
0x2a4: {  	v4 =	vmin.f32 v50, v4;
	v6 =	vmax.f32 v47, v3;
	v3 =	vmin.f32 v47, v3;
	v57 =	vld [tilespmem:s30+$0x9400]  }
0x2a5: {  	v63 =	vmax.f32 v0, v5;
	v0 =	vmin.f32 v0, v5;
	v58 =	vld [tilespmem:s30+$0x9600];
	v22 =	vmul.f32 $1.442695020e+00, v49  }
0x2a6: {  	v7 =	vmin.f32 v52, v53;
	v61 =	vmax.f32 v1, v4;
	v1 =	vmin.f32 v1, v4;
	v62 =	vld [tilespmem:s30+$0x9800]  }
0x2a7: {  	v4 =	vmin.f32 v63, v7;
	[tilespmem:$0x1F930] =	vst v27;
	v21 =	vld [tilespmem:s30+$0x9A00];
	v25 =	vmul.f32 $1.442695020e+00, v51;
	(erf) = vpow2.f32 v22  }
0x2a8: {  	v60 =	vmax.f32 v52, v53;
	v19 =	vmax.f32 v4, v1;
	v1 =	vmin.f32 v4, v1;
	[tilespmem:$0x1F940] =	vst v28;
	v24 =	vld [tilespmem:s30+$0x9C00]  }
0x2a9: {  	v23 =	vmax.f32 v61, v3;
	[tilespmem:$0x1F950] =	vst v29;
	v26 =	vld [tilespmem:s30+$0x9E00];
	v27 =	vmul.f32 $1.442695020e+00, v57;
	(erf) = vpow2.f32 v25  }
0x2aa: {  	v3 =	vmin.f32 v61, v3;
	v16 =	vmax.f32 v60, v23;
	v5 =	vmin.f32 v60, v23;
	[tilespmem:$0x1F960] =	vst v30  }
0x2ab: {  	v28 =	vmax.f32 v63, v7;
	[tilespmem:$0x1F970] =	vst v31;
	v29 =	vmul.f32 $1.442695020e+00, v58;
	(erf) = vpow2.f32 v27  }
0x2ac: {  	v13 =	vmax.f32 v28, v3;
	[tilespmem:$0x1F980] =	vst v32;
	v30 =	vmul.f32 $1.442695020e+00, v62;
	v31 =	vmul.f32 $1.442695020e+00, v21  }
0x2ad: {  	v3 =	vmin.f32 v28, v3;
	[tilespmem:$0x1F990] =	vst v36;
	v32 =	vmul.f32 $1.442695020e+00, v24;
	(erf) = vpow2.f32 v29  }
0x2ae: {  	[tilespmem:$0x1F9A0] =	vst v37;
	v33 =	vmul.f32 $1.442695020e+00, v26;
	v36 =	vmax.f32 v49, v51;
	v37 =	vmin.f32 v49, v51  }
0x2af: {  	v40 =	vmax.f32 v57, v58;
	v9 =	vmin.f32 v57, v58;
	(erf) = vpow2.f32 v30  }
0x2b0: {  	v43 =	vmax.f32 v62, v21;
	v47 =	vmin.f32 v62, v21;
	(erf) = vpow2.f32 v31;
	v53 =	vpop (erf)  }
0x2b1: {  	v48 =	vmax.f32 v24, v26;
	v11 =	vmin.f32 v24, v26;
	(erf) = vpow2.f32 v32;
	[tilespmem:$0x1F9B0] =	vst v53  }
0x2b2: {  	v49 =	vmax.f32 v36, v40;
	v4 =	vmin.f32 v36, v40;
	(erf) = vpow2.f32 v33;
	[tilespmem:s11+$0x10080] =	vst v53;
	v60 =	vpop (erf)  }
0x2b3: {  	v50 =	vmax.f32 v37, v9;
	v7 =	vmin.f32 v37, v9;
	v51 =	vmax.f32 v43, v48;
	[tilespmem:$0x1F9C0] =	vst v60  }
0x2b4: {  	v10 =	vmin.f32 v43, v48;
	v52 =	vmax.f32 v47, v11;
	v11 =	vmin.f32 v47, v11;
	[tilespmem:s11+$0x10090] =	vst v60;
	v62 =	vpop (erf)  }
0x2b5: {  	v57 =	vmax.f32 v50, v4;
	v4 =	vmin.f32 v50, v4;
	v58 =	vmax.f32 v52, v10;
	[tilespmem:$0x1F9D0] =	vst v62  }
0x2b6: {  	v10 =	vmin.f32 v52, v10;
	v61 =	vmax.f32 v49, v51;
	v9 =	vmin.f32 v49, v51;
	[tilespmem:s11+$0x100A0] =	vst v62;
	v21 =	vpop (erf)  }
0x2b7: {  	v22 =	vmax.f32 v7, v11;
	v7 =	vmin.f32 v7, v11;
	v63 =	vmax.f32 v57, v58;
	[tilespmem:$0x1F9E0] =	vst v21  }
0x2b8: {  	v8 =	vmin.f32 v57, v58;
	v20 =	vmax.f32 v4, v10;
	v4 =	vmin.f32 v4, v10;
	[tilespmem:s11+$0x100B0] =	vst v21;
	v24 =	vpop (erf)  }
0x2b9: {  	v6 =	vmax.f32 v6, v7;
	v0 =	vmax.f32 v0, v61;
	v23 =	vmax.f32 v20, v9;
	[tilespmem:s11+$0x100C0] =	vst v24;
	v27 =	vpop (erf)  }
0x2ba: {  	v9 =	vmin.f32 v20, v9;
	v25 =	vmax.f32 v22, v8;
	v8 =	vmin.f32 v22, v8;
	[tilespmem:s11+$0x100D0] =	vst v27;
	v29 =	vpop (erf)  }
0x2bb: {  	s16 =	sand.u32 $0x2180, s16;
	s15 =	sand.u32 $0x70, s15;
	v26 =	vmax.f32 v63, v23;
	v11 =	vmin.f32 v63, v23;
	v28 =	vmax.f32 v25, v9;
	[tilespmem:s11+$0x100E0] =	vst v29;
	v32 =	vpop (erf)  }
0x2bc: {  	s16 =	sor.u32 s15, s16;
	v9 =	vmin.f32 v25, v9;
	v30 =	vmin.f32 v8, v4;
	v4 =	vmax.f32 v8, v4;
	[tilespmem:s11+$0x100F0] =	vst v32  }
0x2bd: {  	v3 =	vmax.f32 v3, v28;
	v36 =	vmax.f32 v19, v11;
	v1 =	vmax.f32 v1, v26;
	[tilespmem:$0x1F9F0] =	vst v24;
	v37 =	vld [tilespmem:s16+$0x8000]  }
0x2be: {  	v31 =	vmax.f32 v16, v30;
	v4 =	vmax.f32 v5, v4;
	v40 =	vmax.f32 v6, v3;
	[tilespmem:$0x1FA00] =	vst v27;
	v47 =	vld [tilespmem:s30+$0xA200]  }
0x2bf: {  	v3 =	vmin.f32 v6, v3;
	v43 =	vmax.f32 v31, v36;
	v7 =	vmin.f32 v31, v36;
	[tilespmem:$0x1FA10] =	vst v29;
	v49 =	vld [tilespmem:s30+$0xA400]  }
0x2c0: {  	v48 =	vmax.f32 v4, v1;
	v1 =	vmin.f32 v4, v1;
	v33 =	vmax.f32 v13, v9;
	[tilespmem:$0x1FA20] =	vst v32;
	v52 =	vld [tilespmem:s30+$0xA600]  }
0x2c1: {  	v51 =	vmax.f32 v40, v48;
	v8 =	vmin.f32 v40, v48;
	v58 =	vmax.f32 v3, v1;
	v57 =	vld [tilespmem:s30+$0xA800]  }
0x2c2: {  	v1 =	vmin.f32 v3, v1;
	v50 =	vmax.f32 v33, v0;
	v0 =	vmin.f32 v33, v0;
	v3 =	vld [tilespmem:s30+$0xAA00]  }
0x2c3: {  	v6 =	vmin.f32 v43, v50;
	v61 =	vmax.f32 v7, v0;
	v0 =	vmin.f32 v7, v0;
	v62 =	vld [tilespmem:s30+$0xAC00]  }
0x2c4: {  	v53 =	vmax.f32 v43, v50;
	v17 =	vmax.f32 v8, v6;
	v6 =	vmin.f32 v8, v6;
	v21 =	vld [tilespmem:s30+$0xAE00]  }
0x2c5: {  	v10 =	vmax.f32 v58, v61;
	v14 =	vmin.f32 v58, v61;
	v60 =	vmul.f32 $1.442695020e+00, v37  }
0x2c6: {  	v16 =	vmax.f32 v1, v0;
	v63 =	vmul.f32 $1.442695020e+00, v47;
	v22 =	vmul.f32 $1.442695020e+00, v49  }
0x2c7: {  	v0 =	vmin.f32 v1, v0;
	v23 =	vmul.f32 $1.442695020e+00, v52;
	v24 =	vmul.f32 $1.442695020e+00, v57  }
0x2c8: {  	v15 =	vmax.f32 v51, v53;
	v25 =	vmul.f32 $1.442695020e+00, v3;
	v26 =	vmul.f32 $1.442695020e+00, v62  }
0x2c9: {  	v5 =	vmin.f32 v51, v53;
	v27 =	vmul.f32 $1.442695020e+00, v21;
	(erf) = vpow2.f32 v60  }
0x2ca: {  	v1 =	vmax.f32 v37, v47;
	v28 =	vmin.f32 v37, v47;
	(erf) = vpow2.f32 v63  }
0x2cb: {  	v29 =	vmax.f32 v49, v52;
	v4 =	vmin.f32 v49, v52;
	(erf) = vpow2.f32 v22  }
0x2cc: {  	v30 =	vmax.f32 v57, v3;
	v3 =	vmin.f32 v57, v3;
	(erf) = vpow2.f32 v23  }
0x2cd: {  	v31 =	vmax.f32 v62, v21;
	v7 =	vmin.f32 v62, v21;
	(erf) = vpow2.f32 v24  }
0x2ce: {  	v32 =	vmax.f32 v1, v29;
	v1 =	vmin.f32 v1, v29;
	(erf) = vpow2.f32 v25  }
0x2cf: {  	v33 =	vmax.f32 v28, v4;
	v4 =	vmin.f32 v28, v4;
	(erf) = vpow2.f32 v26  }
0x2d0: {  	v36 =	vmax.f32 v30, v31;
	v11 =	vmin.f32 v30, v31;
	(erf) = vpow2.f32 v27  }
0x2d1: {  	v37 =	vmax.f32 v3, v7;
	v3 =	vmin.f32 v3, v7;
	v43 =	vmax.f32 v33, v1  }
0x2d2: {  	v1 =	vmin.f32 v33, v1;
	v47 =	vmax.f32 v37, v11;
	v11 =	vmin.f32 v37, v11;
	v40 =	vpop (erf)  }
0x2d3: {  	v49 =	vmax.f32 v32, v36;
	v8 =	vmin.f32 v32, v36;
	v57 =	vmax.f32 v4, v3;
	[tilespmem:s11+$0x10100] =	vst v40;
	v48 =	vpop (erf)  }
0x2d4: {  	v3 =	vmin.f32 v4, v3;
	v51 =	vmax.f32 v43, v47;
	v7 =	vmin.f32 v43, v47;
	[tilespmem:s11+$0x10110] =	vst v48;
	v50 =	vpop (erf)  }
0x2d5: {  	v52 =	vmax.f32 v1, v11;
	v1 =	vmin.f32 v1, v11;
	v3 =	vmax.f32 v15, v3;
	[tilespmem:s11+$0x10120] =	vst v50;
	v53 =	vpop (erf)  }
0x2d6: {  	v0 =	vmax.f32 v0, v49;
	v60 =	vmax.f32 v52, v8;
	v8 =	vmin.f32 v52, v8;
	[tilespmem:s11+$0x10130] =	vst v53;
	v58 =	vpop (erf)  }
0x2d7: {  	v61 =	vmax.f32 v57, v7;
	v7 =	vmin.f32 v57, v7;
	v63 =	vmax.f32 v51, v60;
	[tilespmem:s11+$0x10140] =	vst v58;
	v62 =	vpop (erf)  }
0x2d8: {  	v4 =	vmin.f32 v51, v60;
	v23 =	vmax.f32 v7, v1;
	v1 =	vmin.f32 v7, v1;
	[tilespmem:s11+$0x10150] =	vst v62;
	v21 =	vpop (erf)  }
0x2d9: {  	v22 =	vmax.f32 v61, v8;
	v8 =	vmin.f32 v61, v8;
	v1 =	vmax.f32 v5, v1;
	[tilespmem:s11+$0x10160] =	vst v21;
	v24 =	vpop (erf)  }
0x2da: {  	v6 =	vmax.f32 v6, v8;
	v4 =	vmax.f32 v14, v4;
	v28 =	vmax.f32 v16, v63;
	[tilespmem:s11+$0x10170] =	vst v24  }
0x2db: {  	v25 =	vmax.f32 v17, v23;
	v30 =	vmax.f32 v1, v4;
	v1 =	vmin.f32 v1, v4;
	v27 =	vld [tilespmem:s30+$0xB000]  }
0x2dc: {  	v33 =	vmax.f32 v6, v0;
	v0 =	vmin.f32 v6, v0;
	v26 =	vmax.f32 v10, v22;
	v29 =	vld [tilespmem:s30+$0xB200]  }
0x2dd: {  	v32 =	vmax.f32 v25, v28;
	v5 =	vmin.f32 v25, v28;
	v43 =	vmax.f32 v30, v33;
	v31 =	vld [tilespmem:s30+$0xB400]  }
0x2de: {  	v7 =	vmin.f32 v30, v33;
	v52 =	vmax.f32 v1, v0;
	v10 =	vmax.f32 v3, v26;
	v36 =	vld [tilespmem:s30+$0xB600]  }
0x2df: {  	v0 =	vmin.f32 v1, v0;
	v3 =	vmin.f32 v3, v26;
	v37 =	vmax.f32 v10, v32;
	[tilespmem:$0x1FA30] =	vst v40;
	v40 =	vld [tilespmem:s30+$0xB800]  }
0x2e0: {  	v10 =	vmin.f32 v10, v32;
	v49 =	vmax.f32 v3, v5;
	v3 =	vmin.f32 v3, v5;
	[tilespmem:$0x1FA50] =	vst v50;
	v50 =	vld [tilespmem:s30+$0xBC00]  }
0x2e1: {  	v57 =	vmax.f32 v37, v43;
	v6 =	vmin.f32 v37, v43;
	v60 =	vmax.f32 v10, v7  }
0x2e2: {  	v7 =	vmin.f32 v10, v7;
	v15 =	vmin.f32 v49, v52;
	[tilespmem:$0x1FA40] =	vst v48;
	v47 =	vld [tilespmem:s30+$0xBA00];
	v48 =	vmul.f32 $1.442695020e+00, v27  }
0x2e3: {  	v63 =	vmax.f32 v3, v0;
	[tilespmem:$0x1FA60] =	vst v53;
	v51 =	vmul.f32 $1.442695020e+00, v29;
	v53 =	vmul.f32 $1.442695020e+00, v31  }
0x2e4: {  	v0 =	vmin.f32 v3, v0;
	[tilespmem:$0x1FA70] =	vst v58;
	v18 =	vld [tilespmem:s30+$0xBE00];
	v1 =	vmul.f32 $1.442695020e+00, v36;
	v58 =	vmul.f32 $1.442695020e+00, v40  }
0x2e5: {  	[tilespmem:$0x1FA80] =	vst v62;
	v62 =	vmax.f32 v49, v52;
	v61 =	vmul.f32 $1.442695020e+00, v50;
	(erf) = vpow2.f32 v48  }
0x2e6: {  	v3 =	vmin.f32 v27, v29;
	v20 =	vmax.f32 v31, v36;
	(erf) = vpow2.f32 v51  }
0x2e7: {  	[tilespmem:$0x1FA90] =	vst v21;
	v4 =	vmin.f32 v31, v36;
	v21 =	vmax.f32 v40, v47;
	(erf) = vpow2.f32 v53  }
0x2e8: {  	v9 =	vmin.f32 v40, v47;
	(erf) = vpow2.f32 v1;
	v1 =	vmul.f32 $1.442695020e+00, v47  }
0x2e9: {  	v22 =	vmax.f32 v50, v18;
	v5 =	vmin.f32 v50, v18;
	(erf) = vpow2.f32 v58  }
0x2ea: {  	[tilespmem:$0x1FAA0] =	vst v24;
	v24 =	vmax.f32 v3, v4;
	(erf) = vpow2.f32 v1;
	v1 =	vmul.f32 $1.442695020e+00, v18  }
0x2eb: {  	v3 =	vmin.f32 v3, v4;
	v25 =	vmax.f32 v21, v22;
	(erf) = vpow2.f32 v61  }
0x2ec: {  	v26 =	vmax.f32 v9, v5;
	v5 =	vmin.f32 v9, v5;
	(erf) = vpow2.f32 v1  }
0x2ed: {  	v11 =	vmin.f32 v21, v22;
	v40 =	vmax.f32 v3, v5;
	v3 =	vmin.f32 v3, v5  }
0x2ee: {  	v3 =	vmax.f32 v57, v3;
	v1 =	vmax.f32 v27, v29;
	v29 =	vmax.f32 v26, v11;
	v28 =	vpop (erf)  }
0x2ef: {  	v11 =	vmin.f32 v26, v11;
	v23 =	vmax.f32 v1, v20;
	v1 =	vmin.f32 v1, v20;
	[tilespmem:s11+$0x10180] =	vst v28;
	v30 =	vpop (erf)  }
0x2f0: {  	v27 =	vmax.f32 v24, v1;
	v1 =	vmin.f32 v24, v1;
	v31 =	vmax.f32 v23, v25;
	[tilespmem:s11+$0x10190] =	vst v30;
	v33 =	vpop (erf)  }
0x2f1: {  	v4 =	vmin.f32 v23, v25;
	v32 =	vmax.f32 v27, v29;
	v8 =	vmin.f32 v27, v29;
	[tilespmem:s11+$0x101A0] =	vst v33;
	v37 =	vpop (erf)  }
0x2f2: {  	v36 =	vmax.f32 v1, v11;
	v1 =	vmin.f32 v1, v11;
	v0 =	vmax.f32 v0, v31;
	[tilespmem:s11+$0x101B0] =	vst v37;
	v47 =	vpop (erf)  }
0x2f3: {  	v43 =	vmax.f32 v36, v4;
	v4 =	vmin.f32 v36, v4;
	v48 =	vmax.f32 v40, v8;
	[tilespmem:s11+$0x101C0] =	vst v47;
	v49 =	vpop (erf)  }
0x2f4: {  	v8 =	vmin.f32 v40, v8;
	v50 =	vmax.f32 v32, v43;
	v5 =	vmin.f32 v32, v43;
	[tilespmem:s11+$0x101D0] =	vst v49;
	v52 =	vpop (erf)  }
0x2f5: {  	s14 =	sand.u32 $0x4180, s14;
	v51 =	vmax.f32 v48, v4;
	v53 =	vmax.f32 v8, v1;
	v1 =	vmin.f32 v8, v1;
	[tilespmem:s11+$0x101E0] =	vst v52;
	v57 =	vpop (erf)  }
0x2f6: {  	s14 =	sor.u32 s15, s14;
	v4 =	vmin.f32 v48, v4;
	v1 =	vmax.f32 v6, v1;
	v58 =	vmax.f32 v60, v53;
	[tilespmem:s11+$0x101F0] =	vst v57  }
0x2f7: {  	v4 =	vmax.f32 v7, v4;
	v60 =	vmax.f32 v62, v51;
	v5 =	vmax.f32 v15, v5;
	v62 =	vld [tilespmem:s14+$0x8000]  }
0x2f8: {  	v61 =	vmax.f32 v63, v50;
	v10 =	vmax.f32 v3, v60;
	v3 =	vmin.f32 v3, v60;
	v63 =	vld [tilespmem:s30+$0xC200]  }
0x2f9: {  	v20 =	vmax.f32 v1, v5;
	v1 =	vmin.f32 v1, v5;
	v21 =	vmax.f32 v58, v61;
	v22 =	vld [tilespmem:s30+$0xC400]  }
0x2fa: {  	v6 =	vmin.f32 v58, v61;
	v23 =	vmax.f32 v4, v0;
	v0 =	vmin.f32 v4, v0;
	v24 =	vld [tilespmem:s30+$0xC600]  }
0x2fb: {  	v25 =	vmax.f32 v10, v21;
	v5 =	vmin.f32 v10, v21;
	v26 =	vmax.f32 v20, v23;
	v27 =	vld [tilespmem:s30+$0xC800]  }
0x2fc: {  	[tilespmem:$0x1FAB0] =	vst v28;
	v8 =	vmin.f32 v20, v23;
	v28 =	vmax.f32 v3, v6;
	v3 =	vmin.f32 v3, v6;
	v29 =	vld [tilespmem:s30+$0xCA00]  }
0x2fd: {  	v31 =	vmax.f32 v1, v0;
	v0 =	vmin.f32 v1, v0;
	v18 =	vmax.f32 v25, v26;
	v32 =	vld [tilespmem:s30+$0xCC00]  }
0x2fe: {  	[tilespmem:$0x1FAC0] =	vst v30;
	v10 =	vmin.f32 v25, v26;
	v16 =	vmax.f32 v5, v8;
	v5 =	vmin.f32 v5, v8;
	v1 =	vld [tilespmem:s30+$0xCE00]  }
0x2ff: {  	[tilespmem:$0x1FAD0] =	vst v33;
	v48 =	vmax.f32 v28, v31;
	v30 =	vmul.f32 $1.442695020e+00, v62;
	v33 =	vmul.f32 $1.442695020e+00, v63  }
0x300: {  	[tilespmem:$0x1FAE0] =	vst v37;
	v6 =	vmin.f32 v28, v31;
	v36 =	vmul.f32 $1.442695020e+00, v22;
	v37 =	vmul.f32 $1.442695020e+00, v24  }
0x301: {  	v50 =	vmax.f32 v3, v0;
	v40 =	vmul.f32 $1.442695020e+00, v27;
	v43 =	vmul.f32 $1.442695020e+00, v29  }
0x302: {  	[tilespmem:$0x1FAF0] =	vst v47;
	v0 =	vmin.f32 v3, v0;
	v47 =	vmul.f32 $1.442695020e+00, v32;
	(erf) = vpow2.f32 v30  }
0x303: {  	[tilespmem:$0x1FB00] =	vst v49;
	v49 =	vmul.f32 $1.442695020e+00, v1;
	v3 =	vmax.f32 v62, v63;
	(erf) = vpow2.f32 v33  }
0x304: {  	v7 =	vmin.f32 v62, v63;
	v51 =	vmax.f32 v22, v24;
	(erf) = vpow2.f32 v36  }
0x305: {  	[tilespmem:$0x1FB10] =	vst v52;
	v4 =	vmin.f32 v22, v24;
	v52 =	vmax.f32 v27, v29;
	(erf) = vpow2.f32 v37  }
0x306: {  	[tilespmem:$0x1FB20] =	vst v57;
	v53 =	vmin.f32 v27, v29;
	v57 =	vmax.f32 v32, v1;
	(erf) = vpow2.f32 v40  }
0x307: {  	v1 =	vmin.f32 v32, v1;
	v58 =	vmax.f32 v3, v51;
	(erf) = vpow2.f32 v43  }
0x308: {  	v3 =	vmin.f32 v3, v51;
	v60 =	vmax.f32 v7, v4;
	(erf) = vpow2.f32 v47  }
0x309: {  	v4 =	vmin.f32 v7, v4;
	v61 =	vmax.f32 v52, v57;
	(erf) = vpow2.f32 v49  }
0x30a: {  	v11 =	vmin.f32 v52, v57;
	v62 =	vmax.f32 v53, v1;
	v1 =	vmin.f32 v53, v1  }
0x30b: {  	v63 =	vmax.f32 v60, v3;
	v3 =	vmin.f32 v60, v3;
	v21 =	vmax.f32 v62, v11;
	v20 =	vpop (erf)  }
0x30c: {  	v11 =	vmin.f32 v62, v11;
	v22 =	vmax.f32 v58, v61;
	v7 =	vmin.f32 v58, v61;
	[tilespmem:s11+$0x10200] =	vst v20;
	v23 =	vpop (erf)  }
0x30d: {  	v27 =	vmax.f32 v4, v1;
	v1 =	vmin.f32 v4, v1;
	v24 =	vmax.f32 v63, v21;
	[tilespmem:s11+$0x10210] =	vst v23;
	v25 =	vpop (erf)  }
0x30e: {  	v9 =	vmin.f32 v63, v21;
	v26 =	vmax.f32 v3, v11;
	v3 =	vmin.f32 v3, v11;
	[tilespmem:s11+$0x10220] =	vst v25;
	v28 =	vpop (erf)  }
0x30f: {  	v1 =	vmax.f32 v18, v1;
	v0 =	vmax.f32 v0, v22;
	v29 =	vmax.f32 v26, v7;
	[tilespmem:s11+$0x10230] =	vst v28;
	v30 =	vpop (erf)  }
0x310: {  	v7 =	vmin.f32 v26, v7;
	v31 =	vmax.f32 v27, v9;
	v9 =	vmin.f32 v27, v9;
	[tilespmem:s11+$0x10240] =	vst v30;
	v33 =	vpop (erf)  }
0x311: {  	v32 =	vmax.f32 v24, v29;
	v4 =	vmin.f32 v24, v29;
	v36 =	vmax.f32 v31, v7;
	[tilespmem:s11+$0x10250] =	vst v33;
	v37 =	vpop (erf)  }
0x312: {  	v7 =	vmin.f32 v31, v7;
	v40 =	vmin.f32 v9, v3;
	v3 =	vmax.f32 v9, v3;
	[tilespmem:s11+$0x10260] =	vst v37;
	v47 =	vpop (erf)  }
0x313: {  	v5 =	vmax.f32 v5, v7;
	v48 =	vmax.f32 v48, v36;
	v4 =	vmax.f32 v6, v4;
	[tilespmem:s11+$0x10270] =	vst v47  }
0x314: {  	v43 =	vmax.f32 v10, v40;
	v3 =	vmax.f32 v16, v3;
	v49 =	vmax.f32 v50, v32;
	v50 =	vld [tilespmem:s30+$0xD000]  }
0x315: {  	v51 =	vmax.f32 v1, v48;
	v1 =	vmin.f32 v1, v48;
	v60 =	vmax.f32 v5, v0;
	v53 =	vld [tilespmem:s30+$0xD200]  }
0x316: {  	v0 =	vmin.f32 v5, v0;
	v52 =	vmax.f32 v43, v4;
	v4 =	vmin.f32 v43, v4;
	v58 =	vld [tilespmem:s30+$0xD400]  }
0x317: {  	v63 =	vmax.f32 v52, v60;
	v7 =	vmin.f32 v52, v60;
	v24 =	vmax.f32 v4, v0;
	v62 =	vld [tilespmem:s30+$0xD600]  }
0x318: {  	v0 =	vmin.f32 v4, v0;
	v57 =	vmax.f32 v3, v49;
	v3 =	vmin.f32 v3, v49;
	v21 =	vld [tilespmem:s30+$0xD800]  }
0x319: {  	v61 =	vmax.f32 v51, v57;
	v22 =	vmax.f32 v1, v3;
	v1 =	vmin.f32 v1, v3;
	v3 =	vld [tilespmem:s30+$0xDA00]  }
0x31a: {  	v9 =	vmin.f32 v51, v57;
	v15 =	vmax.f32 v61, v63;
	v5 =	vmin.f32 v61, v63;
	[tilespmem:$0x1FB50] =	vst v25;
	v25 =	vld [tilespmem:s30+$0xDC00]  }
0x31b: {  	v17 =	vmax.f32 v9, v7;
	v7 =	vmin.f32 v9, v7;
	[tilespmem:$0x1FB40] =	vst v23;
	v27 =	vld [tilespmem:s30+$0xDE00];
	v23 =	vmul.f32 $1.442695020e+00, v50  }
0x31c: {  	v10 =	vmax.f32 v22, v24;
	[tilespmem:$0x1FB60] =	vst v28;
	v26 =	vmul.f32 $1.442695020e+00, v53;
	v28 =	vmul.f32 $1.442695020e+00, v58  }
0x31d: {  	v14 =	vmin.f32 v22, v24;
	[tilespmem:$0x1FB70] =	vst v30;
	v29 =	vmul.f32 $1.442695020e+00, v62;
	v30 =	vmul.f32 $1.442695020e+00, v21  }
0x31e: {  	v16 =	vmax.f32 v1, v0;
	v31 =	vmul.f32 $1.442695020e+00, v3;
	(erf) = vpow2.f32 v23  }
0x31f: {  	v0 =	vmin.f32 v1, v0;
	v32 =	vmul.f32 $1.442695020e+00, v25;
	(erf) = vpow2.f32 v26  }
0x320: {  	[tilespmem:$0x1FB80] =	vst v33;
	v33 =	vmul.f32 $1.442695020e+00, v27;
	v1 =	vmax.f32 v50, v53;
	(erf) = vpow2.f32 v28  }
0x321: {  	v8 =	vmin.f32 v50, v53;
	v36 =	vmax.f32 v58, v62;
	(erf) = vpow2.f32 v29  }
0x322: {  	[tilespmem:$0x1FB90] =	vst v37;
	v6 =	vmin.f32 v58, v62;
	v37 =	vmax.f32 v21, v3;
	(erf) = vpow2.f32 v30  }
0x323: {  	v3 =	vmin.f32 v21, v3;
	v40 =	vmax.f32 v25, v27;
	(erf) = vpow2.f32 v31  }
0x324: {  	v4 =	vmin.f32 v25, v27;
	v43 =	vmax.f32 v1, v36;
	(erf) = vpow2.f32 v32  }
0x325: {  	[tilespmem:$0x1FBA0] =	vst v47;
	v1 =	vmin.f32 v1, v36;
	v47 =	vmax.f32 v8, v6;
	(erf) = vpow2.f32 v33  }
0x326: {  	v6 =	vmin.f32 v8, v6;
	v48 =	vmax.f32 v37, v40;
	v11 =	vmin.f32 v37, v40  }
0x327: {  	v49 =	vmax.f32 v3, v4;
	v3 =	vmin.f32 v3, v4;
	v50 =	vmax.f32 v47, v1;
	v58 =	vpop (erf)  }
0x328: {  	v1 =	vmin.f32 v47, v1;
	v51 =	vmax.f32 v49, v11;
	v11 =	vmin.f32 v49, v11;
	[tilespmem:s11+$0x10280] =	vst v58;
	v52 =	vpop (erf)  }
0x329: {  	v53 =	vmax.f32 v43, v48;
	v8 =	vmin.f32 v43, v48;
	v22 =	vmax.f32 v6, v3;
	[tilespmem:s11+$0x10290] =	vst v52;
	v62 =	vpop (erf)  }
0x32a: {  	v3 =	vmin.f32 v6, v3;
	v57 =	vmax.f32 v50, v51;
	v4 =	vmin.f32 v50, v51;
	[tilespmem:s11+$0x102A0] =	vst v62;
	v60 =	vpop (erf)  }
0x32b: {  	v21 =	vmax.f32 v1, v11;
	v1 =	vmin.f32 v1, v11;
	v3 =	vmax.f32 v15, v3;
	[tilespmem:s11+$0x102B0] =	vst v60;
	v61 =	vpop (erf)  }
0x32c: {  	v0 =	vmax.f32 v0, v53;
	v23 =	vmax.f32 v21, v8;
	v8 =	vmin.f32 v21, v8;
	[tilespmem:s11+$0x102C0] =	vst v61;
	v25 =	vpop (erf)  }
0x32d: {  	v24 =	vmax.f32 v22, v4;
	v4 =	vmin.f32 v22, v4;
	v26 =	vmax.f32 v57, v23;
	[tilespmem:s11+$0x102D0] =	vst v25;
	v27 =	vpop (erf)  }
0x32e: {  	s12 =	sand.u32 $0x6180, s12;
	v6 =	vmin.f32 v57, v23;
	v29 =	vmax.f32 v4, v1;
	v1 =	vmin.f32 v4, v1;
	[tilespmem:s11+$0x102E0] =	vst v27;
	v30 =	vpop (erf)  }
0x32f: {  	s12 =	sor.u32 s15, s12;
	v28 =	vmax.f32 v24, v8;
	v8 =	vmin.f32 v24, v8;
	v1 =	vmax.f32 v5, v1;
	[tilespmem:s11+$0x102F0] =	vst v30  }
0x330: {  	v6 =	vmax.f32 v14, v6;
	v36 =	vmax.f32 v16, v26;
	v32 =	vmax.f32 v7, v8;
	v8 =	vld [tilespmem:s12+$0x8000]  }
0x331: {  	v31 =	vmax.f32 v17, v29;
	v37 =	vmax.f32 v1, v6;
	v1 =	vmin.f32 v1, v6  }
0x332: {  	v43 =	vmax.f32 v31, v36;
	v4 =	vmin.f32 v31, v36;
	v33 =	vmax.f32 v10, v28;
	v11 =	vld [tilespmem:s30+$0xE200]  }
0x333: {  	v47 =	vmax.f32 v32, v0;
	v0 =	vmin.f32 v32, v0;
	v10 =	vmax.f32 v3, v33;
	v40 =	vld [tilespmem:s30+$0xE400]  }
0x334: {  	v3 =	vmin.f32 v3, v33;
	v51 =	vmax.f32 v37, v47;
	v7 =	vmin.f32 v37, v47  }
0x335: {  	v28 =	vmax.f32 v1, v0;
	v0 =	vmin.f32 v1, v0;
	v48 =	vld [tilespmem:s30+$0xE600];
	v53 =	vmul.f32 $1.442695020e+00, v8  }
0x336: {  	[tilespmem:$0x1FB30] =	vst v20;
	v49 =	vmax.f32 v10, v43;
	v10 =	vmin.f32 v10, v43;
	v57 =	vmax.f32 v3, v4;
	v50 =	vld [tilespmem:s30+$0xE800]  }
0x337: {  	v3 =	vmin.f32 v3, v4;
	[tilespmem:$0x1FBD0] =	vst v27;
	v63 =	vld [tilespmem:s30+$0xEC00];
	v27 =	vmul.f32 $1.442695020e+00, v11;
	(erf) = vpow2.f32 v53  }
0x338: {  	v23 =	vmovc v2;
	v20 =	vmax.f32 v49, v51;
	v24 =	vmin.f32 v49, v51;
	[tilespmem:$0x1FBB0] =	vst v52;
	v52 =	vld [tilespmem:s30+$0xEA00];
	v2 =	vmul.f32 $1.442695020e+00, v40  }
0x339: {  	v32 =	vmin.f32 v10, v7;
	v33 =	vmax.f32 v57, v28;
	(erf) = vpow2.f32 v27  }
0x33a: {  	v16 =	vmin.f32 v57, v28;
	v18 =	vld [tilespmem:s30+$0xEE00];
	v1 =	vmul.f32 $1.442695020e+00, v48;
	(erf) = vpow2.f32 v2  }
0x33b: {  	v36 =	vmax.f32 v3, v0;
	v37 =	vmin.f32 v3, v0;
	v29 =	vmul.f32 $1.442695020e+00, v50  }
0x33c: {  	[tilespmem:$0x1FBE0] =	vst v30;
	v30 =	vmax.f32 v10, v7;
	v31 =	vmul.f32 $1.442695020e+00, v63;
	(erf) = vpow2.f32 v1  }
0x33d: {  	v3 =	vmin.f32 v8, v11;
	v43 =	vmax.f32 v40, v48;
	v1 =	vmul.f32 $1.442695020e+00, v52  }
0x33e: {  	v6 =	vmin.f32 v40, v48;
	v47 =	vmax.f32 v50, v52;
	(erf) = vpow2.f32 v29  }
0x33f: {  	v9 =	vmin.f32 v50, v52;
	(erf) = vpow2.f32 v1;
	v1 =	vmul.f32 $1.442695020e+00, v18  }
0x340: {  	[tilespmem:$0x1FBC0] =	vst v25;
	v48 =	vmax.f32 v63, v18;
	v4 =	vmin.f32 v63, v18;
	(erf) = vpow2.f32 v31;
	v0 =	vpop (erf)  }
0x341: {  	v50 =	vmax.f32 v3, v6;
	v3 =	vmin.f32 v3, v6;
	(erf) = vpow2.f32 v1;
	[tilespmem:$0x1FBF0] =	vst v0  }
0x342: {  	v51 =	vmax.f32 v47, v48;
	v52 =	vmax.f32 v9, v4;
	v4 =	vmin.f32 v9, v4;
	[tilespmem:s11+$0x10300] =	vst v0;
	v40 =	vpop (erf)  }
0x343: {  	v14 =	vmax.f32 v3, v4;
	v3 =	vmin.f32 v3, v4;
	v1 =	vmax.f32 v8, v11;
	[tilespmem:s11+$0x10310] =	vst v40;
	v0 =	vpop (erf)  }
0x344: {  	v3 =	vmax.f32 v20, v3;
	v11 =	vmin.f32 v47, v48;
	v49 =	vmax.f32 v1, v43;
	[tilespmem:$0x1FC00] =	vst v0  }
0x345: {  	v1 =	vmin.f32 v1, v43;
	v57 =	vmax.f32 v52, v11;
	v63 =	vmin.f32 v52, v11;
	[tilespmem:s11+$0x10320] =	vst v0;
	v0 =	vpop (erf)  }
0x346: {  	v53 =	vmax.f32 v50, v1;
	v1 =	vmin.f32 v50, v1;
	v2 =	vmax.f32 v49, v51;
	[tilespmem:$0x1FC10] =	vst v0  }
0x347: {  	v6 =	vmin.f32 v49, v51;
	v12 =	vmax.f32 v53, v57;
	v8 =	vmin.f32 v53, v57;
	[tilespmem:s11+$0x10330] =	vst v0;
	v0 =	vpop (erf)  }
0x348: {  	v13 =	vmax.f32 v1, v63;
	v1 =	vmin.f32 v1, v63;
	v2 =	vmax.f32 v37, v2;
	[tilespmem:s11+$0x10340] =	vst v0;
	v25 =	vpop (erf)  }
0x349: {  	v15 =	vmax.f32 v13, v6;
	v6 =	vmin.f32 v13, v6;
	v22 =	vmax.f32 v14, v8;
	[tilespmem:s11+$0x10350] =	vst v25;
	v27 =	vpop (erf)  }
0x34a: {  	v8 =	vmin.f32 v14, v8;
	v4 =	vmin.f32 v12, v15;
	v26 =	vmax.f32 v22, v6;
	[tilespmem:s11+$0x10360] =	vst v27;
	v29 =	vpop (erf)  }
0x34b: {  	v6 =	vmin.f32 v22, v6;
	v28 =	vmax.f32 v8, v1;
	v1 =	vmin.f32 v8, v1;
	[tilespmem:s11+$0x10370] =	vst v29  }
0x34c: {  	v1 =	vmax.f32 v24, v1;
	v30 =	vmax.f32 v30, v28;
	v6 =	vmax.f32 v32, v6;
	v5 =	vld [tilespmem:s30+$0xF000]  }
0x34d: {  	v31 =	vmax.f32 v33, v26;
	v4 =	vmax.f32 v16, v4;
	[tilespmem:$0x1FC20] =	vst v0;
	v0 =	vmax.f32 v12, v15;
	v9 =	vld [tilespmem:s30+$0xF200]  }
0x34e: {  	v32 =	vmax.f32 v3, v31;
	v3 =	vmin.f32 v3, v31;
	v33 =	vmax.f32 v1, v4;
	v16 =	vld [tilespmem:s30+$0xF400]  }
0x34f: {  	v37 =	vmax.f32 v6, v2;
	v2 =	vmin.f32 v6, v2;
	v0 =	vmax.f32 v36, v0;
	v6 =	vld [tilespmem:s30+$0xF600]  }
0x350: {  	v1 =	vmin.f32 v1, v4;
	v47 =	vmax.f32 v33, v37;
	v36 =	vmax.f32 v30, v0;
	v18 =	vld [tilespmem:s30+$0xF800]  }
0x351: {  	v8 =	vmin.f32 v33, v37;
	v0 =	vmin.f32 v30, v0;
	v43 =	vmax.f32 v32, v36;
	v12 =	vld [tilespmem:s30+$0xFA00]  }
0x352: {  	v4 =	vmin.f32 v32, v36;
	v57 =	vmax.f32 v3, v0;
	v0 =	vmin.f32 v3, v0;
	v14 =	vld [tilespmem:s30+$0xFC00]  }
0x353: {  	v3 =	vmax.f32 v1, v2;
	v1 =	vmin.f32 v1, v2;
	v2 =	vld [tilespmem:s30+$0xFE00];
	v51 =	vmax.f32 v43, v47  }
0x354: {  	v7 =	vmin.f32 v43, v47;
	v30 =	vmax.f32 v4, v8;
	v4 =	vmin.f32 v4, v8  }
0x355: {  	v33 =	vmax.f32 v57, v3;
	v13 =	vmul.f32 $1.442695020e+00, v5;
	v21 =	vmul.f32 $1.442695020e+00, v9  }
0x356: {  	v3 =	vmin.f32 v57, v3;
	v22 =	vmul.f32 $1.442695020e+00, v16;
	v28 =	vmul.f32 $1.442695020e+00, v6  }
0x357: {  	[tilespmem:$0x1FC50] =	vst v29;
	v37 =	vmax.f32 v0, v1;
	v29 =	vmul.f32 $1.442695020e+00, v18;
	v31 =	vmul.f32 $1.442695020e+00, v12  }
0x358: {  	v0 =	vmin.f32 v0, v1;
	v32 =	vmul.f32 $1.442695020e+00, v14;
	v36 =	vmul.f32 $1.442695020e+00, v2  }
0x359: {  	v1 =	vmax.f32 v5, v9;
	v5 =	vmin.f32 v5, v9;
	v43 =	vmax.f32 v16, v6  }
0x35a: {  	v6 =	vmin.f32 v16, v6;
	v47 =	vmax.f32 v18, v12;
	v48 =	vmin.f32 v18, v12  }
0x35b: {  	v49 =	vmax.f32 v14, v2;
	v2 =	vmin.f32 v14, v2;
	v50 =	vmax.f32 v1, v43  }
0x35c: {  	v1 =	vmin.f32 v1, v43;
	v52 =	vmax.f32 v5, v6;
	v5 =	vmin.f32 v5, v6  }
0x35d: {  	v53 =	vmax.f32 v47, v49;
	v10 =	vmin.f32 v47, v49;
	v57 =	vmax.f32 v48, v2  }
0x35e: {  	v2 =	vmin.f32 v48, v2;
	(erf) = vpow2.f32 v13;
	v63 =	vmax.f32 v52, v1  }
0x35f: {  	v1 =	vmin.f32 v52, v1;
	v12 =	vmax.f32 v57, v10;
	v10 =	vmin.f32 v57, v10  }
0x360: {  	v13 =	vmax.f32 v50, v53;
	v6 =	vmin.f32 v50, v53;
	(erf) = vpow2.f32 v21  }
0x361: {  	v14 =	vmax.f32 v63, v12;
	v9 =	vmin.f32 v63, v12;
	v20 =	vmax.f32 v1, v10  }
0x362: {  	v1 =	vmin.f32 v1, v10;
	v21 =	vmax.f32 v5, v2;
	v2 =	vmin.f32 v5, v2  }
0x363: {  	v0 =	vmax.f32 v0, v13;
	(erf) = vpow2.f32 v22;
	v22 =	vmax.f32 v20, v6  }
0x364: {  	[tilespmem:$0x1FC30] =	vst v25;
	v6 =	vmin.f32 v20, v6;
	v25 =	vmax.f32 v21, v9;
	v9 =	vmin.f32 v21, v9  }
0x365: {  	v2 =	vmax.f32 v51, v2;
	(erf) = vpow2.f32 v28;
	v26 =	vmax.f32 v14, v22  }
0x366: {  	[tilespmem:$0x1FC40] =	vst v27;
	v5 =	vmin.f32 v14, v22;
	v27 =	vmax.f32 v25, v6;
	v6 =	vmin.f32 v25, v6  }
0x367: {  	v28 =	vmin.f32 v9, v1;
	v1 =	vmax.f32 v9, v1;
	(erf) = vpow2.f32 v29  }
0x368: {  	v7 =	vmax.f32 v7, v28;
	v1 =	vmax.f32 v30, v1;
	v4 =	vmax.f32 v4, v6  }
0x369: {  	v29 =	vmax.f32 v33, v27;
	v3 =	vmax.f32 v3, v5;
	v30 =	vmax.f32 v37, v26  }
0x36a: {  	(erf) = vpow2.f32 v31;
	v31 =	vmax.f32 v2, v29;
	v2 =	vmin.f32 v2, v29  }
0x36b: {  	v33 =	vmax.f32 v1, v30;
	v1 =	vmin.f32 v1, v30;
	(erf) = vpow2.f32 v32  }
0x36c: {  	v32 =	vmax.f32 v7, v3;
	v3 =	vmin.f32 v7, v3;
	v37 =	vmax.f32 v31, v33  }
0x36d: {  	(erf) = vpow2.f32 v36;
	v36 =	vmax.f32 v4, v0;
	v0 =	vmin.f32 v4, v0  }
0x36e: {  	v7 =	vmin.f32 v31, v33;
	v43 =	vmin.f32 v2, v1;
	v48 =	vmin.f32 v3, v0  }
0x36f: {  	v1 =	vmax.f32 v2, v1;
	v49 =	vmax.f32 v32, v36;
	v50 =	vmin.f32 v43, v48  }
0x370: {  	v5 =	vmin.f32 v32, v36;
	v51 =	vmax.f32 v37, v49;
	v2 =	vmul.f32 $1.442695020e+00, v50  }
0x371: {  	v0 =	vmax.f32 v3, v0;
	v3 =	vmin.f32 v37, v49;
	v52 =	vmul.f32 $1.442695020e+00, v51  }
0x372: {  	(erf) = vpow2.f32 v2;
	v2 =	vmul.f32 $1.442695020e+00, v3;
	v3 =	vmax.f32 v7, v5  }
0x373: {  	v31 =	vpop (erf);
	v5 =	vmin.f32 v7, v5;
	(erf) = vpow2.f32 v52;
	v53 =	vmul.f32 $1.442695020e+00, v3  }
0x374: {  	v57 =	vmax.f32 v1, v0;
	v47 =	vpop (erf);
	(erf) = vpow2.f32 v2;
	v2 =	vmul.f32 $1.442695020e+00, v5  }
0x375: {  	v0 =	vmin.f32 v1, v0;
	v1 =	vmul.f32 $1.442695020e+00, v57;
	v33 =	vpop (erf);
	(erf) = vpow2.f32 v53  }
0x376: {  	v63 =	vmax.f32 v43, v48;
	v0 =	vmul.f32 $1.442695020e+00, v0;
	v32 =	vpop (erf);
	(erf) = vpow2.f32 v2  }
0x377: {  	v48 =	vpop (erf);
	(erf) = vpow2.f32 v1;
	v1 =	vmul.f32 $1.442695020e+00, v63  }
0x378: {  	v50 =	vpop (erf);
	(erf) = vpow2.f32 v0  }
0x379: {  	v36 =	vpop (erf);
	(erf) = vpow2.f32 v1  }
0x37a: {  	v37 =	vpop (erf)  }
0x37b: {  	v0 =	vpop (erf)  }
0x37c: {  	v1 =	vpop (erf)  }
0x37d: {  	v2 =	vpop (erf)  }
0x37e: {  	v5 =	vpop (erf)  }
0x37f: {  	v6 =	vpop (erf)  }
0x380: {  	v7 =	vpop (erf)  }
0x381: {  	v8 =	vpop (erf)  }
0x382: {  	v1 =	vadd.f32 v2, v1;
	v2 =	vadd.f32 v6, v5;
	v9 =	vpop (erf)  }
0x383: {  	v10 =	vadd.f32 v8, v7;
	v16 =	vadd.f32 v0, v9;
	_ =	sdelay $0x1  }
0x384: {  	v1 =	vadd.f32 v2, v1;
	v2 =	vadd.f32 v16, v10;
	_ =	sdelay $0x1  }
0x385: {  	v28 =	vadd.f32 v2, v1;
	v1 =	vld [tilespmem:$0x1F780];
	_ =	sdelay $0x4  }
0x386: {  	vm8 =	vge.f32 v1, v35;
	v12 =	vmul.f32 v34, v1;
	v1 =	vld [tilespmem:$0x1F790];
	_ =	sdelay $0x4  }
0x387: {  	vm9 =	vge.f32 v1, v35;
	v13 =	vmul.f32 v34, v1;
	v1 =	vld [tilespmem:$0x1F7A0];
	_ =	sdelay $0x4  }
0x388: {  	vm10 =	vge.f32 v1, v35;
	v14 =	vmul.f32 v34, v1;
	v1 =	vld [tilespmem:$0x1F7B0];
	_ =	sdelay $0x4  }
0x389: {  	vm11 =	vge.f32 v1, v35;
	v21 =	vmul.f32 v34, v1;
	v1 =	vld [tilespmem:$0x1F7C0];
	_ =	sdelay $0x4  }
0x38a: {  	vm4 =	vge.f32 v1, v35;
	v22 =	vmul.f32 v34, v1;
	v1 =	vld [tilespmem:$0x1F7D0];
	_ =	sdelay $0x4  }
0x38b: {  	vm5 =	vge.f32 v1, v35;
	v26 =	vmul.f32 v34, v1;
	v1 =	vld [tilespmem:$0x1F7E0];
	_ =	sdelay $0x4  }
0x38c: {  	vm12 =	vge.f32 v1, v35;
	v43 =	vmul.f32 v34, v1;
	v1 =	vld [tilespmem:$0x1F7F0];
	_ =	sdelay $0x4  }
0x38d: {  	vm13 =	vge.f32 v1, v35;
	v49 =	vmul.f32 v34, v1;
	v1 =	vld [tilespmem:$0x1F800];
	_ =	sdelay $0x2  }
0x38e: {  	v2 =	vld [tilespmem:$0x1F810];
	_ =	sdelay $0x1  }
0x38f: {  	vm14 =	vge.f32 v1, v35;
	v1 =	vmul.f32 v34, v1;
	_ =	sdelay $0x1  }
0x390: {  	v8 =	vnsel vm14, $0x0, v1;
	v1 =	vld [tilespmem:$0x1F840]  }
0x391: {  	vm15 =	vge.f32 v2, v35;
	v57 =	vmul.f32 v34, v2;
	v2 =	vld [tilespmem:$0x1F820];
	_ =	sdelay $0x3  }
0x392: {  	v18 =	vnsel vm10, $0x0, v14;
	vm10 =	vge.f32 v1, v35;
	v1 =	vmul.f32 v34, v1  }
0x393: {  	v16 =	vnsel vm8, $0x0, v12;
	vm8 =	vge.f32 v2, v35;
	v4 =	vmul.f32 v34, v2;
	v2 =	vld [tilespmem:$0x1F830]  }
0x394: {  	v9 =	vnsel vm10, $0x0, v1;
	v1 =	vld [tilespmem:$0x1F870];
	_ =	sdelay $0x2  }
0x395: {  	v3 =	vld [tilespmem:$0x1F770]  }
0x396: {  	v17 =	vnsel vm9, $0x0, v13;
	vm9 =	vge.f32 v2, v35;
	v5 =	vmul.f32 v34, v2;
	v2 =	vld [tilespmem:$0x1F850]  }
0x397: {  	v63 =	vnsel vm13, $0x0, v49;
	vm13 =	vge.f32 v1, v35;
	v1 =	vmul.f32 v34, v1  }
0x398: {  	v51 =	vnsel vm5, $0x0, v26;
	v26 =	vld [tilespmem:$0x1FD60]  }
0x399: {  	v12 =	vnsel vm13, $0x0, v1;
	v1 =	vld [tilespmem:$0x1FE90]  }
0x39a: {  	v11 =	vmul.f32 v34, v3;
	vm7 =	vge.f32 v3, v35;
	v3 =	vld [tilespmem:$0x1F860]  }
0x39b: {  	v19 =	vnsel vm11, $0x0, v21;
	vm11 =	vge.f32 v2, v35;
	v2 =	vmul.f32 v34, v2;
	_ =	sdelay $0x1  }
0x39c: {  	v10 =	vnsel vm11, $0x0, v2;
	v2 =	vor.u32 s10, v26  }
0x39d: {  	v1 =	vor.u32 s10, v1  }
0x39e: {  	v7 =	vmul.f32 v34, v3;
	v52 =	vnsel vm12, $0x0, v43;
	vm12 =	vge.f32 v3, v35;
	v3 =	vld [tilespmem:$0x1FEA0]  }
0x39f: {  	v6 =	vnsel vm7, $0x0, v11;
	v11 =	vld [tilespmem:$0x1FEB0]  }
0x3a0: {  	v49 =	vld [tilespmem:$0x1FD70]  }
0x3a1: {  	v27 =	vld [tilespmem:$0x1FD80];
	[tilespmem:v2+s2+$0x0] =	vst.idx.msk $0xffff, v6  }
0x3a2: {  	[tilespmem:v1+s2+$0x0] =	vst.idx.msk $0xffff, v16;
	v1 =	vld [tilespmem:$0x1FEC0]  }
0x3a3: {  	v3 =	vor.u32 s10, v3  }
0x3a4: {  	v25 =	vmov v54;
	v54 =	vnsel vm8, $0x0, v4;
	v4 =	vor.u32 s10, v11  }
0x3a5: {  	v21 =	vmov v55;
	v55 =	vnsel vm9, $0x0, v5;
	v5 =	vor.u32 s10, v49  }
0x3a6: {  	v2 =	vor.u32 s10, v27  }
0x3a7: {  	v1 =	vor.u32 s10, v1  }
0x3a8: {  	[tilespmem:v3+s2+$0x0] =	vst.idx.msk $0xffff, v17  }
0x3a9: {  	[tilespmem:v4+s2+$0x0] =	vst.idx.msk $0xffff, v18  }
0x3aa: {  	v29 =	vnsel vm4, $0x0, v22;
	[tilespmem:v5+s2+$0x0] =	vst.idx.msk $0xffff, v19  }
0x3ab: {  	v17 =	vld [tilespmem:$0x1FEE0];
	[tilespmem:v2+s2+$0x0] =	vst.idx.msk $0xffff, v29  }
0x3ac: {  	[tilespmem:v1+s2+$0x0] =	vst.idx.msk $0xffff, v51;
	v1 =	vld [tilespmem:$0x1FEF0];
	_ =	sdelay $0x3  }
0x3ad: {  	(erf) = vrcp.f32 v28;
	v28 =	vld [tilespmem:$0x1FD90]  }
0x3ae: {  	v4 =	vor.u32 s10, v17;
	v17 =	vor.u32 s10, v1;
	v1 =	vld [tilespmem:$0x1FF00]  }
0x3af: {  	v14 =	vld [tilespmem:$0x1F8A0]  }
0x3b0: {  	v3 =	vld [tilespmem:$0x1FED0]  }
0x3b1: {  	v20 =	vmov v56;
	v56 =	vnsel vm12, $0x0, v7;
	v7 =	vld [tilespmem:$0x1F880]  }
0x3b2: {  	v29 =	vld [tilespmem:$0x1FDA0]  }
0x3b3: {  	v19 =	vor.u32 s10, v1;
	v1 =	vld [tilespmem:$0x1FF10];
	_ =	sdelay $0x1  }
0x3b4: {  	vm7 =	vge.f32 v42, v35;
	v3 =	vor.u32 s10, v3  }
0x3b5: {  	v53 =	vnsel vm15, $0x0, v57;
	vm15 =	vge.f32 v7, v35;
	v6 =	vmul.f32 v34, v7  }
0x3b6: {  	v43 =	vld [tilespmem:$0x1F900];
	v7 =	vmul.f32 v34, v14;
	vm14 =	vge.f32 v14, v35;
	v5 =	vor.u32 s10, v28  }
0x3b7: {  	v14 =	vmul.f32 v34, v42;
	v2 =	vor.u32 s10, v29;
	v42 =	vor.u32 s10, v1;
	v1 =	vld [tilespmem:$0x1FF20];
	_ =	sdelay $0x1  }
0x3b8: {  	[tilespmem:v3+s2+$0x0] =	vst.idx.msk $0xffff, v52  }
0x3b9: {  	[tilespmem:v4+s2+$0x0] =	vst.idx.msk $0xffff, v63  }
0x3ba: {  	v30 =	vld [tilespmem:$0x1F8C0];
	[tilespmem:v5+s2+$0x0] =	vst.idx.msk $0xffff, v8  }
0x3bb: {  	vm9 =	vge.f32 v43, v35;
	[tilespmem:v2+s2+$0x0] =	vst.idx.msk $0xffff, v53;
	v53 =	vmul.f32 v34, v43;
	v43 =	vor.u32 s10, v1;
	v1 =	vld [tilespmem:$0x1FF30];
	_ =	sdelay $0x1  }
0x3bc: {  	v24 =	vld [tilespmem:$0x1F8E0]  }
0x3bd: {  	v11 =	vld [tilespmem:$0x1F8F0]  }
0x3be: {  	vm12 =	vge.f32 v30, v35;
	v3 =	vmul.f32 v34, v30;
	v30 =	vld [tilespmem:$0x1FDB0]  }
0x3bf: {  	v2 =	vor.u32 s10, v1;
	v1 =	vld [tilespmem:$0x1FF40];
	_ =	sdelay $0x2  }
0x3c0: {  	vm6 =	vge.f32 v59, v35;
	v57 =	vld [tilespmem:$0x1F8D0];
	vm4 =	vge.f32 v24, v35  }
0x3c1: {  	vm5 =	vge.f32 v11, v35;
	v18 =	vld [tilespmem:$0x1F920];
	v4 =	vmul.f32 v34, v24;
	v24 =	vmul.f32 v34, v11  }
0x3c2: {  	v5 =	vmul.f32 v34, v59;
	v11 =	vor.u32 s10, v30;
	v59 =	vor.u32 s10, v1;
	v1 =	vld [tilespmem:$0x1FF50]  }
0x3c3: {  	v22 =	vmov v44;
	v44 =	vld [tilespmem:$0x1F910]  }
0x3c4: {  	v13 =	vld [tilespmem:$0x1F890]  }
0x3c5: {  	v15 =	vld [tilespmem:$0x1F8B0];
	[tilespmem:v17+s2+$0x0] =	vst.idx.msk $0xffff, v54  }
0x3c6: {  	vm3 =	vge.f32 v57, v35;
	[tilespmem:v19+s2+$0x0] =	vst.idx.msk $0xffff, v55  }
0x3c7: {  	vm0 =	vge.f32 v18, v35;
	v19 =	vmul.f32 v34, v18;
	[tilespmem:v11+s2+$0x0] =	vst.idx.msk $0xffff, v9;
	v18 =	vor.u32 s10, v1;
	v1 =	vld [tilespmem:$0x1FC60]  }
0x3c8: {  	v57 =	vmul.f32 v34, v57;
	vm10 =	vge.f32 v44, v35;
	[tilespmem:v42+s2+$0x0] =	vst.idx.msk $0xffff, v10;
	v42 =	vld [tilespmem:$0x1FF60]  }
0x3c9: {  	vm13 =	vge.f32 v13, v35;
	v13 =	vmul.f32 v34, v13;
	v17 =	vmul.f32 v34, v44;
	v44 =	vld [tilespmem:$0x1FF70]  }
0x3ca: {  	vm2 =	vge.f32 v46, v35;
	v16 =	vmul.f32 v34, v15;
	v54 =	vmul.f32 v34, v46;
	v46 =	vld [tilespmem:$0x1FF80]  }
0x3cb: {  	vm8 =	vge.f32 v41, v35;
	v52 =	vmul.f32 v34, v41;
	v55 =	vmul.f32 v34, v45;
	v34 =	vld [tilespmem:$0x1FF90]  }
0x3cc: {  	vm11 =	vge.f32 v15, v35;
	v41 =	vor.u32 s11, v23;
	v1 =	vor.u32 $0xFFFFFF80, v1  }
0x3cd: {  	v15 =	vand.u32 v1, v41;
	v1 =	vnsel vm15, $0x0, v6;
	v6 =	vor.u32 s10, v42  }
0x3ce: {  	vm1 =	vge.f32 v45, v35;
	v45 =	vor.u32 s10, v44;
	[tilespmem:v43+s2+$0x0] =	vst.idx.msk $0xffff, v56;
	v42 =	vld [tilespmem:$0x1FFA0]  }
0x3cf: {  	v51 =	vor.u32 s10, v46;
	v56 =	vld [tilespmem:$0x1FFB0];
	[tilespmem:v2+s2+$0x0] =	vst.idx.msk $0xffff, v12  }
0x3d0: {  	v43 =	vnsel vm13, $0x0, v13;
	v41 =	vor.u32 s10, v34;
	[tilespmem:v59+s2+$0x0] =	vst.idx.msk $0xffff, v1;
	v59 =	vld [tilespmem:$0x1FFC0]  }
0x3d1: {  	v7 =	vnsel vm14, $0x0, v7;
	[tilespmem:v18+s2+$0x0] =	vst.idx.msk $0xffff, v43;
	v18 =	vld [tilespmem:$0x1FFD0]  }
0x3d2: {  	v46 =	vld [tilespmem:$0x1FFE0];
	v2 =	vnsel vm11, $0x0, v16;
	[tilespmem:v6+s2+$0x0] =	vst.idx.msk $0xffff, v7  }
0x3d3: {  	v3 =	vnsel vm12, $0x0, v3;
	v43 =	vor.u32 s10, v42;
	[tilespmem:v45+s2+$0x0] =	vst.idx.msk $0xffff, v2  }
0x3d4: {  	v1 =	vnsel vm3, $0x0, v57;
	v57 =	vor.u32 s10, v56;
	v2 =	vnsel vm9, $0x0, v53;
	v53 =	vld [tilespmem:$0x1FFF0];
	[tilespmem:v51+s2+$0x0] =	vst.idx.msk $0xffff, v3  }
0x3d5: {  	v63 =	vor.u32 s10, v59;
	[tilespmem:v41+s2+$0x0] =	vst.idx.msk $0xffff, v1;
	v41 =	vld [tilespmem:$0x1F930]  }
0x3d6: {  	v9 =	vnsel vm5, $0x0, v24;
	v24 =	vor.u32 s10, v18  }
0x3d7: {  	v4 =	vnsel vm4, $0x0, v4;
	v13 =	vpop (erf);
	v51 =	vor.u32 s10, v46  }
0x3d8: {  	v35 =	vor.u32 $0x3C, v23;
	v34 =	vmul.f32 $1.250000000e+00, v13;
	v45 =	vld [tilespmem:$0x1F940];
	[tilespmem:v43+s2+$0x0] =	vst.idx.msk $0xffff, v4  }
0x3d9: {  	v5 =	vnsel vm6, $0x0, v5;
	v44 =	vnsel vm7, $0x0, v14;
	v7 =	vnsel vm8, $0x0, v52;
	[tilespmem:v57+s2+$0x0] =	vst.idx.msk $0xffff, v9  }
0x3da: {  	v3 =	vnsel vm2, $0x0, v54;
	v54 =	vor.u32 s10, v53;
	[tilespmem:v63+s2+$0x0] =	vst.idx.msk $0xffff, v5;
	v42 =	vmul.f32 v34, v41  }
0x3db: {  	v59 =	vor.u32 $0x3D, v23;
	v63 =	vor.u32 s10, v35;
	vm14 =	vge.f32 v41, v0;
	[tilespmem:v24+s2+$0x0] =	vst.idx.msk $0xffff, v44  }
0x3dc: {  	v24 =	vor.u32 s10, v59;
	[tilespmem:v51+s2+$0x0] =	vst.idx.msk $0xffff, v7;
	v7 =	vnsel vm14, $0x0, v42;
	v42 =	vor.u32 $0x3E, v23  }
0x3dd: {  	vm15 =	vge.f32 v45, v0;
	v52 =	vmul.f32 v34, v45;
	v45 =	vor.u32 s10, v42;
	_ =	sdelay $0x1  }
0x3de: {  	v10 =	vnsel vm10, $0x0, v17;
	[tilespmem:v54+s2+$0x0] =	vst.idx.msk $0xffff, v2  }
0x3df: {  	v1 =	vnsel vm0, $0x0, v19;
	v19 =	vld [tilespmem:$0x1F960];
	[tilespmem:v63+s2+$0x0] =	vst.idx.msk $0xffff, v10  }
0x3e0: {  	[tilespmem:v24+s2+$0x0] =	vst.idx.msk $0xffff, v3  }
0x3e1: {  	[tilespmem:v45+s2+$0x0] =	vst.idx.msk $0xffff, v1;
	v1 =	vld [tilespmem:$0x1F9E0]  }
0x3e2: {  	v12 =	vnsel vm1, $0x0, v55;
	v55 =	vld [tilespmem:$0x1F950];
	_ =	sdelay $0x1  }
0x3e3: {  	v43 =	vmul.f32 v34, v19;
	v44 =	vld [tilespmem:$0x1F970]  }
0x3e4: {  	vm9 =	vge.f32 v19, v0;
	v2 =	vld [tilespmem:$0x1F980]  }
0x3e5: {  	v9 =	vnsel vm9, $0x0, v43;
	vm9 =	vge.f32 v1, v0;
	v56 =	vmul.f32 v34, v1;
	v1 =	vld [tilespmem:$0x1F9F0]  }
0x3e6: {  	v13 =	vmul.f32 v34, v55  }
0x3e7: {  	vm8 =	vge.f32 v55, v0  }
0x3e8: {  	v6 =	vnsel vm8, $0x0, v13;
	v18 =	vmul.f32 v34, v44  }
0x3e9: {  	vm10 =	vge.f32 v44, v0;
	vm11 =	vge.f32 v2, v0;
	v3 =	vmul.f32 v34, v2;
	v2 =	vld [tilespmem:$0x1F990]  }
0x3ea: {  	v13 =	vnsel vm10, $0x0, v18;
	vm10 =	vge.f32 v1, v0;
	v57 =	vmul.f32 v34, v1;
	v1 =	vld [tilespmem:$0x1FA00];
	_ =	sdelay $0x3  }
0x3eb: {  	vm12 =	vge.f32 v2, v0;
	v51 =	vmul.f32 v34, v2;
	v2 =	vld [tilespmem:$0x1F9A0]  }
0x3ec: {  	v3 =	vnsel vm11, $0x0, v3;
	vm11 =	vge.f32 v1, v0;
	v63 =	vmul.f32 v34, v1;
	v1 =	vld [tilespmem:$0x1FA10];
	_ =	sdelay $0x3  }
0x3ed: {  	v8 =	vnsel vm15, $0x0, v52;
	vm13 =	vge.f32 v2, v0;
	v52 =	vmul.f32 v34, v2;
	v2 =	vld [tilespmem:$0x1F9B0]  }
0x3ee: {  	v4 =	vnsel vm12, $0x0, v51;
	vm12 =	vge.f32 v1, v0;
	v43 =	vmul.f32 v34, v1;
	v1 =	vld [tilespmem:$0x1FA20];
	_ =	sdelay $0x3  }
0x3ef: {  	vm14 =	vge.f32 v2, v0;
	v53 =	vmul.f32 v34, v2;
	v2 =	vld [tilespmem:$0x1F9C0]  }
0x3f0: {  	v5 =	vnsel vm13, $0x0, v52;
	vm13 =	vge.f32 v1, v0;
	v44 =	vmul.f32 v34, v1;
	v1 =	vld [tilespmem:$0x1FA30];
	_ =	sdelay $0x2  }
0x3f1: {  	v41 =	vor.u32 $0x3F, v23  }
0x3f2: {  	v46 =	vor.u32 s10, v41;
	vm15 =	vge.f32 v2, v0;
	v54 =	vmul.f32 v34, v2;
	v2 =	vld [tilespmem:$0x1F9D0]  }
0x3f3: {  	v10 =	vnsel vm14, $0x0, v53;
	vm14 =	vge.f32 v1, v0;
	v45 =	vmul.f32 v34, v1;
	v1 =	vld [tilespmem:$0x1FA40];
	_ =	sdelay $0x1  }
0x3f4: {  	[tilespmem:s11+$0x10380] =	vst v31  }
0x3f5: {  	[tilespmem:s11+$0x10390] =	vst v47  }
0x3f6: {  	[tilespmem:v46+s2+$0x0] =	vst.idx.msk $0xffff, v12;
	v11 =	vnsel vm15, $0x0, v54  }
0x3f7: {  	[tilespmem:s11+$0x103A0] =	vst v33;
	v55 =	vmul.f32 v34, v2;
	vm15 =	vge.f32 v1, v0;
	v46 =	vmul.f32 v34, v1;
	v1 =	vld [tilespmem:$0x1FA50]  }
0x3f8: {  	[tilespmem:s11+$0x103B0] =	vst v32;
	vm8 =	vge.f32 v2, v0  }
0x3f9: {  	[tilespmem:s11+$0x103C0] =	vst v48;
	v12 =	vnsel vm8, $0x0, v55;
	v55 =	vor.u32 s11, v39  }
0x3fa: {  	[tilespmem:s11+$0x103D0] =	vst v50  }
0x3fb: {  	[tilespmem:s11+$0x103E0] =	vst v36;
	v14 =	vnsel vm9, $0x0, v56;
	v56 =	vor.u32 s11, v22  }
0x3fc: {  	[tilespmem:s11+$0x103F0] =	vst v37;
	v16 =	vnsel vm10, $0x0, v57;
	vm6 =	vge.f32 v1, v0;
	v57 =	vmul.f32 v34, v1;
	v1 =	vld [tilespmem:$0x1FA60]  }
0x3fd: {  	[tilespmem:v15+s2+$0x0] =	vst.idx.msk $0xffff, v7;
	v51 =	vnsel vm15, $0x0, v46;
	v46 =	vmov v36;
	v36 =	vor.u32 s11, v25  }
0x3fe: {  	[tilespmem:v55+s2+$0x0] =	vst.idx.msk $0xffff, v8;
	v55 =	vld [tilespmem:$0x1FAA0]  }
0x3ff: {  	v52 =	vnsel vm6, $0x0, v57;
	v57 =	vld [tilespmem:$0x1FDD0]  }
0x400: {  	v18 =	vnsel vm12, $0x0, v43;
	v2 =	vor.u32 s11, v21;
	v21 =	vld [tilespmem:$0x1FDE0]  }
0x401: {  	v19 =	vnsel vm13, $0x0, v44;
	v44 =	vor.u32 s11, v20;
	v20 =	vld [tilespmem:$0x1FAB0];
	[tilespmem:v56+s2+$0x0] =	vst.idx.msk $0xffff, v6;
	v43 =	vmul.f32 v34, v1  }
0x402: {  	[tilespmem:v36+s2+$0x0] =	vst.idx.msk $0xffff, v9;
	v36 =	vld [tilespmem:$0x1FDF0];
	vm7 =	vge.f32 v1, v0  }
0x403: {  	v17 =	vnsel vm11, $0x0, v63;
	v24 =	vnsel vm14, $0x0, v45;
	v53 =	vnsel vm7, $0x0, v43;
	v43 =	vld [tilespmem:$0x1FA90]  }
0x404: {  	v45 =	vmovc v37;
	v37 =	vld [tilespmem:$0x1FE00];
	vm11 =	vge.f32 v55, v0;
	v8 =	vmul.f32 v34, v55;
	v55 =	vor.u32 s11, v57  }
0x405: {  	v56 =	vor.u32 s11, v21;
	v1 =	vld [tilespmem:$0x1FA70];
	[tilespmem:v2+s2+$0x0] =	vst.idx.msk $0xffff, v13  }
0x406: {  	[tilespmem:v44+s2+$0x0] =	vst.idx.msk $0xffff, v3;
	v44 =	vld [tilespmem:$0x1FAD0]  }
0x407: {  	v57 =	vmov v36;
	v9 =	vor.u32 s11, v36;
	v36 =	vld [tilespmem:$0x1FC90]  }
0x408: {  	vm10 =	vge.f32 v43, v0;
	v7 =	vmul.f32 v34, v43;
	v43 =	vld [tilespmem:$0x1FE10]  }
0x409: {  	[tilespmem:v55+s2+$0x0] =	vst.idx.msk $0xffff, v4;
	v55 =	vld [tilespmem:$0x1FE20]  }
0x40a: {  	[tilespmem:v56+s2+$0x0] =	vst.idx.msk $0xffff, v5;
	v56 =	vld [tilespmem:$0x1FE30]  }
0x40b: {  	v2 =	vnsel vm11, $0x0, v8;
	v8 =	vor.u32 s11, v37;
	v37 =	vld [tilespmem:$0x1FAF0];
	v63 =	vmul.f32 v34, v1  }
0x40c: {  	vm12 =	vge.f32 v20, v0;
	v6 =	vmul.f32 v34, v20;
	v20 =	vld [tilespmem:$0x1FCD0];
	vm8 =	vge.f32 v1, v0  }
0x40d: {  	v54 =	vnsel vm8, $0x0, v63;
	v63 =	vld [tilespmem:$0x1FAE0];
	v13 =	vor.u32 s11, v43  }
0x40e: {  	vm14 =	vge.f32 v44, v0;
	v4 =	vmul.f32 v34, v44;
	v44 =	vld [tilespmem:$0x1FCA0];
	v15 =	vor.u32 s11, v55  }
0x40f: {  	[tilespmem:v9+s2+$0x0] =	vst.idx.msk $0xffff, v10;
	v9 =	vor.u32 s11, v36;
	v36 =	vld [tilespmem:$0x1FCB0];
	v21 =	vor.u32 s11, v56  }
0x410: {  	vm4 =	vge.f32 v37, v0;
	v43 =	vmul.f32 v34, v37;
	v37 =	vld [tilespmem:$0x1FCC0]  }
0x411: {  	[tilespmem:v8+s2+$0x0] =	vst.idx.msk $0xffff, v11;
	v56 =	vld [tilespmem:$0x1FB00]  }
0x412: {  	v8 =	vnsel vm4, $0x0, v43;
	v43 =	vld [tilespmem:$0x1FE40];
	[tilespmem:v13+s2+$0x0] =	vst.idx.msk $0xffff, v12  }
0x413: {  	v10 =	vor.u32 s11, v44;
	v44 =	vld [tilespmem:$0x1FB10];
	[tilespmem:v15+s2+$0x0] =	vst.idx.msk $0xffff, v14  }
0x414: {  	[tilespmem:v21+s2+$0x0] =	vst.idx.msk $0xffff, v16;
	v21 =	vld [tilespmem:$0x1FB30]  }
0x415: {  	v1 =	vld [tilespmem:$0x1FA80];
	vm15 =	vge.f32 v63, v0;
	v5 =	vmul.f32 v34, v63  }
0x416: {  	v12 =	vor.u32 s11, v36;
	v13 =	vor.u32 s11, v37;
	v37 =	vld [tilespmem:$0x1FCE0];
	v63 =	vmul.f32 v34, v56  }
0x417: {  	vm5 =	vge.f32 v56, v0;
	v55 =	vor.u32 s11, v43;
	v43 =	vld [tilespmem:$0x1FCF0]  }
0x418: {  	v56 =	vmul.f32 v34, v44;
	v11 =	vnsel vm5, $0x0, v63;
	v63 =	vld [tilespmem:$0x1FB20]  }
0x419: {  	[tilespmem:v9+s2+$0x0] =	vst.idx.msk $0xffff, v17;
	v36 =	vmul.f32 v34, v21;
	vm8 =	vge.f32 v21, v0;
	v21 =	vld [tilespmem:$0x1FE50]  }
0x41a: {  	vm6 =	vge.f32 v44, v0;
	v44 =	vld [tilespmem:$0x1FD00];
	[tilespmem:v10+s2+$0x0] =	vst.idx.msk $0xffff, v18  }
0x41b: {  	v9 =	vnsel vm6, $0x0, v56;
	v56 =	vld [tilespmem:$0x1FD10];
	[tilespmem:v12+s2+$0x0] =	vst.idx.msk $0xffff, v19  }
0x41c: {  	v15 =	vor.u32 s11, v20;
	v17 =	vor.u32 s11, v37;
	v37 =	vld [tilespmem:$0x1FE60];
	[tilespmem:v13+s2+$0x0] =	vst.idx.msk $0xffff, v24  }
0x41d: {  	[tilespmem:v55+s2+$0x0] =	vst.idx.msk $0xffff, v51;
	v51 =	vmov v39;
	v39 =	vld [tilespmem:$0x1FB60];
	v16 =	vmul.f32 v34, v63  }
0x41e: {  	v12 =	vor.u32 s11, v43;
	vm7 =	vge.f32 v63, v0;
	v19 =	vor.u32 s11, v21;
	v21 =	vld [tilespmem:$0x1FE70]  }
0x41f: {  	v3 =	vld [tilespmem:$0x1FAC0];
	v13 =	vnsel vm7, $0x0, v16;
	v16 =	vor.u32 s11, v44  }
0x420: {  	v55 =	vld [tilespmem:$0x1FB40];
	v18 =	vor.u32 s11, v56  }
0x421: {  	vm9 =	vge.f32 v1, v0;
	v1 =	vmul.f32 v34, v1;
	v43 =	vld [tilespmem:$0x1FB80];
	[tilespmem:v15+s2+$0x0] =	vst.idx.msk $0xffff, v52  }
0x422: {  	[tilespmem:v17+s2+$0x0] =	vst.idx.msk $0xffff, v53;
	v56 =	vor.u32 s11, v37  }
0x423: {  	v1 =	vnsel vm9, $0x0, v1;
	v24 =	vld [tilespmem:$0x1FB50];
	v52 =	vmovc v22;
	v44 =	vmul.f32 v34, v39;
	[tilespmem:v12+s2+$0x0] =	vst.idx.msk $0xffff, v54;
	v22 =	vor.u32 s11, v21  }
0x424: {  	vm13 =	vge.f32 v3, v0;
	v7 =	vnsel vm10, $0x0, v7;
	v37 =	vld [tilespmem:$0x1FD20];
	vm11 =	vge.f32 v39, v0;
	[tilespmem:v16+s2+$0x0] =	vst.idx.msk $0xffff, v1  }
0x425: {  	v3 =	vmul.f32 v34, v3;
	vm9 =	vge.f32 v55, v0;
	v1 =	vnsel vm11, $0x0, v44;
	v44 =	vld [tilespmem:$0x1FD30];
	[tilespmem:v18+s2+$0x0] =	vst.idx.msk $0xffff, v7  }
0x426: {  	v6 =	vnsel vm12, $0x0, v6;
	v14 =	vmul.f32 v34, v55;
	v55 =	vld [tilespmem:$0x1FD40];
	v18 =	vmul.f32 v34, v43;
	[tilespmem:v19+s2+$0x0] =	vst.idx.msk $0xffff, v2  }
0x427: {  	v3 =	vnsel vm13, $0x0, v3;
	vm13 =	vge.f32 v43, v0;
	[tilespmem:v56+s2+$0x0] =	vst.idx.msk $0xffff, v6;
	v56 =	vld [tilespmem:$0x1FE80]  }
0x428: {  	[tilespmem:v22+s2+$0x0] =	vst.idx.msk $0xffff, v3;
	v3 =	vnsel vm13, $0x0, v18;
	v18 =	vld [tilespmem:$0x1FD50]  }
0x429: {  	v10 =	vnsel vm8, $0x0, v36;
	v36 =	vld [tilespmem:$0x1FB70];
	v16 =	vor.u32 s11, v37  }
0x42a: {  	v21 =	vor.u32 s11, v26;
	v26 =	vld [tilespmem:$0x1FE90];
	v17 =	vor.u32 s11, v44  }
0x42b: {  	v15 =	vmul.f32 v34, v24;
	v19 =	vor.u32 s11, v55  }
0x42c: {  	vm10 =	vge.f32 v24, v0;
	v7 =	vor.u32 s11, v56  }
0x42d: {  	v4 =	vnsel vm14, $0x0, v4;
	v12 =	vnsel vm10, $0x0, v15;
	v15 =	vor.u32 s11, v18  }
0x42e: {  	v5 =	vnsel vm15, $0x0, v5;
	[tilespmem:v16+s2+$0x0] =	vst.idx.msk $0xffff, v4  }
0x42f: {  	vm12 =	vge.f32 v36, v0;
	v39 =	vmul.f32 v34, v36;
	v37 =	vld [tilespmem:$0x1FEA0];
	v36 =	vor.u32 s11, v26;
	[tilespmem:v17+s2+$0x0] =	vst.idx.msk $0xffff, v5  }
0x430: {  	v56 =	vld [tilespmem:$0x1FEB0];
	[tilespmem:v19+s2+$0x0] =	vst.idx.msk $0xffff, v8  }
0x431: {  	[tilespmem:v7+s2+$0x0] =	vst.idx.msk $0xffff, v11  }
0x432: {  	v53 =	vmov v25;
	v25 =	vld [tilespmem:$0x1FEC0];
	[tilespmem:v15+s2+$0x0] =	vst.idx.msk $0xffff, v9  }
0x433: {  	v6 =	vnsel vm12, $0x0, v39;
	v39 =	vld [tilespmem:$0x1FBB0];
	[tilespmem:v21+s2+$0x0] =	vst.idx.msk $0xffff, v13  }
0x434: {  	v44 =	vor.u32 s11, v37;
	[tilespmem:v36+s2+$0x0] =	vst.idx.msk $0xffff, v10;
	v36 =	vld [tilespmem:$0x1FED0]  }
0x435: {  	v24 =	vld [tilespmem:$0x1FEE0];
	v7 =	vor.u32 s11, v56  }
0x436: {  	vm4 =	vge.f32 v58, v0;
	v54 =	vld [tilespmem:$0x1FB90];
	v22 =	vmul.f32 v34, v58;
	v58 =	vor.u32 s11, v49  }
0x437: {  	v20 =	vld [tilespmem:$0x1FBA0];
	v21 =	vor.u32 s11, v27  }
0x438: {  	v14 =	vnsel vm9, $0x0, v14;
	v27 =	vor.u32 s11, v25  }
0x439: {  	v43 =	vmul.f32 v34, v39;
	[tilespmem:v44+s2+$0x0] =	vst.idx.msk $0xffff, v14;
	v37 =	vor.u32 s11, v36  }
0x43a: {  	vm6 =	vge.f32 v62, v0;
	v55 =	vld [tilespmem:$0x1FEF0];
	vm5 =	vge.f32 v39, v0;
	v39 =	vor.u32 s11, v24;
	[tilespmem:v7+s2+$0x0] =	vst.idx.msk $0xffff, v12  }
0x43b: {  	v2 =	vmul.f32 v34, v54;
	v8 =	vnsel vm5, $0x0, v43;
	v43 =	vor.u32 s11, v28;
	v28 =	vld [tilespmem:$0x1FF00];
	[tilespmem:v58+s2+$0x0] =	vst.idx.msk $0xffff, v1  }
0x43c: {  	vm14 =	vge.f32 v54, v0;
	v4 =	vmul.f32 v34, v20;
	v18 =	vld [tilespmem:$0x1FBF0];
	[tilespmem:v21+s2+$0x0] =	vst.idx.msk $0xffff, v6  }
0x43d: {  	v62 =	vmul.f32 v34, v62;
	vm15 =	vge.f32 v20, v0;
	v2 =	vnsel vm14, $0x0, v2;
	v56 =	vld [tilespmem:$0x1FBE0];
	[tilespmem:v27+s2+$0x0] =	vst.idx.msk $0xffff, v3  }
0x43e: {  	vm8 =	vge.f32 v61, v0;
	v49 =	vor.u32 s11, v29;
	v4 =	vnsel vm15, $0x0, v4;
	v21 =	vld [tilespmem:$0x1FF10];
	[tilespmem:v37+s2+$0x0] =	vst.idx.msk $0xffff, v2  }
0x43f: {  	vm7 =	vge.f32 v60, v0;
	v11 =	vnsel vm6, $0x0, v62;
	v62 =	vor.u32 s11, v55;
	[tilespmem:v39+s2+$0x0] =	vst.idx.msk $0xffff, v4;
	v39 =	vld [tilespmem:$0x1FF20]  }
0x440: {  	v26 =	vmul.f32 v34, v61;
	vm13 =	vge.f32 v40, v0;
	v29 =	vor.u32 s11, v28;
	v1 =	vld [tilespmem:$0x1FBC0]  }
0x441: {  	v5 =	vnsel vm4, $0x0, v22;
	v22 =	vmul.f32 v34, v60;
	v19 =	vor.u32 s11, v30;
	v44 =	vld [tilespmem:$0x1FBD0]  }
0x442: {  	v30 =	vmul.f32 v34, v40;
	v40 =	vld [tilespmem:$0x1FC00];
	vm12 =	vge.f32 v18, v0;
	[tilespmem:v43+s2+$0x0] =	vst.idx.msk $0xffff, v5  }
0x443: {  	v55 =	vld [tilespmem:$0x1FF30];
	v20 =	vmul.f32 v34, v18;
	v7 =	vnsel vm7, $0x0, v22;
	v22 =	vor.u32 s11, v21;
	[tilespmem:v49+s2+$0x0] =	vst.idx.msk $0xffff, v8  }
0x444: {  	v18 =	vld [tilespmem:$0x1FC10];
	vm11 =	vge.f32 v56, v0;
	v3 =	vmul.f32 v34, v56;
	[tilespmem:v62+s2+$0x0] =	vst.idx.msk $0xffff, v11;
	v49 =	vor.u32 s11, v39  }
0x445: {  	v10 =	vnsel vm8, $0x0, v26;
	v56 =	vld [tilespmem:$0x1FF40];
	vm9 =	vge.f32 v1, v0;
	v1 =	vmul.f32 v34, v1;
	[tilespmem:v29+s2+$0x0] =	vst.idx.msk $0xffff, v7  }
0x446: {  	v6 =	vmul.f32 v34, v44;
	[tilespmem:v19+s2+$0x0] =	vst.idx.msk $0xffff, v10;
	v19 =	vld [tilespmem:$0x1FF50]  }
0x447: {  	vm10 =	vge.f32 v44, v0;
	v21 =	vld [tilespmem:$0x1FF60];
	v1 =	vnsel vm9, $0x0, v1  }
0x448: {  	v36 =	vld [tilespmem:$0x1FF70];
	v2 =	vnsel vm10, $0x0, v6;
	[tilespmem:v22+s2+$0x0] =	vst.idx.msk $0xffff, v1  }
0x449: {  	v62 =	vor.u32 s11, v55;
	[tilespmem:v49+s2+$0x0] =	vst.idx.msk $0xffff, v2;
	v49 =	vld [tilespmem:$0x1FF80]  }
0x44a: {  	v17 =	vor.u32 s11, v56;
	v55 =	vld [tilespmem:$0x1FF90]  }
0x44b: {  	v5 =	vnsel vm12, $0x0, v20;
	v1 =	vld [tilespmem:$0x1FC20];
	v20 =	vor.u32 s11, v19  }
0x44c: {  	v37 =	vld [tilespmem:$0x1FC30];
	v22 =	vor.u32 s11, v21  }
0x44d: {  	vm15 =	vge.f32 v18, v0;
	v3 =	vnsel vm11, $0x0, v3;
	v56 =	vld [tilespmem:$0x1FC40];
	v39 =	vor.u32 s11, v36  }
0x44e: {  	v4 =	vmul.f32 v34, v18;
	v18 =	vld [tilespmem:$0x1FC50];
	v43 =	vmul.f32 v34, v40;
	[tilespmem:v62+s2+$0x0] =	vst.idx.msk $0xffff, v3;
	v3 =	vor.u32 s11, v49  }
0x44f: {  	v16 =	vnsel vm13, $0x0, v30;
	vm14 =	vge.f32 v40, v0;
	v62 =	vor.u32 s11, v55;
	[tilespmem:v17+s2+$0x0] =	vst.idx.msk $0xffff, v5;
	v17 =	vld [tilespmem:$0x1FFA0]  }
0x450: {  	v7 =	vnsel vm14, $0x0, v43;
	vm4 =	vge.f32 v1, v0;
	v1 =	vmul.f32 v34, v1;
	[tilespmem:v20+s2+$0x0] =	vst.idx.msk $0xffff, v16;
	v20 =	vld [tilespmem:$0x1FFB0]  }
0x451: {  	v4 =	vnsel vm15, $0x0, v4;
	v29 =	vld [tilespmem:$0x1FFC0];
	v2 =	vmul.f32 v34, v37;
	[tilespmem:v22+s2+$0x0] =	vst.idx.msk $0xffff, v7  }
0x452: {  	vm5 =	vge.f32 v37, v0;
	v1 =	vnsel vm4, $0x0, v1;
	[tilespmem:v39+s2+$0x0] =	vst.idx.msk $0xffff, v4;
	v39 =	vld [tilespmem:$0x1FFD0]  }
0x453: {  	vm8 =	vge.f32 v31, v0;
	v36 =	vld [tilespmem:$0x1FFE0];
	v2 =	vnsel vm5, $0x0, v2;
	[tilespmem:v3+s2+$0x0] =	vst.idx.msk $0xffff, v1  }
0x454: {  	vm9 =	vge.f32 v47, v0;
	v19 =	vor.u32 s11, v17;
	[tilespmem:v62+s2+$0x0] =	vst.idx.msk $0xffff, v2;
	v2 =	vmul.f32 v34, v47;
	v47 =	vld [tilespmem:$0x1FFF0]  }
0x455: {  	v44 =	vmul.f32 v34, v33;
	vm11 =	vge.f32 v32, v0;
	v22 =	vor.u32 s11, v20  }
0x456: {  	vm6 =	vge.f32 v56, v0;
	v37 =	vor.u32 s11, v29;
	v16 =	vmul.f32 v34, v56  }
0x457: {  	vm7 =	vge.f32 v18, v0;
	v10 =	vmul.f32 v34, v18;
	v40 =	vor.u32 s11, v39  }
0x458: {  	v21 =	vmul.f32 v34, v31;
	v43 =	vor.u32 s11, v36;
	v30 =	vnsel vm6, $0x0, v16  }
0x459: {  	vm10 =	vge.f32 v33, v0;
	v1 =	vnsel vm7, $0x0, v10;
	[tilespmem:v19+s2+$0x0] =	vst.idx.msk $0xffff, v30;
	v49 =	vor.u32 s11, v47  }
0x45a: {  	vm12 =	vge.f32 v48, v0;
	v55 =	vor.u32 s11, v35;
	v3 =	vnsel vm8, $0x0, v21;
	[tilespmem:v22+s2+$0x0] =	vst.idx.msk $0xffff, v1  }
0x45b: {  	v56 =	vor.u32 s11, v59;
	v2 =	vnsel vm9, $0x0, v2;
	v1 =	vmul.f32 v34, v32;
	[tilespmem:v37+s2+$0x0] =	vst.idx.msk $0xffff, v3  }
0x45c: {  	v59 =	vor.u32 s11, v42;
	v3 =	vnsel vm10, $0x0, v44;
	[tilespmem:v40+s2+$0x0] =	vst.idx.msk $0xffff, v2;
	v2 =	vmul.f32 v34, v48  }
0x45d: {  	p0 =	slt.u32 s9, $0x1E;
	v62 =	vor.u32 s11, v41;
	v1 =	vnsel vm11, $0x0, v1;
	[tilespmem:v43+s2+$0x0] =	vst.idx.msk $0xffff, v3;
	v3 =	vmul.f32 v34, v50  }
.Ltmp0:
0x45e: {  	v63 =	vld [tilespmem:$0x1FDC0];
	vm13 =	vge.f32 v50, v0;
	[tilespmem:v49+s2+$0x0] =	vst.idx.msk $0xffff, v1;
	v1 =	vnsel vm12, $0x0, v2;
	v2 =	vmul.f32 v34, v46;
	(pc) =	sbr.rel @p0 .LBB2_2-.Ltmp0, $4  }
0x45f: {  	v54 =	vld [tilespmem:$0x1FDE0];
	vm14 =	vge.f32 v46, v0;
	[tilespmem:v55+s2+$0x0] =	vst.idx.msk $0xffff, v1;
	v1 =	vnsel vm13, $0x0, v3;
	v3 =	vmul.f32 v34, v45  }
0x460: {  	v61 =	vld [tilespmem:$0x1FE00];
	vm15 =	vge.f32 v45, v0;
	[tilespmem:v56+s2+$0x0] =	vst.idx.msk $0xffff, v1;
	v0 =	vnsel vm14, $0x0, v2  }
0x461: {  	s31 =	sadd.s32 $0x2, s9;
	v60 =	vld [tilespmem:$0x1FDD0];
	[tilespmem:v59+s2+$0x0] =	vst.idx.msk $0xffff, v0;
	v0 =	vnsel vm15, $0x0, v3  }
0x462: {  	s9 =	smov.u32 s31;
	v58 =	vld [tilespmem:$0x1FE10];
	v2 =	vmov v23;
	[tilespmem:v62+s2+$0x0] =	vst.idx.msk $0xffff, v0  }
0x463: {  	s8 =	sadd.s32 $0x1, s8  }
0x464: {  	p0 =	sne.s32 s8, s5  }
.Ltmp1:
0x465: {  	_ = 	snop;
	(pc) =	sbr.rel @p0 .LBB2_1-.Ltmp1, $4  }
0x466: {  	[hbm4b:s4+s2] =	stream.linear.scatter [tilespmem:s2], [sflag:$0x1], $0x8000, $0x38;
	[tilespmem:$0x18000] =	vst v63  }
0x467: {  	_ =	swait.ge [sflag:s6], $0x8000  }
0x468: {  	[sflag:s6] =	ssyncset.done $0x0  }
0x469: {  	[sflag:s6] =	ssyncadd.s32 $0xFFFF8000  }
0x46a: {  	_ =	sfence.sel $0x180000  }
0x46b: {  	[bflag:$0x0] =	sbarrier.arrive $0xFFFF  }
0x46c: {  	p0 =	sne.s32 s1, $0x0;
	_ =	strace $0x90000047  }
0x46d: {  	s0 =	sadd.s32 @!p0 $0x100000, s0;
	[bflag:$0x2] =	sbarrier.arrive $0xFFFF  }
0x46e: {  	[sflag:s0] =	ssyncadd.tile.s32 @!p0 $0x1;
	_ =	shalt  }
.Lfunc_end2:
_tile_overlayer_lowered:
.L_overlay_start_2:
0x46f: {  	(tag) =	ssettag $0x2  }
0x470: {  	s0 =	rddreg [dreg:$0x0];
	s2 =	stileid.u32  }
0x471: {  	s1 =	rddreg [dreg:$0x1];
	p0 =	sne.s32 s2, $0x0  }
0x472: {  	s3 =	rddreg [dreg:$0x2];
	[bflag:$0x3] =	sbarrier.arrive $0xFFFF;
	s2 =	simm.s32 @!p0 $0x1C01  }
0x473: {  	[timem:s3], [sflag:s2] =	dma.local @!p0 [hbm:s0], s1  }
0x474: {  	s0 =	simm.s32 @!p0 $0x1  }
0x475: {  	_ =	swait.ge @!p0 [sflag:s0], s1  }
0x476: {  	s1 =	ssub.s32 @!p0 $0x0, s1;
	[sflag:s0] =	ssyncset.done @!p0 $0x0  }
0x477: {  	[sflag:s0] =	ssyncadd.s32 @!p0 s1  }
0x478: {  	[bflag:$0x3] =	sbarrier.arrive $0xFFFF  }
0x479: {  	_ =	shalt  }

</sc_bundles>
